<compile_context>
chip_gen: v7x
topology: tpu7x:2x2x1
jax: 0.10.2.dev20260603
libtpu: 0.0.44.dev20260713+nightly
codegen_flags: <defaults>
</compile_context>

<pallas_src>
import jax
import jax.numpy as jnp
from jax import lax
from jax.experimental import pallas as pl
from jax.experimental.pallas import tpu as pltpu
from jax.experimental.pallas import tpu_sc as plsc

_N_ORB = 19
_MAX_E = 15
_D = 128
_N_ELEM = 96
_N_ATOMS = 10000

_NC = 2
_NS = 16
_NW = _NC * _NS

_C = 104
_BPW = 312
_NCH = 3
_CT = 8


def _sc_body(z_hbm, ci_hbm, tabs_hbm, out_hbm, comb_hbm,
             ci_v, ci2_v, ta_v, ta2_v, zb0_v, zb1_v, rb0, rb1, rb2,
             zt_v, rt0, rt1, sem_a, sem_a2, gs0, gs1, gs2, ts0, ts1, ts2):
    c = lax.axis_index("c")
    s = lax.axis_index("s")
    wid = s * _NC + c

    for r in range(2):
        i = s + _NS * r

        @pl.when(i < _N_ORB)
        def _():
            pltpu.sync_copy(ci_hbm.at[i], (ci_v, ci2_v)[r])
            pltpu.async_copy(tabs_hbm.at[(ci_v, ci2_v)[r]], (ta_v, ta2_v)[r],
                             (sem_a, sem_a2)[r])

    for r in range(2):
        i = s + _NS * r

        @pl.when(i < _N_ORB)
        def _():
            pltpu.make_async_copy(tabs_hbm.at[(ci_v, ci2_v)[r]], (ta_v, ta2_v)[r],
                                  (sem_a, sem_a2)[r]).wait()
            pltpu.sync_copy((ta_v, ta2_v)[r], comb_hbm.at[i])

    plsc.subcore_barrier()

    base = wid * _BPW
    zbs = (zb0_v, zb1_v)
    rbs = (rb0, rb1, rb2)
    gsem = (gs0, gs1, gs2)
    tsem = (ts0, ts1, ts2)
    n_t = _NCH * _N_ORB

    def cbase(k):
        return base + k * _C

    def gather_start(t):
        k, i = divmod(t, _N_ORB)
        pltpu.async_copy(comb_hbm.at[i].at[zbs[k % 2]], rbs[t % 3], gsem[t % 3])

    def gather_wait(t):
        k, i = divmod(t, _N_ORB)
        pltpu.make_async_copy(
            comb_hbm.at[i].at[zbs[k % 2]], rbs[t % 3], gsem[t % 3]).wait()

    def store_start(t):
        k, i = divmod(t, _N_ORB)
        pltpu.async_copy(rbs[t % 3], out_hbm.at[i, pl.ds(cbase(k), _C)], tsem[t % 3])

    def store_wait(t):
        k, i = divmod(t, _N_ORB)
        pltpu.make_async_copy(
            rbs[t % 3], out_hbm.at[i, pl.ds(cbase(k), _C)], tsem[t % 3]).wait()

    def stage(t):
        tn = t + 1
        if tn < n_t:
            if tn % _N_ORB == 0:
                pltpu.sync_copy(
                    z_hbm.at[pl.ds(cbase(tn // _N_ORB), _C)], zbs[(tn // _N_ORB) % 2])
            if tn >= 3:
                store_wait(tn - 3)
            gather_start(tn)
        gather_wait(t)
        store_start(t)

    pltpu.sync_copy(z_hbm.at[pl.ds(cbase(0), _C)], zbs[0])
    gather_start(0)
    for t in range(n_t):
        stage(t)
    for slot in range(3):
        pltpu.make_async_copy(
            rbs[slot], out_hbm.at[0, pl.ds(base, _C)], tsem[slot]).wait()

    @pl.when(wid >= _NW - 2)
    def _():
        tb = _NW * _BPW + _CT * (wid - (_NW - 2))
        pltpu.sync_copy(z_hbm.at[pl.ds(tb, _CT)], zt_v)
        trbs = (rt0, rt1)

        def tg_start(i):
            pltpu.async_copy(comb_hbm.at[i].at[zt_v], trbs[i % 2], gsem[i % 2])

        def tg_wait(i):
            pltpu.make_async_copy(
                comb_hbm.at[i].at[zt_v], trbs[i % 2], gsem[i % 2]).wait()

        def tst_start(i):
            pltpu.async_copy(trbs[i % 2], out_hbm.at[i, pl.ds(tb, _CT)], tsem[i % 2])

        def tst_wait(i):
            pltpu.make_async_copy(
                trbs[i % 2], out_hbm.at[i, pl.ds(tb, _CT)], tsem[i % 2]).wait()

        tg_start(0)
        for i in range(_N_ORB):
            if i + 1 < _N_ORB:
                if i >= 1:
                    tst_wait(i - 1)
                tg_start(i + 1)
            tg_wait(i)
            tst_start(i)
        tst_wait(_N_ORB - 2)
        tst_wait(_N_ORB - 1)


def kernel(z, elec_table, tables):
    z = z.astype(jnp.int32)
    tabs = tables.at[:, 0, :].set(0.0).reshape(_N_ORB * _MAX_E, _D)
    ci_t = (elec_table.astype(jnp.int32)
            + (jnp.arange(_N_ORB, dtype=jnp.int32) * _MAX_E)[None, :]).T

    mesh = plsc.VectorSubcoreMesh(core_axis_name="c", subcore_axis_name="s")
    out_t = pl.kernel(
        _sc_body,
        out_type=jax.ShapeDtypeStruct((_N_ORB, _N_ATOMS, _D), jnp.float32),
        mesh=mesh,
        scratch_types=[
            pltpu.VMEM_SHARED((_N_ORB, _N_ELEM, _D), jnp.float32),
            pltpu.VMEM((_N_ELEM,), jnp.int32),
            pltpu.VMEM((_N_ELEM,), jnp.int32),
            pltpu.VMEM((_N_ELEM, _D), jnp.float32),
            pltpu.VMEM((_N_ELEM, _D), jnp.float32),
            pltpu.VMEM((_C,), jnp.int32),
            pltpu.VMEM((_C,), jnp.int32),
            pltpu.VMEM((_C, _D), jnp.float32),
            pltpu.VMEM((_C, _D), jnp.float32),
            pltpu.VMEM((_C, _D), jnp.float32),
            pltpu.VMEM((_CT,), jnp.int32),
            pltpu.VMEM((_CT, _D), jnp.float32),
            pltpu.VMEM((_CT, _D), jnp.float32),
            pltpu.SemaphoreType.DMA,
            pltpu.SemaphoreType.DMA,
            pltpu.SemaphoreType.DMA,
            pltpu.SemaphoreType.DMA,
            pltpu.SemaphoreType.DMA,
            pltpu.SemaphoreType.DMA,
            pltpu.SemaphoreType.DMA,
            pltpu.SemaphoreType.DMA,
        ],
    )(z, ci_t, tabs)
    return out_t.transpose(1, 0, 2)

# --- scband reference (transcript-rebuilt; emitter-appended) ---
"""Pipeline reference for scband-embed-elec-16037407883302 (READ-ONLY COPY).

The authoritative reference and input builder live on the scoring server;
editing this copy changes nothing except your own understanding.
"""

import jax, jax.numpy as jnp
import numpy as np

MAX_ELEC = [3, 3, 7, 3, 7, 3, 11, 7, 3, 11, 7, 3, 15, 11, 7, 3, 15, 11, 7]
N_ORB = len(MAX_ELEC)  # 19
EMBED_DIM = 128
N_ELEMENTS = 96
N_ATOMS = 10000
MAX_E = 15  # padded table size (largest embedding num rows)


def setup_inputs(seed: int = 0) -> dict:
    key = jax.random.key(seed)
    k1, k2, k3 = jax.random.split(key, 3)
    # atomic numbers
    z = jax.random.randint(k1, (N_ATOMS,), 0, N_ELEMENTS)
    # electron-count table (buffer `elec`): [n_elements, n_orb], column i has values in [0, MAX_ELEC[i])
    cols = []
    for i, me in enumerate(MAX_ELEC):
        cols.append(jax.random.randint(jax.random.fold_in(k2, i), (N_ELEMENTS,), 0, me))
    elec_table = jnp.stack(cols, axis=1)
    # per-orbital embedding weights, uniform(-sqrt(3), sqrt(3)), padded to MAX_E rows and stacked
    tables = jax.random.uniform(k3, (N_ORB, MAX_E, EMBED_DIM), minval=-np.sqrt(3), maxval=np.sqrt(3), dtype=jnp.float32)
    return {"z": z, "elec_table": elec_table, "tables": tables}


def reference(z, elec_table, tables):
    # padding_idx=0 for every orbital embedding (extend_orb=False, min_orb_idx=None):
    # row 0 of each table is forced to zero
    pad_mask = jnp.ones((MAX_E,), dtype=tables.dtype).at[0].set(0.0)[None, :, None]
    tabs = tables * pad_mask
    # elec = self.elec[z] -> [N, n_orb]
    elec = elec_table[z]
    # original: transpose to [n_orb, N], per-orbital embedding lookup, stack on dim 0 -> [n_orb, N, D], transpose -> [N, n_orb, D]
    # equivalent vectorized gather:
    e_embed = tabs[jnp.arange(N_ORB)[None, :], elec]  # [N, n_orb, D]
    return e_embed

if __name__ == "__main__":
    import jax
    _d = setup_inputs()
    print(jax.jit(kernel)(*tuple(_d.values())))

</pallas_src>

<mosaic_0001>
#map = affine_map<(d0, d1) -> (0)>
#map1 = affine_map<(d0, d1) -> (0, 0)>
#map2 = affine_map<(d0, d1) -> (0, 0, 0)>
module attributes {stable_mosaic.version = 14 : i64} {
  func.func @_sc_body(%arg0: i32, %arg1: i32, %arg2: memref<10000xi32, #tpu.memory_space<hbm>>, %arg3: memref<19x96xi32, #tpu.memory_space<hbm>>, %arg4: memref<285x128xf32, #tpu.memory_space<hbm>>, %arg5: memref<19x10000x128xf32, #tpu.memory_space<hbm>>, %arg6: memref<19x96x128xf32, #tpu.memory_space<vmem_shared>>, %arg7: memref<96xi32, #tpu.memory_space<vmem>>, %arg8: memref<96xi32, #tpu.memory_space<vmem>>, %arg9: memref<96x128xf32, #tpu.memory_space<vmem>>, %arg10: memref<96x128xf32, #tpu.memory_space<vmem>>, %arg11: memref<104xi32, #tpu.memory_space<vmem>>, %arg12: memref<104xi32, #tpu.memory_space<vmem>>, %arg13: memref<104x128xf32, #tpu.memory_space<vmem>>, %arg14: memref<104x128xf32, #tpu.memory_space<vmem>>, %arg15: memref<104x128xf32, #tpu.memory_space<vmem>>, %arg16: memref<8xi32, #tpu.memory_space<vmem>>, %arg17: memref<8x128xf32, #tpu.memory_space<vmem>>, %arg18: memref<8x128xf32, #tpu.memory_space<vmem>>, %arg19: memref<!tpu.dma_semaphore, #tpu.memory_space<semaphore_mem>>, %arg20: memref<!tpu.dma_semaphore, #tpu.memory_space<semaphore_mem>>, %arg21: memref<!tpu.dma_semaphore, #tpu.memory_space<semaphore_mem>>, %arg22: memref<!tpu.dma_semaphore, #tpu.memory_space<semaphore_mem>>, %arg23: memref<!tpu.dma_semaphore, #tpu.memory_space<semaphore_mem>>, %arg24: memref<!tpu.dma_semaphore, #tpu.memory_space<semaphore_mem>>, %arg25: memref<!tpu.dma_semaphore, #tpu.memory_space<semaphore_mem>>, %arg26: memref<!tpu.dma_semaphore, #tpu.memory_space<semaphore_mem>>) attributes {dimension_semantics = [#tpu.dimension_semantics<core_parallel>, #tpu.dimension_semantics<subcore_parallel>], iteration_bounds = array<i64: 2, 16>, scalar_prefetch = 0 : i64, scratch_operands = 21 : i64, tpu.core_type = #tpu.core_type<sc_vector_subcore>, window_params = [{transform_indices = #map}, {transform_indices = #map1}, {transform_indices = #map1}, {transform_indices = #map2}]} {
    %mul3A = arith.constant 2 : i32
    %mul3A_0 = arith.muli %arg1, %mul3A : i32
    %add3A = arith.addi %mul3A_0, %arg0 : i32
    %add3A_1 = arith.constant 0 : i32
    %add3A_2 = arith.addi %arg1, %add3A_1 : i32
    %lt3A = arith.constant 19 : i32
    %lt3A_3 = arith.cmpi slt, %add3A_2, %lt3A : i32
    %convert_element_type3A = arith.extui %lt3A_3 : i1 to i32
    %cond3A = arith.constant 0 : i32
    %cond3A_4 = arith.cmpi ne, %convert_element_type3A, %cond3A : i32
    scf.if %cond3A_4 {
      "tpu.region"() ({
        %run_scoped3A = tpu.sem_alloc : memref<!tpu.dma_semaphore, #tpu.memory_space<semaphore_mem>>
        %dma_start3A_1971 = arith.constant 0 : i32
        %dma_start3A_1972 = tpu.memref_slice %arg3[%add3A_2, %dma_start3A_1971] : memref<19x96xi32, #tpu.memory_space<hbm>> -> memref<1x96xi32, #tpu.memory_space<hbm>>
        %dma_start3A_1973 = tpu.memref_squeeze %dma_start3A_1972 : memref<1x96xi32, #tpu.memory_space<hbm>> -> memref<96xi32, #tpu.memory_space<hbm>>
        %dma_start3A_1974 = arith.constant 0 : i32
        %dma_start3A_1975 = tpu.memref_slice %arg3[%add3A_2, %dma_start3A_1974] : memref<19x96xi32, #tpu.memory_space<hbm>> -> memref<1x96xi32, #tpu.memory_space<hbm>>
        %dma_start3A_1976 = tpu.memref_squeeze %dma_start3A_1975 : memref<1x96xi32, #tpu.memory_space<hbm>> -> memref<96xi32, #tpu.memory_space<hbm>>
        tpu.enqueue_dma source(%dma_start3A_1976 : memref<96xi32, #tpu.memory_space<hbm>>) target(%arg7 : memref<96xi32, #tpu.memory_space<vmem>>) target_semaphore(%run_scoped3A : memref<!tpu.dma_semaphore, #tpu.memory_space<semaphore_mem>>)
        %dma_wait3A_1977 = arith.constant 0 : i32
        %dma_wait3A_1978 = tpu.memref_slice %arg3[%add3A_2, %dma_wait3A_1977] : memref<19x96xi32, #tpu.memory_space<hbm>> -> memref<1x96xi32, #tpu.memory_space<hbm>>
        %dma_wait3A_1979 = tpu.memref_squeeze %dma_wait3A_1978 : memref<1x96xi32, #tpu.memory_space<hbm>> -> memref<96xi32, #tpu.memory_space<hbm>>
        %dma_wait3A_1980 = arith.constant 0 : i32
        %dma_wait3A_1981 = tpu.memref_slice %arg3[%add3A_2, %dma_wait3A_1980] : memref<19x96xi32, #tpu.memory_space<hbm>> -> memref<1x96xi32, #tpu.memory_space<hbm>>
        %dma_wait3A_1982 = tpu.memref_squeeze %dma_wait3A_1981 : memref<1x96xi32, #tpu.memory_space<hbm>> -> memref<96xi32, #tpu.memory_space<hbm>>
        tpu.wait_dma2 semaphore(%run_scoped3A : memref<!tpu.dma_semaphore, #tpu.memory_space<semaphore_mem>>) src(%dma_wait3A_1982 : memref<96xi32, #tpu.memory_space<hbm>>) dst(%arg7 : memref<96xi32, #tpu.memory_space<vmem>>)
        tpu.yield
      }) : () -> ()
      %dma_start3A_1968 = arith.constant 0 : i32
      %dma_start3A_1969 = arith.constant 0 : i32
      %dma_start3A_1970 = tpu.memref_slice %arg4[%dma_start3A_1968, %dma_start3A_1969] : memref<285x128xf32, #tpu.memory_space<hbm>> -> memref<285x128xf32, #tpu.memory_space<hbm>>
      tpu.enqueue_indirect_dma source(%dma_start3A_1970 : memref<285x128xf32, #tpu.memory_space<hbm>>) target(%arg9 : memref<96x128xf32, #tpu.memory_space<vmem>>) offsets(%arg7 : memref<96xi32, #tpu.memory_space<vmem>>) semaphore(%arg19 : memref<!tpu.dma_semaphore, #tpu.memory_space<semaphore_mem>>)
    } else {
    }
    %add3A_5 = arith.constant 16 : i32
    %add3A_6 = arith.addi %arg1, %add3A_5 : i32
    %lt3A_7 = arith.constant 19 : i32
    %lt3A_8 = arith.cmpi slt, %add3A_6, %lt3A_7 : i32
    %convert_element_type3A_9 = arith.extui %lt3A_8 : i1 to i32
    %cond3A_10 = arith.constant 0 : i32
    %cond3A_11 = arith.cmpi ne, %convert_element_type3A_9, %cond3A_10 : i32
    scf.if %cond3A_11 {
      "tpu.region"() ({
        %run_scoped3A = tpu.sem_alloc : memref<!tpu.dma_semaphore, #tpu.memory_space<semaphore_mem>>
        %dma_start3A_1971 = arith.constant 0 : i32
        %dma_start3A_1972 = tpu.memref_slice %arg3[%add3A_6, %dma_start3A_1971] : memref<19x96xi32, #tpu.memory_space<hbm>> -> memref<1x96xi32, #tpu.memory_space<hbm>>
        %dma_start3A_1973 = tpu.memref_squeeze %dma_start3A_1972 : memref<1x96xi32, #tpu.memory_space<hbm>> -> memref<96xi32, #tpu.memory_space<hbm>>
        %dma_start3A_1974 = arith.constant 0 : i32
        %dma_start3A_1975 = tpu.memref_slice %arg3[%add3A_6, %dma_start3A_1974] : memref<19x96xi32, #tpu.memory_space<hbm>> -> memref<1x96xi32, #tpu.memory_space<hbm>>
        %dma_start3A_1976 = tpu.memref_squeeze %dma_start3A_1975 : memref<1x96xi32, #tpu.memory_space<hbm>> -> memref<96xi32, #tpu.memory_space<hbm>>
        tpu.enqueue_dma source(%dma_start3A_1976 : memref<96xi32, #tpu.memory_space<hbm>>) target(%arg8 : memref<96xi32, #tpu.memory_space<vmem>>) target_semaphore(%run_scoped3A : memref<!tpu.dma_semaphore, #tpu.memory_space<semaphore_mem>>)
        %dma_wait3A_1977 = arith.constant 0 : i32
        %dma_wait3A_1978 = tpu.memref_slice %arg3[%add3A_6, %dma_wait3A_1977] : memref<19x96xi32, #tpu.memory_space<hbm>> -> memref<1x96xi32, #tpu.memory_space<hbm>>
        %dma_wait3A_1979 = tpu.memref_squeeze %dma_wait3A_1978 : memref<1x96xi32, #tpu.memory_space<hbm>> -> memref<96xi32, #tpu.memory_space<hbm>>
        %dma_wait3A_1980 = arith.constant 0 : i32
        %dma_wait3A_1981 = tpu.memref_slice %arg3[%add3A_6, %dma_wait3A_1980] : memref<19x96xi32, #tpu.memory_space<hbm>> -> memref<1x96xi32, #tpu.memory_space<hbm>>
        %dma_wait3A_1982 = tpu.memref_squeeze %dma_wait3A_1981 : memref<1x96xi32, #tpu.memory_space<hbm>> -> memref<96xi32, #tpu.memory_space<hbm>>
        tpu.wait_dma2 semaphore(%run_scoped3A : memref<!tpu.dma_semaphore, #tpu.memory_space<semaphore_mem>>) src(%dma_wait3A_1982 : memref<96xi32, #tpu.memory_space<hbm>>) dst(%arg8 : memref<96xi32, #tpu.memory_space<vmem>>)
        tpu.yield
      }) : () -> ()
      %dma_start3A_1968 = arith.constant 0 : i32
      %dma_start3A_1969 = arith.constant 0 : i32
      %dma_start3A_1970 = tpu.memref_slice %arg4[%dma_start3A_1968, %dma_start3A_1969] : memref<285x128xf32, #tpu.memory_space<hbm>> -> memref<285x128xf32, #tpu.memory_space<hbm>>
      tpu.enqueue_indirect_dma source(%dma_start3A_1970 : memref<285x128xf32, #tpu.memory_space<hbm>>) target(%arg10 : memref<96x128xf32, #tpu.memory_space<vmem>>) offsets(%arg8 : memref<96xi32, #tpu.memory_space<vmem>>) semaphore(%arg20 : memref<!tpu.dma_semaphore, #tpu.memory_space<semaphore_mem>>)
    } else {
    }
    %add3A_12 = arith.constant 0 : i32
    %add3A_13 = arith.addi %arg1, %add3A_12 : i32
    %lt3A_14 = arith.constant 19 : i32
    %lt3A_15 = arith.cmpi slt, %add3A_13, %lt3A_14 : i32
    %convert_element_type3A_16 = arith.extui %lt3A_15 : i1 to i32
    %cond3A_17 = arith.constant 0 : i32
    %cond3A_18 = arith.cmpi ne, %convert_element_type3A_16, %cond3A_17 : i32
    scf.if %cond3A_18 {
      %dma_wait3A_1968 = arith.constant 0 : i32
      %dma_wait3A_1969 = arith.constant 0 : i32
      %dma_wait3A_1970 = tpu.memref_slice %arg4[%dma_wait3A_1968, %dma_wait3A_1969] : memref<285x128xf32, #tpu.memory_space<hbm>> -> memref<285x128xf32, #tpu.memory_space<hbm>>
      tpu.wait_indirect_dma semaphore(%arg19 : memref<!tpu.dma_semaphore, #tpu.memory_space<semaphore_mem>>) src(%dma_wait3A_1970 : memref<285x128xf32, #tpu.memory_space<hbm>>) dst(%arg9 : memref<96x128xf32, #tpu.memory_space<vmem>>)
      "tpu.region"() ({
        %run_scoped3A = tpu.sem_alloc : memref<!tpu.dma_semaphore, #tpu.memory_space<semaphore_mem>>
        %dma_start3A_1971 = arith.constant 0 : i32
        %dma_start3A_1972 = arith.constant 0 : i32
        %dma_start3A_1973 = tpu.memref_slice %arg6[%add3A_13, %dma_start3A_1971, %dma_start3A_1972] : memref<19x96x128xf32, #tpu.memory_space<vmem_shared>> -> memref<1x96x128xf32, #tpu.memory_space<vmem_shared>>
        %dma_start3A_1974 = tpu.memref_squeeze %dma_start3A_1973 : memref<1x96x128xf32, #tpu.memory_space<vmem_shared>> -> memref<96x128xf32, #tpu.memory_space<vmem_shared>>
        %dma_start3A_1975 = arith.constant 0 : i32
        %dma_start3A_1976 = arith.constant 0 : i32
        %dma_start3A_1977 = tpu.memref_slice %arg6[%add3A_13, %dma_start3A_1975, %dma_start3A_1976] : memref<19x96x128xf32, #tpu.memory_space<vmem_shared>> -> memref<1x96x128xf32, #tpu.memory_space<vmem_shared>>
        %dma_start3A_1978 = tpu.memref_squeeze %dma_start3A_1977 : memref<1x96x128xf32, #tpu.memory_space<vmem_shared>> -> memref<96x128xf32, #tpu.memory_space<vmem_shared>>
        tpu.enqueue_dma source(%arg9 : memref<96x128xf32, #tpu.memory_space<vmem>>) target(%dma_start3A_1978 : memref<96x128xf32, #tpu.memory_space<vmem_shared>>) target_semaphore(%run_scoped3A : memref<!tpu.dma_semaphore, #tpu.memory_space<semaphore_mem>>)
        %dma_wait3A_1979 = arith.constant 0 : i32
        %dma_wait3A_1980 = arith.constant 0 : i32
        %dma_wait3A_1981 = tpu.memref_slice %arg6[%add3A_13, %dma_wait3A_1979, %dma_wait3A_1980] : memref<19x96x128xf32, #tpu.memory_space<vmem_shared>> -> memref<1x96x128xf32, #tpu.memory_space<vmem_shared>>
        %dma_wait3A_1982 = tpu.memref_squeeze %dma_wait3A_1981 : memref<1x96x128xf32, #tpu.memory_space<vmem_shared>> -> memref<96x128xf32, #tpu.memory_space<vmem_shared>>
        %dma_wait3A_1983 = arith.constant 0 : i32
        %dma_wait3A_1984 = arith.constant 0 : i32
        %dma_wait3A_1985 = tpu.memref_slice %arg6[%add3A_13, %dma_wait3A_1983, %dma_wait3A_1984] : memref<19x96x128xf32, #tpu.memory_space<vmem_shared>> -> memref<1x96x128xf32, #tpu.memory_space<vmem_shared>>
        %dma_wait3A_1986 = tpu.memref_squeeze %dma_wait3A_1985 : memref<1x96x128xf32, #tpu.memory_space<vmem_shared>> -> memref<96x128xf32, #tpu.memory_space<vmem_shared>>
        tpu.wait_dma2 semaphore(%run_scoped3A : memref<!tpu.dma_semaphore, #tpu.memory_space<semaphore_mem>>) src(%arg9 : memref<96x128xf32, #tpu.memory_space<vmem>>) dst(%dma_wait3A_1986 : memref<96x128xf32, #tpu.memory_space<vmem_shared>>)
        tpu.yield
      }) : () -> ()
    } else {
    }
    %add3A_19 = arith.constant 16 : i32
    %add3A_20 = arith.addi %arg1, %add3A_19 : i32
    %lt3A_21 = arith.constant 19 : i32
    %lt3A_22 = arith.cmpi slt, %add3A_20, %lt3A_21 : i32
    %convert_element_type3A_23 = arith.extui %lt3A_22 : i1 to i32
    %cond3A_24 = arith.constant 0 : i32
    %cond3A_25 = arith.cmpi ne, %convert_element_type3A_23, %cond3A_24 : i32
    scf.if %cond3A_25 {
      %dma_wait3A_1968 = arith.constant 0 : i32
      %dma_wait3A_1969 = arith.constant 0 : i32
      %dma_wait3A_1970 = tpu.memref_slice %arg4[%dma_wait3A_1968, %dma_wait3A_1969] : memref<285x128xf32, #tpu.memory_space<hbm>> -> memref<285x128xf32, #tpu.memory_space<hbm>>
      tpu.wait_indirect_dma semaphore(%arg20 : memref<!tpu.dma_semaphore, #tpu.memory_space<semaphore_mem>>) src(%dma_wait3A_1970 : memref<285x128xf32, #tpu.memory_space<hbm>>) dst(%arg10 : memref<96x128xf32, #tpu.memory_space<vmem>>)
      "tpu.region"() ({
        %run_scoped3A = tpu.sem_alloc : memref<!tpu.dma_semaphore, #tpu.memory_space<semaphore_mem>>
        %dma_start3A_1971 = arith.constant 0 : i32
        %dma_start3A_1972 = arith.constant 0 : i32
        %dma_start3A_1973 = tpu.memref_slice %arg6[%add3A_20, %dma_start3A_1971, %dma_start3A_1972] : memref<19x96x128xf32, #tpu.memory_space<vmem_shared>> -> memref<1x96x128xf32, #tpu.memory_space<vmem_shared>>
        %dma_start3A_1974 = tpu.memref_squeeze %dma_start3A_1973 : memref<1x96x128xf32, #tpu.memory_space<vmem_shared>> -> memref<96x128xf32, #tpu.memory_space<vmem_shared>>
        %dma_start3A_1975 = arith.constant 0 : i32
        %dma_start3A_1976 = arith.constant 0 : i32
        %dma_start3A_1977 = tpu.memref_slice %arg6[%add3A_20, %dma_start3A_1975, %dma_start3A_1976] : memref<19x96x128xf32, #tpu.memory_space<vmem_shared>> -> memref<1x96x128xf32, #tpu.memory_space<vmem_shared>>
        %dma_start3A_1978 = tpu.memref_squeeze %dma_start3A_1977 : memref<1x96x128xf32, #tpu.memory_space<vmem_shared>> -> memref<96x128xf32, #tpu.memory_space<vmem_shared>>
        tpu.enqueue_dma source(%arg10 : memref<96x128xf32, #tpu.memory_space<vmem>>) target(%dma_start3A_1978 : memref<96x128xf32, #tpu.memory_space<vmem_shared>>) target_semaphore(%run_scoped3A : memref<!tpu.dma_semaphore, #tpu.memory_space<semaphore_mem>>)
        %dma_wait3A_1979 = arith.constant 0 : i32
        %dma_wait3A_1980 = arith.constant 0 : i32
        %dma_wait3A_1981 = tpu.memref_slice %arg6[%add3A_20, %dma_wait3A_1979, %dma_wait3A_1980] : memref<19x96x128xf32, #tpu.memory_space<vmem_shared>> -> memref<1x96x128xf32, #tpu.memory_space<vmem_shared>>
        %dma_wait3A_1982 = tpu.memref_squeeze %dma_wait3A_1981 : memref<1x96x128xf32, #tpu.memory_space<vmem_shared>> -> memref<96x128xf32, #tpu.memory_space<vmem_shared>>
        %dma_wait3A_1983 = arith.constant 0 : i32
        %dma_wait3A_1984 = arith.constant 0 : i32
        %dma_wait3A_1985 = tpu.memref_slice %arg6[%add3A_20, %dma_wait3A_1983, %dma_wait3A_1984] : memref<19x96x128xf32, #tpu.memory_space<vmem_shared>> -> memref<1x96x128xf32, #tpu.memory_space<vmem_shared>>
        %dma_wait3A_1986 = tpu.memref_squeeze %dma_wait3A_1985 : memref<1x96x128xf32, #tpu.memory_space<vmem_shared>> -> memref<96x128xf32, #tpu.memory_space<vmem_shared>>
        tpu.wait_dma2 semaphore(%run_scoped3A : memref<!tpu.dma_semaphore, #tpu.memory_space<semaphore_mem>>) src(%arg10 : memref<96x128xf32, #tpu.memory_space<vmem>>) dst(%dma_wait3A_1986 : memref<96x128xf32, #tpu.memory_space<vmem_shared>>)
        tpu.yield
      }) : () -> ()
    } else {
    }
    %barrier3A = arith.constant 0 : index
    tpu.barrier barrier_id(%barrier3A)
    %mul3A_26 = arith.constant 312 : i32
    %mul3A_27 = arith.muli %add3A, %mul3A_26 : i32
    %add3A_28 = arith.constant 0 : i32
    %add3A_29 = arith.addi %mul3A_27, %add3A_28 : i32
    "tpu.region"() ({
      %run_scoped3A = tpu.sem_alloc : memref<!tpu.dma_semaphore, #tpu.memory_space<semaphore_mem>>
      %dma_start3A_1968 = tpu.memref_slice %arg2[%add3A_29] : memref<10000xi32, #tpu.memory_space<hbm>> -> memref<104xi32, #tpu.memory_space<hbm>>
      %dma_start3A_1969 = tpu.memref_slice %arg2[%add3A_29] : memref<10000xi32, #tpu.memory_space<hbm>> -> memref<104xi32, #tpu.memory_space<hbm>>
      tpu.enqueue_dma source(%dma_start3A_1969 : memref<104xi32, #tpu.memory_space<hbm>>) target(%arg11 : memref<104xi32, #tpu.memory_space<vmem>>) target_semaphore(%run_scoped3A : memref<!tpu.dma_semaphore, #tpu.memory_space<semaphore_mem>>)
      %dma_wait3A_1970 = tpu.memref_slice %arg2[%add3A_29] : memref<10000xi32, #tpu.memory_space<hbm>> -> memref<104xi32, #tpu.memory_space<hbm>>
      %dma_wait3A_1971 = tpu.memref_slice %arg2[%add3A_29] : memref<10000xi32, #tpu.memory_space<hbm>> -> memref<104xi32, #tpu.memory_space<hbm>>
      tpu.wait_dma2 semaphore(%run_scoped3A : memref<!tpu.dma_semaphore, #tpu.memory_space<semaphore_mem>>) src(%dma_wait3A_1971 : memref<104xi32, #tpu.memory_space<hbm>>) dst(%arg11 : memref<104xi32, #tpu.memory_space<vmem>>)
      tpu.yield
    }) : () -> ()
    %dma_start3A = arith.constant 0 : i32
    %dma_start3A_30 = arith.constant 0 : i32
    %dma_start3A_31 = arith.constant 0 : i32
    %dma_start3A_32 = tpu.memref_slice %arg6[%dma_start3A, %dma_start3A_30, %dma_start3A_31] : memref<19x96x128xf32, #tpu.memory_space<vmem_shared>> -> memref<1x96x128xf32, #tpu.memory_space<vmem_shared>>
    %dma_start3A_33 = tpu.memref_squeeze %dma_start3A_32 : memref<1x96x128xf32, #tpu.memory_space<vmem_shared>> -> memref<96x128xf32, #tpu.memory_space<vmem_shared>>
    %dma_start3A_34 = arith.constant 0 : i32
    %dma_start3A_35 = arith.constant 0 : i32
    %dma_start3A_36 = tpu.memref_slice %dma_start3A_33[%dma_start3A_34, %dma_start3A_35] : memref<96x128xf32, #tpu.memory_space<vmem_shared>> -> memref<96x128xf32, #tpu.memory_space<vmem_shared>>
    tpu.enqueue_indirect_dma source(%dma_start3A_36 : memref<96x128xf32, #tpu.memory_space<vmem_shared>>) target(%arg13 : memref<104x128xf32, #tpu.memory_space<vmem>>) offsets(%arg11 : memref<104xi32, #tpu.memory_space<vmem>>) semaphore(%arg21 : memref<!tpu.dma_semaphore, #tpu.memory_space<semaphore_mem>>)
    %dma_start3A_37 = arith.constant 1 : i32
    %dma_start3A_38 = arith.constant 0 : i32
    %dma_start3A_39 = arith.constant 0 : i32
    %dma_start3A_40 = tpu.memref_slice %arg6[%dma_start3A_37, %dma_start3A_38, %dma_start3A_39] : memref<19x96x128xf32, #tpu.memory_space<vmem_shared>> -> memref<1x96x128xf32, #tpu.memory_space<vmem_shared>>
    %dma_start3A_41 = tpu.memref_squeeze %dma_start3A_40 : memref<1x96x128xf32, #tpu.memory_space<vmem_shared>> -> memref<96x128xf32, #tpu.memory_space<vmem_shared>>
    %dma_start3A_42 = arith.constant 0 : i32
    %dma_start3A_43 = arith.constant 0 : i32
    %dma_start3A_44 = tpu.memref_slice %dma_start3A_41[%dma_start3A_42, %dma_start3A_43] : memref<96x128xf32, #tpu.memory_space<vmem_shared>> -> memref<96x128xf32, #tpu.memory_space<vmem_shared>>
    tpu.enqueue_indirect_dma source(%dma_start3A_44 : memref<96x128xf32, #tpu.memory_space<vmem_shared>>) target(%arg14 : memref<104x128xf32, #tpu.memory_space<vmem>>) offsets(%arg11 : memref<104xi32, #tpu.memory_space<vmem>>) semaphore(%arg22 : memref<!tpu.dma_semaphore, #tpu.memory_space<semaphore_mem>>)
    %dma_wait3A = arith.constant 0 : i32
    %dma_wait3A_45 = arith.constant 0 : i32
    %dma_wait3A_46 = arith.constant 0 : i32
    %dma_wait3A_47 = tpu.memref_slice %arg6[%dma_wait3A, %dma_wait3A_45, %dma_wait3A_46] : memref<19x96x128xf32, #tpu.memory_space<vmem_shared>> -> memref<1x96x128xf32, #tpu.memory_space<vmem_shared>>
    %dma_wait3A_48 = tpu.memref_squeeze %dma_wait3A_47 : memref<1x96x128xf32, #tpu.memory_space<vmem_shared>> -> memref<96x128xf32, #tpu.memory_space<vmem_shared>>
    %dma_wait3A_49 = arith.constant 0 : i32
    %dma_wait3A_50 = arith.constant 0 : i32
    %dma_wait3A_51 = tpu.memref_slice %dma_wait3A_48[%dma_wait3A_49, %dma_wait3A_50] : memref<96x128xf32, #tpu.memory_space<vmem_shared>> -> memref<96x128xf32, #tpu.memory_space<vmem_shared>>
    tpu.wait_indirect_dma semaphore(%arg21 : memref<!tpu.dma_semaphore, #tpu.memory_space<semaphore_mem>>) src(%dma_wait3A_51 : memref<96x128xf32, #tpu.memory_space<vmem_shared>>) dst(%arg13 : memref<104x128xf32, #tpu.memory_space<vmem>>)
    %add3A_52 = arith.constant 0 : i32
    %add3A_53 = arith.addi %mul3A_27, %add3A_52 : i32
    %dma_start3A_54 = arith.constant 0 : i32
    %dma_start3A_55 = arith.constant 0 : i32
    %dma_start3A_56 = tpu.memref_slice %arg5[%dma_start3A_54, %add3A_53, %dma_start3A_55] : memref<19x10000x128xf32, #tpu.memory_space<hbm>> -> memref<1x104x128xf32, #tpu.memory_space<hbm>>
    %dma_start3A_57 = tpu.memref_squeeze %dma_start3A_56 : memref<1x104x128xf32, #tpu.memory_space<hbm>> -> memref<104x128xf32, #tpu.memory_space<hbm>>
    %dma_start3A_58 = arith.constant 0 : i32
    %dma_start3A_59 = tpu.memref_slice %arg5[%dma_start3A_54, %add3A_53, %dma_start3A_58] : memref<19x10000x128xf32, #tpu.memory_space<hbm>> -> memref<1x104x128xf32, #tpu.memory_space<hbm>>
    %dma_start3A_60 = tpu.memref_squeeze %dma_start3A_59 : memref<1x104x128xf32, #tpu.memory_space<hbm>> -> memref<104x128xf32, #tpu.memory_space<hbm>>
    tpu.enqueue_dma source(%arg13 : memref<104x128xf32, #tpu.memory_space<vmem>>) target(%dma_start3A_60 : memref<104x128xf32, #tpu.memory_space<hbm>>) target_semaphore(%arg24 : memref<!tpu.dma_semaphore, #tpu.memory_space<semaphore_mem>>)
    %dma_start3A_61 = arith.constant 2 : i32
    %dma_start3A_62 = arith.constant 0 : i32
    %dma_start3A_63 = arith.constant 0 : i32
    %dma_start3A_64 = tpu.memref_slice %arg6[%dma_start3A_61, %dma_start3A_62, %dma_start3A_63] : memref<19x96x128xf32, #tpu.memory_space<vmem_shared>> -> memref<1x96x128xf32, #tpu.memory_space<vmem_shared>>
    %dma_start3A_65 = tpu.memref_squeeze %dma_start3A_64 : memref<1x96x128xf32, #tpu.memory_space<vmem_shared>> -> memref<96x128xf32, #tpu.memory_space<vmem_shared>>
    %dma_start3A_66 = arith.constant 0 : i32
    %dma_start3A_67 = arith.constant 0 : i32
    %dma_start3A_68 = tpu.memref_slice %dma_start3A_65[%dma_start3A_66, %dma_start3A_67] : memref<96x128xf32, #tpu.memory_space<vmem_shared>> -> memref<96x128xf32, #tpu.memory_space<vmem_shared>>
    tpu.enqueue_indirect_dma source(%dma_start3A_68 : memref<96x128xf32, #tpu.memory_space<vmem_shared>>) target(%arg15 : memref<104x128xf32, #tpu.memory_space<vmem>>) offsets(%arg11 : memref<104xi32, #tpu.memory_space<vmem>>) semaphore(%arg23 : memref<!tpu.dma_semaphore, #tpu.memory_space<semaphore_mem>>)
    %dma_wait3A_69 = arith.constant 1 : i32
    %dma_wait3A_70 = arith.constant 0 : i32
    %dma_wait3A_71 = arith.constant 0 : i32
    %dma_wait3A_72 = tpu.memref_slice %arg6[%dma_wait3A_69, %dma_wait3A_70, %dma_wait3A_71] : memref<19x96x128xf32, #tpu.memory_space<vmem_shared>> -> memref<1x96x128xf32, #tpu.memory_space<vmem_shared>>
    %dma_wait3A_73 = tpu.memref_squeeze %dma_wait3A_72 : memref<1x96x128xf32, #tpu.memory_space<vmem_shared>> -> memref<96x128xf32, #tpu.memory_space<vmem_shared>>
    %dma_wait3A_74 = arith.constant 0 : i32
    %dma_wait3A_75 = arith.constant 0 : i32
    %dma_wait3A_76 = tpu.memref_slice %dma_wait3A_73[%dma_wait3A_74, %dma_wait3A_75] : memref<96x128xf32, #tpu.memory_space<vmem_shared>> -> memref<96x128xf32, #tpu.memory_space<vmem_shared>>
    tpu.wait_indirect_dma semaphore(%arg22 : memref<!tpu.dma_semaphore, #tpu.memory_space<semaphore_mem>>) src(%dma_wait3A_76 : memref<96x128xf32, #tpu.memory_space<vmem_shared>>) dst(%arg14 : memref<104x128xf32, #tpu.memory_space<vmem>>)
    %add3A_77 = arith.constant 0 : i32
    %add3A_78 = arith.addi %mul3A_27, %add3A_77 : i32
    %dma_start3A_79 = arith.constant 1 : i32
    %dma_start3A_80 = arith.constant 0 : i32
    %dma_start3A_81 = tpu.memref_slice %arg5[%dma_start3A_79, %add3A_78, %dma_start3A_80] : memref<19x10000x128xf32, #tpu.memory_space<hbm>> -> memref<1x104x128xf32, #tpu.memory_space<hbm>>
    %dma_start3A_82 = tpu.memref_squeeze %dma_start3A_81 : memref<1x104x128xf32, #tpu.memory_space<hbm>> -> memref<104x128xf32, #tpu.memory_space<hbm>>
    %dma_start3A_83 = arith.constant 0 : i32
    %dma_start3A_84 = tpu.memref_slice %arg5[%dma_start3A_79, %add3A_78, %dma_start3A_83] : memref<19x10000x128xf32, #tpu.memory_space<hbm>> -> memref<1x104x128xf32, #tpu.memory_space<hbm>>
    %dma_start3A_85 = tpu.memref_squeeze %dma_start3A_84 : memref<1x104x128xf32, #tpu.memory_space<hbm>> -> memref<104x128xf32, #tpu.memory_space<hbm>>
    tpu.enqueue_dma source(%arg14 : memref<104x128xf32, #tpu.memory_space<vmem>>) target(%dma_start3A_85 : memref<104x128xf32, #tpu.memory_space<hbm>>) target_semaphore(%arg25 : memref<!tpu.dma_semaphore, #tpu.memory_space<semaphore_mem>>)
    %add3A_86 = arith.constant 0 : i32
    %add3A_87 = arith.addi %mul3A_27, %add3A_86 : i32
    %dma_wait3A_88 = arith.constant 0 : i32
    %dma_wait3A_89 = arith.constant 0 : i32
    %dma_wait3A_90 = tpu.memref_slice %arg5[%dma_wait3A_88, %add3A_87, %dma_wait3A_89] : memref<19x10000x128xf32, #tpu.memory_space<hbm>> -> memref<1x104x128xf32, #tpu.memory_space<hbm>>
    %dma_wait3A_91 = tpu.memref_squeeze %dma_wait3A_90 : memref<1x104x128xf32, #tpu.memory_space<hbm>> -> memref<104x128xf32, #tpu.memory_space<hbm>>
    %dma_wait3A_92 = arith.constant 0 : i32
    %dma_wait3A_93 = tpu.memref_slice %arg5[%dma_wait3A_88, %add3A_87, %dma_wait3A_92] : memref<19x10000x128xf32, #tpu.memory_space<hbm>> -> memref<1x104x128xf32, #tpu.memory_space<hbm>>
    %dma_wait3A_94 = tpu.memref_squeeze %dma_wait3A_93 : memref<1x104x128xf32, #tpu.memory_space<hbm>> -> memref<104x128xf32, #tpu.memory_space<hbm>>
    tpu.wait_dma2 semaphore(%arg24 : memref<!tpu.dma_semaphore, #tpu.memory_space<semaphore_mem>>) src(%arg13 : memref<104x128xf32, #tpu.memory_space<vmem>>) dst(%dma_wait3A_94 : memref<104x128xf32, #tpu.memory_space<hbm>>)
    %dma_start3A_95 = arith.constant 3 : i32
    %dma_start3A_96 = arith.constant 0 : i32
    %dma_start3A_97 = arith.constant 0 : i32
    %dma_start3A_98 = tpu.memref_slice %arg6[%dma_start3A_95, %dma_start3A_96, %dma_start3A_97] : memref<19x96x128xf32, #tpu.memory_space<vmem_shared>> -> memref<1x96x128xf32, #tpu.memory_space<vmem_shared>>
    %dma_start3A_99 = tpu.memref_squeeze %dma_start3A_98 : memref<1x96x128xf32, #tpu.memory_space<vmem_shared>> -> memref<96x128xf32, #tpu.memory_space<vmem_shared>>
    %dma_start3A_100 = arith.constant 0 : i32
    %dma_start3A_101 = arith.constant 0 : i32
    %dma_start3A_102 = tpu.memref_slice %dma_start3A_99[%dma_start3A_100, %dma_start3A_101] : memref<96x128xf32, #tpu.memory_space<vmem_shared>> -> memref<96x128xf32, #tpu.memory_space<vmem_shared>>
    tpu.enqueue_indirect_dma source(%dma_start3A_102 : memref<96x128xf32, #tpu.memory_space<vmem_shared>>) target(%arg13 : memref<104x128xf32, #tpu.memory_space<vmem>>) offsets(%arg11 : memref<104xi32, #tpu.memory_space<vmem>>) semaphore(%arg21 : memref<!tpu.dma_semaphore, #tpu.memory_space<semaphore_mem>>)
    %dma_wait3A_103 = arith.constant 2 : i32
    %dma_wait3A_104 = arith.constant 0 : i32
    %dma_wait3A_105 = arith.constant 0 : i32
    %dma_wait3A_106 = tpu.memref_slice %arg6[%dma_wait3A_103, %dma_wait3A_104, %dma_wait3A_105] : memref<19x96x128xf32, #tpu.memory_space<vmem_shared>> -> memref<1x96x128xf32, #tpu.memory_space<vmem_shared>>
    %dma_wait3A_107 = tpu.memref_squeeze %dma_wait3A_106 : memref<1x96x128xf32, #tpu.memory_space<vmem_shared>> -> memref<96x128xf32, #tpu.memory_space<vmem_shared>>
    %dma_wait3A_108 = arith.constant 0 : i32
    %dma_wait3A_109 = arith.constant 0 : i32
    %dma_wait3A_110 = tpu.memref_slice %dma_wait3A_107[%dma_wait3A_108, %dma_wait3A_109] : memref<96x128xf32, #tpu.memory_space<vmem_shared>> -> memref<96x128xf32, #tpu.memory_space<vmem_shared>>
    tpu.wait_indirect_dma semaphore(%arg23 : memref<!tpu.dma_semaphore, #tpu.memory_space<semaphore_mem>>) src(%dma_wait3A_110 : memref<96x128xf32, #tpu.memory_space<vmem_shared>>) dst(%arg15 : memref<104x128xf32, #tpu.memory_space<vmem>>)
    %add3A_111 = arith.constant 0 : i32
    %add3A_112 = arith.addi %mul3A_27, %add3A_111 : i32
    %dma_start3A_113 = arith.constant 2 : i32
    %dma_start3A_114 = arith.constant 0 : i32
    %dma_start3A_115 = tpu.memref_slice %arg5[%dma_start3A_113, %add3A_112, %dma_start3A_114] : memref<19x10000x128xf32, #tpu.memory_space<hbm>> -> memref<1x104x128xf32, #tpu.memory_space<hbm>>
    %dma_start3A_116 = tpu.memref_squeeze %dma_start3A_115 : memref<1x104x128xf32, #tpu.memory_space<hbm>> -> memref<104x128xf32, #tpu.memory_space<hbm>>
    %dma_start3A_117 = arith.constant 0 : i32
    %dma_start3A_118 = tpu.memref_slice %arg5[%dma_start3A_113, %add3A_112, %dma_start3A_117] : memref<19x10000x128xf32, #tpu.memory_space<hbm>> -> memref<1x104x128xf32, #tpu.memory_space<hbm>>
    %dma_start3A_119 = tpu.memref_squeeze %dma_start3A_118 : memref<1x104x128xf32, #tpu.memory_space<hbm>> -> memref<104x128xf32, #tpu.memory_space<hbm>>
    tpu.enqueue_dma source(%arg15 : memref<104x128xf32, #tpu.memory_space<vmem>>) target(%dma_start3A_119 : memref<104x128xf32, #tpu.memory_space<hbm>>) target_semaphore(%arg26 : memref<!tpu.dma_semaphore, #tpu.memory_space<semaphore_mem>>)
    %add3A_120 = arith.constant 0 : i32
    %add3A_121 = arith.addi %mul3A_27, %add3A_120 : i32
    %dma_wait3A_122 = arith.constant 1 : i32
    %dma_wait3A_123 = arith.constant 0 : i32
    %dma_wait3A_124 = tpu.memref_slice %arg5[%dma_wait3A_122, %add3A_121, %dma_wait3A_123] : memref<19x10000x128xf32, #tpu.memory_space<hbm>> -> memref<1x104x128xf32, #tpu.memory_space<hbm>>
    %dma_wait3A_125 = tpu.memref_squeeze %dma_wait3A_124 : memref<1x104x128xf32, #tpu.memory_space<hbm>> -> memref<104x128xf32, #tpu.memory_space<hbm>>
    %dma_wait3A_126 = arith.constant 0 : i32
    %dma_wait3A_127 = tpu.memref_slice %arg5[%dma_wait3A_122, %add3A_121, %dma_wait3A_126] : memref<19x10000x128xf32, #tpu.memory_space<hbm>> -> memref<1x104x128xf32, #tpu.memory_space<hbm>>
    %dma_wait3A_128 = tpu.memref_squeeze %dma_wait3A_127 : memref<1x104x128xf32, #tpu.memory_space<hbm>> -> memref<104x128xf32, #tpu.memory_space<hbm>>
    tpu.wait_dma2 semaphore(%arg25 : memref<!tpu.dma_semaphore, #tpu.memory_space<semaphore_mem>>) src(%arg14 : memref<104x128xf32, #tpu.memory_space<vmem>>) dst(%dma_wait3A_128 : memref<104x128xf32, #tpu.memory_space<hbm>>)
    %dma_start3A_129 = arith.constant 4 : i32
    %dma_start3A_130 = arith.constant 0 : i32
    %dma_start3A_131 = arith.constant 0 : i32
    %dma_start3A_132 = tpu.memref_slice %arg6[%dma_start3A_129, %dma_start3A_130, %dma_start3A_131] : memref<19x96x128xf32, #tpu.memory_space<vmem_shared>> -> memref<1x96x128xf32, #tpu.memory_space<vmem_shared>>
    %dma_start3A_133 = tpu.memref_squeeze %dma_start3A_132 : memref<1x96x128xf32, #tpu.memory_space<vmem_shared>> -> memref<96x128xf32, #tpu.memory_space<vmem_shared>>
    %dma_start3A_134 = arith.constant 0 : i32
    %dma_start3A_135 = arith.constant 0 : i32
    %dma_start3A_136 = tpu.memref_slice %dma_start3A_133[%dma_start3A_134, %dma_start3A_135] : memref<96x128xf32, #tpu.memory_space<vmem_shared>> -> memref<96x128xf32, #tpu.memory_space<vmem_shared>>
    tpu.enqueue_indirect_dma source(%dma_start3A_136 : memref<96x128xf32, #tpu.memory_space<vmem_shared>>) target(%arg14 : memref<104x128xf32, #tpu.memory_space<vmem>>) offsets(%arg11 : memref<104xi32, #tpu.memory_space<vmem>>) semaphore(%arg22 : memref<!tpu.dma_semaphore, #tpu.memory_space<semaphore_mem>>)
    %dma_wait3A_137 = arith.constant 3 : i32
    %dma_wait3A_138 = arith.constant 0 : i32
    %dma_wait3A_139 = arith.constant 0 : i32
    %dma_wait3A_140 = tpu.memref_slice %arg6[%dma_wait3A_137, %dma_wait3A_138, %dma_wait3A_139] : memref<19x96x128xf32, #tpu.memory_space<vmem_shared>> -> memref<1x96x128xf32, #tpu.memory_space<vmem_shared>>
    %dma_wait3A_141 = tpu.memref_squeeze %dma_wait3A_140 : memref<1x96x128xf32, #tpu.memory_space<vmem_shared>> -> memref<96x128xf32, #tpu.memory_space<vmem_shared>>
    %dma_wait3A_142 = arith.constant 0 : i32
    %dma_wait3A_143 = arith.constant 0 : i32
    %dma_wait3A_144 = tpu.memref_slice %dma_wait3A_141[%dma_wait3A_142, %dma_wait3A_143] : memref<96x128xf32, #tpu.memory_space<vmem_shared>> -> memref<96x128xf32, #tpu.memory_space<vmem_shared>>
    tpu.wait_indirect_dma semaphore(%arg21 : memref<!tpu.dma_semaphore, #tpu.memory_space<semaphore_mem>>) src(%dma_wait3A_144 : memref<96x128xf32, #tpu.memory_space<vmem_shared>>) dst(%arg13 : memref<104x128xf32, #tpu.memory_space<vmem>>)
    %add3A_145 = arith.constant 0 : i32
    %add3A_146 = arith.addi %mul3A_27, %add3A_145 : i32
    %dma_start3A_147 = arith.constant 3 : i32
    %dma_start3A_148 = arith.constant 0 : i32
    %dma_start3A_149 = tpu.memref_slice %arg5[%dma_start3A_147, %add3A_146, %dma_start3A_148] : memref<19x10000x128xf32, #tpu.memory_space<hbm>> -> memref<1x104x128xf32, #tpu.memory_space<hbm>>
    %dma_start3A_150 = tpu.memref_squeeze %dma_start3A_149 : memref<1x104x128xf32, #tpu.memory_space<hbm>> -> memref<104x128xf32, #tpu.memory_space<hbm>>
    %dma_start3A_151 = arith.constant 0 : i32
    %dma_start3A_152 = tpu.memref_slice %arg5[%dma_start3A_147, %add3A_146, %dma_start3A_151] : memref<19x10000x128xf32, #tpu.memory_space<hbm>> -> memref<1x104x128xf32, #tpu.memory_space<hbm>>
    %dma_start3A_153 = tpu.memref_squeeze %dma_start3A_152 : memref<1x104x128xf32, #tpu.memory_space<hbm>> -> memref<104x128xf32, #tpu.memory_space<hbm>>
    tpu.enqueue_dma source(%arg13 : memref<104x128xf32, #tpu.memory_space<vmem>>) target(%dma_start3A_153 : memref<104x128xf32, #tpu.memory_space<hbm>>) target_semaphore(%arg24 : memref<!tpu.dma_semaphore, #tpu.memory_space<semaphore_mem>>)
    %add3A_154 = arith.constant 0 : i32
    %add3A_155 = arith.addi %mul3A_27, %add3A_154 : i32
    %dma_wait3A_156 = arith.constant 2 : i32
    %dma_wait3A_157 = arith.constant 0 : i32
    %dma_wait3A_158 = tpu.memref_slice %arg5[%dma_wait3A_156, %add3A_155, %dma_wait3A_157] : memref<19x10000x128xf32, #tpu.memory_space<hbm>> -> memref<1x104x128xf32, #tpu.memory_space<hbm>>
    %dma_wait3A_159 = tpu.memref_squeeze %dma_wait3A_158 : memref<1x104x128xf32, #tpu.memory_space<hbm>> -> memref<104x128xf32, #tpu.memory_space<hbm>>
    %dma_wait3A_160 = arith.constant 0 : i32
    %dma_wait3A_161 = tpu.memref_slice %arg5[%dma_wait3A_156, %add3A_155, %dma_wait3A_160] : memref<19x10000x128xf32, #tpu.memory_space<hbm>> -> memref<1x104x128xf32, #tpu.memory_space<hbm>>
    %dma_wait3A_162 = tpu.memref_squeeze %dma_wait3A_161 : memref<1x104x128xf32, #tpu.memory_space<hbm>> -> memref<104x128xf32, #tpu.memory_space<hbm>>
    tpu.wait_dma2 semaphore(%arg26 : memref<!tpu.dma_semaphore, #tpu.memory_space<semaphore_mem>>) src(%arg15 : memref<104x128xf32, #tpu.memory_space<vmem>>) dst(%dma_wait3A_162 : memref<104x128xf32, #tpu.memory_space<hbm>>)
    %dma_start3A_163 = arith.constant 5 : i32
    %dma_start3A_164 = arith.constant 0 : i32
    %dma_start3A_165 = arith.constant 0 : i32
    %dma_start3A_166 = tpu.memref_slice %arg6[%dma_start3A_163, %dma_start3A_164, %dma_start3A_165] : memref<19x96x128xf32, #tpu.memory_space<vmem_shared>> -> memref<1x96x128xf32, #tpu.memory_space<vmem_shared>>
    %dma_start3A_167 = tpu.memref_squeeze %dma_start3A_166 : memref<1x96x128xf32, #tpu.memory_space<vmem_shared>> -> memref<96x128xf32, #tpu.memory_space<vmem_shared>>
    %dma_start3A_168 = arith.constant 0 : i32
    %dma_start3A_169 = arith.constant 0 : i32
    %dma_start3A_170 = tpu.memref_slice %dma_start3A_167[%dma_start3A_168, %dma_start3A_169] : memref<96x128xf32, #tpu.memory_space<vmem_shared>> -> memref<96x128xf32, #tpu.memory_space<vmem_shared>>
    tpu.enqueue_indirect_dma source(%dma_start3A_170 : memref<96x128xf32, #tpu.memory_space<vmem_shared>>) target(%arg15 : memref<104x128xf32, #tpu.memory_space<vmem>>) offsets(%arg11 : memref<104xi32, #tpu.memory_space<vmem>>) semaphore(%arg23 : memref<!tpu.dma_semaphore, #tpu.memory_space<semaphore_mem>>)
    %dma_wait3A_171 = arith.constant 4 : i32
    %dma_wait3A_172 = arith.constant 0 : i32
    %dma_wait3A_173 = arith.constant 0 : i32
    %dma_wait3A_174 = tpu.memref_slice %arg6[%dma_wait3A_171, %dma_wait3A_172, %dma_wait3A_173] : memref<19x96x128xf32, #tpu.memory_space<vmem_shared>> -> memref<1x96x128xf32, #tpu.memory_space<vmem_shared>>
    %dma_wait3A_175 = tpu.memref_squeeze %dma_wait3A_174 : memref<1x96x128xf32, #tpu.memory_space<vmem_shared>> -> memref<96x128xf32, #tpu.memory_space<vmem_shared>>
    %dma_wait3A_176 = arith.constant 0 : i32
    %dma_wait3A_177 = arith.constant 0 : i32
    %dma_wait3A_178 = tpu.memref_slice %dma_wait3A_175[%dma_wait3A_176, %dma_wait3A_177] : memref<96x128xf32, #tpu.memory_space<vmem_shared>> -> memref<96x128xf32, #tpu.memory_space<vmem_shared>>
    tpu.wait_indirect_dma semaphore(%arg22 : memref<!tpu.dma_semaphore, #tpu.memory_space<semaphore_mem>>) src(%dma_wait3A_178 : memref<96x128xf32, #tpu.memory_space<vmem_shared>>) dst(%arg14 : memref<104x128xf32, #tpu.memory_space<vmem>>)
    %add3A_179 = arith.constant 0 : i32
    %add3A_180 = arith.addi %mul3A_27, %add3A_179 : i32
    %dma_start3A_181 = arith.constant 4 : i32
    %dma_start3A_182 = arith.constant 0 : i32
    %dma_start3A_183 = tpu.memref_slice %arg5[%dma_start3A_181, %add3A_180, %dma_start3A_182] : memref<19x10000x128xf32, #tpu.memory_space<hbm>> -> memref<1x104x128xf32, #tpu.memory_space<hbm>>
    %dma_start3A_184 = tpu.memref_squeeze %dma_start3A_183 : memref<1x104x128xf32, #tpu.memory_space<hbm>> -> memref<104x128xf32, #tpu.memory_space<hbm>>
    %dma_start3A_185 = arith.constant 0 : i32
    %dma_start3A_186 = tpu.memref_slice %arg5[%dma_start3A_181, %add3A_180, %dma_start3A_185] : memref<19x10000x128xf32, #tpu.memory_space<hbm>> -> memref<1x104x128xf32, #tpu.memory_space<hbm>>
    %dma_start3A_187 = tpu.memref_squeeze %dma_start3A_186 : memref<1x104x128xf32, #tpu.memory_space<hbm>> -> memref<104x128xf32, #tpu.memory_space<hbm>>
    tpu.enqueue_dma source(%arg14 : memref<104x128xf32, #tpu.memory_space<vmem>>) target(%dma_start3A_187 : memref<104x128xf32, #tpu.memory_space<hbm>>) target_semaphore(%arg25 : memref<!tpu.dma_semaphore, #tpu.memory_space<semaphore_mem>>)
    %add3A_188 = arith.constant 0 : i32
    %add3A_189 = arith.addi %mul3A_27, %add3A_188 : i32
    %dma_wait3A_190 = arith.constant 3 : i32
    %dma_wait3A_191 = arith.constant 0 : i32
    %dma_wait3A_192 = tpu.memref_slice %arg5[%dma_wait3A_190, %add3A_189, %dma_wait3A_191] : memref<19x10000x128xf32, #tpu.memory_space<hbm>> -> memref<1x104x128xf32, #tpu.memory_space<hbm>>
    %dma_wait3A_193 = tpu.memref_squeeze %dma_wait3A_192 : memref<1x104x128xf32, #tpu.memory_space<hbm>> -> memref<104x128xf32, #tpu.memory_space<hbm>>
    %dma_wait3A_194 = arith.constant 0 : i32
    %dma_wait3A_195 = tpu.memref_slice %arg5[%dma_wait3A_190, %add3A_189, %dma_wait3A_194] : memref<19x10000x128xf32, #tpu.memory_space<hbm>> -> memref<1x104x128xf32, #tpu.memory_space<hbm>>
    %dma_wait3A_196 = tpu.memref_squeeze %dma_wait3A_195 : memref<1x104x128xf32, #tpu.memory_space<hbm>> -> memref<104x128xf32, #tpu.memory_space<hbm>>
    tpu.wait_dma2 semaphore(%arg24 : memref<!tpu.dma_semaphore, #tpu.memory_space<semaphore_mem>>) src(%arg13 : memref<104x128xf32, #tpu.memory_space<vmem>>) dst(%dma_wait3A_196 : memref<104x128xf32, #tpu.memory_space<hbm>>)
    %dma_start3A_197 = arith.constant 6 : i32
    %dma_start3A_198 = arith.constant 0 : i32
    %dma_start3A_199 = arith.constant 0 : i32
    %dma_start3A_200 = tpu.memref_slice %arg6[%dma_start3A_197, %dma_start3A_198, %dma_start3A_199] : memref<19x96x128xf32, #tpu.memory_space<vmem_shared>> -> memref<1x96x128xf32, #tpu.memory_space<vmem_shared>>
    %dma_start3A_201 = tpu.memref_squeeze %dma_start3A_200 : memref<1x96x128xf32, #tpu.memory_space<vmem_shared>> -> memref<96x128xf32, #tpu.memory_space<vmem_shared>>
    %dma_start3A_202 = arith.constant 0 : i32
    %dma_start3A_203 = arith.constant 0 : i32
    %dma_start3A_204 = tpu.memref_slice %dma_start3A_201[%dma_start3A_202, %dma_start3A_203] : memref<96x128xf32, #tpu.memory_space<vmem_shared>> -> memref<96x128xf32, #tpu.memory_space<vmem_shared>>
    tpu.enqueue_indirect_dma source(%dma_start3A_204 : memref<96x128xf32, #tpu.memory_space<vmem_shared>>) target(%arg13 : memref<104x128xf32, #tpu.memory_space<vmem>>) offsets(%arg11 : memref<104xi32, #tpu.memory_space<vmem>>) semaphore(%arg21 : memref<!tpu.dma_semaphore, #tpu.memory_space<semaphore_mem>>)
    %dma_wait3A_205 = arith.constant 5 : i32
    %dma_wait3A_206 = arith.constant 0 : i32
    %dma_wait3A_207 = arith.constant 0 : i32
    %dma_wait3A_208 = tpu.memref_slice %arg6[%dma_wait3A_205, %dma_wait3A_206, %dma_wait3A_207] : memref<19x96x128xf32, #tpu.memory_space<vmem_shared>> -> memref<1x96x128xf32, #tpu.memory_space<vmem_shared>>
    %dma_wait3A_209 = tpu.memref_squeeze %dma_wait3A_208 : memref<1x96x128xf32, #tpu.memory_space<vmem_shared>> -> memref<96x128xf32, #tpu.memory_space<vmem_shared>>
    %dma_wait3A_210 = arith.constant 0 : i32
    %dma_wait3A_211 = arith.constant 0 : i32
    %dma_wait3A_212 = tpu.memref_slice %dma_wait3A_209[%dma_wait3A_210, %dma_wait3A_211] : memref<96x128xf32, #tpu.memory_space<vmem_shared>> -> memref<96x128xf32, #tpu.memory_space<vmem_shared>>
    tpu.wait_indirect_dma semaphore(%arg23 : memref<!tpu.dma_semaphore, #tpu.memory_space<semaphore_mem>>) src(%dma_wait3A_212 : memref<96x128xf32, #tpu.memory_space<vmem_shared>>) dst(%arg15 : memref<104x128xf32, #tpu.memory_space<vmem>>)
    %add3A_213 = arith.constant 0 : i32
    %add3A_214 = arith.addi %mul3A_27, %add3A_213 : i32
    %dma_start3A_215 = arith.constant 5 : i32
    %dma_start3A_216 = arith.constant 0 : i32
    %dma_start3A_217 = tpu.memref_slice %arg5[%dma_start3A_215, %add3A_214, %dma_start3A_216] : memref<19x10000x128xf32, #tpu.memory_space<hbm>> -> memref<1x104x128xf32, #tpu.memory_space<hbm>>
    %dma_start3A_218 = tpu.memref_squeeze %dma_start3A_217 : memref<1x104x128xf32, #tpu.memory_space<hbm>> -> memref<104x128xf32, #tpu.memory_space<hbm>>
    %dma_start3A_219 = arith.constant 0 : i32
    %dma_start3A_220 = tpu.memref_slice %arg5[%dma_start3A_215, %add3A_214, %dma_start3A_219] : memref<19x10000x128xf32, #tpu.memory_space<hbm>> -> memref<1x104x128xf32, #tpu.memory_space<hbm>>
    %dma_start3A_221 = tpu.memref_squeeze %dma_start3A_220 : memref<1x104x128xf32, #tpu.memory_space<hbm>> -> memref<104x128xf32, #tpu.memory_space<hbm>>
    tpu.enqueue_dma source(%arg15 : memref<104x128xf32, #tpu.memory_space<vmem>>) target(%dma_start3A_221 : memref<104x128xf32, #tpu.memory_space<hbm>>) target_semaphore(%arg26 : memref<!tpu.dma_semaphore, #tpu.memory_space<semaphore_mem>>)
    %add3A_222 = arith.constant 0 : i32
    %add3A_223 = arith.addi %mul3A_27, %add3A_222 : i32
    %dma_wait3A_224 = arith.constant 4 : i32
    %dma_wait3A_225 = arith.constant 0 : i32
    %dma_wait3A_226 = tpu.memref_slice %arg5[%dma_wait3A_224, %add3A_223, %dma_wait3A_225] : memref<19x10000x128xf32, #tpu.memory_space<hbm>> -> memref<1x104x128xf32, #tpu.memory_space<hbm>>
    %dma_wait3A_227 = tpu.memref_squeeze %dma_wait3A_226 : memref<1x104x128xf32, #tpu.memory_space<hbm>> -> memref<104x128xf32, #tpu.memory_space<hbm>>
    %dma_wait3A_228 = arith.constant 0 : i32
    %dma_wait3A_229 = tpu.memref_slice %arg5[%dma_wait3A_224, %add3A_223, %dma_wait3A_228] : memref<19x10000x128xf32, #tpu.memory_space<hbm>> -> memref<1x104x128xf32, #tpu.memory_space<hbm>>
    %dma_wait3A_230 = tpu.memref_squeeze %dma_wait3A_229 : memref<1x104x128xf32, #tpu.memory_space<hbm>> -> memref<104x128xf32, #tpu.memory_space<hbm>>
    tpu.wait_dma2 semaphore(%arg25 : memref<!tpu.dma_semaphore, #tpu.memory_space<semaphore_mem>>) src(%arg14 : memref<104x128xf32, #tpu.memory_space<vmem>>) dst(%dma_wait3A_230 : memref<104x128xf32, #tpu.memory_space<hbm>>)
    %dma_start3A_231 = arith.constant 7 : i32
    %dma_start3A_232 = arith.constant 0 : i32
    %dma_start3A_233 = arith.constant 0 : i32
    %dma_start3A_234 = tpu.memref_slice %arg6[%dma_start3A_231, %dma_start3A_232, %dma_start3A_233] : memref<19x96x128xf32, #tpu.memory_space<vmem_shared>> -> memref<1x96x128xf32, #tpu.memory_space<vmem_shared>>
    %dma_start3A_235 = tpu.memref_squeeze %dma_start3A_234 : memref<1x96x128xf32, #tpu.memory_space<vmem_shared>> -> memref<96x128xf32, #tpu.memory_space<vmem_shared>>
    %dma_start3A_236 = arith.constant 0 : i32
    %dma_start3A_237 = arith.constant 0 : i32
    %dma_start3A_238 = tpu.memref_slice %dma_start3A_235[%dma_start3A_236, %dma_start3A_237] : memref<96x128xf32, #tpu.memory_space<vmem_shared>> -> memref<96x128xf32, #tpu.memory_space<vmem_shared>>
    tpu.enqueue_indirect_dma source(%dma_start3A_238 : memref<96x128xf32, #tpu.memory_space<vmem_shared>>) target(%arg14 : memref<104x128xf32, #tpu.memory_space<vmem>>) offsets(%arg11 : memref<104xi32, #tpu.memory_space<vmem>>) semaphore(%arg22 : memref<!tpu.dma_semaphore, #tpu.memory_space<semaphore_mem>>)
    %dma_wait3A_239 = arith.constant 6 : i32
    %dma_wait3A_240 = arith.constant 0 : i32
    %dma_wait3A_241 = arith.constant 0 : i32
    %dma_wait3A_242 = tpu.memref_slice %arg6[%dma_wait3A_239, %dma_wait3A_240, %dma_wait3A_241] : memref<19x96x128xf32, #tpu.memory_space<vmem_shared>> -> memref<1x96x128xf32, #tpu.memory_space<vmem_shared>>
    %dma_wait3A_243 = tpu.memref_squeeze %dma_wait3A_242 : memref<1x96x128xf32, #tpu.memory_space<vmem_shared>> -> memref<96x128xf32, #tpu.memory_space<vmem_shared>>
    %dma_wait3A_244 = arith.constant 0 : i32
    %dma_wait3A_245 = arith.constant 0 : i32
    %dma_wait3A_246 = tpu.memref_slice %dma_wait3A_243[%dma_wait3A_244, %dma_wait3A_245] : memref<96x128xf32, #tpu.memory_space<vmem_shared>> -> memref<96x128xf32, #tpu.memory_space<vmem_shared>>
    tpu.wait_indirect_dma semaphore(%arg21 : memref<!tpu.dma_semaphore, #tpu.memory_space<semaphore_mem>>) src(%dma_wait3A_246 : memref<96x128xf32, #tpu.memory_space<vmem_shared>>) dst(%arg13 : memref<104x128xf32, #tpu.memory_space<vmem>>)
    %add3A_247 = arith.constant 0 : i32
    %add3A_248 = arith.addi %mul3A_27, %add3A_247 : i32
    %dma_start3A_249 = arith.constant 6 : i32
    %dma_start3A_250 = arith.constant 0 : i32
    %dma_start3A_251 = tpu.memref_slice %arg5[%dma_start3A_249, %add3A_248, %dma_start3A_250] : memref<19x10000x128xf32, #tpu.memory_space<hbm>> -> memref<1x104x128xf32, #tpu.memory_space<hbm>>
    %dma_start3A_252 = tpu.memref_squeeze %dma_start3A_251 : memref<1x104x128xf32, #tpu.memory_space<hbm>> -> memref<104x128xf32, #tpu.memory_space<hbm>>
    %dma_start3A_253 = arith.constant 0 : i32
    %dma_start3A_254 = tpu.memref_slice %arg5[%dma_start3A_249, %add3A_248, %dma_start3A_253] : memref<19x10000x128xf32, #tpu.memory_space<hbm>> -> memref<1x104x128xf32, #tpu.memory_space<hbm>>
    %dma_start3A_255 = tpu.memref_squeeze %dma_start3A_254 : memref<1x104x128xf32, #tpu.memory_space<hbm>> -> memref<104x128xf32, #tpu.memory_space<hbm>>
    tpu.enqueue_dma source(%arg13 : memref<104x128xf32, #tpu.memory_space<vmem>>) target(%dma_start3A_255 : memref<104x128xf32, #tpu.memory_space<hbm>>) target_semaphore(%arg24 : memref<!tpu.dma_semaphore, #tpu.memory_space<semaphore_mem>>)
    %add3A_256 = arith.constant 0 : i32
    %add3A_257 = arith.addi %mul3A_27, %add3A_256 : i32
    %dma_wait3A_258 = arith.constant 5 : i32
    %dma_wait3A_259 = arith.constant 0 : i32
    %dma_wait3A_260 = tpu.memref_slice %arg5[%dma_wait3A_258, %add3A_257, %dma_wait3A_259] : memref<19x10000x128xf32, #tpu.memory_space<hbm>> -> memref<1x104x128xf32, #tpu.memory_space<hbm>>
    %dma_wait3A_261 = tpu.memref_squeeze %dma_wait3A_260 : memref<1x104x128xf32, #tpu.memory_space<hbm>> -> memref<104x128xf32, #tpu.memory_space<hbm>>
    %dma_wait3A_262 = arith.constant 0 : i32
    %dma_wait3A_263 = tpu.memref_slice %arg5[%dma_wait3A_258, %add3A_257, %dma_wait3A_262] : memref<19x10000x128xf32, #tpu.memory_space<hbm>> -> memref<1x104x128xf32, #tpu.memory_space<hbm>>
    %dma_wait3A_264 = tpu.memref_squeeze %dma_wait3A_263 : memref<1x104x128xf32, #tpu.memory_space<hbm>> -> memref<104x128xf32, #tpu.memory_space<hbm>>
    tpu.wait_dma2 semaphore(%arg26 : memref<!tpu.dma_semaphore, #tpu.memory_space<semaphore_mem>>) src(%arg15 : memref<104x128xf32, #tpu.memory_space<vmem>>) dst(%dma_wait3A_264 : memref<104x128xf32, #tpu.memory_space<hbm>>)
    %dma_start3A_265 = arith.constant 8 : i32
    %dma_start3A_266 = arith.constant 0 : i32
    %dma_start3A_267 = arith.constant 0 : i32
    %dma_start3A_268 = tpu.memref_slice %arg6[%dma_start3A_265, %dma_start3A_266, %dma_start3A_267] : memref<19x96x128xf32, #tpu.memory_space<vmem_shared>> -> memref<1x96x128xf32, #tpu.memory_space<vmem_shared>>
    %dma_start3A_269 = tpu.memref_squeeze %dma_start3A_268 : memref<1x96x128xf32, #tpu.memory_space<vmem_shared>> -> memref<96x128xf32, #tpu.memory_space<vmem_shared>>
    %dma_start3A_270 = arith.constant 0 : i32
    %dma_start3A_271 = arith.constant 0 : i32
    %dma_start3A_272 = tpu.memref_slice %dma_start3A_269[%dma_start3A_270, %dma_start3A_271] : memref<96x128xf32, #tpu.memory_space<vmem_shared>> -> memref<96x128xf32, #tpu.memory_space<vmem_shared>>
    tpu.enqueue_indirect_dma source(%dma_start3A_272 : memref<96x128xf32, #tpu.memory_space<vmem_shared>>) target(%arg15 : memref<104x128xf32, #tpu.memory_space<vmem>>) offsets(%arg11 : memref<104xi32, #tpu.memory_space<vmem>>) semaphore(%arg23 : memref<!tpu.dma_semaphore, #tpu.memory_space<semaphore_mem>>)
    %dma_wait3A_273 = arith.constant 7 : i32
    %dma_wait3A_274 = arith.constant 0 : i32
    %dma_wait3A_275 = arith.constant 0 : i32
    %dma_wait3A_276 = tpu.memref_slice %arg6[%dma_wait3A_273, %dma_wait3A_274, %dma_wait3A_275] : memref<19x96x128xf32, #tpu.memory_space<vmem_shared>> -> memref<1x96x128xf32, #tpu.memory_space<vmem_shared>>
    %dma_wait3A_277 = tpu.memref_squeeze %dma_wait3A_276 : memref<1x96x128xf32, #tpu.memory_space<vmem_shared>> -> memref<96x128xf32, #tpu.memory_space<vmem_shared>>
    %dma_wait3A_278 = arith.constant 0 : i32
    %dma_wait3A_279 = arith.constant 0 : i32
    %dma_wait3A_280 = tpu.memref_slice %dma_wait3A_277[%dma_wait3A_278, %dma_wait3A_279] : memref<96x128xf32, #tpu.memory_space<vmem_shared>> -> memref<96x128xf32, #tpu.memory_space<vmem_shared>>
    tpu.wait_indirect_dma semaphore(%arg22 : memref<!tpu.dma_semaphore, #tpu.memory_space<semaphore_mem>>) src(%dma_wait3A_280 : memref<96x128xf32, #tpu.memory_space<vmem_shared>>) dst(%arg14 : memref<104x128xf32, #tpu.memory_space<vmem>>)
    %add3A_281 = arith.constant 0 : i32
    %add3A_282 = arith.addi %mul3A_27, %add3A_281 : i32
    %dma_start3A_283 = arith.constant 7 : i32
    %dma_start3A_284 = arith.constant 0 : i32
    %dma_start3A_285 = tpu.memref_slice %arg5[%dma_start3A_283, %add3A_282, %dma_start3A_284] : memref<19x10000x128xf32, #tpu.memory_space<hbm>> -> memref<1x104x128xf32, #tpu.memory_space<hbm>>
    %dma_start3A_286 = tpu.memref_squeeze %dma_start3A_285 : memref<1x104x128xf32, #tpu.memory_space<hbm>> -> memref<104x128xf32, #tpu.memory_space<hbm>>
    %dma_start3A_287 = arith.constant 0 : i32
    %dma_start3A_288 = tpu.memref_slice %arg5[%dma_start3A_283, %add3A_282, %dma_start3A_287] : memref<19x10000x128xf32, #tpu.memory_space<hbm>> -> memref<1x104x128xf32, #tpu.memory_space<hbm>>
    %dma_start3A_289 = tpu.memref_squeeze %dma_start3A_288 : memref<1x104x128xf32, #tpu.memory_space<hbm>> -> memref<104x128xf32, #tpu.memory_space<hbm>>
    tpu.enqueue_dma source(%arg14 : memref<104x128xf32, #tpu.memory_space<vmem>>) target(%dma_start3A_289 : memref<104x128xf32, #tpu.memory_space<hbm>>) target_semaphore(%arg25 : memref<!tpu.dma_semaphore, #tpu.memory_space<semaphore_mem>>)
    %add3A_290 = arith.constant 0 : i32
    %add3A_291 = arith.addi %mul3A_27, %add3A_290 : i32
    %dma_wait3A_292 = arith.constant 6 : i32
    %dma_wait3A_293 = arith.constant 0 : i32
    %dma_wait3A_294 = tpu.memref_slice %arg5[%dma_wait3A_292, %add3A_291, %dma_wait3A_293] : memref<19x10000x128xf32, #tpu.memory_space<hbm>> -> memref<1x104x128xf32, #tpu.memory_space<hbm>>
    %dma_wait3A_295 = tpu.memref_squeeze %dma_wait3A_294 : memref<1x104x128xf32, #tpu.memory_space<hbm>> -> memref<104x128xf32, #tpu.memory_space<hbm>>
    %dma_wait3A_296 = arith.constant 0 : i32
    %dma_wait3A_297 = tpu.memref_slice %arg5[%dma_wait3A_292, %add3A_291, %dma_wait3A_296] : memref<19x10000x128xf32, #tpu.memory_space<hbm>> -> memref<1x104x128xf32, #tpu.memory_space<hbm>>
    %dma_wait3A_298 = tpu.memref_squeeze %dma_wait3A_297 : memref<1x104x128xf32, #tpu.memory_space<hbm>> -> memref<104x128xf32, #tpu.memory_space<hbm>>
    tpu.wait_dma2 semaphore(%arg24 : memref<!tpu.dma_semaphore, #tpu.memory_space<semaphore_mem>>) src(%arg13 : memref<104x128xf32, #tpu.memory_space<vmem>>) dst(%dma_wait3A_298 : memref<104x128xf32, #tpu.memory_space<hbm>>)
    %dma_start3A_299 = arith.constant 9 : i32
    %dma_start3A_300 = arith.constant 0 : i32
    %dma_start3A_301 = arith.constant 0 : i32
    %dma_start3A_302 = tpu.memref_slice %arg6[%dma_start3A_299, %dma_start3A_300, %dma_start3A_301] : memref<19x96x128xf32, #tpu.memory_space<vmem_shared>> -> memref<1x96x128xf32, #tpu.memory_space<vmem_shared>>
    %dma_start3A_303 = tpu.memref_squeeze %dma_start3A_302 : memref<1x96x128xf32, #tpu.memory_space<vmem_shared>> -> memref<96x128xf32, #tpu.memory_space<vmem_shared>>
    %dma_start3A_304 = arith.constant 0 : i32
    %dma_start3A_305 = arith.constant 0 : i32
    %dma_start3A_306 = tpu.memref_slice %dma_start3A_303[%dma_start3A_304, %dma_start3A_305] : memref<96x128xf32, #tpu.memory_space<vmem_shared>> -> memref<96x128xf32, #tpu.memory_space<vmem_shared>>
    tpu.enqueue_indirect_dma source(%dma_start3A_306 : memref<96x128xf32, #tpu.memory_space<vmem_shared>>) target(%arg13 : memref<104x128xf32, #tpu.memory_space<vmem>>) offsets(%arg11 : memref<104xi32, #tpu.memory_space<vmem>>) semaphore(%arg21 : memref<!tpu.dma_semaphore, #tpu.memory_space<semaphore_mem>>)
    %dma_wait3A_307 = arith.constant 8 : i32
    %dma_wait3A_308 = arith.constant 0 : i32
    %dma_wait3A_309 = arith.constant 0 : i32
    %dma_wait3A_310 = tpu.memref_slice %arg6[%dma_wait3A_307, %dma_wait3A_308, %dma_wait3A_309] : memref<19x96x128xf32, #tpu.memory_space<vmem_shared>> -> memref<1x96x128xf32, #tpu.memory_space<vmem_shared>>
    %dma_wait3A_311 = tpu.memref_squeeze %dma_wait3A_310 : memref<1x96x128xf32, #tpu.memory_space<vmem_shared>> -> memref<96x128xf32, #tpu.memory_space<vmem_shared>>
    %dma_wait3A_312 = arith.constant 0 : i32
    %dma_wait3A_313 = arith.constant 0 : i32
    %dma_wait3A_314 = tpu.memref_slice %dma_wait3A_311[%dma_wait3A_312, %dma_wait3A_313] : memref<96x128xf32, #tpu.memory_space<vmem_shared>> -> memref<96x128xf32, #tpu.memory_space<vmem_shared>>
    tpu.wait_indirect_dma semaphore(%arg23 : memref<!tpu.dma_semaphore, #tpu.memory_space<semaphore_mem>>) src(%dma_wait3A_314 : memref<96x128xf32, #tpu.memory_space<vmem_shared>>) dst(%arg15 : memref<104x128xf32, #tpu.memory_space<vmem>>)
    %add3A_315 = arith.constant 0 : i32
    %add3A_316 = arith.addi %mul3A_27, %add3A_315 : i32
    %dma_start3A_317 = arith.constant 8 : i32
    %dma_start3A_318 = arith.constant 0 : i32
    %dma_start3A_319 = tpu.memref_slice %arg5[%dma_start3A_317, %add3A_316, %dma_start3A_318] : memref<19x10000x128xf32, #tpu.memory_space<hbm>> -> memref<1x104x128xf32, #tpu.memory_space<hbm>>
    %dma_start3A_320 = tpu.memref_squeeze %dma_start3A_319 : memref<1x104x128xf32, #tpu.memory_space<hbm>> -> memref<104x128xf32, #tpu.memory_space<hbm>>
    %dma_start3A_321 = arith.constant 0 : i32
    %dma_start3A_322 = tpu.memref_slice %arg5[%dma_start3A_317, %add3A_316, %dma_start3A_321] : memref<19x10000x128xf32, #tpu.memory_space<hbm>> -> memref<1x104x128xf32, #tpu.memory_space<hbm>>
    %dma_start3A_323 = tpu.memref_squeeze %dma_start3A_322 : memref<1x104x128xf32, #tpu.memory_space<hbm>> -> memref<104x128xf32, #tpu.memory_space<hbm>>
    tpu.enqueue_dma source(%arg15 : memref<104x128xf32, #tpu.memory_space<vmem>>) target(%dma_start3A_323 : memref<104x128xf32, #tpu.memory_space<hbm>>) target_semaphore(%arg26 : memref<!tpu.dma_semaphore, #tpu.memory_space<semaphore_mem>>)
    %add3A_324 = arith.constant 0 : i32
    %add3A_325 = arith.addi %mul3A_27, %add3A_324 : i32
    %dma_wait3A_326 = arith.constant 7 : i32
    %dma_wait3A_327 = arith.constant 0 : i32
    %dma_wait3A_328 = tpu.memref_slice %arg5[%dma_wait3A_326, %add3A_325, %dma_wait3A_327] : memref<19x10000x128xf32, #tpu.memory_space<hbm>> -> memref<1x104x128xf32, #tpu.memory_space<hbm>>
    %dma_wait3A_329 = tpu.memref_squeeze %dma_wait3A_328 : memref<1x104x128xf32, #tpu.memory_space<hbm>> -> memref<104x128xf32, #tpu.memory_space<hbm>>
    %dma_wait3A_330 = arith.constant 0 : i32
    %dma_wait3A_331 = tpu.memref_slice %arg5[%dma_wait3A_326, %add3A_325, %dma_wait3A_330] : memref<19x10000x128xf32, #tpu.memory_space<hbm>> -> memref<1x104x128xf32, #tpu.memory_space<hbm>>
    %dma_wait3A_332 = tpu.memref_squeeze %dma_wait3A_331 : memref<1x104x128xf32, #tpu.memory_space<hbm>> -> memref<104x128xf32, #tpu.memory_space<hbm>>
    tpu.wait_dma2 semaphore(%arg25 : memref<!tpu.dma_semaphore, #tpu.memory_space<semaphore_mem>>) src(%arg14 : memref<104x128xf32, #tpu.memory_space<vmem>>) dst(%dma_wait3A_332 : memref<104x128xf32, #tpu.memory_space<hbm>>)
    %dma_start3A_333 = arith.constant 10 : i32
    %dma_start3A_334 = arith.constant 0 : i32
    %dma_start3A_335 = arith.constant 0 : i32
    %dma_start3A_336 = tpu.memref_slice %arg6[%dma_start3A_333, %dma_start3A_334, %dma_start3A_335] : memref<19x96x128xf32, #tpu.memory_space<vmem_shared>> -> memref<1x96x128xf32, #tpu.memory_space<vmem_shared>>
    %dma_start3A_337 = tpu.memref_squeeze %dma_start3A_336 : memref<1x96x128xf32, #tpu.memory_space<vmem_shared>> -> memref<96x128xf32, #tpu.memory_space<vmem_shared>>
    %dma_start3A_338 = arith.constant 0 : i32
    %dma_start3A_339 = arith.constant 0 : i32
    %dma_start3A_340 = tpu.memref_slice %dma_start3A_337[%dma_start3A_338, %dma_start3A_339] : memref<96x128xf32, #tpu.memory_space<vmem_shared>> -> memref<96x128xf32, #tpu.memory_space<vmem_shared>>
    tpu.enqueue_indirect_dma source(%dma_start3A_340 : memref<96x128xf32, #tpu.memory_space<vmem_shared>>) target(%arg14 : memref<104x128xf32, #tpu.memory_space<vmem>>) offsets(%arg11 : memref<104xi32, #tpu.memory_space<vmem>>) semaphore(%arg22 : memref<!tpu.dma_semaphore, #tpu.memory_space<semaphore_mem>>)
    %dma_wait3A_341 = arith.constant 9 : i32
    %dma_wait3A_342 = arith.constant 0 : i32
    %dma_wait3A_343 = arith.constant 0 : i32
    %dma_wait3A_344 = tpu.memref_slice %arg6[%dma_wait3A_341, %dma_wait3A_342, %dma_wait3A_343] : memref<19x96x128xf32, #tpu.memory_space<vmem_shared>> -> memref<1x96x128xf32, #tpu.memory_space<vmem_shared>>
    %dma_wait3A_345 = tpu.memref_squeeze %dma_wait3A_344 : memref<1x96x128xf32, #tpu.memory_space<vmem_shared>> -> memref<96x128xf32, #tpu.memory_space<vmem_shared>>
    %dma_wait3A_346 = arith.constant 0 : i32
    %dma_wait3A_347 = arith.constant 0 : i32
    %dma_wait3A_348 = tpu.memref_slice %dma_wait3A_345[%dma_wait3A_346, %dma_wait3A_347] : memref<96x128xf32, #tpu.memory_space<vmem_shared>> -> memref<96x128xf32, #tpu.memory_space<vmem_shared>>
    tpu.wait_indirect_dma semaphore(%arg21 : memref<!tpu.dma_semaphore, #tpu.memory_space<semaphore_mem>>) src(%dma_wait3A_348 : memref<96x128xf32, #tpu.memory_space<vmem_shared>>) dst(%arg13 : memref<104x128xf32, #tpu.memory_space<vmem>>)
    %add3A_349 = arith.constant 0 : i32
    %add3A_350 = arith.addi %mul3A_27, %add3A_349 : i32
    %dma_start3A_351 = arith.constant 9 : i32
    %dma_start3A_352 = arith.constant 0 : i32
    %dma_start3A_353 = tpu.memref_slice %arg5[%dma_start3A_351, %add3A_350, %dma_start3A_352] : memref<19x10000x128xf32, #tpu.memory_space<hbm>> -> memref<1x104x128xf32, #tpu.memory_space<hbm>>
    %dma_start3A_354 = tpu.memref_squeeze %dma_start3A_353 : memref<1x104x128xf32, #tpu.memory_space<hbm>> -> memref<104x128xf32, #tpu.memory_space<hbm>>
    %dma_start3A_355 = arith.constant 0 : i32
    %dma_start3A_356 = tpu.memref_slice %arg5[%dma_start3A_351, %add3A_350, %dma_start3A_355] : memref<19x10000x128xf32, #tpu.memory_space<hbm>> -> memref<1x104x128xf32, #tpu.memory_space<hbm>>
    %dma_start3A_357 = tpu.memref_squeeze %dma_start3A_356 : memref<1x104x128xf32, #tpu.memory_space<hbm>> -> memref<104x128xf32, #tpu.memory_space<hbm>>
    tpu.enqueue_dma source(%arg13 : memref<104x128xf32, #tpu.memory_space<vmem>>) target(%dma_start3A_357 : memref<104x128xf32, #tpu.memory_space<hbm>>) target_semaphore(%arg24 : memref<!tpu.dma_semaphore, #tpu.memory_space<semaphore_mem>>)
    %add3A_358 = arith.constant 0 : i32
    %add3A_359 = arith.addi %mul3A_27, %add3A_358 : i32
    %dma_wait3A_360 = arith.constant 8 : i32
    %dma_wait3A_361 = arith.constant 0 : i32
    %dma_wait3A_362 = tpu.memref_slice %arg5[%dma_wait3A_360, %add3A_359, %dma_wait3A_361] : memref<19x10000x128xf32, #tpu.memory_space<hbm>> -> memref<1x104x128xf32, #tpu.memory_space<hbm>>
    %dma_wait3A_363 = tpu.memref_squeeze %dma_wait3A_362 : memref<1x104x128xf32, #tpu.memory_space<hbm>> -> memref<104x128xf32, #tpu.memory_space<hbm>>
    %dma_wait3A_364 = arith.constant 0 : i32
    %dma_wait3A_365 = tpu.memref_slice %arg5[%dma_wait3A_360, %add3A_359, %dma_wait3A_364] : memref<19x10000x128xf32, #tpu.memory_space<hbm>> -> memref<1x104x128xf32, #tpu.memory_space<hbm>>
    %dma_wait3A_366 = tpu.memref_squeeze %dma_wait3A_365 : memref<1x104x128xf32, #tpu.memory_space<hbm>> -> memref<104x128xf32, #tpu.memory_space<hbm>>
    tpu.wait_dma2 semaphore(%arg26 : memref<!tpu.dma_semaphore, #tpu.memory_space<semaphore_mem>>) src(%arg15 : memref<104x128xf32, #tpu.memory_space<vmem>>) dst(%dma_wait3A_366 : memref<104x128xf32, #tpu.memory_space<hbm>>)
    %dma_start3A_367 = arith.constant 11 : i32
    %dma_start3A_368 = arith.constant 0 : i32
    %dma_start3A_369 = arith.constant 0 : i32
    %dma_start3A_370 = tpu.memref_slice %arg6[%dma_start3A_367, %dma_start3A_368, %dma_start3A_369] : memref<19x96x128xf32, #tpu.memory_space<vmem_shared>> -> memref<1x96x128xf32, #tpu.memory_space<vmem_shared>>
    %dma_start3A_371 = tpu.memref_squeeze %dma_start3A_370 : memref<1x96x128xf32, #tpu.memory_space<vmem_shared>> -> memref<96x128xf32, #tpu.memory_space<vmem_shared>>
    %dma_start3A_372 = arith.constant 0 : i32
    %dma_start3A_373 = arith.constant 0 : i32
    %dma_start3A_374 = tpu.memref_slice %dma_start3A_371[%dma_start3A_372, %dma_start3A_373] : memref<96x128xf32, #tpu.memory_space<vmem_shared>> -> memref<96x128xf32, #tpu.memory_space<vmem_shared>>
    tpu.enqueue_indirect_dma source(%dma_start3A_374 : memref<96x128xf32, #tpu.memory_space<vmem_shared>>) target(%arg15 : memref<104x128xf32, #tpu.memory_space<vmem>>) offsets(%arg11 : memref<104xi32, #tpu.memory_space<vmem>>) semaphore(%arg23 : memref<!tpu.dma_semaphore, #tpu.memory_space<semaphore_mem>>)
    %dma_wait3A_375 = arith.constant 10 : i32
    %dma_wait3A_376 = arith.constant 0 : i32
    %dma_wait3A_377 = arith.constant 0 : i32
    %dma_wait3A_378 = tpu.memref_slice %arg6[%dma_wait3A_375, %dma_wait3A_376, %dma_wait3A_377] : memref<19x96x128xf32, #tpu.memory_space<vmem_shared>> -> memref<1x96x128xf32, #tpu.memory_space<vmem_shared>>
    %dma_wait3A_379 = tpu.memref_squeeze %dma_wait3A_378 : memref<1x96x128xf32, #tpu.memory_space<vmem_shared>> -> memref<96x128xf32, #tpu.memory_space<vmem_shared>>
    %dma_wait3A_380 = arith.constant 0 : i32
    %dma_wait3A_381 = arith.constant 0 : i32
    %dma_wait3A_382 = tpu.memref_slice %dma_wait3A_379[%dma_wait3A_380, %dma_wait3A_381] : memref<96x128xf32, #tpu.memory_space<vmem_shared>> -> memref<96x128xf32, #tpu.memory_space<vmem_shared>>
    tpu.wait_indirect_dma semaphore(%arg22 : memref<!tpu.dma_semaphore, #tpu.memory_space<semaphore_mem>>) src(%dma_wait3A_382 : memref<96x128xf32, #tpu.memory_space<vmem_shared>>) dst(%arg14 : memref<104x128xf32, #tpu.memory_space<vmem>>)
    %add3A_383 = arith.constant 0 : i32
    %add3A_384 = arith.addi %mul3A_27, %add3A_383 : i32
    %dma_start3A_385 = arith.constant 10 : i32
    %dma_start3A_386 = arith.constant 0 : i32
    %dma_start3A_387 = tpu.memref_slice %arg5[%dma_start3A_385, %add3A_384, %dma_start3A_386] : memref<19x10000x128xf32, #tpu.memory_space<hbm>> -> memref<1x104x128xf32, #tpu.memory_space<hbm>>
    %dma_start3A_388 = tpu.memref_squeeze %dma_start3A_387 : memref<1x104x128xf32, #tpu.memory_space<hbm>> -> memref<104x128xf32, #tpu.memory_space<hbm>>
    %dma_start3A_389 = arith.constant 0 : i32
    %dma_start3A_390 = tpu.memref_slice %arg5[%dma_start3A_385, %add3A_384, %dma_start3A_389] : memref<19x10000x128xf32, #tpu.memory_space<hbm>> -> memref<1x104x128xf32, #tpu.memory_space<hbm>>
    %dma_start3A_391 = tpu.memref_squeeze %dma_start3A_390 : memref<1x104x128xf32, #tpu.memory_space<hbm>> -> memref<104x128xf32, #tpu.memory_space<hbm>>
    tpu.enqueue_dma source(%arg14 : memref<104x128xf32, #tpu.memory_space<vmem>>) target(%dma_start3A_391 : memref<104x128xf32, #tpu.memory_space<hbm>>) target_semaphore(%arg25 : memref<!tpu.dma_semaphore, #tpu.memory_space<semaphore_mem>>)
    %add3A_392 = arith.constant 0 : i32
    %add3A_393 = arith.addi %mul3A_27, %add3A_392 : i32
    %dma_wait3A_394 = arith.constant 9 : i32
    %dma_wait3A_395 = arith.constant 0 : i32
    %dma_wait3A_396 = tpu.memref_slice %arg5[%dma_wait3A_394, %add3A_393, %dma_wait3A_395] : memref<19x10000x128xf32, #tpu.memory_space<hbm>> -> memref<1x104x128xf32, #tpu.memory_space<hbm>>
    %dma_wait3A_397 = tpu.memref_squeeze %dma_wait3A_396 : memref<1x104x128xf32, #tpu.memory_space<hbm>> -> memref<104x128xf32, #tpu.memory_space<hbm>>
    %dma_wait3A_398 = arith.constant 0 : i32
    %dma_wait3A_399 = tpu.memref_slice %arg5[%dma_wait3A_394, %add3A_393, %dma_wait3A_398] : memref<19x10000x128xf32, #tpu.memory_space<hbm>> -> memref<1x104x128xf32, #tpu.memory_space<hbm>>
    %dma_wait3A_400 = tpu.memref_squeeze %dma_wait3A_399 : memref<1x104x128xf32, #tpu.memory_space<hbm>> -> memref<104x128xf32, #tpu.memory_space<hbm>>
    tpu.wait_dma2 semaphore(%arg24 : memref<!tpu.dma_semaphore, #tpu.memory_space<semaphore_mem>>) src(%arg13 : memref<104x128xf32, #tpu.memory_space<vmem>>) dst(%dma_wait3A_400 : memref<104x128xf32, #tpu.memory_space<hbm>>)
    %dma_start3A_401 = arith.constant 12 : i32
    %dma_start3A_402 = arith.constant 0 : i32
    %dma_start3A_403 = arith.constant 0 : i32
    %dma_start3A_404 = tpu.memref_slice %arg6[%dma_start3A_401, %dma_start3A_402, %dma_start3A_403] : memref<19x96x128xf32, #tpu.memory_space<vmem_shared>> -> memref<1x96x128xf32, #tpu.memory_space<vmem_shared>>
    %dma_start3A_405 = tpu.memref_squeeze %dma_start3A_404 : memref<1x96x128xf32, #tpu.memory_space<vmem_shared>> -> memref<96x128xf32, #tpu.memory_space<vmem_shared>>
    %dma_start3A_406 = arith.constant 0 : i32
    %dma_start3A_407 = arith.constant 0 : i32
    %dma_start3A_408 = tpu.memref_slice %dma_start3A_405[%dma_start3A_406, %dma_start3A_407] : memref<96x128xf32, #tpu.memory_space<vmem_shared>> -> memref<96x128xf32, #tpu.memory_space<vmem_shared>>
    tpu.enqueue_indirect_dma source(%dma_start3A_408 : memref<96x128xf32, #tpu.memory_space<vmem_shared>>) target(%arg13 : memref<104x128xf32, #tpu.memory_space<vmem>>) offsets(%arg11 : memref<104xi32, #tpu.memory_space<vmem>>) semaphore(%arg21 : memref<!tpu.dma_semaphore, #tpu.memory_space<semaphore_mem>>)
    %dma_wait3A_409 = arith.constant 11 : i32
    %dma_wait3A_410 = arith.constant 0 : i32
    %dma_wait3A_411 = arith.constant 0 : i32
    %dma_wait3A_412 = tpu.memref_slice %arg6[%dma_wait3A_409, %dma_wait3A_410, %dma_wait3A_411] : memref<19x96x128xf32, #tpu.memory_space<vmem_shared>> -> memref<1x96x128xf32, #tpu.memory_space<vmem_shared>>
    %dma_wait3A_413 = tpu.memref_squeeze %dma_wait3A_412 : memref<1x96x128xf32, #tpu.memory_space<vmem_shared>> -> memref<96x128xf32, #tpu.memory_space<vmem_shared>>
    %dma_wait3A_414 = arith.constant 0 : i32
    %dma_wait3A_415 = arith.constant 0 : i32
    %dma_wait3A_416 = tpu.memref_slice %dma_wait3A_413[%dma_wait3A_414, %dma_wait3A_415] : memref<96x128xf32, #tpu.memory_space<vmem_shared>> -> memref<96x128xf32, #tpu.memory_space<vmem_shared>>
    tpu.wait_indirect_dma semaphore(%arg23 : memref<!tpu.dma_semaphore, #tpu.memory_space<semaphore_mem>>) src(%dma_wait3A_416 : memref<96x128xf32, #tpu.memory_space<vmem_shared>>) dst(%arg15 : memref<104x128xf32, #tpu.memory_space<vmem>>)
    %add3A_417 = arith.constant 0 : i32
    %add3A_418 = arith.addi %mul3A_27, %add3A_417 : i32
    %dma_start3A_419 = arith.constant 11 : i32
    %dma_start3A_420 = arith.constant 0 : i32
    %dma_start3A_421 = tpu.memref_slice %arg5[%dma_start3A_419, %add3A_418, %dma_start3A_420] : memref<19x10000x128xf32, #tpu.memory_space<hbm>> -> memref<1x104x128xf32, #tpu.memory_space<hbm>>
    %dma_start3A_422 = tpu.memref_squeeze %dma_start3A_421 : memref<1x104x128xf32, #tpu.memory_space<hbm>> -> memref<104x128xf32, #tpu.memory_space<hbm>>
    %dma_start3A_423 = arith.constant 0 : i32
    %dma_start3A_424 = tpu.memref_slice %arg5[%dma_start3A_419, %add3A_418, %dma_start3A_423] : memref<19x10000x128xf32, #tpu.memory_space<hbm>> -> memref<1x104x128xf32, #tpu.memory_space<hbm>>
    %dma_start3A_425 = tpu.memref_squeeze %dma_start3A_424 : memref<1x104x128xf32, #tpu.memory_space<hbm>> -> memref<104x128xf32, #tpu.memory_space<hbm>>
    tpu.enqueue_dma source(%arg15 : memref<104x128xf32, #tpu.memory_space<vmem>>) target(%dma_start3A_425 : memref<104x128xf32, #tpu.memory_space<hbm>>) target_semaphore(%arg26 : memref<!tpu.dma_semaphore, #tpu.memory_space<semaphore_mem>>)
    %add3A_426 = arith.constant 0 : i32
    %add3A_427 = arith.addi %mul3A_27, %add3A_426 : i32
    %dma_wait3A_428 = arith.constant 10 : i32
    %dma_wait3A_429 = arith.constant 0 : i32
    %dma_wait3A_430 = tpu.memref_slice %arg5[%dma_wait3A_428, %add3A_427, %dma_wait3A_429] : memref<19x10000x128xf32, #tpu.memory_space<hbm>> -> memref<1x104x128xf32, #tpu.memory_space<hbm>>
    %dma_wait3A_431 = tpu.memref_squeeze %dma_wait3A_430 : memref<1x104x128xf32, #tpu.memory_space<hbm>> -> memref<104x128xf32, #tpu.memory_space<hbm>>
    %dma_wait3A_432 = arith.constant 0 : i32
    %dma_wait3A_433 = tpu.memref_slice %arg5[%dma_wait3A_428, %add3A_427, %dma_wait3A_432] : memref<19x10000x128xf32, #tpu.memory_space<hbm>> -> memref<1x104x128xf32, #tpu.memory_space<hbm>>
    %dma_wait3A_434 = tpu.memref_squeeze %dma_wait3A_433 : memref<1x104x128xf32, #tpu.memory_space<hbm>> -> memref<104x128xf32, #tpu.memory_space<hbm>>
    tpu.wait_dma2 semaphore(%arg25 : memref<!tpu.dma_semaphore, #tpu.memory_space<semaphore_mem>>) src(%arg14 : memref<104x128xf32, #tpu.memory_space<vmem>>) dst(%dma_wait3A_434 : memref<104x128xf32, #tpu.memory_space<hbm>>)
    %dma_start3A_435 = arith.constant 13 : i32
    %dma_start3A_436 = arith.constant 0 : i32
    %dma_start3A_437 = arith.constant 0 : i32
    %dma_start3A_438 = tpu.memref_slice %arg6[%dma_start3A_435, %dma_start3A_436, %dma_start3A_437] : memref<19x96x128xf32, #tpu.memory_space<vmem_shared>> -> memref<1x96x128xf32, #tpu.memory_space<vmem_shared>>
    %dma_start3A_439 = tpu.memref_squeeze %dma_start3A_438 : memref<1x96x128xf32, #tpu.memory_space<vmem_shared>> -> memref<96x128xf32, #tpu.memory_space<vmem_shared>>
    %dma_start3A_440 = arith.constant 0 : i32
    %dma_start3A_441 = arith.constant 0 : i32
    %dma_start3A_442 = tpu.memref_slice %dma_start3A_439[%dma_start3A_440, %dma_start3A_441] : memref<96x128xf32, #tpu.memory_space<vmem_shared>> -> memref<96x128xf32, #tpu.memory_space<vmem_shared>>
    tpu.enqueue_indirect_dma source(%dma_start3A_442 : memref<96x128xf32, #tpu.memory_space<vmem_shared>>) target(%arg14 : memref<104x128xf32, #tpu.memory_space<vmem>>) offsets(%arg11 : memref<104xi32, #tpu.memory_space<vmem>>) semaphore(%arg22 : memref<!tpu.dma_semaphore, #tpu.memory_space<semaphore_mem>>)
    %dma_wait3A_443 = arith.constant 12 : i32
    %dma_wait3A_444 = arith.constant 0 : i32
    %dma_wait3A_445 = arith.constant 0 : i32
    %dma_wait3A_446 = tpu.memref_slice %arg6[%dma_wait3A_443, %dma_wait3A_444, %dma_wait3A_445] : memref<19x96x128xf32, #tpu.memory_space<vmem_shared>> -> memref<1x96x128xf32, #tpu.memory_space<vmem_shared>>
    %dma_wait3A_447 = tpu.memref_squeeze %dma_wait3A_446 : memref<1x96x128xf32, #tpu.memory_space<vmem_shared>> -> memref<96x128xf32, #tpu.memory_space<vmem_shared>>
    %dma_wait3A_448 = arith.constant 0 : i32
    %dma_wait3A_449 = arith.constant 0 : i32
    %dma_wait3A_450 = tpu.memref_slice %dma_wait3A_447[%dma_wait3A_448, %dma_wait3A_449] : memref<96x128xf32, #tpu.memory_space<vmem_shared>> -> memref<96x128xf32, #tpu.memory_space<vmem_shared>>
    tpu.wait_indirect_dma semaphore(%arg21 : memref<!tpu.dma_semaphore, #tpu.memory_space<semaphore_mem>>) src(%dma_wait3A_450 : memref<96x128xf32, #tpu.memory_space<vmem_shared>>) dst(%arg13 : memref<104x128xf32, #tpu.memory_space<vmem>>)
    %add3A_451 = arith.constant 0 : i32
    %add3A_452 = arith.addi %mul3A_27, %add3A_451 : i32
    %dma_start3A_453 = arith.constant 12 : i32
    %dma_start3A_454 = arith.constant 0 : i32
    %dma_start3A_455 = tpu.memref_slice %arg5[%dma_start3A_453, %add3A_452, %dma_start3A_454] : memref<19x10000x128xf32, #tpu.memory_space<hbm>> -> memref<1x104x128xf32, #tpu.memory_space<hbm>>
    %dma_start3A_456 = tpu.memref_squeeze %dma_start3A_455 : memref<1x104x128xf32, #tpu.memory_space<hbm>> -> memref<104x128xf32, #tpu.memory_space<hbm>>
    %dma_start3A_457 = arith.constant 0 : i32
    %dma_start3A_458 = tpu.memref_slice %arg5[%dma_start3A_453, %add3A_452, %dma_start3A_457] : memref<19x10000x128xf32, #tpu.memory_space<hbm>> -> memref<1x104x128xf32, #tpu.memory_space<hbm>>
    %dma_start3A_459 = tpu.memref_squeeze %dma_start3A_458 : memref<1x104x128xf32, #tpu.memory_space<hbm>> -> memref<104x128xf32, #tpu.memory_space<hbm>>
    tpu.enqueue_dma source(%arg13 : memref<104x128xf32, #tpu.memory_space<vmem>>) target(%dma_start3A_459 : memref<104x128xf32, #tpu.memory_space<hbm>>) target_semaphore(%arg24 : memref<!tpu.dma_semaphore, #tpu.memory_space<semaphore_mem>>)
    %add3A_460 = arith.constant 0 : i32
    %add3A_461 = arith.addi %mul3A_27, %add3A_460 : i32
    %dma_wait3A_462 = arith.constant 11 : i32
    %dma_wait3A_463 = arith.constant 0 : i32
    %dma_wait3A_464 = tpu.memref_slice %arg5[%dma_wait3A_462, %add3A_461, %dma_wait3A_463] : memref<19x10000x128xf32, #tpu.memory_space<hbm>> -> memref<1x104x128xf32, #tpu.memory_space<hbm>>
    %dma_wait3A_465 = tpu.memref_squeeze %dma_wait3A_464 : memref<1x104x128xf32, #tpu.memory_space<hbm>> -> memref<104x128xf32, #tpu.memory_space<hbm>>
    %dma_wait3A_466 = arith.constant 0 : i32
    %dma_wait3A_467 = tpu.memref_slice %arg5[%dma_wait3A_462, %add3A_461, %dma_wait3A_466] : memref<19x10000x128xf32, #tpu.memory_space<hbm>> -> memref<1x104x128xf32, #tpu.memory_space<hbm>>
    %dma_wait3A_468 = tpu.memref_squeeze %dma_wait3A_467 : memref<1x104x128xf32, #tpu.memory_space<hbm>> -> memref<104x128xf32, #tpu.memory_space<hbm>>
    tpu.wait_dma2 semaphore(%arg26 : memref<!tpu.dma_semaphore, #tpu.memory_space<semaphore_mem>>) src(%arg15 : memref<104x128xf32, #tpu.memory_space<vmem>>) dst(%dma_wait3A_468 : memref<104x128xf32, #tpu.memory_space<hbm>>)
    %dma_start3A_469 = arith.constant 14 : i32
    %dma_start3A_470 = arith.constant 0 : i32
    %dma_start3A_471 = arith.constant 0 : i32
    %dma_start3A_472 = tpu.memref_slice %arg6[%dma_start3A_469, %dma_start3A_470, %dma_start3A_471] : memref<19x96x128xf32, #tpu.memory_space<vmem_shared>> -> memref<1x96x128xf32, #tpu.memory_space<vmem_shared>>
    %dma_start3A_473 = tpu.memref_squeeze %dma_start3A_472 : memref<1x96x128xf32, #tpu.memory_space<vmem_shared>> -> memref<96x128xf32, #tpu.memory_space<vmem_shared>>
    %dma_start3A_474 = arith.constant 0 : i32
    %dma_start3A_475 = arith.constant 0 : i32
    %dma_start3A_476 = tpu.memref_slice %dma_start3A_473[%dma_start3A_474, %dma_start3A_475] : memref<96x128xf32, #tpu.memory_space<vmem_shared>> -> memref<96x128xf32, #tpu.memory_space<vmem_shared>>
    tpu.enqueue_indirect_dma source(%dma_start3A_476 : memref<96x128xf32, #tpu.memory_space<vmem_shared>>) target(%arg15 : memref<104x128xf32, #tpu.memory_space<vmem>>) offsets(%arg11 : memref<104xi32, #tpu.memory_space<vmem>>) semaphore(%arg23 : memref<!tpu.dma_semaphore, #tpu.memory_space<semaphore_mem>>)
    %dma_wait3A_477 = arith.constant 13 : i32
    %dma_wait3A_478 = arith.constant 0 : i32
    %dma_wait3A_479 = arith.constant 0 : i32
    %dma_wait3A_480 = tpu.memref_slice %arg6[%dma_wait3A_477, %dma_wait3A_478, %dma_wait3A_479] : memref<19x96x128xf32, #tpu.memory_space<vmem_shared>> -> memref<1x96x128xf32, #tpu.memory_space<vmem_shared>>
    %dma_wait3A_481 = tpu.memref_squeeze %dma_wait3A_480 : memref<1x96x128xf32, #tpu.memory_space<vmem_shared>> -> memref<96x128xf32, #tpu.memory_space<vmem_shared>>
    %dma_wait3A_482 = arith.constant 0 : i32
    %dma_wait3A_483 = arith.constant 0 : i32
    %dma_wait3A_484 = tpu.memref_slice %dma_wait3A_481[%dma_wait3A_482, %dma_wait3A_483] : memref<96x128xf32, #tpu.memory_space<vmem_shared>> -> memref<96x128xf32, #tpu.memory_space<vmem_shared>>
    tpu.wait_indirect_dma semaphore(%arg22 : memref<!tpu.dma_semaphore, #tpu.memory_space<semaphore_mem>>) src(%dma_wait3A_484 : memref<96x128xf32, #tpu.memory_space<vmem_shared>>) dst(%arg14 : memref<104x128xf32, #tpu.memory_space<vmem>>)
    %add3A_485 = arith.constant 0 : i32
    %add3A_486 = arith.addi %mul3A_27, %add3A_485 : i32
    %dma_start3A_487 = arith.constant 13 : i32
    %dma_start3A_488 = arith.constant 0 : i32
    %dma_start3A_489 = tpu.memref_slice %arg5[%dma_start3A_487, %add3A_486, %dma_start3A_488] : memref<19x10000x128xf32, #tpu.memory_space<hbm>> -> memref<1x104x128xf32, #tpu.memory_space<hbm>>
    %dma_start3A_490 = tpu.memref_squeeze %dma_start3A_489 : memref<1x104x128xf32, #tpu.memory_space<hbm>> -> memref<104x128xf32, #tpu.memory_space<hbm>>
    %dma_start3A_491 = arith.constant 0 : i32
    %dma_start3A_492 = tpu.memref_slice %arg5[%dma_start3A_487, %add3A_486, %dma_start3A_491] : memref<19x10000x128xf32, #tpu.memory_space<hbm>> -> memref<1x104x128xf32, #tpu.memory_space<hbm>>
    %dma_start3A_493 = tpu.memref_squeeze %dma_start3A_492 : memref<1x104x128xf32, #tpu.memory_space<hbm>> -> memref<104x128xf32, #tpu.memory_space<hbm>>
    tpu.enqueue_dma source(%arg14 : memref<104x128xf32, #tpu.memory_space<vmem>>) target(%dma_start3A_493 : memref<104x128xf32, #tpu.memory_space<hbm>>) target_semaphore(%arg25 : memref<!tpu.dma_semaphore, #tpu.memory_space<semaphore_mem>>)
    %add3A_494 = arith.constant 0 : i32
    %add3A_495 = arith.addi %mul3A_27, %add3A_494 : i32
    %dma_wait3A_496 = arith.constant 12 : i32
    %dma_wait3A_497 = arith.constant 0 : i32
    %dma_wait3A_498 = tpu.memref_slice %arg5[%dma_wait3A_496, %add3A_495, %dma_wait3A_497] : memref<19x10000x128xf32, #tpu.memory_space<hbm>> -> memref<1x104x128xf32, #tpu.memory_space<hbm>>
    %dma_wait3A_499 = tpu.memref_squeeze %dma_wait3A_498 : memref<1x104x128xf32, #tpu.memory_space<hbm>> -> memref<104x128xf32, #tpu.memory_space<hbm>>
    %dma_wait3A_500 = arith.constant 0 : i32
    %dma_wait3A_501 = tpu.memref_slice %arg5[%dma_wait3A_496, %add3A_495, %dma_wait3A_500] : memref<19x10000x128xf32, #tpu.memory_space<hbm>> -> memref<1x104x128xf32, #tpu.memory_space<hbm>>
    %dma_wait3A_502 = tpu.memref_squeeze %dma_wait3A_501 : memref<1x104x128xf32, #tpu.memory_space<hbm>> -> memref<104x128xf32, #tpu.memory_space<hbm>>
    tpu.wait_dma2 semaphore(%arg24 : memref<!tpu.dma_semaphore, #tpu.memory_space<semaphore_mem>>) src(%arg13 : memref<104x128xf32, #tpu.memory_space<vmem>>) dst(%dma_wait3A_502 : memref<104x128xf32, #tpu.memory_space<hbm>>)
    %dma_start3A_503 = arith.constant 15 : i32
    %dma_start3A_504 = arith.constant 0 : i32
    %dma_start3A_505 = arith.constant 0 : i32
    %dma_start3A_506 = tpu.memref_slice %arg6[%dma_start3A_503, %dma_start3A_504, %dma_start3A_505] : memref<19x96x128xf32, #tpu.memory_space<vmem_shared>> -> memref<1x96x128xf32, #tpu.memory_space<vmem_shared>>
    %dma_start3A_507 = tpu.memref_squeeze %dma_start3A_506 : memref<1x96x128xf32, #tpu.memory_space<vmem_shared>> -> memref<96x128xf32, #tpu.memory_space<vmem_shared>>
    %dma_start3A_508 = arith.constant 0 : i32
    %dma_start3A_509 = arith.constant 0 : i32
    %dma_start3A_510 = tpu.memref_slice %dma_start3A_507[%dma_start3A_508, %dma_start3A_509] : memref<96x128xf32, #tpu.memory_space<vmem_shared>> -> memref<96x128xf32, #tpu.memory_space<vmem_shared>>
    tpu.enqueue_indirect_dma source(%dma_start3A_510 : memref<96x128xf32, #tpu.memory_space<vmem_shared>>) target(%arg13 : memref<104x128xf32, #tpu.memory_space<vmem>>) offsets(%arg11 : memref<104xi32, #tpu.memory_space<vmem>>) semaphore(%arg21 : memref<!tpu.dma_semaphore, #tpu.memory_space<semaphore_mem>>)
    %dma_wait3A_511 = arith.constant 14 : i32
    %dma_wait3A_512 = arith.constant 0 : i32
    %dma_wait3A_513 = arith.constant 0 : i32
    %dma_wait3A_514 = tpu.memref_slice %arg6[%dma_wait3A_511, %dma_wait3A_512, %dma_wait3A_513] : memref<19x96x128xf32, #tpu.memory_space<vmem_shared>> -> memref<1x96x128xf32, #tpu.memory_space<vmem_shared>>
    %dma_wait3A_515 = tpu.memref_squeeze %dma_wait3A_514 : memref<1x96x128xf32, #tpu.memory_space<vmem_shared>> -> memref<96x128xf32, #tpu.memory_space<vmem_shared>>
    %dma_wait3A_516 = arith.constant 0 : i32
    %dma_wait3A_517 = arith.constant 0 : i32
    %dma_wait3A_518 = tpu.memref_slice %dma_wait3A_515[%dma_wait3A_516, %dma_wait3A_517] : memref<96x128xf32, #tpu.memory_space<vmem_shared>> -> memref<96x128xf32, #tpu.memory_space<vmem_shared>>
    tpu.wait_indirect_dma semaphore(%arg23 : memref<!tpu.dma_semaphore, #tpu.memory_space<semaphore_mem>>) src(%dma_wait3A_518 : memref<96x128xf32, #tpu.memory_space<vmem_shared>>) dst(%arg15 : memref<104x128xf32, #tpu.memory_space<vmem>>)
    %add3A_519 = arith.constant 0 : i32
    %add3A_520 = arith.addi %mul3A_27, %add3A_519 : i32
    %dma_start3A_521 = arith.constant 14 : i32
    %dma_start3A_522 = arith.constant 0 : i32
    %dma_start3A_523 = tpu.memref_slice %arg5[%dma_start3A_521, %add3A_520, %dma_start3A_522] : memref<19x10000x128xf32, #tpu.memory_space<hbm>> -> memref<1x104x128xf32, #tpu.memory_space<hbm>>
    %dma_start3A_524 = tpu.memref_squeeze %dma_start3A_523 : memref<1x104x128xf32, #tpu.memory_space<hbm>> -> memref<104x128xf32, #tpu.memory_space<hbm>>
    %dma_start3A_525 = arith.constant 0 : i32
    %dma_start3A_526 = tpu.memref_slice %arg5[%dma_start3A_521, %add3A_520, %dma_start3A_525] : memref<19x10000x128xf32, #tpu.memory_space<hbm>> -> memref<1x104x128xf32, #tpu.memory_space<hbm>>
    %dma_start3A_527 = tpu.memref_squeeze %dma_start3A_526 : memref<1x104x128xf32, #tpu.memory_space<hbm>> -> memref<104x128xf32, #tpu.memory_space<hbm>>
    tpu.enqueue_dma source(%arg15 : memref<104x128xf32, #tpu.memory_space<vmem>>) target(%dma_start3A_527 : memref<104x128xf32, #tpu.memory_space<hbm>>) target_semaphore(%arg26 : memref<!tpu.dma_semaphore, #tpu.memory_space<semaphore_mem>>)
    %add3A_528 = arith.constant 0 : i32
    %add3A_529 = arith.addi %mul3A_27, %add3A_528 : i32
    %dma_wait3A_530 = arith.constant 13 : i32
    %dma_wait3A_531 = arith.constant 0 : i32
    %dma_wait3A_532 = tpu.memref_slice %arg5[%dma_wait3A_530, %add3A_529, %dma_wait3A_531] : memref<19x10000x128xf32, #tpu.memory_space<hbm>> -> memref<1x104x128xf32, #tpu.memory_space<hbm>>
    %dma_wait3A_533 = tpu.memref_squeeze %dma_wait3A_532 : memref<1x104x128xf32, #tpu.memory_space<hbm>> -> memref<104x128xf32, #tpu.memory_space<hbm>>
    %dma_wait3A_534 = arith.constant 0 : i32
    %dma_wait3A_535 = tpu.memref_slice %arg5[%dma_wait3A_530, %add3A_529, %dma_wait3A_534] : memref<19x10000x128xf32, #tpu.memory_space<hbm>> -> memref<1x104x128xf32, #tpu.memory_space<hbm>>
    %dma_wait3A_536 = tpu.memref_squeeze %dma_wait3A_535 : memref<1x104x128xf32, #tpu.memory_space<hbm>> -> memref<104x128xf32, #tpu.memory_space<hbm>>
    tpu.wait_dma2 semaphore(%arg25 : memref<!tpu.dma_semaphore, #tpu.memory_space<semaphore_mem>>) src(%arg14 : memref<104x128xf32, #tpu.memory_space<vmem>>) dst(%dma_wait3A_536 : memref<104x128xf32, #tpu.memory_space<hbm>>)
    %dma_start3A_537 = arith.constant 16 : i32
    %dma_start3A_538 = arith.constant 0 : i32
    %dma_start3A_539 = arith.constant 0 : i32
    %dma_start3A_540 = tpu.memref_slice %arg6[%dma_start3A_537, %dma_start3A_538, %dma_start3A_539] : memref<19x96x128xf32, #tpu.memory_space<vmem_shared>> -> memref<1x96x128xf32, #tpu.memory_space<vmem_shared>>
    %dma_start3A_541 = tpu.memref_squeeze %dma_start3A_540 : memref<1x96x128xf32, #tpu.memory_space<vmem_shared>> -> memref<96x128xf32, #tpu.memory_space<vmem_shared>>
    %dma_start3A_542 = arith.constant 0 : i32
    %dma_start3A_543 = arith.constant 0 : i32
    %dma_start3A_544 = tpu.memref_slice %dma_start3A_541[%dma_start3A_542, %dma_start3A_543] : memref<96x128xf32, #tpu.memory_space<vmem_shared>> -> memref<96x128xf32, #tpu.memory_space<vmem_shared>>
    tpu.enqueue_indirect_dma source(%dma_start3A_544 : memref<96x128xf32, #tpu.memory_space<vmem_shared>>) target(%arg14 : memref<104x128xf32, #tpu.memory_space<vmem>>) offsets(%arg11 : memref<104xi32, #tpu.memory_space<vmem>>) semaphore(%arg22 : memref<!tpu.dma_semaphore, #tpu.memory_space<semaphore_mem>>)
    %dma_wait3A_545 = arith.constant 15 : i32
    %dma_wait3A_546 = arith.constant 0 : i32
    %dma_wait3A_547 = arith.constant 0 : i32
    %dma_wait3A_548 = tpu.memref_slice %arg6[%dma_wait3A_545, %dma_wait3A_546, %dma_wait3A_547] : memref<19x96x128xf32, #tpu.memory_space<vmem_shared>> -> memref<1x96x128xf32, #tpu.memory_space<vmem_shared>>
    %dma_wait3A_549 = tpu.memref_squeeze %dma_wait3A_548 : memref<1x96x128xf32, #tpu.memory_space<vmem_shared>> -> memref<96x128xf32, #tpu.memory_space<vmem_shared>>
    %dma_wait3A_550 = arith.constant 0 : i32
    %dma_wait3A_551 = arith.constant 0 : i32
    %dma_wait3A_552 = tpu.memref_slice %dma_wait3A_549[%dma_wait3A_550, %dma_wait3A_551] : memref<96x128xf32, #tpu.memory_space<vmem_shared>> -> memref<96x128xf32, #tpu.memory_space<vmem_shared>>
    tpu.wait_indirect_dma semaphore(%arg21 : memref<!tpu.dma_semaphore, #tpu.memory_space<semaphore_mem>>) src(%dma_wait3A_552 : memref<96x128xf32, #tpu.memory_space<vmem_shared>>) dst(%arg13 : memref<104x128xf32, #tpu.memory_space<vmem>>)
    %add3A_553 = arith.constant 0 : i32
    %add3A_554 = arith.addi %mul3A_27, %add3A_553 : i32
    %dma_start3A_555 = arith.constant 15 : i32
    %dma_start3A_556 = arith.constant 0 : i32
    %dma_start3A_557 = tpu.memref_slice %arg5[%dma_start3A_555, %add3A_554, %dma_start3A_556] : memref<19x10000x128xf32, #tpu.memory_space<hbm>> -> memref<1x104x128xf32, #tpu.memory_space<hbm>>
    %dma_start3A_558 = tpu.memref_squeeze %dma_start3A_557 : memref<1x104x128xf32, #tpu.memory_space<hbm>> -> memref<104x128xf32, #tpu.memory_space<hbm>>
    %dma_start3A_559 = arith.constant 0 : i32
    %dma_start3A_560 = tpu.memref_slice %arg5[%dma_start3A_555, %add3A_554, %dma_start3A_559] : memref<19x10000x128xf32, #tpu.memory_space<hbm>> -> memref<1x104x128xf32, #tpu.memory_space<hbm>>
    %dma_start3A_561 = tpu.memref_squeeze %dma_start3A_560 : memref<1x104x128xf32, #tpu.memory_space<hbm>> -> memref<104x128xf32, #tpu.memory_space<hbm>>
    tpu.enqueue_dma source(%arg13 : memref<104x128xf32, #tpu.memory_space<vmem>>) target(%dma_start3A_561 : memref<104x128xf32, #tpu.memory_space<hbm>>) target_semaphore(%arg24 : memref<!tpu.dma_semaphore, #tpu.memory_space<semaphore_mem>>)
    %add3A_562 = arith.constant 0 : i32
    %add3A_563 = arith.addi %mul3A_27, %add3A_562 : i32
    %dma_wait3A_564 = arith.constant 14 : i32
    %dma_wait3A_565 = arith.constant 0 : i32
    %dma_wait3A_566 = tpu.memref_slice %arg5[%dma_wait3A_564, %add3A_563, %dma_wait3A_565] : memref<19x10000x128xf32, #tpu.memory_space<hbm>> -> memref<1x104x128xf32, #tpu.memory_space<hbm>>
    %dma_wait3A_567 = tpu.memref_squeeze %dma_wait3A_566 : memref<1x104x128xf32, #tpu.memory_space<hbm>> -> memref<104x128xf32, #tpu.memory_space<hbm>>
    %dma_wait3A_568 = arith.constant 0 : i32
    %dma_wait3A_569 = tpu.memref_slice %arg5[%dma_wait3A_564, %add3A_563, %dma_wait3A_568] : memref<19x10000x128xf32, #tpu.memory_space<hbm>> -> memref<1x104x128xf32, #tpu.memory_space<hbm>>
    %dma_wait3A_570 = tpu.memref_squeeze %dma_wait3A_569 : memref<1x104x128xf32, #tpu.memory_space<hbm>> -> memref<104x128xf32, #tpu.memory_space<hbm>>
    tpu.wait_dma2 semaphore(%arg26 : memref<!tpu.dma_semaphore, #tpu.memory_space<semaphore_mem>>) src(%arg15 : memref<104x128xf32, #tpu.memory_space<vmem>>) dst(%dma_wait3A_570 : memref<104x128xf32, #tpu.memory_space<hbm>>)
    %dma_start3A_571 = arith.constant 17 : i32
    %dma_start3A_572 = arith.constant 0 : i32
    %dma_start3A_573 = arith.constant 0 : i32
    %dma_start3A_574 = tpu.memref_slice %arg6[%dma_start3A_571, %dma_start3A_572, %dma_start3A_573] : memref<19x96x128xf32, #tpu.memory_space<vmem_shared>> -> memref<1x96x128xf32, #tpu.memory_space<vmem_shared>>
    %dma_start3A_575 = tpu.memref_squeeze %dma_start3A_574 : memref<1x96x128xf32, #tpu.memory_space<vmem_shared>> -> memref<96x128xf32, #tpu.memory_space<vmem_shared>>
    %dma_start3A_576 = arith.constant 0 : i32
    %dma_start3A_577 = arith.constant 0 : i32
    %dma_start3A_578 = tpu.memref_slice %dma_start3A_575[%dma_start3A_576, %dma_start3A_577] : memref<96x128xf32, #tpu.memory_space<vmem_shared>> -> memref<96x128xf32, #tpu.memory_space<vmem_shared>>
    tpu.enqueue_indirect_dma source(%dma_start3A_578 : memref<96x128xf32, #tpu.memory_space<vmem_shared>>) target(%arg15 : memref<104x128xf32, #tpu.memory_space<vmem>>) offsets(%arg11 : memref<104xi32, #tpu.memory_space<vmem>>) semaphore(%arg23 : memref<!tpu.dma_semaphore, #tpu.memory_space<semaphore_mem>>)
    %dma_wait3A_579 = arith.constant 16 : i32
    %dma_wait3A_580 = arith.constant 0 : i32
    %dma_wait3A_581 = arith.constant 0 : i32
    %dma_wait3A_582 = tpu.memref_slice %arg6[%dma_wait3A_579, %dma_wait3A_580, %dma_wait3A_581] : memref<19x96x128xf32, #tpu.memory_space<vmem_shared>> -> memref<1x96x128xf32, #tpu.memory_space<vmem_shared>>
    %dma_wait3A_583 = tpu.memref_squeeze %dma_wait3A_582 : memref<1x96x128xf32, #tpu.memory_space<vmem_shared>> -> memref<96x128xf32, #tpu.memory_space<vmem_shared>>
    %dma_wait3A_584 = arith.constant 0 : i32
    %dma_wait3A_585 = arith.constant 0 : i32
    %dma_wait3A_586 = tpu.memref_slice %dma_wait3A_583[%dma_wait3A_584, %dma_wait3A_585] : memref<96x128xf32, #tpu.memory_space<vmem_shared>> -> memref<96x128xf32, #tpu.memory_space<vmem_shared>>
    tpu.wait_indirect_dma semaphore(%arg22 : memref<!tpu.dma_semaphore, #tpu.memory_space<semaphore_mem>>) src(%dma_wait3A_586 : memref<96x128xf32, #tpu.memory_space<vmem_shared>>) dst(%arg14 : memref<104x128xf32, #tpu.memory_space<vmem>>)
    %add3A_587 = arith.constant 0 : i32
    %add3A_588 = arith.addi %mul3A_27, %add3A_587 : i32
    %dma_start3A_589 = arith.constant 16 : i32
    %dma_start3A_590 = arith.constant 0 : i32
    %dma_start3A_591 = tpu.memref_slice %arg5[%dma_start3A_589, %add3A_588, %dma_start3A_590] : memref<19x10000x128xf32, #tpu.memory_space<hbm>> -> memref<1x104x128xf32, #tpu.memory_space<hbm>>
    %dma_start3A_592 = tpu.memref_squeeze %dma_start3A_591 : memref<1x104x128xf32, #tpu.memory_space<hbm>> -> memref<104x128xf32, #tpu.memory_space<hbm>>
    %dma_start3A_593 = arith.constant 0 : i32
    %dma_start3A_594 = tpu.memref_slice %arg5[%dma_start3A_589, %add3A_588, %dma_start3A_593] : memref<19x10000x128xf32, #tpu.memory_space<hbm>> -> memref<1x104x128xf32, #tpu.memory_space<hbm>>
    %dma_start3A_595 = tpu.memref_squeeze %dma_start3A_594 : memref<1x104x128xf32, #tpu.memory_space<hbm>> -> memref<104x128xf32, #tpu.memory_space<hbm>>
    tpu.enqueue_dma source(%arg14 : memref<104x128xf32, #tpu.memory_space<vmem>>) target(%dma_start3A_595 : memref<104x128xf32, #tpu.memory_space<hbm>>) target_semaphore(%arg25 : memref<!tpu.dma_semaphore, #tpu.memory_space<semaphore_mem>>)
    %add3A_596 = arith.constant 0 : i32
    %add3A_597 = arith.addi %mul3A_27, %add3A_596 : i32
    %dma_wait3A_598 = arith.constant 15 : i32
    %dma_wait3A_599 = arith.constant 0 : i32
    %dma_wait3A_600 = tpu.memref_slice %arg5[%dma_wait3A_598, %add3A_597, %dma_wait3A_599] : memref<19x10000x128xf32, #tpu.memory_space<hbm>> -> memref<1x104x128xf32, #tpu.memory_space<hbm>>
    %dma_wait3A_601 = tpu.memref_squeeze %dma_wait3A_600 : memref<1x104x128xf32, #tpu.memory_space<hbm>> -> memref<104x128xf32, #tpu.memory_space<hbm>>
    %dma_wait3A_602 = arith.constant 0 : i32
    %dma_wait3A_603 = tpu.memref_slice %arg5[%dma_wait3A_598, %add3A_597, %dma_wait3A_602] : memref<19x10000x128xf32, #tpu.memory_space<hbm>> -> memref<1x104x128xf32, #tpu.memory_space<hbm>>
    %dma_wait3A_604 = tpu.memref_squeeze %dma_wait3A_603 : memref<1x104x128xf32, #tpu.memory_space<hbm>> -> memref<104x128xf32, #tpu.memory_space<hbm>>
    tpu.wait_dma2 semaphore(%arg24 : memref<!tpu.dma_semaphore, #tpu.memory_space<semaphore_mem>>) src(%arg13 : memref<104x128xf32, #tpu.memory_space<vmem>>) dst(%dma_wait3A_604 : memref<104x128xf32, #tpu.memory_space<hbm>>)
    %dma_start3A_605 = arith.constant 18 : i32
    %dma_start3A_606 = arith.constant 0 : i32
    %dma_start3A_607 = arith.constant 0 : i32
    %dma_start3A_608 = tpu.memref_slice %arg6[%dma_start3A_605, %dma_start3A_606, %dma_start3A_607] : memref<19x96x128xf32, #tpu.memory_space<vmem_shared>> -> memref<1x96x128xf32, #tpu.memory_space<vmem_shared>>
    %dma_start3A_609 = tpu.memref_squeeze %dma_start3A_608 : memref<1x96x128xf32, #tpu.memory_space<vmem_shared>> -> memref<96x128xf32, #tpu.memory_space<vmem_shared>>
    %dma_start3A_610 = arith.constant 0 : i32
    %dma_start3A_611 = arith.constant 0 : i32
    %dma_start3A_612 = tpu.memref_slice %dma_start3A_609[%dma_start3A_610, %dma_start3A_611] : memref<96x128xf32, #tpu.memory_space<vmem_shared>> -> memref<96x128xf32, #tpu.memory_space<vmem_shared>>
    tpu.enqueue_indirect_dma source(%dma_start3A_612 : memref<96x128xf32, #tpu.memory_space<vmem_shared>>) target(%arg13 : memref<104x128xf32, #tpu.memory_space<vmem>>) offsets(%arg11 : memref<104xi32, #tpu.memory_space<vmem>>) semaphore(%arg21 : memref<!tpu.dma_semaphore, #tpu.memory_space<semaphore_mem>>)
    %dma_wait3A_613 = arith.constant 17 : i32
    %dma_wait3A_614 = arith.constant 0 : i32
    %dma_wait3A_615 = arith.constant 0 : i32
    %dma_wait3A_616 = tpu.memref_slice %arg6[%dma_wait3A_613, %dma_wait3A_614, %dma_wait3A_615] : memref<19x96x128xf32, #tpu.memory_space<vmem_shared>> -> memref<1x96x128xf32, #tpu.memory_space<vmem_shared>>
    %dma_wait3A_617 = tpu.memref_squeeze %dma_wait3A_616 : memref<1x96x128xf32, #tpu.memory_space<vmem_shared>> -> memref<96x128xf32, #tpu.memory_space<vmem_shared>>
    %dma_wait3A_618 = arith.constant 0 : i32
    %dma_wait3A_619 = arith.constant 0 : i32
    %dma_wait3A_620 = tpu.memref_slice %dma_wait3A_617[%dma_wait3A_618, %dma_wait3A_619] : memref<96x128xf32, #tpu.memory_space<vmem_shared>> -> memref<96x128xf32, #tpu.memory_space<vmem_shared>>
    tpu.wait_indirect_dma semaphore(%arg23 : memref<!tpu.dma_semaphore, #tpu.memory_space<semaphore_mem>>) src(%dma_wait3A_620 : memref<96x128xf32, #tpu.memory_space<vmem_shared>>) dst(%arg15 : memref<104x128xf32, #tpu.memory_space<vmem>>)
    %add3A_621 = arith.constant 0 : i32
    %add3A_622 = arith.addi %mul3A_27, %add3A_621 : i32
    %dma_start3A_623 = arith.constant 17 : i32
    %dma_start3A_624 = arith.constant 0 : i32
    %dma_start3A_625 = tpu.memref_slice %arg5[%dma_start3A_623, %add3A_622, %dma_start3A_624] : memref<19x10000x128xf32, #tpu.memory_space<hbm>> -> memref<1x104x128xf32, #tpu.memory_space<hbm>>
    %dma_start3A_626 = tpu.memref_squeeze %dma_start3A_625 : memref<1x104x128xf32, #tpu.memory_space<hbm>> -> memref<104x128xf32, #tpu.memory_space<hbm>>
    %dma_start3A_627 = arith.constant 0 : i32
    %dma_start3A_628 = tpu.memref_slice %arg5[%dma_start3A_623, %add3A_622, %dma_start3A_627] : memref<19x10000x128xf32, #tpu.memory_space<hbm>> -> memref<1x104x128xf32, #tpu.memory_space<hbm>>
    %dma_start3A_629 = tpu.memref_squeeze %dma_start3A_628 : memref<1x104x128xf32, #tpu.memory_space<hbm>> -> memref<104x128xf32, #tpu.memory_space<hbm>>
    tpu.enqueue_dma source(%arg15 : memref<104x128xf32, #tpu.memory_space<vmem>>) target(%dma_start3A_629 : memref<104x128xf32, #tpu.memory_space<hbm>>) target_semaphore(%arg26 : memref<!tpu.dma_semaphore, #tpu.memory_space<semaphore_mem>>)
    %add3A_630 = arith.constant 104 : i32
    %add3A_631 = arith.addi %mul3A_27, %add3A_630 : i32
    "tpu.region"() ({
      %run_scoped3A = tpu.sem_alloc : memref<!tpu.dma_semaphore, #tpu.memory_space<semaphore_mem>>
      %dma_start3A_1968 = tpu.memref_slice %arg2[%add3A_631] : memref<10000xi32, #tpu.memory_space<hbm>> -> memref<104xi32, #tpu.memory_space<hbm>>
      %dma_start3A_1969 = tpu.memref_slice %arg2[%add3A_631] : memref<10000xi32, #tpu.memory_space<hbm>> -> memref<104xi32, #tpu.memory_space<hbm>>
      tpu.enqueue_dma source(%dma_start3A_1969 : memref<104xi32, #tpu.memory_space<hbm>>) target(%arg12 : memref<104xi32, #tpu.memory_space<vmem>>) target_semaphore(%run_scoped3A : memref<!tpu.dma_semaphore, #tpu.memory_space<semaphore_mem>>)
      %dma_wait3A_1970 = tpu.memref_slice %arg2[%add3A_631] : memref<10000xi32, #tpu.memory_space<hbm>> -> memref<104xi32, #tpu.memory_space<hbm>>
      %dma_wait3A_1971 = tpu.memref_slice %arg2[%add3A_631] : memref<10000xi32, #tpu.memory_space<hbm>> -> memref<104xi32, #tpu.memory_space<hbm>>
      tpu.wait_dma2 semaphore(%run_scoped3A : memref<!tpu.dma_semaphore, #tpu.memory_space<semaphore_mem>>) src(%dma_wait3A_1971 : memref<104xi32, #tpu.memory_space<hbm>>) dst(%arg12 : memref<104xi32, #tpu.memory_space<vmem>>)
      tpu.yield
    }) : () -> ()
    %add3A_632 = arith.constant 0 : i32
    %add3A_633 = arith.addi %mul3A_27, %add3A_632 : i32
    %dma_wait3A_634 = arith.constant 16 : i32
    %dma_wait3A_635 = arith.constant 0 : i32
    %dma_wait3A_636 = tpu.memref_slice %arg5[%dma_wait3A_634, %add3A_633, %dma_wait3A_635] : memref<19x10000x128xf32, #tpu.memory_space<hbm>> -> memref<1x104x128xf32, #tpu.memory_space<hbm>>
    %dma_wait3A_637 = tpu.memref_squeeze %dma_wait3A_636 : memref<1x104x128xf32, #tpu.memory_space<hbm>> -> memref<104x128xf32, #tpu.memory_space<hbm>>
    %dma_wait3A_638 = arith.constant 0 : i32
    %dma_wait3A_639 = tpu.memref_slice %arg5[%dma_wait3A_634, %add3A_633, %dma_wait3A_638] : memref<19x10000x128xf32, #tpu.memory_space<hbm>> -> memref<1x104x128xf32, #tpu.memory_space<hbm>>
    %dma_wait3A_640 = tpu.memref_squeeze %dma_wait3A_639 : memref<1x104x128xf32, #tpu.memory_space<hbm>> -> memref<104x128xf32, #tpu.memory_space<hbm>>
    tpu.wait_dma2 semaphore(%arg25 : memref<!tpu.dma_semaphore, #tpu.memory_space<semaphore_mem>>) src(%arg14 : memref<104x128xf32, #tpu.memory_space<vmem>>) dst(%dma_wait3A_640 : memref<104x128xf32, #tpu.memory_space<hbm>>)
    %dma_start3A_641 = arith.constant 0 : i32
    %dma_start3A_642 = arith.constant 0 : i32
    %dma_start3A_643 = arith.constant 0 : i32
    %dma_start3A_644 = tpu.memref_slice %arg6[%dma_start3A_641, %dma_start3A_642, %dma_start3A_643] : memref<19x96x128xf32, #tpu.memory_space<vmem_shared>> -> memref<1x96x128xf32, #tpu.memory_space<vmem_shared>>
    %dma_start3A_645 = tpu.memref_squeeze %dma_start3A_644 : memref<1x96x128xf32, #tpu.memory_space<vmem_shared>> -> memref<96x128xf32, #tpu.memory_space<vmem_shared>>
    %dma_start3A_646 = arith.constant 0 : i32
    %dma_start3A_647 = arith.constant 0 : i32
    %dma_start3A_648 = tpu.memref_slice %dma_start3A_645[%dma_start3A_646, %dma_start3A_647] : memref<96x128xf32, #tpu.memory_space<vmem_shared>> -> memref<96x128xf32, #tpu.memory_space<vmem_shared>>
    tpu.enqueue_indirect_dma source(%dma_start3A_648 : memref<96x128xf32, #tpu.memory_space<vmem_shared>>) target(%arg14 : memref<104x128xf32, #tpu.memory_space<vmem>>) offsets(%arg12 : memref<104xi32, #tpu.memory_space<vmem>>) semaphore(%arg22 : memref<!tpu.dma_semaphore, #tpu.memory_space<semaphore_mem>>)
    %dma_wait3A_649 = arith.constant 18 : i32
    %dma_wait3A_650 = arith.constant 0 : i32
    %dma_wait3A_651 = arith.constant 0 : i32
    %dma_wait3A_652 = tpu.memref_slice %arg6[%dma_wait3A_649, %dma_wait3A_650, %dma_wait3A_651] : memref<19x96x128xf32, #tpu.memory_space<vmem_shared>> -> memref<1x96x128xf32, #tpu.memory_space<vmem_shared>>
    %dma_wait3A_653 = tpu.memref_squeeze %dma_wait3A_652 : memref<1x96x128xf32, #tpu.memory_space<vmem_shared>> -> memref<96x128xf32, #tpu.memory_space<vmem_shared>>
    %dma_wait3A_654 = arith.constant 0 : i32
    %dma_wait3A_655 = arith.constant 0 : i32
    %dma_wait3A_656 = tpu.memref_slice %dma_wait3A_653[%dma_wait3A_654, %dma_wait3A_655] : memref<96x128xf32, #tpu.memory_space<vmem_shared>> -> memref<96x128xf32, #tpu.memory_space<vmem_shared>>
    tpu.wait_indirect_dma semaphore(%arg21 : memref<!tpu.dma_semaphore, #tpu.memory_space<semaphore_mem>>) src(%dma_wait3A_656 : memref<96x128xf32, #tpu.memory_space<vmem_shared>>) dst(%arg13 : memref<104x128xf32, #tpu.memory_space<vmem>>)
    %add3A_657 = arith.constant 0 : i32
    %add3A_658 = arith.addi %mul3A_27, %add3A_657 : i32
    %dma_start3A_659 = arith.constant 18 : i32
    %dma_start3A_660 = arith.constant 0 : i32
    %dma_start3A_661 = tpu.memref_slice %arg5[%dma_start3A_659, %add3A_658, %dma_start3A_660] : memref<19x10000x128xf32, #tpu.memory_space<hbm>> -> memref<1x104x128xf32, #tpu.memory_space<hbm>>
    %dma_start3A_662 = tpu.memref_squeeze %dma_start3A_661 : memref<1x104x128xf32, #tpu.memory_space<hbm>> -> memref<104x128xf32, #tpu.memory_space<hbm>>
    %dma_start3A_663 = arith.constant 0 : i32
    %dma_start3A_664 = tpu.memref_slice %arg5[%dma_start3A_659, %add3A_658, %dma_start3A_663] : memref<19x10000x128xf32, #tpu.memory_space<hbm>> -> memref<1x104x128xf32, #tpu.memory_space<hbm>>
    %dma_start3A_665 = tpu.memref_squeeze %dma_start3A_664 : memref<1x104x128xf32, #tpu.memory_space<hbm>> -> memref<104x128xf32, #tpu.memory_space<hbm>>
    tpu.enqueue_dma source(%arg13 : memref<104x128xf32, #tpu.memory_space<vmem>>) target(%dma_start3A_665 : memref<104x128xf32, #tpu.memory_space<hbm>>) target_semaphore(%arg24 : memref<!tpu.dma_semaphore, #tpu.memory_space<semaphore_mem>>)
    %add3A_666 = arith.constant 0 : i32
    %add3A_667 = arith.addi %mul3A_27, %add3A_666 : i32
    %dma_wait3A_668 = arith.constant 17 : i32
    %dma_wait3A_669 = arith.constant 0 : i32
    %dma_wait3A_670 = tpu.memref_slice %arg5[%dma_wait3A_668, %add3A_667, %dma_wait3A_669] : memref<19x10000x128xf32, #tpu.memory_space<hbm>> -> memref<1x104x128xf32, #tpu.memory_space<hbm>>
    %dma_wait3A_671 = tpu.memref_squeeze %dma_wait3A_670 : memref<1x104x128xf32, #tpu.memory_space<hbm>> -> memref<104x128xf32, #tpu.memory_space<hbm>>
    %dma_wait3A_672 = arith.constant 0 : i32
    %dma_wait3A_673 = tpu.memref_slice %arg5[%dma_wait3A_668, %add3A_667, %dma_wait3A_672] : memref<19x10000x128xf32, #tpu.memory_space<hbm>> -> memref<1x104x128xf32, #tpu.memory_space<hbm>>
    %dma_wait3A_674 = tpu.memref_squeeze %dma_wait3A_673 : memref<1x104x128xf32, #tpu.memory_space<hbm>> -> memref<104x128xf32, #tpu.memory_space<hbm>>
    tpu.wait_dma2 semaphore(%arg26 : memref<!tpu.dma_semaphore, #tpu.memory_space<semaphore_mem>>) src(%arg15 : memref<104x128xf32, #tpu.memory_space<vmem>>) dst(%dma_wait3A_674 : memref<104x128xf32, #tpu.memory_space<hbm>>)
    %dma_start3A_675 = arith.constant 1 : i32
    %dma_start3A_676 = arith.constant 0 : i32
    %dma_start3A_677 = arith.constant 0 : i32
    %dma_start3A_678 = tpu.memref_slice %arg6[%dma_start3A_675, %dma_start3A_676, %dma_start3A_677] : memref<19x96x128xf32, #tpu.memory_space<vmem_shared>> -> memref<1x96x128xf32, #tpu.memory_space<vmem_shared>>
    %dma_start3A_679 = tpu.memref_squeeze %dma_start3A_678 : memref<1x96x128xf32, #tpu.memory_space<vmem_shared>> -> memref<96x128xf32, #tpu.memory_space<vmem_shared>>
    %dma_start3A_680 = arith.constant 0 : i32
    %dma_start3A_681 = arith.constant 0 : i32
    %dma_start3A_682 = tpu.memref_slice %dma_start3A_679[%dma_start3A_680, %dma_start3A_681] : memref<96x128xf32, #tpu.memory_space<vmem_shared>> -> memref<96x128xf32, #tpu.memory_space<vmem_shared>>
    tpu.enqueue_indirect_dma source(%dma_start3A_682 : memref<96x128xf32, #tpu.memory_space<vmem_shared>>) target(%arg15 : memref<104x128xf32, #tpu.memory_space<vmem>>) offsets(%arg12 : memref<104xi32, #tpu.memory_space<vmem>>) semaphore(%arg23 : memref<!tpu.dma_semaphore, #tpu.memory_space<semaphore_mem>>)
    %dma_wait3A_683 = arith.constant 0 : i32
    %dma_wait3A_684 = arith.constant 0 : i32
    %dma_wait3A_685 = arith.constant 0 : i32
    %dma_wait3A_686 = tpu.memref_slice %arg6[%dma_wait3A_683, %dma_wait3A_684, %dma_wait3A_685] : memref<19x96x128xf32, #tpu.memory_space<vmem_shared>> -> memref<1x96x128xf32, #tpu.memory_space<vmem_shared>>
    %dma_wait3A_687 = tpu.memref_squeeze %dma_wait3A_686 : memref<1x96x128xf32, #tpu.memory_space<vmem_shared>> -> memref<96x128xf32, #tpu.memory_space<vmem_shared>>
    %dma_wait3A_688 = arith.constant 0 : i32
    %dma_wait3A_689 = arith.constant 0 : i32
    %dma_wait3A_690 = tpu.memref_slice %dma_wait3A_687[%dma_wait3A_688, %dma_wait3A_689] : memref<96x128xf32, #tpu.memory_space<vmem_shared>> -> memref<96x128xf32, #tpu.memory_space<vmem_shared>>
    tpu.wait_indirect_dma semaphore(%arg22 : memref<!tpu.dma_semaphore, #tpu.memory_space<semaphore_mem>>) src(%dma_wait3A_690 : memref<96x128xf32, #tpu.memory_space<vmem_shared>>) dst(%arg14 : memref<104x128xf32, #tpu.memory_space<vmem>>)
    %add3A_691 = arith.constant 104 : i32
    %add3A_692 = arith.addi %mul3A_27, %add3A_691 : i32
    %dma_start3A_693 = arith.constant 0 : i32
    %dma_start3A_694 = arith.constant 0 : i32
    %dma_start3A_695 = tpu.memref_slice %arg5[%dma_start3A_693, %add3A_692, %dma_start3A_694] : memref<19x10000x128xf32, #tpu.memory_space<hbm>> -> memref<1x104x128xf32, #tpu.memory_space<hbm>>
    %dma_start3A_696 = tpu.memref_squeeze %dma_start3A_695 : memref<1x104x128xf32, #tpu.memory_space<hbm>> -> memref<104x128xf32, #tpu.memory_space<hbm>>
    %dma_start3A_697 = arith.constant 0 : i32
    %dma_start3A_698 = tpu.memref_slice %arg5[%dma_start3A_693, %add3A_692, %dma_start3A_697] : memref<19x10000x128xf32, #tpu.memory_space<hbm>> -> memref<1x104x128xf32, #tpu.memory_space<hbm>>
    %dma_start3A_699 = tpu.memref_squeeze %dma_start3A_698 : memref<1x104x128xf32, #tpu.memory_space<hbm>> -> memref<104x128xf32, #tpu.memory_space<hbm>>
    tpu.enqueue_dma source(%arg14 : memref<104x128xf32, #tpu.memory_space<vmem>>) target(%dma_start3A_699 : memref<104x128xf32, #tpu.memory_space<hbm>>) target_semaphore(%arg25 : memref<!tpu.dma_semaphore, #tpu.memory_space<semaphore_mem>>)
    %add3A_700 = arith.constant 0 : i32
    %add3A_701 = arith.addi %mul3A_27, %add3A_700 : i32
    %dma_wait3A_702 = arith.constant 18 : i32
    %dma_wait3A_703 = arith.constant 0 : i32
    %dma_wait3A_704 = tpu.memref_slice %arg5[%dma_wait3A_702, %add3A_701, %dma_wait3A_703] : memref<19x10000x128xf32, #tpu.memory_space<hbm>> -> memref<1x104x128xf32, #tpu.memory_space<hbm>>
    %dma_wait3A_705 = tpu.memref_squeeze %dma_wait3A_704 : memref<1x104x128xf32, #tpu.memory_space<hbm>> -> memref<104x128xf32, #tpu.memory_space<hbm>>
    %dma_wait3A_706 = arith.constant 0 : i32
    %dma_wait3A_707 = tpu.memref_slice %arg5[%dma_wait3A_702, %add3A_701, %dma_wait3A_706] : memref<19x10000x128xf32, #tpu.memory_space<hbm>> -> memref<1x104x128xf32, #tpu.memory_space<hbm>>
    %dma_wait3A_708 = tpu.memref_squeeze %dma_wait3A_707 : memref<1x104x128xf32, #tpu.memory_space<hbm>> -> memref<104x128xf32, #tpu.memory_space<hbm>>
    tpu.wait_dma2 semaphore(%arg24 : memref<!tpu.dma_semaphore, #tpu.memory_space<semaphore_mem>>) src(%arg13 : memref<104x128xf32, #tpu.memory_space<vmem>>) dst(%dma_wait3A_708 : memref<104x128xf32, #tpu.memory_space<hbm>>)
    %dma_start3A_709 = arith.constant 2 : i32
    %dma_start3A_710 = arith.constant 0 : i32
    %dma_start3A_711 = arith.constant 0 : i32
    %dma_start3A_712 = tpu.memref_slice %arg6[%dma_start3A_709, %dma_start3A_710, %dma_start3A_711] : memref<19x96x128xf32, #tpu.memory_space<vmem_shared>> -> memref<1x96x128xf32, #tpu.memory_space<vmem_shared>>
    %dma_start3A_713 = tpu.memref_squeeze %dma_start3A_712 : memref<1x96x128xf32, #tpu.memory_space<vmem_shared>> -> memref<96x128xf32, #tpu.memory_space<vmem_shared>>
    %dma_start3A_714 = arith.constant 0 : i32
    %dma_start3A_715 = arith.constant 0 : i32
    %dma_start3A_716 = tpu.memref_slice %dma_start3A_713[%dma_start3A_714, %dma_start3A_715] : memref<96x128xf32, #tpu.memory_space<vmem_shared>> -> memref<96x128xf32, #tpu.memory_space<vmem_shared>>
    tpu.enqueue_indirect_dma source(%dma_start3A_716 : memref<96x128xf32, #tpu.memory_space<vmem_shared>>) target(%arg13 : memref<104x128xf32, #tpu.memory_space<vmem>>) offsets(%arg12 : memref<104xi32, #tpu.memory_space<vmem>>) semaphore(%arg21 : memref<!tpu.dma_semaphore, #tpu.memory_space<semaphore_mem>>)
    %dma_wait3A_717 = arith.constant 1 : i32
    %dma_wait3A_718 = arith.constant 0 : i32
    %dma_wait3A_719 = arith.constant 0 : i32
    %dma_wait3A_720 = tpu.memref_slice %arg6[%dma_wait3A_717, %dma_wait3A_718, %dma_wait3A_719] : memref<19x96x128xf32, #tpu.memory_space<vmem_shared>> -> memref<1x96x128xf32, #tpu.memory_space<vmem_shared>>
    %dma_wait3A_721 = tpu.memref_squeeze %dma_wait3A_720 : memref<1x96x128xf32, #tpu.memory_space<vmem_shared>> -> memref<96x128xf32, #tpu.memory_space<vmem_shared>>
    %dma_wait3A_722 = arith.constant 0 : i32
    %dma_wait3A_723 = arith.constant 0 : i32
    %dma_wait3A_724 = tpu.memref_slice %dma_wait3A_721[%dma_wait3A_722, %dma_wait3A_723] : memref<96x128xf32, #tpu.memory_space<vmem_shared>> -> memref<96x128xf32, #tpu.memory_space<vmem_shared>>
    tpu.wait_indirect_dma semaphore(%arg23 : memref<!tpu.dma_semaphore, #tpu.memory_space<semaphore_mem>>) src(%dma_wait3A_724 : memref<96x128xf32, #tpu.memory_space<vmem_shared>>) dst(%arg15 : memref<104x128xf32, #tpu.memory_space<vmem>>)
    %add3A_725 = arith.constant 104 : i32
    %add3A_726 = arith.addi %mul3A_27, %add3A_725 : i32
    %dma_start3A_727 = arith.constant 1 : i32
    %dma_start3A_728 = arith.constant 0 : i32
    %dma_start3A_729 = tpu.memref_slice %arg5[%dma_start3A_727, %add3A_726, %dma_start3A_728] : memref<19x10000x128xf32, #tpu.memory_space<hbm>> -> memref<1x104x128xf32, #tpu.memory_space<hbm>>
    %dma_start3A_730 = tpu.memref_squeeze %dma_start3A_729 : memref<1x104x128xf32, #tpu.memory_space<hbm>> -> memref<104x128xf32, #tpu.memory_space<hbm>>
    %dma_start3A_731 = arith.constant 0 : i32
    %dma_start3A_732 = tpu.memref_slice %arg5[%dma_start3A_727, %add3A_726, %dma_start3A_731] : memref<19x10000x128xf32, #tpu.memory_space<hbm>> -> memref<1x104x128xf32, #tpu.memory_space<hbm>>
    %dma_start3A_733 = tpu.memref_squeeze %dma_start3A_732 : memref<1x104x128xf32, #tpu.memory_space<hbm>> -> memref<104x128xf32, #tpu.memory_space<hbm>>
    tpu.enqueue_dma source(%arg15 : memref<104x128xf32, #tpu.memory_space<vmem>>) target(%dma_start3A_733 : memref<104x128xf32, #tpu.memory_space<hbm>>) target_semaphore(%arg26 : memref<!tpu.dma_semaphore, #tpu.memory_space<semaphore_mem>>)
    %add3A_734 = arith.constant 104 : i32
    %add3A_735 = arith.addi %mul3A_27, %add3A_734 : i32
    %dma_wait3A_736 = arith.constant 0 : i32
    %dma_wait3A_737 = arith.constant 0 : i32
    %dma_wait3A_738 = tpu.memref_slice %arg5[%dma_wait3A_736, %add3A_735, %dma_wait3A_737] : memref<19x10000x128xf32, #tpu.memory_space<hbm>> -> memref<1x104x128xf32, #tpu.memory_space<hbm>>
    %dma_wait3A_739 = tpu.memref_squeeze %dma_wait3A_738 : memref<1x104x128xf32, #tpu.memory_space<hbm>> -> memref<104x128xf32, #tpu.memory_space<hbm>>
    %dma_wait3A_740 = arith.constant 0 : i32
    %dma_wait3A_741 = tpu.memref_slice %arg5[%dma_wait3A_736, %add3A_735, %dma_wait3A_740] : memref<19x10000x128xf32, #tpu.memory_space<hbm>> -> memref<1x104x128xf32, #tpu.memory_space<hbm>>
    %dma_wait3A_742 = tpu.memref_squeeze %dma_wait3A_741 : memref<1x104x128xf32, #tpu.memory_space<hbm>> -> memref<104x128xf32, #tpu.memory_space<hbm>>
    tpu.wait_dma2 semaphore(%arg25 : memref<!tpu.dma_semaphore, #tpu.memory_space<semaphore_mem>>) src(%arg14 : memref<104x128xf32, #tpu.memory_space<vmem>>) dst(%dma_wait3A_742 : memref<104x128xf32, #tpu.memory_space<hbm>>)
    %dma_start3A_743 = arith.constant 3 : i32
    %dma_start3A_744 = arith.constant 0 : i32
    %dma_start3A_745 = arith.constant 0 : i32
    %dma_start3A_746 = tpu.memref_slice %arg6[%dma_start3A_743, %dma_start3A_744, %dma_start3A_745] : memref<19x96x128xf32, #tpu.memory_space<vmem_shared>> -> memref<1x96x128xf32, #tpu.memory_space<vmem_shared>>
    %dma_start3A_747 = tpu.memref_squeeze %dma_start3A_746 : memref<1x96x128xf32, #tpu.memory_space<vmem_shared>> -> memref<96x128xf32, #tpu.memory_space<vmem_shared>>
    %dma_start3A_748 = arith.constant 0 : i32
    %dma_start3A_749 = arith.constant 0 : i32
    %dma_start3A_750 = tpu.memref_slice %dma_start3A_747[%dma_start3A_748, %dma_start3A_749] : memref<96x128xf32, #tpu.memory_space<vmem_shared>> -> memref<96x128xf32, #tpu.memory_space<vmem_shared>>
    tpu.enqueue_indirect_dma source(%dma_start3A_750 : memref<96x128xf32, #tpu.memory_space<vmem_shared>>) target(%arg14 : memref<104x128xf32, #tpu.memory_space<vmem>>) offsets(%arg12 : memref<104xi32, #tpu.memory_space<vmem>>) semaphore(%arg22 : memref<!tpu.dma_semaphore, #tpu.memory_space<semaphore_mem>>)
    %dma_wait3A_751 = arith.constant 2 : i32
    %dma_wait3A_752 = arith.constant 0 : i32
    %dma_wait3A_753 = arith.constant 0 : i32
    %dma_wait3A_754 = tpu.memref_slice %arg6[%dma_wait3A_751, %dma_wait3A_752, %dma_wait3A_753] : memref<19x96x128xf32, #tpu.memory_space<vmem_shared>> -> memref<1x96x128xf32, #tpu.memory_space<vmem_shared>>
    %dma_wait3A_755 = tpu.memref_squeeze %dma_wait3A_754 : memref<1x96x128xf32, #tpu.memory_space<vmem_shared>> -> memref<96x128xf32, #tpu.memory_space<vmem_shared>>
    %dma_wait3A_756 = arith.constant 0 : i32
    %dma_wait3A_757 = arith.constant 0 : i32
    %dma_wait3A_758 = tpu.memref_slice %dma_wait3A_755[%dma_wait3A_756, %dma_wait3A_757] : memref<96x128xf32, #tpu.memory_space<vmem_shared>> -> memref<96x128xf32, #tpu.memory_space<vmem_shared>>
    tpu.wait_indirect_dma semaphore(%arg21 : memref<!tpu.dma_semaphore, #tpu.memory_space<semaphore_mem>>) src(%dma_wait3A_758 : memref<96x128xf32, #tpu.memory_space<vmem_shared>>) dst(%arg13 : memref<104x128xf32, #tpu.memory_space<vmem>>)
    %add3A_759 = arith.constant 104 : i32
    %add3A_760 = arith.addi %mul3A_27, %add3A_759 : i32
    %dma_start3A_761 = arith.constant 2 : i32
    %dma_start3A_762 = arith.constant 0 : i32
    %dma_start3A_763 = tpu.memref_slice %arg5[%dma_start3A_761, %add3A_760, %dma_start3A_762] : memref<19x10000x128xf32, #tpu.memory_space<hbm>> -> memref<1x104x128xf32, #tpu.memory_space<hbm>>
    %dma_start3A_764 = tpu.memref_squeeze %dma_start3A_763 : memref<1x104x128xf32, #tpu.memory_space<hbm>> -> memref<104x128xf32, #tpu.memory_space<hbm>>
    %dma_start3A_765 = arith.constant 0 : i32
    %dma_start3A_766 = tpu.memref_slice %arg5[%dma_start3A_761, %add3A_760, %dma_start3A_765] : memref<19x10000x128xf32, #tpu.memory_space<hbm>> -> memref<1x104x128xf32, #tpu.memory_space<hbm>>
    %dma_start3A_767 = tpu.memref_squeeze %dma_start3A_766 : memref<1x104x128xf32, #tpu.memory_space<hbm>> -> memref<104x128xf32, #tpu.memory_space<hbm>>
    tpu.enqueue_dma source(%arg13 : memref<104x128xf32, #tpu.memory_space<vmem>>) target(%dma_start3A_767 : memref<104x128xf32, #tpu.memory_space<hbm>>) target_semaphore(%arg24 : memref<!tpu.dma_semaphore, #tpu.memory_space<semaphore_mem>>)
    %add3A_768 = arith.constant 104 : i32
    %add3A_769 = arith.addi %mul3A_27, %add3A_768 : i32
    %dma_wait3A_770 = arith.constant 1 : i32
    %dma_wait3A_771 = arith.constant 0 : i32
    %dma_wait3A_772 = tpu.memref_slice %arg5[%dma_wait3A_770, %add3A_769, %dma_wait3A_771] : memref<19x10000x128xf32, #tpu.memory_space<hbm>> -> memref<1x104x128xf32, #tpu.memory_space<hbm>>
    %dma_wait3A_773 = tpu.memref_squeeze %dma_wait3A_772 : memref<1x104x128xf32, #tpu.memory_space<hbm>> -> memref<104x128xf32, #tpu.memory_space<hbm>>
    %dma_wait3A_774 = arith.constant 0 : i32
    %dma_wait3A_775 = tpu.memref_slice %arg5[%dma_wait3A_770, %add3A_769, %dma_wait3A_774] : memref<19x10000x128xf32, #tpu.memory_space<hbm>> -> memref<1x104x128xf32, #tpu.memory_space<hbm>>
    %dma_wait3A_776 = tpu.memref_squeeze %dma_wait3A_775 : memref<1x104x128xf32, #tpu.memory_space<hbm>> -> memref<104x128xf32, #tpu.memory_space<hbm>>
    tpu.wait_dma2 semaphore(%arg26 : memref<!tpu.dma_semaphore, #tpu.memory_space<semaphore_mem>>) src(%arg15 : memref<104x128xf32, #tpu.memory_space<vmem>>) dst(%dma_wait3A_776 : memref<104x128xf32, #tpu.memory_space<hbm>>)
    %dma_start3A_777 = arith.constant 4 : i32
    %dma_start3A_778 = arith.constant 0 : i32
    %dma_start3A_779 = arith.constant 0 : i32
    %dma_start3A_780 = tpu.memref_slice %arg6[%dma_start3A_777, %dma_start3A_778, %dma_start3A_779] : memref<19x96x128xf32, #tpu.memory_space<vmem_shared>> -> memref<1x96x128xf32, #tpu.memory_space<vmem_shared>>
    %dma_start3A_781 = tpu.memref_squeeze %dma_start3A_780 : memref<1x96x128xf32, #tpu.memory_space<vmem_shared>> -> memref<96x128xf32, #tpu.memory_space<vmem_shared>>
    %dma_start3A_782 = arith.constant 0 : i32
    %dma_start3A_783 = arith.constant 0 : i32
    %dma_start3A_784 = tpu.memref_slice %dma_start3A_781[%dma_start3A_782, %dma_start3A_783] : memref<96x128xf32, #tpu.memory_space<vmem_shared>> -> memref<96x128xf32, #tpu.memory_space<vmem_shared>>
    tpu.enqueue_indirect_dma source(%dma_start3A_784 : memref<96x128xf32, #tpu.memory_space<vmem_shared>>) target(%arg15 : memref<104x128xf32, #tpu.memory_space<vmem>>) offsets(%arg12 : memref<104xi32, #tpu.memory_space<vmem>>) semaphore(%arg23 : memref<!tpu.dma_semaphore, #tpu.memory_space<semaphore_mem>>)
    %dma_wait3A_785 = arith.constant 3 : i32
    %dma_wait3A_786 = arith.constant 0 : i32
    %dma_wait3A_787 = arith.constant 0 : i32
    %dma_wait3A_788 = tpu.memref_slice %arg6[%dma_wait3A_785, %dma_wait3A_786, %dma_wait3A_787] : memref<19x96x128xf32, #tpu.memory_space<vmem_shared>> -> memref<1x96x128xf32, #tpu.memory_space<vmem_shared>>
    %dma_wait3A_789 = tpu.memref_squeeze %dma_wait3A_788 : memref<1x96x128xf32, #tpu.memory_space<vmem_shared>> -> memref<96x128xf32, #tpu.memory_space<vmem_shared>>
    %dma_wait3A_790 = arith.constant 0 : i32
    %dma_wait3A_791 = arith.constant 0 : i32
    %dma_wait3A_792 = tpu.memref_slice %dma_wait3A_789[%dma_wait3A_790, %dma_wait3A_791] : memref<96x128xf32, #tpu.memory_space<vmem_shared>> -> memref<96x128xf32, #tpu.memory_space<vmem_shared>>
    tpu.wait_indirect_dma semaphore(%arg22 : memref<!tpu.dma_semaphore, #tpu.memory_space<semaphore_mem>>) src(%dma_wait3A_792 : memref<96x128xf32, #tpu.memory_space<vmem_shared>>) dst(%arg14 : memref<104x128xf32, #tpu.memory_space<vmem>>)
    %add3A_793 = arith.constant 104 : i32
    %add3A_794 = arith.addi %mul3A_27, %add3A_793 : i32
    %dma_start3A_795 = arith.constant 3 : i32
    %dma_start3A_796 = arith.constant 0 : i32
    %dma_start3A_797 = tpu.memref_slice %arg5[%dma_start3A_795, %add3A_794, %dma_start3A_796] : memref<19x10000x128xf32, #tpu.memory_space<hbm>> -> memref<1x104x128xf32, #tpu.memory_space<hbm>>
    %dma_start3A_798 = tpu.memref_squeeze %dma_start3A_797 : memref<1x104x128xf32, #tpu.memory_space<hbm>> -> memref<104x128xf32, #tpu.memory_space<hbm>>
    %dma_start3A_799 = arith.constant 0 : i32
    %dma_start3A_800 = tpu.memref_slice %arg5[%dma_start3A_795, %add3A_794, %dma_start3A_799] : memref<19x10000x128xf32, #tpu.memory_space<hbm>> -> memref<1x104x128xf32, #tpu.memory_space<hbm>>
    %dma_start3A_801 = tpu.memref_squeeze %dma_start3A_800 : memref<1x104x128xf32, #tpu.memory_space<hbm>> -> memref<104x128xf32, #tpu.memory_space<hbm>>
    tpu.enqueue_dma source(%arg14 : memref<104x128xf32, #tpu.memory_space<vmem>>) target(%dma_start3A_801 : memref<104x128xf32, #tpu.memory_space<hbm>>) target_semaphore(%arg25 : memref<!tpu.dma_semaphore, #tpu.memory_space<semaphore_mem>>)
    %add3A_802 = arith.constant 104 : i32
    %add3A_803 = arith.addi %mul3A_27, %add3A_802 : i32
    %dma_wait3A_804 = arith.constant 2 : i32
    %dma_wait3A_805 = arith.constant 0 : i32
    %dma_wait3A_806 = tpu.memref_slice %arg5[%dma_wait3A_804, %add3A_803, %dma_wait3A_805] : memref<19x10000x128xf32, #tpu.memory_space<hbm>> -> memref<1x104x128xf32, #tpu.memory_space<hbm>>
    %dma_wait3A_807 = tpu.memref_squeeze %dma_wait3A_806 : memref<1x104x128xf32, #tpu.memory_space<hbm>> -> memref<104x128xf32, #tpu.memory_space<hbm>>
    %dma_wait3A_808 = arith.constant 0 : i32
    %dma_wait3A_809 = tpu.memref_slice %arg5[%dma_wait3A_804, %add3A_803, %dma_wait3A_808] : memref<19x10000x128xf32, #tpu.memory_space<hbm>> -> memref<1x104x128xf32, #tpu.memory_space<hbm>>
    %dma_wait3A_810 = tpu.memref_squeeze %dma_wait3A_809 : memref<1x104x128xf32, #tpu.memory_space<hbm>> -> memref<104x128xf32, #tpu.memory_space<hbm>>
    tpu.wait_dma2 semaphore(%arg24 : memref<!tpu.dma_semaphore, #tpu.memory_space<semaphore_mem>>) src(%arg13 : memref<104x128xf32, #tpu.memory_space<vmem>>) dst(%dma_wait3A_810 : memref<104x128xf32, #tpu.memory_space<hbm>>)
    %dma_start3A_811 = arith.constant 5 : i32
    %dma_start3A_812 = arith.constant 0 : i32
    %dma_start3A_813 = arith.constant 0 : i32
    %dma_start3A_814 = tpu.memref_slice %arg6[%dma_start3A_811, %dma_start3A_812, %dma_start3A_813] : memref<19x96x128xf32, #tpu.memory_space<vmem_shared>> -> memref<1x96x128xf32, #tpu.memory_space<vmem_shared>>
    %dma_start3A_815 = tpu.memref_squeeze %dma_start3A_814 : memref<1x96x128xf32, #tpu.memory_space<vmem_shared>> -> memref<96x128xf32, #tpu.memory_space<vmem_shared>>
    %dma_start3A_816 = arith.constant 0 : i32
    %dma_start3A_817 = arith.constant 0 : i32
    %dma_start3A_818 = tpu.memref_slice %dma_start3A_815[%dma_start3A_816, %dma_start3A_817] : memref<96x128xf32, #tpu.memory_space<vmem_shared>> -> memref<96x128xf32, #tpu.memory_space<vmem_shared>>
    tpu.enqueue_indirect_dma source(%dma_start3A_818 : memref<96x128xf32, #tpu.memory_space<vmem_shared>>) target(%arg13 : memref<104x128xf32, #tpu.memory_space<vmem>>) offsets(%arg12 : memref<104xi32, #tpu.memory_space<vmem>>) semaphore(%arg21 : memref<!tpu.dma_semaphore, #tpu.memory_space<semaphore_mem>>)
    %dma_wait3A_819 = arith.constant 4 : i32
    %dma_wait3A_820 = arith.constant 0 : i32
    %dma_wait3A_821 = arith.constant 0 : i32
    %dma_wait3A_822 = tpu.memref_slice %arg6[%dma_wait3A_819, %dma_wait3A_820, %dma_wait3A_821] : memref<19x96x128xf32, #tpu.memory_space<vmem_shared>> -> memref<1x96x128xf32, #tpu.memory_space<vmem_shared>>
    %dma_wait3A_823 = tpu.memref_squeeze %dma_wait3A_822 : memref<1x96x128xf32, #tpu.memory_space<vmem_shared>> -> memref<96x128xf32, #tpu.memory_space<vmem_shared>>
    %dma_wait3A_824 = arith.constant 0 : i32
    %dma_wait3A_825 = arith.constant 0 : i32
    %dma_wait3A_826 = tpu.memref_slice %dma_wait3A_823[%dma_wait3A_824, %dma_wait3A_825] : memref<96x128xf32, #tpu.memory_space<vmem_shared>> -> memref<96x128xf32, #tpu.memory_space<vmem_shared>>
    tpu.wait_indirect_dma semaphore(%arg23 : memref<!tpu.dma_semaphore, #tpu.memory_space<semaphore_mem>>) src(%dma_wait3A_826 : memref<96x128xf32, #tpu.memory_space<vmem_shared>>) dst(%arg15 : memref<104x128xf32, #tpu.memory_space<vmem>>)
    %add3A_827 = arith.constant 104 : i32
    %add3A_828 = arith.addi %mul3A_27, %add3A_827 : i32
    %dma_start3A_829 = arith.constant 4 : i32
    %dma_start3A_830 = arith.constant 0 : i32
    %dma_start3A_831 = tpu.memref_slice %arg5[%dma_start3A_829, %add3A_828, %dma_start3A_830] : memref<19x10000x128xf32, #tpu.memory_space<hbm>> -> memref<1x104x128xf32, #tpu.memory_space<hbm>>
    %dma_start3A_832 = tpu.memref_squeeze %dma_start3A_831 : memref<1x104x128xf32, #tpu.memory_space<hbm>> -> memref<104x128xf32, #tpu.memory_space<hbm>>
    %dma_start3A_833 = arith.constant 0 : i32
    %dma_start3A_834 = tpu.memref_slice %arg5[%dma_start3A_829, %add3A_828, %dma_start3A_833] : memref<19x10000x128xf32, #tpu.memory_space<hbm>> -> memref<1x104x128xf32, #tpu.memory_space<hbm>>
    %dma_start3A_835 = tpu.memref_squeeze %dma_start3A_834 : memref<1x104x128xf32, #tpu.memory_space<hbm>> -> memref<104x128xf32, #tpu.memory_space<hbm>>
    tpu.enqueue_dma source(%arg15 : memref<104x128xf32, #tpu.memory_space<vmem>>) target(%dma_start3A_835 : memref<104x128xf32, #tpu.memory_space<hbm>>) target_semaphore(%arg26 : memref<!tpu.dma_semaphore, #tpu.memory_space<semaphore_mem>>)
    %add3A_836 = arith.constant 104 : i32
    %add3A_837 = arith.addi %mul3A_27, %add3A_836 : i32
    %dma_wait3A_838 = arith.constant 3 : i32
    %dma_wait3A_839 = arith.constant 0 : i32
    %dma_wait3A_840 = tpu.memref_slice %arg5[%dma_wait3A_838, %add3A_837, %dma_wait3A_839] : memref<19x10000x128xf32, #tpu.memory_space<hbm>> -> memref<1x104x128xf32, #tpu.memory_space<hbm>>
    %dma_wait3A_841 = tpu.memref_squeeze %dma_wait3A_840 : memref<1x104x128xf32, #tpu.memory_space<hbm>> -> memref<104x128xf32, #tpu.memory_space<hbm>>
    %dma_wait3A_842 = arith.constant 0 : i32
    %dma_wait3A_843 = tpu.memref_slice %arg5[%dma_wait3A_838, %add3A_837, %dma_wait3A_842] : memref<19x10000x128xf32, #tpu.memory_space<hbm>> -> memref<1x104x128xf32, #tpu.memory_space<hbm>>
    %dma_wait3A_844 = tpu.memref_squeeze %dma_wait3A_843 : memref<1x104x128xf32, #tpu.memory_space<hbm>> -> memref<104x128xf32, #tpu.memory_space<hbm>>
    tpu.wait_dma2 semaphore(%arg25 : memref<!tpu.dma_semaphore, #tpu.memory_space<semaphore_mem>>) src(%arg14 : memref<104x128xf32, #tpu.memory_space<vmem>>) dst(%dma_wait3A_844 : memref<104x128xf32, #tpu.memory_space<hbm>>)
    %dma_start3A_845 = arith.constant 6 : i32
    %dma_start3A_846 = arith.constant 0 : i32
    %dma_start3A_847 = arith.constant 0 : i32
    %dma_start3A_848 = tpu.memref_slice %arg6[%dma_start3A_845, %dma_start3A_846, %dma_start3A_847] : memref<19x96x128xf32, #tpu.memory_space<vmem_shared>> -> memref<1x96x128xf32, #tpu.memory_space<vmem_shared>>
    %dma_start3A_849 = tpu.memref_squeeze %dma_start3A_848 : memref<1x96x128xf32, #tpu.memory_space<vmem_shared>> -> memref<96x128xf32, #tpu.memory_space<vmem_shared>>
    %dma_start3A_850 = arith.constant 0 : i32
    %dma_start3A_851 = arith.constant 0 : i32
    %dma_start3A_852 = tpu.memref_slice %dma_start3A_849[%dma_start3A_850, %dma_start3A_851] : memref<96x128xf32, #tpu.memory_space<vmem_shared>> -> memref<96x128xf32, #tpu.memory_space<vmem_shared>>
    tpu.enqueue_indirect_dma source(%dma_start3A_852 : memref<96x128xf32, #tpu.memory_space<vmem_shared>>) target(%arg14 : memref<104x128xf32, #tpu.memory_space<vmem>>) offsets(%arg12 : memref<104xi32, #tpu.memory_space<vmem>>) semaphore(%arg22 : memref<!tpu.dma_semaphore, #tpu.memory_space<semaphore_mem>>)
    %dma_wait3A_853 = arith.constant 5 : i32
    %dma_wait3A_854 = arith.constant 0 : i32
    %dma_wait3A_855 = arith.constant 0 : i32
    %dma_wait3A_856 = tpu.memref_slice %arg6[%dma_wait3A_853, %dma_wait3A_854, %dma_wait3A_855] : memref<19x96x128xf32, #tpu.memory_space<vmem_shared>> -> memref<1x96x128xf32, #tpu.memory_space<vmem_shared>>
    %dma_wait3A_857 = tpu.memref_squeeze %dma_wait3A_856 : memref<1x96x128xf32, #tpu.memory_space<vmem_shared>> -> memref<96x128xf32, #tpu.memory_space<vmem_shared>>
    %dma_wait3A_858 = arith.constant 0 : i32
    %dma_wait3A_859 = arith.constant 0 : i32
    %dma_wait3A_860 = tpu.memref_slice %dma_wait3A_857[%dma_wait3A_858, %dma_wait3A_859] : memref<96x128xf32, #tpu.memory_space<vmem_shared>> -> memref<96x128xf32, #tpu.memory_space<vmem_shared>>
    tpu.wait_indirect_dma semaphore(%arg21 : memref<!tpu.dma_semaphore, #tpu.memory_space<semaphore_mem>>) src(%dma_wait3A_860 : memref<96x128xf32, #tpu.memory_space<vmem_shared>>) dst(%arg13 : memref<104x128xf32, #tpu.memory_space<vmem>>)
    %add3A_861 = arith.constant 104 : i32
    %add3A_862 = arith.addi %mul3A_27, %add3A_861 : i32
    %dma_start3A_863 = arith.constant 5 : i32
    %dma_start3A_864 = arith.constant 0 : i32
    %dma_start3A_865 = tpu.memref_slice %arg5[%dma_start3A_863, %add3A_862, %dma_start3A_864] : memref<19x10000x128xf32, #tpu.memory_space<hbm>> -> memref<1x104x128xf32, #tpu.memory_space<hbm>>
    %dma_start3A_866 = tpu.memref_squeeze %dma_start3A_865 : memref<1x104x128xf32, #tpu.memory_space<hbm>> -> memref<104x128xf32, #tpu.memory_space<hbm>>
    %dma_start3A_867 = arith.constant 0 : i32
    %dma_start3A_868 = tpu.memref_slice %arg5[%dma_start3A_863, %add3A_862, %dma_start3A_867] : memref<19x10000x128xf32, #tpu.memory_space<hbm>> -> memref<1x104x128xf32, #tpu.memory_space<hbm>>
    %dma_start3A_869 = tpu.memref_squeeze %dma_start3A_868 : memref<1x104x128xf32, #tpu.memory_space<hbm>> -> memref<104x128xf32, #tpu.memory_space<hbm>>
    tpu.enqueue_dma source(%arg13 : memref<104x128xf32, #tpu.memory_space<vmem>>) target(%dma_start3A_869 : memref<104x128xf32, #tpu.memory_space<hbm>>) target_semaphore(%arg24 : memref<!tpu.dma_semaphore, #tpu.memory_space<semaphore_mem>>)
    %add3A_870 = arith.constant 104 : i32
    %add3A_871 = arith.addi %mul3A_27, %add3A_870 : i32
    %dma_wait3A_872 = arith.constant 4 : i32
    %dma_wait3A_873 = arith.constant 0 : i32
    %dma_wait3A_874 = tpu.memref_slice %arg5[%dma_wait3A_872, %add3A_871, %dma_wait3A_873] : memref<19x10000x128xf32, #tpu.memory_space<hbm>> -> memref<1x104x128xf32, #tpu.memory_space<hbm>>
    %dma_wait3A_875 = tpu.memref_squeeze %dma_wait3A_874 : memref<1x104x128xf32, #tpu.memory_space<hbm>> -> memref<104x128xf32, #tpu.memory_space<hbm>>
    %dma_wait3A_876 = arith.constant 0 : i32
    %dma_wait3A_877 = tpu.memref_slice %arg5[%dma_wait3A_872, %add3A_871, %dma_wait3A_876] : memref<19x10000x128xf32, #tpu.memory_space<hbm>> -> memref<1x104x128xf32, #tpu.memory_space<hbm>>
    %dma_wait3A_878 = tpu.memref_squeeze %dma_wait3A_877 : memref<1x104x128xf32, #tpu.memory_space<hbm>> -> memref<104x128xf32, #tpu.memory_space<hbm>>
    tpu.wait_dma2 semaphore(%arg26 : memref<!tpu.dma_semaphore, #tpu.memory_space<semaphore_mem>>) src(%arg15 : memref<104x128xf32, #tpu.memory_space<vmem>>) dst(%dma_wait3A_878 : memref<104x128xf32, #tpu.memory_space<hbm>>)
    %dma_start3A_879 = arith.constant 7 : i32
    %dma_start3A_880 = arith.constant 0 : i32
    %dma_start3A_881 = arith.constant 0 : i32
    %dma_start3A_882 = tpu.memref_slice %arg6[%dma_start3A_879, %dma_start3A_880, %dma_start3A_881] : memref<19x96x128xf32, #tpu.memory_space<vmem_shared>> -> memref<1x96x128xf32, #tpu.memory_space<vmem_shared>>
    %dma_start3A_883 = tpu.memref_squeeze %dma_start3A_882 : memref<1x96x128xf32, #tpu.memory_space<vmem_shared>> -> memref<96x128xf32, #tpu.memory_space<vmem_shared>>
    %dma_start3A_884 = arith.constant 0 : i32
    %dma_start3A_885 = arith.constant 0 : i32
    %dma_start3A_886 = tpu.memref_slice %dma_start3A_883[%dma_start3A_884, %dma_start3A_885] : memref<96x128xf32, #tpu.memory_space<vmem_shared>> -> memref<96x128xf32, #tpu.memory_space<vmem_shared>>
    tpu.enqueue_indirect_dma source(%dma_start3A_886 : memref<96x128xf32, #tpu.memory_space<vmem_shared>>) target(%arg15 : memref<104x128xf32, #tpu.memory_space<vmem>>) offsets(%arg12 : memref<104xi32, #tpu.memory_space<vmem>>) semaphore(%arg23 : memref<!tpu.dma_semaphore, #tpu.memory_space<semaphore_mem>>)
    %dma_wait3A_887 = arith.constant 6 : i32
    %dma_wait3A_888 = arith.constant 0 : i32
    %dma_wait3A_889 = arith.constant 0 : i32
    %dma_wait3A_890 = tpu.memref_slice %arg6[%dma_wait3A_887, %dma_wait3A_888, %dma_wait3A_889] : memref<19x96x128xf32, #tpu.memory_space<vmem_shared>> -> memref<1x96x128xf32, #tpu.memory_space<vmem_shared>>
    %dma_wait3A_891 = tpu.memref_squeeze %dma_wait3A_890 : memref<1x96x128xf32, #tpu.memory_space<vmem_shared>> -> memref<96x128xf32, #tpu.memory_space<vmem_shared>>
    %dma_wait3A_892 = arith.constant 0 : i32
    %dma_wait3A_893 = arith.constant 0 : i32
    %dma_wait3A_894 = tpu.memref_slice %dma_wait3A_891[%dma_wait3A_892, %dma_wait3A_893] : memref<96x128xf32, #tpu.memory_space<vmem_shared>> -> memref<96x128xf32, #tpu.memory_space<vmem_shared>>
    tpu.wait_indirect_dma semaphore(%arg22 : memref<!tpu.dma_semaphore, #tpu.memory_space<semaphore_mem>>) src(%dma_wait3A_894 : memref<96x128xf32, #tpu.memory_space<vmem_shared>>) dst(%arg14 : memref<104x128xf32, #tpu.memory_space<vmem>>)
    %add3A_895 = arith.constant 104 : i32
    %add3A_896 = arith.addi %mul3A_27, %add3A_895 : i32
    %dma_start3A_897 = arith.constant 6 : i32
    %dma_start3A_898 = arith.constant 0 : i32
    %dma_start3A_899 = tpu.memref_slice %arg5[%dma_start3A_897, %add3A_896, %dma_start3A_898] : memref<19x10000x128xf32, #tpu.memory_space<hbm>> -> memref<1x104x128xf32, #tpu.memory_space<hbm>>
    %dma_start3A_900 = tpu.memref_squeeze %dma_start3A_899 : memref<1x104x128xf32, #tpu.memory_space<hbm>> -> memref<104x128xf32, #tpu.memory_space<hbm>>
    %dma_start3A_901 = arith.constant 0 : i32
    %dma_start3A_902 = tpu.memref_slice %arg5[%dma_start3A_897, %add3A_896, %dma_start3A_901] : memref<19x10000x128xf32, #tpu.memory_space<hbm>> -> memref<1x104x128xf32, #tpu.memory_space<hbm>>
    %dma_start3A_903 = tpu.memref_squeeze %dma_start3A_902 : memref<1x104x128xf32, #tpu.memory_space<hbm>> -> memref<104x128xf32, #tpu.memory_space<hbm>>
    tpu.enqueue_dma source(%arg14 : memref<104x128xf32, #tpu.memory_space<vmem>>) target(%dma_start3A_903 : memref<104x128xf32, #tpu.memory_space<hbm>>) target_semaphore(%arg25 : memref<!tpu.dma_semaphore, #tpu.memory_space<semaphore_mem>>)
    %add3A_904 = arith.constant 104 : i32
    %add3A_905 = arith.addi %mul3A_27, %add3A_904 : i32
    %dma_wait3A_906 = arith.constant 5 : i32
    %dma_wait3A_907 = arith.constant 0 : i32
    %dma_wait3A_908 = tpu.memref_slice %arg5[%dma_wait3A_906, %add3A_905, %dma_wait3A_907] : memref<19x10000x128xf32, #tpu.memory_space<hbm>> -> memref<1x104x128xf32, #tpu.memory_space<hbm>>
    %dma_wait3A_909 = tpu.memref_squeeze %dma_wait3A_908 : memref<1x104x128xf32, #tpu.memory_space<hbm>> -> memref<104x128xf32, #tpu.memory_space<hbm>>
    %dma_wait3A_910 = arith.constant 0 : i32
    %dma_wait3A_911 = tpu.memref_slice %arg5[%dma_wait3A_906, %add3A_905, %dma_wait3A_910] : memref<19x10000x128xf32, #tpu.memory_space<hbm>> -> memref<1x104x128xf32, #tpu.memory_space<hbm>>
    %dma_wait3A_912 = tpu.memref_squeeze %dma_wait3A_911 : memref<1x104x128xf32, #tpu.memory_space<hbm>> -> memref<104x128xf32, #tpu.memory_space<hbm>>
    tpu.wait_dma2 semaphore(%arg24 : memref<!tpu.dma_semaphore, #tpu.memory_space<semaphore_mem>>) src(%arg13 : memref<104x128xf32, #tpu.memory_space<vmem>>) dst(%dma_wait3A_912 : memref<104x128xf32, #tpu.memory_space<hbm>>)
    %dma_start3A_913 = arith.constant 8 : i32
    %dma_start3A_914 = arith.constant 0 : i32
    %dma_start3A_915 = arith.constant 0 : i32
    %dma_start3A_916 = tpu.memref_slice %arg6[%dma_start3A_913, %dma_start3A_914, %dma_start3A_915] : memref<19x96x128xf32, #tpu.memory_space<vmem_shared>> -> memref<1x96x128xf32, #tpu.memory_space<vmem_shared>>
    %dma_start3A_917 = tpu.memref_squeeze %dma_start3A_916 : memref<1x96x128xf32, #tpu.memory_space<vmem_shared>> -> memref<96x128xf32, #tpu.memory_space<vmem_shared>>
    %dma_start3A_918 = arith.constant 0 : i32
    %dma_start3A_919 = arith.constant 0 : i32
    %dma_start3A_920 = tpu.memref_slice %dma_start3A_917[%dma_start3A_918, %dma_start3A_919] : memref<96x128xf32, #tpu.memory_space<vmem_shared>> -> memref<96x128xf32, #tpu.memory_space<vmem_shared>>
    tpu.enqueue_indirect_dma source(%dma_start3A_920 : memref<96x128xf32, #tpu.memory_space<vmem_shared>>) target(%arg13 : memref<104x128xf32, #tpu.memory_space<vmem>>) offsets(%arg12 : memref<104xi32, #tpu.memory_space<vmem>>) semaphore(%arg21 : memref<!tpu.dma_semaphore, #tpu.memory_space<semaphore_mem>>)
    %dma_wait3A_921 = arith.constant 7 : i32
    %dma_wait3A_922 = arith.constant 0 : i32
    %dma_wait3A_923 = arith.constant 0 : i32
    %dma_wait3A_924 = tpu.memref_slice %arg6[%dma_wait3A_921, %dma_wait3A_922, %dma_wait3A_923] : memref<19x96x128xf32, #tpu.memory_space<vmem_shared>> -> memref<1x96x128xf32, #tpu.memory_space<vmem_shared>>
    %dma_wait3A_925 = tpu.memref_squeeze %dma_wait3A_924 : memref<1x96x128xf32, #tpu.memory_space<vmem_shared>> -> memref<96x128xf32, #tpu.memory_space<vmem_shared>>
    %dma_wait3A_926 = arith.constant 0 : i32
    %dma_wait3A_927 = arith.constant 0 : i32
    %dma_wait3A_928 = tpu.memref_slice %dma_wait3A_925[%dma_wait3A_926, %dma_wait3A_927] : memref<96x128xf32, #tpu.memory_space<vmem_shared>> -> memref<96x128xf32, #tpu.memory_space<vmem_shared>>
    tpu.wait_indirect_dma semaphore(%arg23 : memref<!tpu.dma_semaphore, #tpu.memory_space<semaphore_mem>>) src(%dma_wait3A_928 : memref<96x128xf32, #tpu.memory_space<vmem_shared>>) dst(%arg15 : memref<104x128xf32, #tpu.memory_space<vmem>>)
    %add3A_929 = arith.constant 104 : i32
    %add3A_930 = arith.addi %mul3A_27, %add3A_929 : i32
    %dma_start3A_931 = arith.constant 7 : i32
    %dma_start3A_932 = arith.constant 0 : i32
    %dma_start3A_933 = tpu.memref_slice %arg5[%dma_start3A_931, %add3A_930, %dma_start3A_932] : memref<19x10000x128xf32, #tpu.memory_space<hbm>> -> memref<1x104x128xf32, #tpu.memory_space<hbm>>
    %dma_start3A_934 = tpu.memref_squeeze %dma_start3A_933 : memref<1x104x128xf32, #tpu.memory_space<hbm>> -> memref<104x128xf32, #tpu.memory_space<hbm>>
    %dma_start3A_935 = arith.constant 0 : i32
    %dma_start3A_936 = tpu.memref_slice %arg5[%dma_start3A_931, %add3A_930, %dma_start3A_935] : memref<19x10000x128xf32, #tpu.memory_space<hbm>> -> memref<1x104x128xf32, #tpu.memory_space<hbm>>
    %dma_start3A_937 = tpu.memref_squeeze %dma_start3A_936 : memref<1x104x128xf32, #tpu.memory_space<hbm>> -> memref<104x128xf32, #tpu.memory_space<hbm>>
    tpu.enqueue_dma source(%arg15 : memref<104x128xf32, #tpu.memory_space<vmem>>) target(%dma_start3A_937 : memref<104x128xf32, #tpu.memory_space<hbm>>) target_semaphore(%arg26 : memref<!tpu.dma_semaphore, #tpu.memory_space<semaphore_mem>>)
    %add3A_938 = arith.constant 104 : i32
    %add3A_939 = arith.addi %mul3A_27, %add3A_938 : i32
    %dma_wait3A_940 = arith.constant 6 : i32
    %dma_wait3A_941 = arith.constant 0 : i32
    %dma_wait3A_942 = tpu.memref_slice %arg5[%dma_wait3A_940, %add3A_939, %dma_wait3A_941] : memref<19x10000x128xf32, #tpu.memory_space<hbm>> -> memref<1x104x128xf32, #tpu.memory_space<hbm>>
    %dma_wait3A_943 = tpu.memref_squeeze %dma_wait3A_942 : memref<1x104x128xf32, #tpu.memory_space<hbm>> -> memref<104x128xf32, #tpu.memory_space<hbm>>
    %dma_wait3A_944 = arith.constant 0 : i32
    %dma_wait3A_945 = tpu.memref_slice %arg5[%dma_wait3A_940, %add3A_939, %dma_wait3A_944] : memref<19x10000x128xf32, #tpu.memory_space<hbm>> -> memref<1x104x128xf32, #tpu.memory_space<hbm>>
    %dma_wait3A_946 = tpu.memref_squeeze %dma_wait3A_945 : memref<1x104x128xf32, #tpu.memory_space<hbm>> -> memref<104x128xf32, #tpu.memory_space<hbm>>
    tpu.wait_dma2 semaphore(%arg25 : memref<!tpu.dma_semaphore, #tpu.memory_space<semaphore_mem>>) src(%arg14 : memref<104x128xf32, #tpu.memory_space<vmem>>) dst(%dma_wait3A_946 : memref<104x128xf32, #tpu.memory_space<hbm>>)
    %dma_start3A_947 = arith.constant 9 : i32
    %dma_start3A_948 = arith.constant 0 : i32
    %dma_start3A_949 = arith.constant 0 : i32
    %dma_start3A_950 = tpu.memref_slice %arg6[%dma_start3A_947, %dma_start3A_948, %dma_start3A_949] : memref<19x96x128xf32, #tpu.memory_space<vmem_shared>> -> memref<1x96x128xf32, #tpu.memory_space<vmem_shared>>
    %dma_start3A_951 = tpu.memref_squeeze %dma_start3A_950 : memref<1x96x128xf32, #tpu.memory_space<vmem_shared>> -> memref<96x128xf32, #tpu.memory_space<vmem_shared>>
    %dma_start3A_952 = arith.constant 0 : i32
    %dma_start3A_953 = arith.constant 0 : i32
    %dma_start3A_954 = tpu.memref_slice %dma_start3A_951[%dma_start3A_952, %dma_start3A_953] : memref<96x128xf32, #tpu.memory_space<vmem_shared>> -> memref<96x128xf32, #tpu.memory_space<vmem_shared>>
    tpu.enqueue_indirect_dma source(%dma_start3A_954 : memref<96x128xf32, #tpu.memory_space<vmem_shared>>) target(%arg14 : memref<104x128xf32, #tpu.memory_space<vmem>>) offsets(%arg12 : memref<104xi32, #tpu.memory_space<vmem>>) semaphore(%arg22 : memref<!tpu.dma_semaphore, #tpu.memory_space<semaphore_mem>>)
    %dma_wait3A_955 = arith.constant 8 : i32
    %dma_wait3A_956 = arith.constant 0 : i32
    %dma_wait3A_957 = arith.constant 0 : i32
    %dma_wait3A_958 = tpu.memref_slice %arg6[%dma_wait3A_955, %dma_wait3A_956, %dma_wait3A_957] : memref<19x96x128xf32, #tpu.memory_space<vmem_shared>> -> memref<1x96x128xf32, #tpu.memory_space<vmem_shared>>
    %dma_wait3A_959 = tpu.memref_squeeze %dma_wait3A_958 : memref<1x96x128xf32, #tpu.memory_space<vmem_shared>> -> memref<96x128xf32, #tpu.memory_space<vmem_shared>>
    %dma_wait3A_960 = arith.constant 0 : i32
    %dma_wait3A_961 = arith.constant 0 : i32
    %dma_wait3A_962 = tpu.memref_slice %dma_wait3A_959[%dma_wait3A_960, %dma_wait3A_961] : memref<96x128xf32, #tpu.memory_space<vmem_shared>> -> memref<96x128xf32, #tpu.memory_space<vmem_shared>>
    tpu.wait_indirect_dma semaphore(%arg21 : memref<!tpu.dma_semaphore, #tpu.memory_space<semaphore_mem>>) src(%dma_wait3A_962 : memref<96x128xf32, #tpu.memory_space<vmem_shared>>) dst(%arg13 : memref<104x128xf32, #tpu.memory_space<vmem>>)
    %add3A_963 = arith.constant 104 : i32
    %add3A_964 = arith.addi %mul3A_27, %add3A_963 : i32
    %dma_start3A_965 = arith.constant 8 : i32
    %dma_start3A_966 = arith.constant 0 : i32
    %dma_start3A_967 = tpu.memref_slice %arg5[%dma_start3A_965, %add3A_964, %dma_start3A_966] : memref<19x10000x128xf32, #tpu.memory_space<hbm>> -> memref<1x104x128xf32, #tpu.memory_space<hbm>>
    %dma_start3A_968 = tpu.memref_squeeze %dma_start3A_967 : memref<1x104x128xf32, #tpu.memory_space<hbm>> -> memref<104x128xf32, #tpu.memory_space<hbm>>
    %dma_start3A_969 = arith.constant 0 : i32
    %dma_start3A_970 = tpu.memref_slice %arg5[%dma_start3A_965, %add3A_964, %dma_start3A_969] : memref<19x10000x128xf32, #tpu.memory_space<hbm>> -> memref<1x104x128xf32, #tpu.memory_space<hbm>>
    %dma_start3A_971 = tpu.memref_squeeze %dma_start3A_970 : memref<1x104x128xf32, #tpu.memory_space<hbm>> -> memref<104x128xf32, #tpu.memory_space<hbm>>
    tpu.enqueue_dma source(%arg13 : memref<104x128xf32, #tpu.memory_space<vmem>>) target(%dma_start3A_971 : memref<104x128xf32, #tpu.memory_space<hbm>>) target_semaphore(%arg24 : memref<!tpu.dma_semaphore, #tpu.memory_space<semaphore_mem>>)
    %add3A_972 = arith.constant 104 : i32
    %add3A_973 = arith.addi %mul3A_27, %add3A_972 : i32
    %dma_wait3A_974 = arith.constant 7 : i32
    %dma_wait3A_975 = arith.constant 0 : i32
    %dma_wait3A_976 = tpu.memref_slice %arg5[%dma_wait3A_974, %add3A_973, %dma_wait3A_975] : memref<19x10000x128xf32, #tpu.memory_space<hbm>> -> memref<1x104x128xf32, #tpu.memory_space<hbm>>
    %dma_wait3A_977 = tpu.memref_squeeze %dma_wait3A_976 : memref<1x104x128xf32, #tpu.memory_space<hbm>> -> memref<104x128xf32, #tpu.memory_space<hbm>>
    %dma_wait3A_978 = arith.constant 0 : i32
    %dma_wait3A_979 = tpu.memref_slice %arg5[%dma_wait3A_974, %add3A_973, %dma_wait3A_978] : memref<19x10000x128xf32, #tpu.memory_space<hbm>> -> memref<1x104x128xf32, #tpu.memory_space<hbm>>
    %dma_wait3A_980 = tpu.memref_squeeze %dma_wait3A_979 : memref<1x104x128xf32, #tpu.memory_space<hbm>> -> memref<104x128xf32, #tpu.memory_space<hbm>>
    tpu.wait_dma2 semaphore(%arg26 : memref<!tpu.dma_semaphore, #tpu.memory_space<semaphore_mem>>) src(%arg15 : memref<104x128xf32, #tpu.memory_space<vmem>>) dst(%dma_wait3A_980 : memref<104x128xf32, #tpu.memory_space<hbm>>)
    %dma_start3A_981 = arith.constant 10 : i32
    %dma_start3A_982 = arith.constant 0 : i32
    %dma_start3A_983 = arith.constant 0 : i32
    %dma_start3A_984 = tpu.memref_slice %arg6[%dma_start3A_981, %dma_start3A_982, %dma_start3A_983] : memref<19x96x128xf32, #tpu.memory_space<vmem_shared>> -> memref<1x96x128xf32, #tpu.memory_space<vmem_shared>>
    %dma_start3A_985 = tpu.memref_squeeze %dma_start3A_984 : memref<1x96x128xf32, #tpu.memory_space<vmem_shared>> -> memref<96x128xf32, #tpu.memory_space<vmem_shared>>
    %dma_start3A_986 = arith.constant 0 : i32
    %dma_start3A_987 = arith.constant 0 : i32
    %dma_start3A_988 = tpu.memref_slice %dma_start3A_985[%dma_start3A_986, %dma_start3A_987] : memref<96x128xf32, #tpu.memory_space<vmem_shared>> -> memref<96x128xf32, #tpu.memory_space<vmem_shared>>
    tpu.enqueue_indirect_dma source(%dma_start3A_988 : memref<96x128xf32, #tpu.memory_space<vmem_shared>>) target(%arg15 : memref<104x128xf32, #tpu.memory_space<vmem>>) offsets(%arg12 : memref<104xi32, #tpu.memory_space<vmem>>) semaphore(%arg23 : memref<!tpu.dma_semaphore, #tpu.memory_space<semaphore_mem>>)
    %dma_wait3A_989 = arith.constant 9 : i32
    %dma_wait3A_990 = arith.constant 0 : i32
    %dma_wait3A_991 = arith.constant 0 : i32
    %dma_wait3A_992 = tpu.memref_slice %arg6[%dma_wait3A_989, %dma_wait3A_990, %dma_wait3A_991] : memref<19x96x128xf32, #tpu.memory_space<vmem_shared>> -> memref<1x96x128xf32, #tpu.memory_space<vmem_shared>>
    %dma_wait3A_993 = tpu.memref_squeeze %dma_wait3A_992 : memref<1x96x128xf32, #tpu.memory_space<vmem_shared>> -> memref<96x128xf32, #tpu.memory_space<vmem_shared>>
    %dma_wait3A_994 = arith.constant 0 : i32
    %dma_wait3A_995 = arith.constant 0 : i32
    %dma_wait3A_996 = tpu.memref_slice %dma_wait3A_993[%dma_wait3A_994, %dma_wait3A_995] : memref<96x128xf32, #tpu.memory_space<vmem_shared>> -> memref<96x128xf32, #tpu.memory_space<vmem_shared>>
    tpu.wait_indirect_dma semaphore(%arg22 : memref<!tpu.dma_semaphore, #tpu.memory_space<semaphore_mem>>) src(%dma_wait3A_996 : memref<96x128xf32, #tpu.memory_space<vmem_shared>>) dst(%arg14 : memref<104x128xf32, #tpu.memory_space<vmem>>)
    %add3A_997 = arith.constant 104 : i32
    %add3A_998 = arith.addi %mul3A_27, %add3A_997 : i32
    %dma_start3A_999 = arith.constant 9 : i32
    %dma_start3A_1000 = arith.constant 0 : i32
    %dma_start3A_1001 = tpu.memref_slice %arg5[%dma_start3A_999, %add3A_998, %dma_start3A_1000] : memref<19x10000x128xf32, #tpu.memory_space<hbm>> -> memref<1x104x128xf32, #tpu.memory_space<hbm>>
    %dma_start3A_1002 = tpu.memref_squeeze %dma_start3A_1001 : memref<1x104x128xf32, #tpu.memory_space<hbm>> -> memref<104x128xf32, #tpu.memory_space<hbm>>
    %dma_start3A_1003 = arith.constant 0 : i32
    %dma_start3A_1004 = tpu.memref_slice %arg5[%dma_start3A_999, %add3A_998, %dma_start3A_1003] : memref<19x10000x128xf32, #tpu.memory_space<hbm>> -> memref<1x104x128xf32, #tpu.memory_space<hbm>>
    %dma_start3A_1005 = tpu.memref_squeeze %dma_start3A_1004 : memref<1x104x128xf32, #tpu.memory_space<hbm>> -> memref<104x128xf32, #tpu.memory_space<hbm>>
    tpu.enqueue_dma source(%arg14 : memref<104x128xf32, #tpu.memory_space<vmem>>) target(%dma_start3A_1005 : memref<104x128xf32, #tpu.memory_space<hbm>>) target_semaphore(%arg25 : memref<!tpu.dma_semaphore, #tpu.memory_space<semaphore_mem>>)
    %add3A_1006 = arith.constant 104 : i32
    %add3A_1007 = arith.addi %mul3A_27, %add3A_1006 : i32
    %dma_wait3A_1008 = arith.constant 8 : i32
    %dma_wait3A_1009 = arith.constant 0 : i32
    %dma_wait3A_1010 = tpu.memref_slice %arg5[%dma_wait3A_1008, %add3A_1007, %dma_wait3A_1009] : memref<19x10000x128xf32, #tpu.memory_space<hbm>> -> memref<1x104x128xf32, #tpu.memory_space<hbm>>
    %dma_wait3A_1011 = tpu.memref_squeeze %dma_wait3A_1010 : memref<1x104x128xf32, #tpu.memory_space<hbm>> -> memref<104x128xf32, #tpu.memory_space<hbm>>
    %dma_wait3A_1012 = arith.constant 0 : i32
    %dma_wait3A_1013 = tpu.memref_slice %arg5[%dma_wait3A_1008, %add3A_1007, %dma_wait3A_1012] : memref<19x10000x128xf32, #tpu.memory_space<hbm>> -> memref<1x104x128xf32, #tpu.memory_space<hbm>>
    %dma_wait3A_1014 = tpu.memref_squeeze %dma_wait3A_1013 : memref<1x104x128xf32, #tpu.memory_space<hbm>> -> memref<104x128xf32, #tpu.memory_space<hbm>>
    tpu.wait_dma2 semaphore(%arg24 : memref<!tpu.dma_semaphore, #tpu.memory_space<semaphore_mem>>) src(%arg13 : memref<104x128xf32, #tpu.memory_space<vmem>>) dst(%dma_wait3A_1014 : memref<104x128xf32, #tpu.memory_space<hbm>>)
    %dma_start3A_1015 = arith.constant 11 : i32
    %dma_start3A_1016 = arith.constant 0 : i32
    %dma_start3A_1017 = arith.constant 0 : i32
    %dma_start3A_1018 = tpu.memref_slice %arg6[%dma_start3A_1015, %dma_start3A_1016, %dma_start3A_1017] : memref<19x96x128xf32, #tpu.memory_space<vmem_shared>> -> memref<1x96x128xf32, #tpu.memory_space<vmem_shared>>
    %dma_start3A_1019 = tpu.memref_squeeze %dma_start3A_1018 : memref<1x96x128xf32, #tpu.memory_space<vmem_shared>> -> memref<96x128xf32, #tpu.memory_space<vmem_shared>>
    %dma_start3A_1020 = arith.constant 0 : i32
    %dma_start3A_1021 = arith.constant 0 : i32
    %dma_start3A_1022 = tpu.memref_slice %dma_start3A_1019[%dma_start3A_1020, %dma_start3A_1021] : memref<96x128xf32, #tpu.memory_space<vmem_shared>> -> memref<96x128xf32, #tpu.memory_space<vmem_shared>>
    tpu.enqueue_indirect_dma source(%dma_start3A_1022 : memref<96x128xf32, #tpu.memory_space<vmem_shared>>) target(%arg13 : memref<104x128xf32, #tpu.memory_space<vmem>>) offsets(%arg12 : memref<104xi32, #tpu.memory_space<vmem>>) semaphore(%arg21 : memref<!tpu.dma_semaphore, #tpu.memory_space<semaphore_mem>>)
    %dma_wait3A_1023 = arith.constant 10 : i32
    %dma_wait3A_1024 = arith.constant 0 : i32
    %dma_wait3A_1025 = arith.constant 0 : i32
    %dma_wait3A_1026 = tpu.memref_slice %arg6[%dma_wait3A_1023, %dma_wait3A_1024, %dma_wait3A_1025] : memref<19x96x128xf32, #tpu.memory_space<vmem_shared>> -> memref<1x96x128xf32, #tpu.memory_space<vmem_shared>>
    %dma_wait3A_1027 = tpu.memref_squeeze %dma_wait3A_1026 : memref<1x96x128xf32, #tpu.memory_space<vmem_shared>> -> memref<96x128xf32, #tpu.memory_space<vmem_shared>>
    %dma_wait3A_1028 = arith.constant 0 : i32
    %dma_wait3A_1029 = arith.constant 0 : i32
    %dma_wait3A_1030 = tpu.memref_slice %dma_wait3A_1027[%dma_wait3A_1028, %dma_wait3A_1029] : memref<96x128xf32, #tpu.memory_space<vmem_shared>> -> memref<96x128xf32, #tpu.memory_space<vmem_shared>>
    tpu.wait_indirect_dma semaphore(%arg23 : memref<!tpu.dma_semaphore, #tpu.memory_space<semaphore_mem>>) src(%dma_wait3A_1030 : memref<96x128xf32, #tpu.memory_space<vmem_shared>>) dst(%arg15 : memref<104x128xf32, #tpu.memory_space<vmem>>)
    %add3A_1031 = arith.constant 104 : i32
    %add3A_1032 = arith.addi %mul3A_27, %add3A_1031 : i32
    %dma_start3A_1033 = arith.constant 10 : i32
    %dma_start3A_1034 = arith.constant 0 : i32
    %dma_start3A_1035 = tpu.memref_slice %arg5[%dma_start3A_1033, %add3A_1032, %dma_start3A_1034] : memref<19x10000x128xf32, #tpu.memory_space<hbm>> -> memref<1x104x128xf32, #tpu.memory_space<hbm>>
    %dma_start3A_1036 = tpu.memref_squeeze %dma_start3A_1035 : memref<1x104x128xf32, #tpu.memory_space<hbm>> -> memref<104x128xf32, #tpu.memory_space<hbm>>
    %dma_start3A_1037 = arith.constant 0 : i32
    %dma_start3A_1038 = tpu.memref_slice %arg5[%dma_start3A_1033, %add3A_1032, %dma_start3A_1037] : memref<19x10000x128xf32, #tpu.memory_space<hbm>> -> memref<1x104x128xf32, #tpu.memory_space<hbm>>
    %dma_start3A_1039 = tpu.memref_squeeze %dma_start3A_1038 : memref<1x104x128xf32, #tpu.memory_space<hbm>> -> memref<104x128xf32, #tpu.memory_space<hbm>>
    tpu.enqueue_dma source(%arg15 : memref<104x128xf32, #tpu.memory_space<vmem>>) target(%dma_start3A_1039 : memref<104x128xf32, #tpu.memory_space<hbm>>) target_semaphore(%arg26 : memref<!tpu.dma_semaphore, #tpu.memory_space<semaphore_mem>>)
    %add3A_1040 = arith.constant 104 : i32
    %add3A_1041 = arith.addi %mul3A_27, %add3A_1040 : i32
    %dma_wait3A_1042 = arith.constant 9 : i32
    %dma_wait3A_1043 = arith.constant 0 : i32
    %dma_wait3A_1044 = tpu.memref_slice %arg5[%dma_wait3A_1042, %add3A_1041, %dma_wait3A_1043] : memref<19x10000x128xf32, #tpu.memory_space<hbm>> -> memref<1x104x128xf32, #tpu.memory_space<hbm>>
    %dma_wait3A_1045 = tpu.memref_squeeze %dma_wait3A_1044 : memref<1x104x128xf32, #tpu.memory_space<hbm>> -> memref<104x128xf32, #tpu.memory_space<hbm>>
    %dma_wait3A_1046 = arith.constant 0 : i32
    %dma_wait3A_1047 = tpu.memref_slice %arg5[%dma_wait3A_1042, %add3A_1041, %dma_wait3A_1046] : memref<19x10000x128xf32, #tpu.memory_space<hbm>> -> memref<1x104x128xf32, #tpu.memory_space<hbm>>
    %dma_wait3A_1048 = tpu.memref_squeeze %dma_wait3A_1047 : memref<1x104x128xf32, #tpu.memory_space<hbm>> -> memref<104x128xf32, #tpu.memory_space<hbm>>
    tpu.wait_dma2 semaphore(%arg25 : memref<!tpu.dma_semaphore, #tpu.memory_space<semaphore_mem>>) src(%arg14 : memref<104x128xf32, #tpu.memory_space<vmem>>) dst(%dma_wait3A_1048 : memref<104x128xf32, #tpu.memory_space<hbm>>)
    %dma_start3A_1049 = arith.constant 12 : i32
    %dma_start3A_1050 = arith.constant 0 : i32
    %dma_start3A_1051 = arith.constant 0 : i32
    %dma_start3A_1052 = tpu.memref_slice %arg6[%dma_start3A_1049, %dma_start3A_1050, %dma_start3A_1051] : memref<19x96x128xf32, #tpu.memory_space<vmem_shared>> -> memref<1x96x128xf32, #tpu.memory_space<vmem_shared>>
    %dma_start3A_1053 = tpu.memref_squeeze %dma_start3A_1052 : memref<1x96x128xf32, #tpu.memory_space<vmem_shared>> -> memref<96x128xf32, #tpu.memory_space<vmem_shared>>
    %dma_start3A_1054 = arith.constant 0 : i32
    %dma_start3A_1055 = arith.constant 0 : i32
    %dma_start3A_1056 = tpu.memref_slice %dma_start3A_1053[%dma_start3A_1054, %dma_start3A_1055] : memref<96x128xf32, #tpu.memory_space<vmem_shared>> -> memref<96x128xf32, #tpu.memory_space<vmem_shared>>
    tpu.enqueue_indirect_dma source(%dma_start3A_1056 : memref<96x128xf32, #tpu.memory_space<vmem_shared>>) target(%arg14 : memref<104x128xf32, #tpu.memory_space<vmem>>) offsets(%arg12 : memref<104xi32, #tpu.memory_space<vmem>>) semaphore(%arg22 : memref<!tpu.dma_semaphore, #tpu.memory_space<semaphore_mem>>)
    %dma_wait3A_1057 = arith.constant 11 : i32
    %dma_wait3A_1058 = arith.constant 0 : i32
    %dma_wait3A_1059 = arith.constant 0 : i32
    %dma_wait3A_1060 = tpu.memref_slice %arg6[%dma_wait3A_1057, %dma_wait3A_1058, %dma_wait3A_1059] : memref<19x96x128xf32, #tpu.memory_space<vmem_shared>> -> memref<1x96x128xf32, #tpu.memory_space<vmem_shared>>
    %dma_wait3A_1061 = tpu.memref_squeeze %dma_wait3A_1060 : memref<1x96x128xf32, #tpu.memory_space<vmem_shared>> -> memref<96x128xf32, #tpu.memory_space<vmem_shared>>
    %dma_wait3A_1062 = arith.constant 0 : i32
    %dma_wait3A_1063 = arith.constant 0 : i32
    %dma_wait3A_1064 = tpu.memref_slice %dma_wait3A_1061[%dma_wait3A_1062, %dma_wait3A_1063] : memref<96x128xf32, #tpu.memory_space<vmem_shared>> -> memref<96x128xf32, #tpu.memory_space<vmem_shared>>
    tpu.wait_indirect_dma semaphore(%arg21 : memref<!tpu.dma_semaphore, #tpu.memory_space<semaphore_mem>>) src(%dma_wait3A_1064 : memref<96x128xf32, #tpu.memory_space<vmem_shared>>) dst(%arg13 : memref<104x128xf32, #tpu.memory_space<vmem>>)
    %add3A_1065 = arith.constant 104 : i32
    %add3A_1066 = arith.addi %mul3A_27, %add3A_1065 : i32
    %dma_start3A_1067 = arith.constant 11 : i32
    %dma_start3A_1068 = arith.constant 0 : i32
    %dma_start3A_1069 = tpu.memref_slice %arg5[%dma_start3A_1067, %add3A_1066, %dma_start3A_1068] : memref<19x10000x128xf32, #tpu.memory_space<hbm>> -> memref<1x104x128xf32, #tpu.memory_space<hbm>>
    %dma_start3A_1070 = tpu.memref_squeeze %dma_start3A_1069 : memref<1x104x128xf32, #tpu.memory_space<hbm>> -> memref<104x128xf32, #tpu.memory_space<hbm>>
    %dma_start3A_1071 = arith.constant 0 : i32
    %dma_start3A_1072 = tpu.memref_slice %arg5[%dma_start3A_1067, %add3A_1066, %dma_start3A_1071] : memref<19x10000x128xf32, #tpu.memory_space<hbm>> -> memref<1x104x128xf32, #tpu.memory_space<hbm>>
    %dma_start3A_1073 = tpu.memref_squeeze %dma_start3A_1072 : memref<1x104x128xf32, #tpu.memory_space<hbm>> -> memref<104x128xf32, #tpu.memory_space<hbm>>
    tpu.enqueue_dma source(%arg13 : memref<104x128xf32, #tpu.memory_space<vmem>>) target(%dma_start3A_1073 : memref<104x128xf32, #tpu.memory_space<hbm>>) target_semaphore(%arg24 : memref<!tpu.dma_semaphore, #tpu.memory_space<semaphore_mem>>)
    %add3A_1074 = arith.constant 104 : i32
    %add3A_1075 = arith.addi %mul3A_27, %add3A_1074 : i32
    %dma_wait3A_1076 = arith.constant 10 : i32
    %dma_wait3A_1077 = arith.constant 0 : i32
    %dma_wait3A_1078 = tpu.memref_slice %arg5[%dma_wait3A_1076, %add3A_1075, %dma_wait3A_1077] : memref<19x10000x128xf32, #tpu.memory_space<hbm>> -> memref<1x104x128xf32, #tpu.memory_space<hbm>>
    %dma_wait3A_1079 = tpu.memref_squeeze %dma_wait3A_1078 : memref<1x104x128xf32, #tpu.memory_space<hbm>> -> memref<104x128xf32, #tpu.memory_space<hbm>>
    %dma_wait3A_1080 = arith.constant 0 : i32
    %dma_wait3A_1081 = tpu.memref_slice %arg5[%dma_wait3A_1076, %add3A_1075, %dma_wait3A_1080] : memref<19x10000x128xf32, #tpu.memory_space<hbm>> -> memref<1x104x128xf32, #tpu.memory_space<hbm>>
    %dma_wait3A_1082 = tpu.memref_squeeze %dma_wait3A_1081 : memref<1x104x128xf32, #tpu.memory_space<hbm>> -> memref<104x128xf32, #tpu.memory_space<hbm>>
    tpu.wait_dma2 semaphore(%arg26 : memref<!tpu.dma_semaphore, #tpu.memory_space<semaphore_mem>>) src(%arg15 : memref<104x128xf32, #tpu.memory_space<vmem>>) dst(%dma_wait3A_1082 : memref<104x128xf32, #tpu.memory_space<hbm>>)
    %dma_start3A_1083 = arith.constant 13 : i32
    %dma_start3A_1084 = arith.constant 0 : i32
    %dma_start3A_1085 = arith.constant 0 : i32
    %dma_start3A_1086 = tpu.memref_slice %arg6[%dma_start3A_1083, %dma_start3A_1084, %dma_start3A_1085] : memref<19x96x128xf32, #tpu.memory_space<vmem_shared>> -> memref<1x96x128xf32, #tpu.memory_space<vmem_shared>>
    %dma_start3A_1087 = tpu.memref_squeeze %dma_start3A_1086 : memref<1x96x128xf32, #tpu.memory_space<vmem_shared>> -> memref<96x128xf32, #tpu.memory_space<vmem_shared>>
    %dma_start3A_1088 = arith.constant 0 : i32
    %dma_start3A_1089 = arith.constant 0 : i32
    %dma_start3A_1090 = tpu.memref_slice %dma_start3A_1087[%dma_start3A_1088, %dma_start3A_1089] : memref<96x128xf32, #tpu.memory_space<vmem_shared>> -> memref<96x128xf32, #tpu.memory_space<vmem_shared>>
    tpu.enqueue_indirect_dma source(%dma_start3A_1090 : memref<96x128xf32, #tpu.memory_space<vmem_shared>>) target(%arg15 : memref<104x128xf32, #tpu.memory_space<vmem>>) offsets(%arg12 : memref<104xi32, #tpu.memory_space<vmem>>) semaphore(%arg23 : memref<!tpu.dma_semaphore, #tpu.memory_space<semaphore_mem>>)
    %dma_wait3A_1091 = arith.constant 12 : i32
    %dma_wait3A_1092 = arith.constant 0 : i32
    %dma_wait3A_1093 = arith.constant 0 : i32
    %dma_wait3A_1094 = tpu.memref_slice %arg6[%dma_wait3A_1091, %dma_wait3A_1092, %dma_wait3A_1093] : memref<19x96x128xf32, #tpu.memory_space<vmem_shared>> -> memref<1x96x128xf32, #tpu.memory_space<vmem_shared>>
    %dma_wait3A_1095 = tpu.memref_squeeze %dma_wait3A_1094 : memref<1x96x128xf32, #tpu.memory_space<vmem_shared>> -> memref<96x128xf32, #tpu.memory_space<vmem_shared>>
    %dma_wait3A_1096 = arith.constant 0 : i32
    %dma_wait3A_1097 = arith.constant 0 : i32
    %dma_wait3A_1098 = tpu.memref_slice %dma_wait3A_1095[%dma_wait3A_1096, %dma_wait3A_1097] : memref<96x128xf32, #tpu.memory_space<vmem_shared>> -> memref<96x128xf32, #tpu.memory_space<vmem_shared>>
    tpu.wait_indirect_dma semaphore(%arg22 : memref<!tpu.dma_semaphore, #tpu.memory_space<semaphore_mem>>) src(%dma_wait3A_1098 : memref<96x128xf32, #tpu.memory_space<vmem_shared>>) dst(%arg14 : memref<104x128xf32, #tpu.memory_space<vmem>>)
    %add3A_1099 = arith.constant 104 : i32
    %add3A_1100 = arith.addi %mul3A_27, %add3A_1099 : i32
    %dma_start3A_1101 = arith.constant 12 : i32
    %dma_start3A_1102 = arith.constant 0 : i32
    %dma_start3A_1103 = tpu.memref_slice %arg5[%dma_start3A_1101, %add3A_1100, %dma_start3A_1102] : memref<19x10000x128xf32, #tpu.memory_space<hbm>> -> memref<1x104x128xf32, #tpu.memory_space<hbm>>
    %dma_start3A_1104 = tpu.memref_squeeze %dma_start3A_1103 : memref<1x104x128xf32, #tpu.memory_space<hbm>> -> memref<104x128xf32, #tpu.memory_space<hbm>>
    %dma_start3A_1105 = arith.constant 0 : i32
    %dma_start3A_1106 = tpu.memref_slice %arg5[%dma_start3A_1101, %add3A_1100, %dma_start3A_1105] : memref<19x10000x128xf32, #tpu.memory_space<hbm>> -> memref<1x104x128xf32, #tpu.memory_space<hbm>>
    %dma_start3A_1107 = tpu.memref_squeeze %dma_start3A_1106 : memref<1x104x128xf32, #tpu.memory_space<hbm>> -> memref<104x128xf32, #tpu.memory_space<hbm>>
    tpu.enqueue_dma source(%arg14 : memref<104x128xf32, #tpu.memory_space<vmem>>) target(%dma_start3A_1107 : memref<104x128xf32, #tpu.memory_space<hbm>>) target_semaphore(%arg25 : memref<!tpu.dma_semaphore, #tpu.memory_space<semaphore_mem>>)
    %add3A_1108 = arith.constant 104 : i32
    %add3A_1109 = arith.addi %mul3A_27, %add3A_1108 : i32
    %dma_wait3A_1110 = arith.constant 11 : i32
    %dma_wait3A_1111 = arith.constant 0 : i32
    %dma_wait3A_1112 = tpu.memref_slice %arg5[%dma_wait3A_1110, %add3A_1109, %dma_wait3A_1111] : memref<19x10000x128xf32, #tpu.memory_space<hbm>> -> memref<1x104x128xf32, #tpu.memory_space<hbm>>
    %dma_wait3A_1113 = tpu.memref_squeeze %dma_wait3A_1112 : memref<1x104x128xf32, #tpu.memory_space<hbm>> -> memref<104x128xf32, #tpu.memory_space<hbm>>
    %dma_wait3A_1114 = arith.constant 0 : i32
    %dma_wait3A_1115 = tpu.memref_slice %arg5[%dma_wait3A_1110, %add3A_1109, %dma_wait3A_1114] : memref<19x10000x128xf32, #tpu.memory_space<hbm>> -> memref<1x104x128xf32, #tpu.memory_space<hbm>>
    %dma_wait3A_1116 = tpu.memref_squeeze %dma_wait3A_1115 : memref<1x104x128xf32, #tpu.memory_space<hbm>> -> memref<104x128xf32, #tpu.memory_space<hbm>>
    tpu.wait_dma2 semaphore(%arg24 : memref<!tpu.dma_semaphore, #tpu.memory_space<semaphore_mem>>) src(%arg13 : memref<104x128xf32, #tpu.memory_space<vmem>>) dst(%dma_wait3A_1116 : memref<104x128xf32, #tpu.memory_space<hbm>>)
    %dma_start3A_1117 = arith.constant 14 : i32
    %dma_start3A_1118 = arith.constant 0 : i32
    %dma_start3A_1119 = arith.constant 0 : i32
    %dma_start3A_1120 = tpu.memref_slice %arg6[%dma_start3A_1117, %dma_start3A_1118, %dma_start3A_1119] : memref<19x96x128xf32, #tpu.memory_space<vmem_shared>> -> memref<1x96x128xf32, #tpu.memory_space<vmem_shared>>
    %dma_start3A_1121 = tpu.memref_squeeze %dma_start3A_1120 : memref<1x96x128xf32, #tpu.memory_space<vmem_shared>> -> memref<96x128xf32, #tpu.memory_space<vmem_shared>>
    %dma_start3A_1122 = arith.constant 0 : i32
    %dma_start3A_1123 = arith.constant 0 : i32
    %dma_start3A_1124 = tpu.memref_slice %dma_start3A_1121[%dma_start3A_1122, %dma_start3A_1123] : memref<96x128xf32, #tpu.memory_space<vmem_shared>> -> memref<96x128xf32, #tpu.memory_space<vmem_shared>>
    tpu.enqueue_indirect_dma source(%dma_start3A_1124 : memref<96x128xf32, #tpu.memory_space<vmem_shared>>) target(%arg13 : memref<104x128xf32, #tpu.memory_space<vmem>>) offsets(%arg12 : memref<104xi32, #tpu.memory_space<vmem>>) semaphore(%arg21 : memref<!tpu.dma_semaphore, #tpu.memory_space<semaphore_mem>>)
    %dma_wait3A_1125 = arith.constant 13 : i32
    %dma_wait3A_1126 = arith.constant 0 : i32
    %dma_wait3A_1127 = arith.constant 0 : i32
    %dma_wait3A_1128 = tpu.memref_slice %arg6[%dma_wait3A_1125, %dma_wait3A_1126, %dma_wait3A_1127] : memref<19x96x128xf32, #tpu.memory_space<vmem_shared>> -> memref<1x96x128xf32, #tpu.memory_space<vmem_shared>>
    %dma_wait3A_1129 = tpu.memref_squeeze %dma_wait3A_1128 : memref<1x96x128xf32, #tpu.memory_space<vmem_shared>> -> memref<96x128xf32, #tpu.memory_space<vmem_shared>>
    %dma_wait3A_1130 = arith.constant 0 : i32
    %dma_wait3A_1131 = arith.constant 0 : i32
    %dma_wait3A_1132 = tpu.memref_slice %dma_wait3A_1129[%dma_wait3A_1130, %dma_wait3A_1131] : memref<96x128xf32, #tpu.memory_space<vmem_shared>> -> memref<96x128xf32, #tpu.memory_space<vmem_shared>>
    tpu.wait_indirect_dma semaphore(%arg23 : memref<!tpu.dma_semaphore, #tpu.memory_space<semaphore_mem>>) src(%dma_wait3A_1132 : memref<96x128xf32, #tpu.memory_space<vmem_shared>>) dst(%arg15 : memref<104x128xf32, #tpu.memory_space<vmem>>)
    %add3A_1133 = arith.constant 104 : i32
    %add3A_1134 = arith.addi %mul3A_27, %add3A_1133 : i32
    %dma_start3A_1135 = arith.constant 13 : i32
    %dma_start3A_1136 = arith.constant 0 : i32
    %dma_start3A_1137 = tpu.memref_slice %arg5[%dma_start3A_1135, %add3A_1134, %dma_start3A_1136] : memref<19x10000x128xf32, #tpu.memory_space<hbm>> -> memref<1x104x128xf32, #tpu.memory_space<hbm>>
    %dma_start3A_1138 = tpu.memref_squeeze %dma_start3A_1137 : memref<1x104x128xf32, #tpu.memory_space<hbm>> -> memref<104x128xf32, #tpu.memory_space<hbm>>
    %dma_start3A_1139 = arith.constant 0 : i32
    %dma_start3A_1140 = tpu.memref_slice %arg5[%dma_start3A_1135, %add3A_1134, %dma_start3A_1139] : memref<19x10000x128xf32, #tpu.memory_space<hbm>> -> memref<1x104x128xf32, #tpu.memory_space<hbm>>
    %dma_start3A_1141 = tpu.memref_squeeze %dma_start3A_1140 : memref<1x104x128xf32, #tpu.memory_space<hbm>> -> memref<104x128xf32, #tpu.memory_space<hbm>>
    tpu.enqueue_dma source(%arg15 : memref<104x128xf32, #tpu.memory_space<vmem>>) target(%dma_start3A_1141 : memref<104x128xf32, #tpu.memory_space<hbm>>) target_semaphore(%arg26 : memref<!tpu.dma_semaphore, #tpu.memory_space<semaphore_mem>>)
    %add3A_1142 = arith.constant 104 : i32
    %add3A_1143 = arith.addi %mul3A_27, %add3A_1142 : i32
    %dma_wait3A_1144 = arith.constant 12 : i32
    %dma_wait3A_1145 = arith.constant 0 : i32
    %dma_wait3A_1146 = tpu.memref_slice %arg5[%dma_wait3A_1144, %add3A_1143, %dma_wait3A_1145] : memref<19x10000x128xf32, #tpu.memory_space<hbm>> -> memref<1x104x128xf32, #tpu.memory_space<hbm>>
    %dma_wait3A_1147 = tpu.memref_squeeze %dma_wait3A_1146 : memref<1x104x128xf32, #tpu.memory_space<hbm>> -> memref<104x128xf32, #tpu.memory_space<hbm>>
    %dma_wait3A_1148 = arith.constant 0 : i32
    %dma_wait3A_1149 = tpu.memref_slice %arg5[%dma_wait3A_1144, %add3A_1143, %dma_wait3A_1148] : memref<19x10000x128xf32, #tpu.memory_space<hbm>> -> memref<1x104x128xf32, #tpu.memory_space<hbm>>
    %dma_wait3A_1150 = tpu.memref_squeeze %dma_wait3A_1149 : memref<1x104x128xf32, #tpu.memory_space<hbm>> -> memref<104x128xf32, #tpu.memory_space<hbm>>
    tpu.wait_dma2 semaphore(%arg25 : memref<!tpu.dma_semaphore, #tpu.memory_space<semaphore_mem>>) src(%arg14 : memref<104x128xf32, #tpu.memory_space<vmem>>) dst(%dma_wait3A_1150 : memref<104x128xf32, #tpu.memory_space<hbm>>)
    %dma_start3A_1151 = arith.constant 15 : i32
    %dma_start3A_1152 = arith.constant 0 : i32
    %dma_start3A_1153 = arith.constant 0 : i32
    %dma_start3A_1154 = tpu.memref_slice %arg6[%dma_start3A_1151, %dma_start3A_1152, %dma_start3A_1153] : memref<19x96x128xf32, #tpu.memory_space<vmem_shared>> -> memref<1x96x128xf32, #tpu.memory_space<vmem_shared>>
    %dma_start3A_1155 = tpu.memref_squeeze %dma_start3A_1154 : memref<1x96x128xf32, #tpu.memory_space<vmem_shared>> -> memref<96x128xf32, #tpu.memory_space<vmem_shared>>
    %dma_start3A_1156 = arith.constant 0 : i32
    %dma_start3A_1157 = arith.constant 0 : i32
    %dma_start3A_1158 = tpu.memref_slice %dma_start3A_1155[%dma_start3A_1156, %dma_start3A_1157] : memref<96x128xf32, #tpu.memory_space<vmem_shared>> -> memref<96x128xf32, #tpu.memory_space<vmem_shared>>
    tpu.enqueue_indirect_dma source(%dma_start3A_1158 : memref<96x128xf32, #tpu.memory_space<vmem_shared>>) target(%arg14 : memref<104x128xf32, #tpu.memory_space<vmem>>) offsets(%arg12 : memref<104xi32, #tpu.memory_space<vmem>>) semaphore(%arg22 : memref<!tpu.dma_semaphore, #tpu.memory_space<semaphore_mem>>)
    %dma_wait3A_1159 = arith.constant 14 : i32
    %dma_wait3A_1160 = arith.constant 0 : i32
    %dma_wait3A_1161 = arith.constant 0 : i32
    %dma_wait3A_1162 = tpu.memref_slice %arg6[%dma_wait3A_1159, %dma_wait3A_1160, %dma_wait3A_1161] : memref<19x96x128xf32, #tpu.memory_space<vmem_shared>> -> memref<1x96x128xf32, #tpu.memory_space<vmem_shared>>
    %dma_wait3A_1163 = tpu.memref_squeeze %dma_wait3A_1162 : memref<1x96x128xf32, #tpu.memory_space<vmem_shared>> -> memref<96x128xf32, #tpu.memory_space<vmem_shared>>
    %dma_wait3A_1164 = arith.constant 0 : i32
    %dma_wait3A_1165 = arith.constant 0 : i32
    %dma_wait3A_1166 = tpu.memref_slice %dma_wait3A_1163[%dma_wait3A_1164, %dma_wait3A_1165] : memref<96x128xf32, #tpu.memory_space<vmem_shared>> -> memref<96x128xf32, #tpu.memory_space<vmem_shared>>
    tpu.wait_indirect_dma semaphore(%arg21 : memref<!tpu.dma_semaphore, #tpu.memory_space<semaphore_mem>>) src(%dma_wait3A_1166 : memref<96x128xf32, #tpu.memory_space<vmem_shared>>) dst(%arg13 : memref<104x128xf32, #tpu.memory_space<vmem>>)
    %add3A_1167 = arith.constant 104 : i32
    %add3A_1168 = arith.addi %mul3A_27, %add3A_1167 : i32
    %dma_start3A_1169 = arith.constant 14 : i32
    %dma_start3A_1170 = arith.constant 0 : i32
    %dma_start3A_1171 = tpu.memref_slice %arg5[%dma_start3A_1169, %add3A_1168, %dma_start3A_1170] : memref<19x10000x128xf32, #tpu.memory_space<hbm>> -> memref<1x104x128xf32, #tpu.memory_space<hbm>>
    %dma_start3A_1172 = tpu.memref_squeeze %dma_start3A_1171 : memref<1x104x128xf32, #tpu.memory_space<hbm>> -> memref<104x128xf32, #tpu.memory_space<hbm>>
    %dma_start3A_1173 = arith.constant 0 : i32
    %dma_start3A_1174 = tpu.memref_slice %arg5[%dma_start3A_1169, %add3A_1168, %dma_start3A_1173] : memref<19x10000x128xf32, #tpu.memory_space<hbm>> -> memref<1x104x128xf32, #tpu.memory_space<hbm>>
    %dma_start3A_1175 = tpu.memref_squeeze %dma_start3A_1174 : memref<1x104x128xf32, #tpu.memory_space<hbm>> -> memref<104x128xf32, #tpu.memory_space<hbm>>
    tpu.enqueue_dma source(%arg13 : memref<104x128xf32, #tpu.memory_space<vmem>>) target(%dma_start3A_1175 : memref<104x128xf32, #tpu.memory_space<hbm>>) target_semaphore(%arg24 : memref<!tpu.dma_semaphore, #tpu.memory_space<semaphore_mem>>)
    %add3A_1176 = arith.constant 104 : i32
    %add3A_1177 = arith.addi %mul3A_27, %add3A_1176 : i32
    %dma_wait3A_1178 = arith.constant 13 : i32
    %dma_wait3A_1179 = arith.constant 0 : i32
    %dma_wait3A_1180 = tpu.memref_slice %arg5[%dma_wait3A_1178, %add3A_1177, %dma_wait3A_1179] : memref<19x10000x128xf32, #tpu.memory_space<hbm>> -> memref<1x104x128xf32, #tpu.memory_space<hbm>>
    %dma_wait3A_1181 = tpu.memref_squeeze %dma_wait3A_1180 : memref<1x104x128xf32, #tpu.memory_space<hbm>> -> memref<104x128xf32, #tpu.memory_space<hbm>>
    %dma_wait3A_1182 = arith.constant 0 : i32
    %dma_wait3A_1183 = tpu.memref_slice %arg5[%dma_wait3A_1178, %add3A_1177, %dma_wait3A_1182] : memref<19x10000x128xf32, #tpu.memory_space<hbm>> -> memref<1x104x128xf32, #tpu.memory_space<hbm>>
    %dma_wait3A_1184 = tpu.memref_squeeze %dma_wait3A_1183 : memref<1x104x128xf32, #tpu.memory_space<hbm>> -> memref<104x128xf32, #tpu.memory_space<hbm>>
    tpu.wait_dma2 semaphore(%arg26 : memref<!tpu.dma_semaphore, #tpu.memory_space<semaphore_mem>>) src(%arg15 : memref<104x128xf32, #tpu.memory_space<vmem>>) dst(%dma_wait3A_1184 : memref<104x128xf32, #tpu.memory_space<hbm>>)
    %dma_start3A_1185 = arith.constant 16 : i32
    %dma_start3A_1186 = arith.constant 0 : i32
    %dma_start3A_1187 = arith.constant 0 : i32
    %dma_start3A_1188 = tpu.memref_slice %arg6[%dma_start3A_1185, %dma_start3A_1186, %dma_start3A_1187] : memref<19x96x128xf32, #tpu.memory_space<vmem_shared>> -> memref<1x96x128xf32, #tpu.memory_space<vmem_shared>>
    %dma_start3A_1189 = tpu.memref_squeeze %dma_start3A_1188 : memref<1x96x128xf32, #tpu.memory_space<vmem_shared>> -> memref<96x128xf32, #tpu.memory_space<vmem_shared>>
    %dma_start3A_1190 = arith.constant 0 : i32
    %dma_start3A_1191 = arith.constant 0 : i32
    %dma_start3A_1192 = tpu.memref_slice %dma_start3A_1189[%dma_start3A_1190, %dma_start3A_1191] : memref<96x128xf32, #tpu.memory_space<vmem_shared>> -> memref<96x128xf32, #tpu.memory_space<vmem_shared>>
    tpu.enqueue_indirect_dma source(%dma_start3A_1192 : memref<96x128xf32, #tpu.memory_space<vmem_shared>>) target(%arg15 : memref<104x128xf32, #tpu.memory_space<vmem>>) offsets(%arg12 : memref<104xi32, #tpu.memory_space<vmem>>) semaphore(%arg23 : memref<!tpu.dma_semaphore, #tpu.memory_space<semaphore_mem>>)
    %dma_wait3A_1193 = arith.constant 15 : i32
    %dma_wait3A_1194 = arith.constant 0 : i32
    %dma_wait3A_1195 = arith.constant 0 : i32
    %dma_wait3A_1196 = tpu.memref_slice %arg6[%dma_wait3A_1193, %dma_wait3A_1194, %dma_wait3A_1195] : memref<19x96x128xf32, #tpu.memory_space<vmem_shared>> -> memref<1x96x128xf32, #tpu.memory_space<vmem_shared>>
    %dma_wait3A_1197 = tpu.memref_squeeze %dma_wait3A_1196 : memref<1x96x128xf32, #tpu.memory_space<vmem_shared>> -> memref<96x128xf32, #tpu.memory_space<vmem_shared>>
    %dma_wait3A_1198 = arith.constant 0 : i32
    %dma_wait3A_1199 = arith.constant 0 : i32
    %dma_wait3A_1200 = tpu.memref_slice %dma_wait3A_1197[%dma_wait3A_1198, %dma_wait3A_1199] : memref<96x128xf32, #tpu.memory_space<vmem_shared>> -> memref<96x128xf32, #tpu.memory_space<vmem_shared>>
    tpu.wait_indirect_dma semaphore(%arg22 : memref<!tpu.dma_semaphore, #tpu.memory_space<semaphore_mem>>) src(%dma_wait3A_1200 : memref<96x128xf32, #tpu.memory_space<vmem_shared>>) dst(%arg14 : memref<104x128xf32, #tpu.memory_space<vmem>>)
    %add3A_1201 = arith.constant 104 : i32
    %add3A_1202 = arith.addi %mul3A_27, %add3A_1201 : i32
    %dma_start3A_1203 = arith.constant 15 : i32
    %dma_start3A_1204 = arith.constant 0 : i32
    %dma_start3A_1205 = tpu.memref_slice %arg5[%dma_start3A_1203, %add3A_1202, %dma_start3A_1204] : memref<19x10000x128xf32, #tpu.memory_space<hbm>> -> memref<1x104x128xf32, #tpu.memory_space<hbm>>
    %dma_start3A_1206 = tpu.memref_squeeze %dma_start3A_1205 : memref<1x104x128xf32, #tpu.memory_space<hbm>> -> memref<104x128xf32, #tpu.memory_space<hbm>>
    %dma_start3A_1207 = arith.constant 0 : i32
    %dma_start3A_1208 = tpu.memref_slice %arg5[%dma_start3A_1203, %add3A_1202, %dma_start3A_1207] : memref<19x10000x128xf32, #tpu.memory_space<hbm>> -> memref<1x104x128xf32, #tpu.memory_space<hbm>>
    %dma_start3A_1209 = tpu.memref_squeeze %dma_start3A_1208 : memref<1x104x128xf32, #tpu.memory_space<hbm>> -> memref<104x128xf32, #tpu.memory_space<hbm>>
    tpu.enqueue_dma source(%arg14 : memref<104x128xf32, #tpu.memory_space<vmem>>) target(%dma_start3A_1209 : memref<104x128xf32, #tpu.memory_space<hbm>>) target_semaphore(%arg25 : memref<!tpu.dma_semaphore, #tpu.memory_space<semaphore_mem>>)
    %add3A_1210 = arith.constant 104 : i32
    %add3A_1211 = arith.addi %mul3A_27, %add3A_1210 : i32
    %dma_wait3A_1212 = arith.constant 14 : i32
    %dma_wait3A_1213 = arith.constant 0 : i32
    %dma_wait3A_1214 = tpu.memref_slice %arg5[%dma_wait3A_1212, %add3A_1211, %dma_wait3A_1213] : memref<19x10000x128xf32, #tpu.memory_space<hbm>> -> memref<1x104x128xf32, #tpu.memory_space<hbm>>
    %dma_wait3A_1215 = tpu.memref_squeeze %dma_wait3A_1214 : memref<1x104x128xf32, #tpu.memory_space<hbm>> -> memref<104x128xf32, #tpu.memory_space<hbm>>
    %dma_wait3A_1216 = arith.constant 0 : i32
    %dma_wait3A_1217 = tpu.memref_slice %arg5[%dma_wait3A_1212, %add3A_1211, %dma_wait3A_1216] : memref<19x10000x128xf32, #tpu.memory_space<hbm>> -> memref<1x104x128xf32, #tpu.memory_space<hbm>>
    %dma_wait3A_1218 = tpu.memref_squeeze %dma_wait3A_1217 : memref<1x104x128xf32, #tpu.memory_space<hbm>> -> memref<104x128xf32, #tpu.memory_space<hbm>>
    tpu.wait_dma2 semaphore(%arg24 : memref<!tpu.dma_semaphore, #tpu.memory_space<semaphore_mem>>) src(%arg13 : memref<104x128xf32, #tpu.memory_space<vmem>>) dst(%dma_wait3A_1218 : memref<104x128xf32, #tpu.memory_space<hbm>>)
    %dma_start3A_1219 = arith.constant 17 : i32
    %dma_start3A_1220 = arith.constant 0 : i32
    %dma_start3A_1221 = arith.constant 0 : i32
    %dma_start3A_1222 = tpu.memref_slice %arg6[%dma_start3A_1219, %dma_start3A_1220, %dma_start3A_1221] : memref<19x96x128xf32, #tpu.memory_space<vmem_shared>> -> memref<1x96x128xf32, #tpu.memory_space<vmem_shared>>
    %dma_start3A_1223 = tpu.memref_squeeze %dma_start3A_1222 : memref<1x96x128xf32, #tpu.memory_space<vmem_shared>> -> memref<96x128xf32, #tpu.memory_space<vmem_shared>>
    %dma_start3A_1224 = arith.constant 0 : i32
    %dma_start3A_1225 = arith.constant 0 : i32
    %dma_start3A_1226 = tpu.memref_slice %dma_start3A_1223[%dma_start3A_1224, %dma_start3A_1225] : memref<96x128xf32, #tpu.memory_space<vmem_shared>> -> memref<96x128xf32, #tpu.memory_space<vmem_shared>>
    tpu.enqueue_indirect_dma source(%dma_start3A_1226 : memref<96x128xf32, #tpu.memory_space<vmem_shared>>) target(%arg13 : memref<104x128xf32, #tpu.memory_space<vmem>>) offsets(%arg12 : memref<104xi32, #tpu.memory_space<vmem>>) semaphore(%arg21 : memref<!tpu.dma_semaphore, #tpu.memory_space<semaphore_mem>>)
    %dma_wait3A_1227 = arith.constant 16 : i32
    %dma_wait3A_1228 = arith.constant 0 : i32
    %dma_wait3A_1229 = arith.constant 0 : i32
    %dma_wait3A_1230 = tpu.memref_slice %arg6[%dma_wait3A_1227, %dma_wait3A_1228, %dma_wait3A_1229] : memref<19x96x128xf32, #tpu.memory_space<vmem_shared>> -> memref<1x96x128xf32, #tpu.memory_space<vmem_shared>>
    %dma_wait3A_1231 = tpu.memref_squeeze %dma_wait3A_1230 : memref<1x96x128xf32, #tpu.memory_space<vmem_shared>> -> memref<96x128xf32, #tpu.memory_space<vmem_shared>>
    %dma_wait3A_1232 = arith.constant 0 : i32
    %dma_wait3A_1233 = arith.constant 0 : i32
    %dma_wait3A_1234 = tpu.memref_slice %dma_wait3A_1231[%dma_wait3A_1232, %dma_wait3A_1233] : memref<96x128xf32, #tpu.memory_space<vmem_shared>> -> memref<96x128xf32, #tpu.memory_space<vmem_shared>>
    tpu.wait_indirect_dma semaphore(%arg23 : memref<!tpu.dma_semaphore, #tpu.memory_space<semaphore_mem>>) src(%dma_wait3A_1234 : memref<96x128xf32, #tpu.memory_space<vmem_shared>>) dst(%arg15 : memref<104x128xf32, #tpu.memory_space<vmem>>)
    %add3A_1235 = arith.constant 104 : i32
    %add3A_1236 = arith.addi %mul3A_27, %add3A_1235 : i32
    %dma_start3A_1237 = arith.constant 16 : i32
    %dma_start3A_1238 = arith.constant 0 : i32
    %dma_start3A_1239 = tpu.memref_slice %arg5[%dma_start3A_1237, %add3A_1236, %dma_start3A_1238] : memref<19x10000x128xf32, #tpu.memory_space<hbm>> -> memref<1x104x128xf32, #tpu.memory_space<hbm>>
    %dma_start3A_1240 = tpu.memref_squeeze %dma_start3A_1239 : memref<1x104x128xf32, #tpu.memory_space<hbm>> -> memref<104x128xf32, #tpu.memory_space<hbm>>
    %dma_start3A_1241 = arith.constant 0 : i32
    %dma_start3A_1242 = tpu.memref_slice %arg5[%dma_start3A_1237, %add3A_1236, %dma_start3A_1241] : memref<19x10000x128xf32, #tpu.memory_space<hbm>> -> memref<1x104x128xf32, #tpu.memory_space<hbm>>
    %dma_start3A_1243 = tpu.memref_squeeze %dma_start3A_1242 : memref<1x104x128xf32, #tpu.memory_space<hbm>> -> memref<104x128xf32, #tpu.memory_space<hbm>>
    tpu.enqueue_dma source(%arg15 : memref<104x128xf32, #tpu.memory_space<vmem>>) target(%dma_start3A_1243 : memref<104x128xf32, #tpu.memory_space<hbm>>) target_semaphore(%arg26 : memref<!tpu.dma_semaphore, #tpu.memory_space<semaphore_mem>>)
    %add3A_1244 = arith.constant 104 : i32
    %add3A_1245 = arith.addi %mul3A_27, %add3A_1244 : i32
    %dma_wait3A_1246 = arith.constant 15 : i32
    %dma_wait3A_1247 = arith.constant 0 : i32
    %dma_wait3A_1248 = tpu.memref_slice %arg5[%dma_wait3A_1246, %add3A_1245, %dma_wait3A_1247] : memref<19x10000x128xf32, #tpu.memory_space<hbm>> -> memref<1x104x128xf32, #tpu.memory_space<hbm>>
    %dma_wait3A_1249 = tpu.memref_squeeze %dma_wait3A_1248 : memref<1x104x128xf32, #tpu.memory_space<hbm>> -> memref<104x128xf32, #tpu.memory_space<hbm>>
    %dma_wait3A_1250 = arith.constant 0 : i32
    %dma_wait3A_1251 = tpu.memref_slice %arg5[%dma_wait3A_1246, %add3A_1245, %dma_wait3A_1250] : memref<19x10000x128xf32, #tpu.memory_space<hbm>> -> memref<1x104x128xf32, #tpu.memory_space<hbm>>
    %dma_wait3A_1252 = tpu.memref_squeeze %dma_wait3A_1251 : memref<1x104x128xf32, #tpu.memory_space<hbm>> -> memref<104x128xf32, #tpu.memory_space<hbm>>
    tpu.wait_dma2 semaphore(%arg25 : memref<!tpu.dma_semaphore, #tpu.memory_space<semaphore_mem>>) src(%arg14 : memref<104x128xf32, #tpu.memory_space<vmem>>) dst(%dma_wait3A_1252 : memref<104x128xf32, #tpu.memory_space<hbm>>)
    %dma_start3A_1253 = arith.constant 18 : i32
    %dma_start3A_1254 = arith.constant 0 : i32
    %dma_start3A_1255 = arith.constant 0 : i32
    %dma_start3A_1256 = tpu.memref_slice %arg6[%dma_start3A_1253, %dma_start3A_1254, %dma_start3A_1255] : memref<19x96x128xf32, #tpu.memory_space<vmem_shared>> -> memref<1x96x128xf32, #tpu.memory_space<vmem_shared>>
    %dma_start3A_1257 = tpu.memref_squeeze %dma_start3A_1256 : memref<1x96x128xf32, #tpu.memory_space<vmem_shared>> -> memref<96x128xf32, #tpu.memory_space<vmem_shared>>
    %dma_start3A_1258 = arith.constant 0 : i32
    %dma_start3A_1259 = arith.constant 0 : i32
    %dma_start3A_1260 = tpu.memref_slice %dma_start3A_1257[%dma_start3A_1258, %dma_start3A_1259] : memref<96x128xf32, #tpu.memory_space<vmem_shared>> -> memref<96x128xf32, #tpu.memory_space<vmem_shared>>
    tpu.enqueue_indirect_dma source(%dma_start3A_1260 : memref<96x128xf32, #tpu.memory_space<vmem_shared>>) target(%arg14 : memref<104x128xf32, #tpu.memory_space<vmem>>) offsets(%arg12 : memref<104xi32, #tpu.memory_space<vmem>>) semaphore(%arg22 : memref<!tpu.dma_semaphore, #tpu.memory_space<semaphore_mem>>)
    %dma_wait3A_1261 = arith.constant 17 : i32
    %dma_wait3A_1262 = arith.constant 0 : i32
    %dma_wait3A_1263 = arith.constant 0 : i32
    %dma_wait3A_1264 = tpu.memref_slice %arg6[%dma_wait3A_1261, %dma_wait3A_1262, %dma_wait3A_1263] : memref<19x96x128xf32, #tpu.memory_space<vmem_shared>> -> memref<1x96x128xf32, #tpu.memory_space<vmem_shared>>
    %dma_wait3A_1265 = tpu.memref_squeeze %dma_wait3A_1264 : memref<1x96x128xf32, #tpu.memory_space<vmem_shared>> -> memref<96x128xf32, #tpu.memory_space<vmem_shared>>
    %dma_wait3A_1266 = arith.constant 0 : i32
    %dma_wait3A_1267 = arith.constant 0 : i32
    %dma_wait3A_1268 = tpu.memref_slice %dma_wait3A_1265[%dma_wait3A_1266, %dma_wait3A_1267] : memref<96x128xf32, #tpu.memory_space<vmem_shared>> -> memref<96x128xf32, #tpu.memory_space<vmem_shared>>
    tpu.wait_indirect_dma semaphore(%arg21 : memref<!tpu.dma_semaphore, #tpu.memory_space<semaphore_mem>>) src(%dma_wait3A_1268 : memref<96x128xf32, #tpu.memory_space<vmem_shared>>) dst(%arg13 : memref<104x128xf32, #tpu.memory_space<vmem>>)
    %add3A_1269 = arith.constant 104 : i32
    %add3A_1270 = arith.addi %mul3A_27, %add3A_1269 : i32
    %dma_start3A_1271 = arith.constant 17 : i32
    %dma_start3A_1272 = arith.constant 0 : i32
    %dma_start3A_1273 = tpu.memref_slice %arg5[%dma_start3A_1271, %add3A_1270, %dma_start3A_1272] : memref<19x10000x128xf32, #tpu.memory_space<hbm>> -> memref<1x104x128xf32, #tpu.memory_space<hbm>>
    %dma_start3A_1274 = tpu.memref_squeeze %dma_start3A_1273 : memref<1x104x128xf32, #tpu.memory_space<hbm>> -> memref<104x128xf32, #tpu.memory_space<hbm>>
    %dma_start3A_1275 = arith.constant 0 : i32
    %dma_start3A_1276 = tpu.memref_slice %arg5[%dma_start3A_1271, %add3A_1270, %dma_start3A_1275] : memref<19x10000x128xf32, #tpu.memory_space<hbm>> -> memref<1x104x128xf32, #tpu.memory_space<hbm>>
    %dma_start3A_1277 = tpu.memref_squeeze %dma_start3A_1276 : memref<1x104x128xf32, #tpu.memory_space<hbm>> -> memref<104x128xf32, #tpu.memory_space<hbm>>
    tpu.enqueue_dma source(%arg13 : memref<104x128xf32, #tpu.memory_space<vmem>>) target(%dma_start3A_1277 : memref<104x128xf32, #tpu.memory_space<hbm>>) target_semaphore(%arg24 : memref<!tpu.dma_semaphore, #tpu.memory_space<semaphore_mem>>)
    %add3A_1278 = arith.constant 208 : i32
    %add3A_1279 = arith.addi %mul3A_27, %add3A_1278 : i32
    "tpu.region"() ({
      %run_scoped3A = tpu.sem_alloc : memref<!tpu.dma_semaphore, #tpu.memory_space<semaphore_mem>>
      %dma_start3A_1968 = tpu.memref_slice %arg2[%add3A_1279] : memref<10000xi32, #tpu.memory_space<hbm>> -> memref<104xi32, #tpu.memory_space<hbm>>
      %dma_start3A_1969 = tpu.memref_slice %arg2[%add3A_1279] : memref<10000xi32, #tpu.memory_space<hbm>> -> memref<104xi32, #tpu.memory_space<hbm>>
      tpu.enqueue_dma source(%dma_start3A_1969 : memref<104xi32, #tpu.memory_space<hbm>>) target(%arg11 : memref<104xi32, #tpu.memory_space<vmem>>) target_semaphore(%run_scoped3A : memref<!tpu.dma_semaphore, #tpu.memory_space<semaphore_mem>>)
      %dma_wait3A_1970 = tpu.memref_slice %arg2[%add3A_1279] : memref<10000xi32, #tpu.memory_space<hbm>> -> memref<104xi32, #tpu.memory_space<hbm>>
      %dma_wait3A_1971 = tpu.memref_slice %arg2[%add3A_1279] : memref<10000xi32, #tpu.memory_space<hbm>> -> memref<104xi32, #tpu.memory_space<hbm>>
      tpu.wait_dma2 semaphore(%run_scoped3A : memref<!tpu.dma_semaphore, #tpu.memory_space<semaphore_mem>>) src(%dma_wait3A_1971 : memref<104xi32, #tpu.memory_space<hbm>>) dst(%arg11 : memref<104xi32, #tpu.memory_space<vmem>>)
      tpu.yield
    }) : () -> ()
    %add3A_1280 = arith.constant 104 : i32
    %add3A_1281 = arith.addi %mul3A_27, %add3A_1280 : i32
    %dma_wait3A_1282 = arith.constant 16 : i32
    %dma_wait3A_1283 = arith.constant 0 : i32
    %dma_wait3A_1284 = tpu.memref_slice %arg5[%dma_wait3A_1282, %add3A_1281, %dma_wait3A_1283] : memref<19x10000x128xf32, #tpu.memory_space<hbm>> -> memref<1x104x128xf32, #tpu.memory_space<hbm>>
    %dma_wait3A_1285 = tpu.memref_squeeze %dma_wait3A_1284 : memref<1x104x128xf32, #tpu.memory_space<hbm>> -> memref<104x128xf32, #tpu.memory_space<hbm>>
    %dma_wait3A_1286 = arith.constant 0 : i32
    %dma_wait3A_1287 = tpu.memref_slice %arg5[%dma_wait3A_1282, %add3A_1281, %dma_wait3A_1286] : memref<19x10000x128xf32, #tpu.memory_space<hbm>> -> memref<1x104x128xf32, #tpu.memory_space<hbm>>
    %dma_wait3A_1288 = tpu.memref_squeeze %dma_wait3A_1287 : memref<1x104x128xf32, #tpu.memory_space<hbm>> -> memref<104x128xf32, #tpu.memory_space<hbm>>
    tpu.wait_dma2 semaphore(%arg26 : memref<!tpu.dma_semaphore, #tpu.memory_space<semaphore_mem>>) src(%arg15 : memref<104x128xf32, #tpu.memory_space<vmem>>) dst(%dma_wait3A_1288 : memref<104x128xf32, #tpu.memory_space<hbm>>)
    %dma_start3A_1289 = arith.constant 0 : i32
    %dma_start3A_1290 = arith.constant 0 : i32
    %dma_start3A_1291 = arith.constant 0 : i32
    %dma_start3A_1292 = tpu.memref_slice %arg6[%dma_start3A_1289, %dma_start3A_1290, %dma_start3A_1291] : memref<19x96x128xf32, #tpu.memory_space<vmem_shared>> -> memref<1x96x128xf32, #tpu.memory_space<vmem_shared>>
    %dma_start3A_1293 = tpu.memref_squeeze %dma_start3A_1292 : memref<1x96x128xf32, #tpu.memory_space<vmem_shared>> -> memref<96x128xf32, #tpu.memory_space<vmem_shared>>
    %dma_start3A_1294 = arith.constant 0 : i32
    %dma_start3A_1295 = arith.constant 0 : i32
    %dma_start3A_1296 = tpu.memref_slice %dma_start3A_1293[%dma_start3A_1294, %dma_start3A_1295] : memref<96x128xf32, #tpu.memory_space<vmem_shared>> -> memref<96x128xf32, #tpu.memory_space<vmem_shared>>
    tpu.enqueue_indirect_dma source(%dma_start3A_1296 : memref<96x128xf32, #tpu.memory_space<vmem_shared>>) target(%arg15 : memref<104x128xf32, #tpu.memory_space<vmem>>) offsets(%arg11 : memref<104xi32, #tpu.memory_space<vmem>>) semaphore(%arg23 : memref<!tpu.dma_semaphore, #tpu.memory_space<semaphore_mem>>)
    %dma_wait3A_1297 = arith.constant 18 : i32
    %dma_wait3A_1298 = arith.constant 0 : i32
    %dma_wait3A_1299 = arith.constant 0 : i32
    %dma_wait3A_1300 = tpu.memref_slice %arg6[%dma_wait3A_1297, %dma_wait3A_1298, %dma_wait3A_1299] : memref<19x96x128xf32, #tpu.memory_space<vmem_shared>> -> memref<1x96x128xf32, #tpu.memory_space<vmem_shared>>
    %dma_wait3A_1301 = tpu.memref_squeeze %dma_wait3A_1300 : memref<1x96x128xf32, #tpu.memory_space<vmem_shared>> -> memref<96x128xf32, #tpu.memory_space<vmem_shared>>
    %dma_wait3A_1302 = arith.constant 0 : i32
    %dma_wait3A_1303 = arith.constant 0 : i32
    %dma_wait3A_1304 = tpu.memref_slice %dma_wait3A_1301[%dma_wait3A_1302, %dma_wait3A_1303] : memref<96x128xf32, #tpu.memory_space<vmem_shared>> -> memref<96x128xf32, #tpu.memory_space<vmem_shared>>
    tpu.wait_indirect_dma semaphore(%arg22 : memref<!tpu.dma_semaphore, #tpu.memory_space<semaphore_mem>>) src(%dma_wait3A_1304 : memref<96x128xf32, #tpu.memory_space<vmem_shared>>) dst(%arg14 : memref<104x128xf32, #tpu.memory_space<vmem>>)
    %add3A_1305 = arith.constant 104 : i32
    %add3A_1306 = arith.addi %mul3A_27, %add3A_1305 : i32
    %dma_start3A_1307 = arith.constant 18 : i32
    %dma_start3A_1308 = arith.constant 0 : i32
    %dma_start3A_1309 = tpu.memref_slice %arg5[%dma_start3A_1307, %add3A_1306, %dma_start3A_1308] : memref<19x10000x128xf32, #tpu.memory_space<hbm>> -> memref<1x104x128xf32, #tpu.memory_space<hbm>>
    %dma_start3A_1310 = tpu.memref_squeeze %dma_start3A_1309 : memref<1x104x128xf32, #tpu.memory_space<hbm>> -> memref<104x128xf32, #tpu.memory_space<hbm>>
    %dma_start3A_1311 = arith.constant 0 : i32
    %dma_start3A_1312 = tpu.memref_slice %arg5[%dma_start3A_1307, %add3A_1306, %dma_start3A_1311] : memref<19x10000x128xf32, #tpu.memory_space<hbm>> -> memref<1x104x128xf32, #tpu.memory_space<hbm>>
    %dma_start3A_1313 = tpu.memref_squeeze %dma_start3A_1312 : memref<1x104x128xf32, #tpu.memory_space<hbm>> -> memref<104x128xf32, #tpu.memory_space<hbm>>
    tpu.enqueue_dma source(%arg14 : memref<104x128xf32, #tpu.memory_space<vmem>>) target(%dma_start3A_1313 : memref<104x128xf32, #tpu.memory_space<hbm>>) target_semaphore(%arg25 : memref<!tpu.dma_semaphore, #tpu.memory_space<semaphore_mem>>)
    %add3A_1314 = arith.constant 104 : i32
    %add3A_1315 = arith.addi %mul3A_27, %add3A_1314 : i32
    %dma_wait3A_1316 = arith.constant 17 : i32
    %dma_wait3A_1317 = arith.constant 0 : i32
    %dma_wait3A_1318 = tpu.memref_slice %arg5[%dma_wait3A_1316, %add3A_1315, %dma_wait3A_1317] : memref<19x10000x128xf32, #tpu.memory_space<hbm>> -> memref<1x104x128xf32, #tpu.memory_space<hbm>>
    %dma_wait3A_1319 = tpu.memref_squeeze %dma_wait3A_1318 : memref<1x104x128xf32, #tpu.memory_space<hbm>> -> memref<104x128xf32, #tpu.memory_space<hbm>>
    %dma_wait3A_1320 = arith.constant 0 : i32
    %dma_wait3A_1321 = tpu.memref_slice %arg5[%dma_wait3A_1316, %add3A_1315, %dma_wait3A_1320] : memref<19x10000x128xf32, #tpu.memory_space<hbm>> -> memref<1x104x128xf32, #tpu.memory_space<hbm>>
    %dma_wait3A_1322 = tpu.memref_squeeze %dma_wait3A_1321 : memref<1x104x128xf32, #tpu.memory_space<hbm>> -> memref<104x128xf32, #tpu.memory_space<hbm>>
    tpu.wait_dma2 semaphore(%arg24 : memref<!tpu.dma_semaphore, #tpu.memory_space<semaphore_mem>>) src(%arg13 : memref<104x128xf32, #tpu.memory_space<vmem>>) dst(%dma_wait3A_1322 : memref<104x128xf32, #tpu.memory_space<hbm>>)
    %dma_start3A_1323 = arith.constant 1 : i32
    %dma_start3A_1324 = arith.constant 0 : i32
    %dma_start3A_1325 = arith.constant 0 : i32
    %dma_start3A_1326 = tpu.memref_slice %arg6[%dma_start3A_1323, %dma_start3A_1324, %dma_start3A_1325] : memref<19x96x128xf32, #tpu.memory_space<vmem_shared>> -> memref<1x96x128xf32, #tpu.memory_space<vmem_shared>>
    %dma_start3A_1327 = tpu.memref_squeeze %dma_start3A_1326 : memref<1x96x128xf32, #tpu.memory_space<vmem_shared>> -> memref<96x128xf32, #tpu.memory_space<vmem_shared>>
    %dma_start3A_1328 = arith.constant 0 : i32
    %dma_start3A_1329 = arith.constant 0 : i32
    %dma_start3A_1330 = tpu.memref_slice %dma_start3A_1327[%dma_start3A_1328, %dma_start3A_1329] : memref<96x128xf32, #tpu.memory_space<vmem_shared>> -> memref<96x128xf32, #tpu.memory_space<vmem_shared>>
    tpu.enqueue_indirect_dma source(%dma_start3A_1330 : memref<96x128xf32, #tpu.memory_space<vmem_shared>>) target(%arg13 : memref<104x128xf32, #tpu.memory_space<vmem>>) offsets(%arg11 : memref<104xi32, #tpu.memory_space<vmem>>) semaphore(%arg21 : memref<!tpu.dma_semaphore, #tpu.memory_space<semaphore_mem>>)
    %dma_wait3A_1331 = arith.constant 0 : i32
    %dma_wait3A_1332 = arith.constant 0 : i32
    %dma_wait3A_1333 = arith.constant 0 : i32
    %dma_wait3A_1334 = tpu.memref_slice %arg6[%dma_wait3A_1331, %dma_wait3A_1332, %dma_wait3A_1333] : memref<19x96x128xf32, #tpu.memory_space<vmem_shared>> -> memref<1x96x128xf32, #tpu.memory_space<vmem_shared>>
    %dma_wait3A_1335 = tpu.memref_squeeze %dma_wait3A_1334 : memref<1x96x128xf32, #tpu.memory_space<vmem_shared>> -> memref<96x128xf32, #tpu.memory_space<vmem_shared>>
    %dma_wait3A_1336 = arith.constant 0 : i32
    %dma_wait3A_1337 = arith.constant 0 : i32
    %dma_wait3A_1338 = tpu.memref_slice %dma_wait3A_1335[%dma_wait3A_1336, %dma_wait3A_1337] : memref<96x128xf32, #tpu.memory_space<vmem_shared>> -> memref<96x128xf32, #tpu.memory_space<vmem_shared>>
    tpu.wait_indirect_dma semaphore(%arg23 : memref<!tpu.dma_semaphore, #tpu.memory_space<semaphore_mem>>) src(%dma_wait3A_1338 : memref<96x128xf32, #tpu.memory_space<vmem_shared>>) dst(%arg15 : memref<104x128xf32, #tpu.memory_space<vmem>>)
    %add3A_1339 = arith.constant 208 : i32
    %add3A_1340 = arith.addi %mul3A_27, %add3A_1339 : i32
    %dma_start3A_1341 = arith.constant 0 : i32
    %dma_start3A_1342 = arith.constant 0 : i32
    %dma_start3A_1343 = tpu.memref_slice %arg5[%dma_start3A_1341, %add3A_1340, %dma_start3A_1342] : memref<19x10000x128xf32, #tpu.memory_space<hbm>> -> memref<1x104x128xf32, #tpu.memory_space<hbm>>
    %dma_start3A_1344 = tpu.memref_squeeze %dma_start3A_1343 : memref<1x104x128xf32, #tpu.memory_space<hbm>> -> memref<104x128xf32, #tpu.memory_space<hbm>>
    %dma_start3A_1345 = arith.constant 0 : i32
    %dma_start3A_1346 = tpu.memref_slice %arg5[%dma_start3A_1341, %add3A_1340, %dma_start3A_1345] : memref<19x10000x128xf32, #tpu.memory_space<hbm>> -> memref<1x104x128xf32, #tpu.memory_space<hbm>>
    %dma_start3A_1347 = tpu.memref_squeeze %dma_start3A_1346 : memref<1x104x128xf32, #tpu.memory_space<hbm>> -> memref<104x128xf32, #tpu.memory_space<hbm>>
    tpu.enqueue_dma source(%arg15 : memref<104x128xf32, #tpu.memory_space<vmem>>) target(%dma_start3A_1347 : memref<104x128xf32, #tpu.memory_space<hbm>>) target_semaphore(%arg26 : memref<!tpu.dma_semaphore, #tpu.memory_space<semaphore_mem>>)
    %add3A_1348 = arith.constant 104 : i32
    %add3A_1349 = arith.addi %mul3A_27, %add3A_1348 : i32
    %dma_wait3A_1350 = arith.constant 18 : i32
    %dma_wait3A_1351 = arith.constant 0 : i32
    %dma_wait3A_1352 = tpu.memref_slice %arg5[%dma_wait3A_1350, %add3A_1349, %dma_wait3A_1351] : memref<19x10000x128xf32, #tpu.memory_space<hbm>> -> memref<1x104x128xf32, #tpu.memory_space<hbm>>
    %dma_wait3A_1353 = tpu.memref_squeeze %dma_wait3A_1352 : memref<1x104x128xf32, #tpu.memory_space<hbm>> -> memref<104x128xf32, #tpu.memory_space<hbm>>
    %dma_wait3A_1354 = arith.constant 0 : i32
    %dma_wait3A_1355 = tpu.memref_slice %arg5[%dma_wait3A_1350, %add3A_1349, %dma_wait3A_1354] : memref<19x10000x128xf32, #tpu.memory_space<hbm>> -> memref<1x104x128xf32, #tpu.memory_space<hbm>>
    %dma_wait3A_1356 = tpu.memref_squeeze %dma_wait3A_1355 : memref<1x104x128xf32, #tpu.memory_space<hbm>> -> memref<104x128xf32, #tpu.memory_space<hbm>>
    tpu.wait_dma2 semaphore(%arg25 : memref<!tpu.dma_semaphore, #tpu.memory_space<semaphore_mem>>) src(%arg14 : memref<104x128xf32, #tpu.memory_space<vmem>>) dst(%dma_wait3A_1356 : memref<104x128xf32, #tpu.memory_space<hbm>>)
    %dma_start3A_1357 = arith.constant 2 : i32
    %dma_start3A_1358 = arith.constant 0 : i32
    %dma_start3A_1359 = arith.constant 0 : i32
    %dma_start3A_1360 = tpu.memref_slice %arg6[%dma_start3A_1357, %dma_start3A_1358, %dma_start3A_1359] : memref<19x96x128xf32, #tpu.memory_space<vmem_shared>> -> memref<1x96x128xf32, #tpu.memory_space<vmem_shared>>
    %dma_start3A_1361 = tpu.memref_squeeze %dma_start3A_1360 : memref<1x96x128xf32, #tpu.memory_space<vmem_shared>> -> memref<96x128xf32, #tpu.memory_space<vmem_shared>>
    %dma_start3A_1362 = arith.constant 0 : i32
    %dma_start3A_1363 = arith.constant 0 : i32
    %dma_start3A_1364 = tpu.memref_slice %dma_start3A_1361[%dma_start3A_1362, %dma_start3A_1363] : memref<96x128xf32, #tpu.memory_space<vmem_shared>> -> memref<96x128xf32, #tpu.memory_space<vmem_shared>>
    tpu.enqueue_indirect_dma source(%dma_start3A_1364 : memref<96x128xf32, #tpu.memory_space<vmem_shared>>) target(%arg14 : memref<104x128xf32, #tpu.memory_space<vmem>>) offsets(%arg11 : memref<104xi32, #tpu.memory_space<vmem>>) semaphore(%arg22 : memref<!tpu.dma_semaphore, #tpu.memory_space<semaphore_mem>>)
    %dma_wait3A_1365 = arith.constant 1 : i32
    %dma_wait3A_1366 = arith.constant 0 : i32
    %dma_wait3A_1367 = arith.constant 0 : i32
    %dma_wait3A_1368 = tpu.memref_slice %arg6[%dma_wait3A_1365, %dma_wait3A_1366, %dma_wait3A_1367] : memref<19x96x128xf32, #tpu.memory_space<vmem_shared>> -> memref<1x96x128xf32, #tpu.memory_space<vmem_shared>>
    %dma_wait3A_1369 = tpu.memref_squeeze %dma_wait3A_1368 : memref<1x96x128xf32, #tpu.memory_space<vmem_shared>> -> memref<96x128xf32, #tpu.memory_space<vmem_shared>>
    %dma_wait3A_1370 = arith.constant 0 : i32
    %dma_wait3A_1371 = arith.constant 0 : i32
    %dma_wait3A_1372 = tpu.memref_slice %dma_wait3A_1369[%dma_wait3A_1370, %dma_wait3A_1371] : memref<96x128xf32, #tpu.memory_space<vmem_shared>> -> memref<96x128xf32, #tpu.memory_space<vmem_shared>>
    tpu.wait_indirect_dma semaphore(%arg21 : memref<!tpu.dma_semaphore, #tpu.memory_space<semaphore_mem>>) src(%dma_wait3A_1372 : memref<96x128xf32, #tpu.memory_space<vmem_shared>>) dst(%arg13 : memref<104x128xf32, #tpu.memory_space<vmem>>)
    %add3A_1373 = arith.constant 208 : i32
    %add3A_1374 = arith.addi %mul3A_27, %add3A_1373 : i32
    %dma_start3A_1375 = arith.constant 1 : i32
    %dma_start3A_1376 = arith.constant 0 : i32
    %dma_start3A_1377 = tpu.memref_slice %arg5[%dma_start3A_1375, %add3A_1374, %dma_start3A_1376] : memref<19x10000x128xf32, #tpu.memory_space<hbm>> -> memref<1x104x128xf32, #tpu.memory_space<hbm>>
    %dma_start3A_1378 = tpu.memref_squeeze %dma_start3A_1377 : memref<1x104x128xf32, #tpu.memory_space<hbm>> -> memref<104x128xf32, #tpu.memory_space<hbm>>
    %dma_start3A_1379 = arith.constant 0 : i32
    %dma_start3A_1380 = tpu.memref_slice %arg5[%dma_start3A_1375, %add3A_1374, %dma_start3A_1379] : memref<19x10000x128xf32, #tpu.memory_space<hbm>> -> memref<1x104x128xf32, #tpu.memory_space<hbm>>
    %dma_start3A_1381 = tpu.memref_squeeze %dma_start3A_1380 : memref<1x104x128xf32, #tpu.memory_space<hbm>> -> memref<104x128xf32, #tpu.memory_space<hbm>>
    tpu.enqueue_dma source(%arg13 : memref<104x128xf32, #tpu.memory_space<vmem>>) target(%dma_start3A_1381 : memref<104x128xf32, #tpu.memory_space<hbm>>) target_semaphore(%arg24 : memref<!tpu.dma_semaphore, #tpu.memory_space<semaphore_mem>>)
    %add3A_1382 = arith.constant 208 : i32
    %add3A_1383 = arith.addi %mul3A_27, %add3A_1382 : i32
    %dma_wait3A_1384 = arith.constant 0 : i32
    %dma_wait3A_1385 = arith.constant 0 : i32
    %dma_wait3A_1386 = tpu.memref_slice %arg5[%dma_wait3A_1384, %add3A_1383, %dma_wait3A_1385] : memref<19x10000x128xf32, #tpu.memory_space<hbm>> -> memref<1x104x128xf32, #tpu.memory_space<hbm>>
    %dma_wait3A_1387 = tpu.memref_squeeze %dma_wait3A_1386 : memref<1x104x128xf32, #tpu.memory_space<hbm>> -> memref<104x128xf32, #tpu.memory_space<hbm>>
    %dma_wait3A_1388 = arith.constant 0 : i32
    %dma_wait3A_1389 = tpu.memref_slice %arg5[%dma_wait3A_1384, %add3A_1383, %dma_wait3A_1388] : memref<19x10000x128xf32, #tpu.memory_space<hbm>> -> memref<1x104x128xf32, #tpu.memory_space<hbm>>
    %dma_wait3A_1390 = tpu.memref_squeeze %dma_wait3A_1389 : memref<1x104x128xf32, #tpu.memory_space<hbm>> -> memref<104x128xf32, #tpu.memory_space<hbm>>
    tpu.wait_dma2 semaphore(%arg26 : memref<!tpu.dma_semaphore, #tpu.memory_space<semaphore_mem>>) src(%arg15 : memref<104x128xf32, #tpu.memory_space<vmem>>) dst(%dma_wait3A_1390 : memref<104x128xf32, #tpu.memory_space<hbm>>)
    %dma_start3A_1391 = arith.constant 3 : i32
    %dma_start3A_1392 = arith.constant 0 : i32
    %dma_start3A_1393 = arith.constant 0 : i32
    %dma_start3A_1394 = tpu.memref_slice %arg6[%dma_start3A_1391, %dma_start3A_1392, %dma_start3A_1393] : memref<19x96x128xf32, #tpu.memory_space<vmem_shared>> -> memref<1x96x128xf32, #tpu.memory_space<vmem_shared>>
    %dma_start3A_1395 = tpu.memref_squeeze %dma_start3A_1394 : memref<1x96x128xf32, #tpu.memory_space<vmem_shared>> -> memref<96x128xf32, #tpu.memory_space<vmem_shared>>
    %dma_start3A_1396 = arith.constant 0 : i32
    %dma_start3A_1397 = arith.constant 0 : i32
    %dma_start3A_1398 = tpu.memref_slice %dma_start3A_1395[%dma_start3A_1396, %dma_start3A_1397] : memref<96x128xf32, #tpu.memory_space<vmem_shared>> -> memref<96x128xf32, #tpu.memory_space<vmem_shared>>
    tpu.enqueue_indirect_dma source(%dma_start3A_1398 : memref<96x128xf32, #tpu.memory_space<vmem_shared>>) target(%arg15 : memref<104x128xf32, #tpu.memory_space<vmem>>) offsets(%arg11 : memref<104xi32, #tpu.memory_space<vmem>>) semaphore(%arg23 : memref<!tpu.dma_semaphore, #tpu.memory_space<semaphore_mem>>)
    %dma_wait3A_1399 = arith.constant 2 : i32
    %dma_wait3A_1400 = arith.constant 0 : i32
    %dma_wait3A_1401 = arith.constant 0 : i32
    %dma_wait3A_1402 = tpu.memref_slice %arg6[%dma_wait3A_1399, %dma_wait3A_1400, %dma_wait3A_1401] : memref<19x96x128xf32, #tpu.memory_space<vmem_shared>> -> memref<1x96x128xf32, #tpu.memory_space<vmem_shared>>
    %dma_wait3A_1403 = tpu.memref_squeeze %dma_wait3A_1402 : memref<1x96x128xf32, #tpu.memory_space<vmem_shared>> -> memref<96x128xf32, #tpu.memory_space<vmem_shared>>
    %dma_wait3A_1404 = arith.constant 0 : i32
    %dma_wait3A_1405 = arith.constant 0 : i32
    %dma_wait3A_1406 = tpu.memref_slice %dma_wait3A_1403[%dma_wait3A_1404, %dma_wait3A_1405] : memref<96x128xf32, #tpu.memory_space<vmem_shared>> -> memref<96x128xf32, #tpu.memory_space<vmem_shared>>
    tpu.wait_indirect_dma semaphore(%arg22 : memref<!tpu.dma_semaphore, #tpu.memory_space<semaphore_mem>>) src(%dma_wait3A_1406 : memref<96x128xf32, #tpu.memory_space<vmem_shared>>) dst(%arg14 : memref<104x128xf32, #tpu.memory_space<vmem>>)
    %add3A_1407 = arith.constant 208 : i32
    %add3A_1408 = arith.addi %mul3A_27, %add3A_1407 : i32
    %dma_start3A_1409 = arith.constant 2 : i32
    %dma_start3A_1410 = arith.constant 0 : i32
    %dma_start3A_1411 = tpu.memref_slice %arg5[%dma_start3A_1409, %add3A_1408, %dma_start3A_1410] : memref<19x10000x128xf32, #tpu.memory_space<hbm>> -> memref<1x104x128xf32, #tpu.memory_space<hbm>>
    %dma_start3A_1412 = tpu.memref_squeeze %dma_start3A_1411 : memref<1x104x128xf32, #tpu.memory_space<hbm>> -> memref<104x128xf32, #tpu.memory_space<hbm>>
    %dma_start3A_1413 = arith.constant 0 : i32
    %dma_start3A_1414 = tpu.memref_slice %arg5[%dma_start3A_1409, %add3A_1408, %dma_start3A_1413] : memref<19x10000x128xf32, #tpu.memory_space<hbm>> -> memref<1x104x128xf32, #tpu.memory_space<hbm>>
    %dma_start3A_1415 = tpu.memref_squeeze %dma_start3A_1414 : memref<1x104x128xf32, #tpu.memory_space<hbm>> -> memref<104x128xf32, #tpu.memory_space<hbm>>
    tpu.enqueue_dma source(%arg14 : memref<104x128xf32, #tpu.memory_space<vmem>>) target(%dma_start3A_1415 : memref<104x128xf32, #tpu.memory_space<hbm>>) target_semaphore(%arg25 : memref<!tpu.dma_semaphore, #tpu.memory_space<semaphore_mem>>)
    %add3A_1416 = arith.constant 208 : i32
    %add3A_1417 = arith.addi %mul3A_27, %add3A_1416 : i32
    %dma_wait3A_1418 = arith.constant 1 : i32
    %dma_wait3A_1419 = arith.constant 0 : i32
    %dma_wait3A_1420 = tpu.memref_slice %arg5[%dma_wait3A_1418, %add3A_1417, %dma_wait3A_1419] : memref<19x10000x128xf32, #tpu.memory_space<hbm>> -> memref<1x104x128xf32, #tpu.memory_space<hbm>>
    %dma_wait3A_1421 = tpu.memref_squeeze %dma_wait3A_1420 : memref<1x104x128xf32, #tpu.memory_space<hbm>> -> memref<104x128xf32, #tpu.memory_space<hbm>>
    %dma_wait3A_1422 = arith.constant 0 : i32
    %dma_wait3A_1423 = tpu.memref_slice %arg5[%dma_wait3A_1418, %add3A_1417, %dma_wait3A_1422] : memref<19x10000x128xf32, #tpu.memory_space<hbm>> -> memref<1x104x128xf32, #tpu.memory_space<hbm>>
    %dma_wait3A_1424 = tpu.memref_squeeze %dma_wait3A_1423 : memref<1x104x128xf32, #tpu.memory_space<hbm>> -> memref<104x128xf32, #tpu.memory_space<hbm>>
    tpu.wait_dma2 semaphore(%arg24 : memref<!tpu.dma_semaphore, #tpu.memory_space<semaphore_mem>>) src(%arg13 : memref<104x128xf32, #tpu.memory_space<vmem>>) dst(%dma_wait3A_1424 : memref<104x128xf32, #tpu.memory_space<hbm>>)
    %dma_start3A_1425 = arith.constant 4 : i32
    %dma_start3A_1426 = arith.constant 0 : i32
    %dma_start3A_1427 = arith.constant 0 : i32
    %dma_start3A_1428 = tpu.memref_slice %arg6[%dma_start3A_1425, %dma_start3A_1426, %dma_start3A_1427] : memref<19x96x128xf32, #tpu.memory_space<vmem_shared>> -> memref<1x96x128xf32, #tpu.memory_space<vmem_shared>>
    %dma_start3A_1429 = tpu.memref_squeeze %dma_start3A_1428 : memref<1x96x128xf32, #tpu.memory_space<vmem_shared>> -> memref<96x128xf32, #tpu.memory_space<vmem_shared>>
    %dma_start3A_1430 = arith.constant 0 : i32
    %dma_start3A_1431 = arith.constant 0 : i32
    %dma_start3A_1432 = tpu.memref_slice %dma_start3A_1429[%dma_start3A_1430, %dma_start3A_1431] : memref<96x128xf32, #tpu.memory_space<vmem_shared>> -> memref<96x128xf32, #tpu.memory_space<vmem_shared>>
    tpu.enqueue_indirect_dma source(%dma_start3A_1432 : memref<96x128xf32, #tpu.memory_space<vmem_shared>>) target(%arg13 : memref<104x128xf32, #tpu.memory_space<vmem>>) offsets(%arg11 : memref<104xi32, #tpu.memory_space<vmem>>) semaphore(%arg21 : memref<!tpu.dma_semaphore, #tpu.memory_space<semaphore_mem>>)
    %dma_wait3A_1433 = arith.constant 3 : i32
    %dma_wait3A_1434 = arith.constant 0 : i32
    %dma_wait3A_1435 = arith.constant 0 : i32
    %dma_wait3A_1436 = tpu.memref_slice %arg6[%dma_wait3A_1433, %dma_wait3A_1434, %dma_wait3A_1435] : memref<19x96x128xf32, #tpu.memory_space<vmem_shared>> -> memref<1x96x128xf32, #tpu.memory_space<vmem_shared>>
    %dma_wait3A_1437 = tpu.memref_squeeze %dma_wait3A_1436 : memref<1x96x128xf32, #tpu.memory_space<vmem_shared>> -> memref<96x128xf32, #tpu.memory_space<vmem_shared>>
    %dma_wait3A_1438 = arith.constant 0 : i32
    %dma_wait3A_1439 = arith.constant 0 : i32
    %dma_wait3A_1440 = tpu.memref_slice %dma_wait3A_1437[%dma_wait3A_1438, %dma_wait3A_1439] : memref<96x128xf32, #tpu.memory_space<vmem_shared>> -> memref<96x128xf32, #tpu.memory_space<vmem_shared>>
    tpu.wait_indirect_dma semaphore(%arg23 : memref<!tpu.dma_semaphore, #tpu.memory_space<semaphore_mem>>) src(%dma_wait3A_1440 : memref<96x128xf32, #tpu.memory_space<vmem_shared>>) dst(%arg15 : memref<104x128xf32, #tpu.memory_space<vmem>>)
    %add3A_1441 = arith.constant 208 : i32
    %add3A_1442 = arith.addi %mul3A_27, %add3A_1441 : i32
    %dma_start3A_1443 = arith.constant 3 : i32
    %dma_start3A_1444 = arith.constant 0 : i32
    %dma_start3A_1445 = tpu.memref_slice %arg5[%dma_start3A_1443, %add3A_1442, %dma_start3A_1444] : memref<19x10000x128xf32, #tpu.memory_space<hbm>> -> memref<1x104x128xf32, #tpu.memory_space<hbm>>
    %dma_start3A_1446 = tpu.memref_squeeze %dma_start3A_1445 : memref<1x104x128xf32, #tpu.memory_space<hbm>> -> memref<104x128xf32, #tpu.memory_space<hbm>>
    %dma_start3A_1447 = arith.constant 0 : i32
    %dma_start3A_1448 = tpu.memref_slice %arg5[%dma_start3A_1443, %add3A_1442, %dma_start3A_1447] : memref<19x10000x128xf32, #tpu.memory_space<hbm>> -> memref<1x104x128xf32, #tpu.memory_space<hbm>>
    %dma_start3A_1449 = tpu.memref_squeeze %dma_start3A_1448 : memref<1x104x128xf32, #tpu.memory_space<hbm>> -> memref<104x128xf32, #tpu.memory_space<hbm>>
    tpu.enqueue_dma source(%arg15 : memref<104x128xf32, #tpu.memory_space<vmem>>) target(%dma_start3A_1449 : memref<104x128xf32, #tpu.memory_space<hbm>>) target_semaphore(%arg26 : memref<!tpu.dma_semaphore, #tpu.memory_space<semaphore_mem>>)
    %add3A_1450 = arith.constant 208 : i32
    %add3A_1451 = arith.addi %mul3A_27, %add3A_1450 : i32
    %dma_wait3A_1452 = arith.constant 2 : i32
    %dma_wait3A_1453 = arith.constant 0 : i32
    %dma_wait3A_1454 = tpu.memref_slice %arg5[%dma_wait3A_1452, %add3A_1451, %dma_wait3A_1453] : memref<19x10000x128xf32, #tpu.memory_space<hbm>> -> memref<1x104x128xf32, #tpu.memory_space<hbm>>
    %dma_wait3A_1455 = tpu.memref_squeeze %dma_wait3A_1454 : memref<1x104x128xf32, #tpu.memory_space<hbm>> -> memref<104x128xf32, #tpu.memory_space<hbm>>
    %dma_wait3A_1456 = arith.constant 0 : i32
    %dma_wait3A_1457 = tpu.memref_slice %arg5[%dma_wait3A_1452, %add3A_1451, %dma_wait3A_1456] : memref<19x10000x128xf32, #tpu.memory_space<hbm>> -> memref<1x104x128xf32, #tpu.memory_space<hbm>>
    %dma_wait3A_1458 = tpu.memref_squeeze %dma_wait3A_1457 : memref<1x104x128xf32, #tpu.memory_space<hbm>> -> memref<104x128xf32, #tpu.memory_space<hbm>>
    tpu.wait_dma2 semaphore(%arg25 : memref<!tpu.dma_semaphore, #tpu.memory_space<semaphore_mem>>) src(%arg14 : memref<104x128xf32, #tpu.memory_space<vmem>>) dst(%dma_wait3A_1458 : memref<104x128xf32, #tpu.memory_space<hbm>>)
    %dma_start3A_1459 = arith.constant 5 : i32
    %dma_start3A_1460 = arith.constant 0 : i32
    %dma_start3A_1461 = arith.constant 0 : i32
    %dma_start3A_1462 = tpu.memref_slice %arg6[%dma_start3A_1459, %dma_start3A_1460, %dma_start3A_1461] : memref<19x96x128xf32, #tpu.memory_space<vmem_shared>> -> memref<1x96x128xf32, #tpu.memory_space<vmem_shared>>
    %dma_start3A_1463 = tpu.memref_squeeze %dma_start3A_1462 : memref<1x96x128xf32, #tpu.memory_space<vmem_shared>> -> memref<96x128xf32, #tpu.memory_space<vmem_shared>>
    %dma_start3A_1464 = arith.constant 0 : i32
    %dma_start3A_1465 = arith.constant 0 : i32
    %dma_start3A_1466 = tpu.memref_slice %dma_start3A_1463[%dma_start3A_1464, %dma_start3A_1465] : memref<96x128xf32, #tpu.memory_space<vmem_shared>> -> memref<96x128xf32, #tpu.memory_space<vmem_shared>>
    tpu.enqueue_indirect_dma source(%dma_start3A_1466 : memref<96x128xf32, #tpu.memory_space<vmem_shared>>) target(%arg14 : memref<104x128xf32, #tpu.memory_space<vmem>>) offsets(%arg11 : memref<104xi32, #tpu.memory_space<vmem>>) semaphore(%arg22 : memref<!tpu.dma_semaphore, #tpu.memory_space<semaphore_mem>>)
    %dma_wait3A_1467 = arith.constant 4 : i32
    %dma_wait3A_1468 = arith.constant 0 : i32
    %dma_wait3A_1469 = arith.constant 0 : i32
    %dma_wait3A_1470 = tpu.memref_slice %arg6[%dma_wait3A_1467, %dma_wait3A_1468, %dma_wait3A_1469] : memref<19x96x128xf32, #tpu.memory_space<vmem_shared>> -> memref<1x96x128xf32, #tpu.memory_space<vmem_shared>>
    %dma_wait3A_1471 = tpu.memref_squeeze %dma_wait3A_1470 : memref<1x96x128xf32, #tpu.memory_space<vmem_shared>> -> memref<96x128xf32, #tpu.memory_space<vmem_shared>>
    %dma_wait3A_1472 = arith.constant 0 : i32
    %dma_wait3A_1473 = arith.constant 0 : i32
    %dma_wait3A_1474 = tpu.memref_slice %dma_wait3A_1471[%dma_wait3A_1472, %dma_wait3A_1473] : memref<96x128xf32, #tpu.memory_space<vmem_shared>> -> memref<96x128xf32, #tpu.memory_space<vmem_shared>>
    tpu.wait_indirect_dma semaphore(%arg21 : memref<!tpu.dma_semaphore, #tpu.memory_space<semaphore_mem>>) src(%dma_wait3A_1474 : memref<96x128xf32, #tpu.memory_space<vmem_shared>>) dst(%arg13 : memref<104x128xf32, #tpu.memory_space<vmem>>)
    %add3A_1475 = arith.constant 208 : i32
    %add3A_1476 = arith.addi %mul3A_27, %add3A_1475 : i32
    %dma_start3A_1477 = arith.constant 4 : i32
    %dma_start3A_1478 = arith.constant 0 : i32
    %dma_start3A_1479 = tpu.memref_slice %arg5[%dma_start3A_1477, %add3A_1476, %dma_start3A_1478] : memref<19x10000x128xf32, #tpu.memory_space<hbm>> -> memref<1x104x128xf32, #tpu.memory_space<hbm>>
    %dma_start3A_1480 = tpu.memref_squeeze %dma_start3A_1479 : memref<1x104x128xf32, #tpu.memory_space<hbm>> -> memref<104x128xf32, #tpu.memory_space<hbm>>
    %dma_start3A_1481 = arith.constant 0 : i32
    %dma_start3A_1482 = tpu.memref_slice %arg5[%dma_start3A_1477, %add3A_1476, %dma_start3A_1481] : memref<19x10000x128xf32, #tpu.memory_space<hbm>> -> memref<1x104x128xf32, #tpu.memory_space<hbm>>
    %dma_start3A_1483 = tpu.memref_squeeze %dma_start3A_1482 : memref<1x104x128xf32, #tpu.memory_space<hbm>> -> memref<104x128xf32, #tpu.memory_space<hbm>>
    tpu.enqueue_dma source(%arg13 : memref<104x128xf32, #tpu.memory_space<vmem>>) target(%dma_start3A_1483 : memref<104x128xf32, #tpu.memory_space<hbm>>) target_semaphore(%arg24 : memref<!tpu.dma_semaphore, #tpu.memory_space<semaphore_mem>>)
    %add3A_1484 = arith.constant 208 : i32
    %add3A_1485 = arith.addi %mul3A_27, %add3A_1484 : i32
    %dma_wait3A_1486 = arith.constant 3 : i32
    %dma_wait3A_1487 = arith.constant 0 : i32
    %dma_wait3A_1488 = tpu.memref_slice %arg5[%dma_wait3A_1486, %add3A_1485, %dma_wait3A_1487] : memref<19x10000x128xf32, #tpu.memory_space<hbm>> -> memref<1x104x128xf32, #tpu.memory_space<hbm>>
    %dma_wait3A_1489 = tpu.memref_squeeze %dma_wait3A_1488 : memref<1x104x128xf32, #tpu.memory_space<hbm>> -> memref<104x128xf32, #tpu.memory_space<hbm>>
    %dma_wait3A_1490 = arith.constant 0 : i32
    %dma_wait3A_1491 = tpu.memref_slice %arg5[%dma_wait3A_1486, %add3A_1485, %dma_wait3A_1490] : memref<19x10000x128xf32, #tpu.memory_space<hbm>> -> memref<1x104x128xf32, #tpu.memory_space<hbm>>
    %dma_wait3A_1492 = tpu.memref_squeeze %dma_wait3A_1491 : memref<1x104x128xf32, #tpu.memory_space<hbm>> -> memref<104x128xf32, #tpu.memory_space<hbm>>
    tpu.wait_dma2 semaphore(%arg26 : memref<!tpu.dma_semaphore, #tpu.memory_space<semaphore_mem>>) src(%arg15 : memref<104x128xf32, #tpu.memory_space<vmem>>) dst(%dma_wait3A_1492 : memref<104x128xf32, #tpu.memory_space<hbm>>)
    %dma_start3A_1493 = arith.constant 6 : i32
    %dma_start3A_1494 = arith.constant 0 : i32
    %dma_start3A_1495 = arith.constant 0 : i32
    %dma_start3A_1496 = tpu.memref_slice %arg6[%dma_start3A_1493, %dma_start3A_1494, %dma_start3A_1495] : memref<19x96x128xf32, #tpu.memory_space<vmem_shared>> -> memref<1x96x128xf32, #tpu.memory_space<vmem_shared>>
    %dma_start3A_1497 = tpu.memref_squeeze %dma_start3A_1496 : memref<1x96x128xf32, #tpu.memory_space<vmem_shared>> -> memref<96x128xf32, #tpu.memory_space<vmem_shared>>
    %dma_start3A_1498 = arith.constant 0 : i32
    %dma_start3A_1499 = arith.constant 0 : i32
    %dma_start3A_1500 = tpu.memref_slice %dma_start3A_1497[%dma_start3A_1498, %dma_start3A_1499] : memref<96x128xf32, #tpu.memory_space<vmem_shared>> -> memref<96x128xf32, #tpu.memory_space<vmem_shared>>
    tpu.enqueue_indirect_dma source(%dma_start3A_1500 : memref<96x128xf32, #tpu.memory_space<vmem_shared>>) target(%arg15 : memref<104x128xf32, #tpu.memory_space<vmem>>) offsets(%arg11 : memref<104xi32, #tpu.memory_space<vmem>>) semaphore(%arg23 : memref<!tpu.dma_semaphore, #tpu.memory_space<semaphore_mem>>)
    %dma_wait3A_1501 = arith.constant 5 : i32
    %dma_wait3A_1502 = arith.constant 0 : i32
    %dma_wait3A_1503 = arith.constant 0 : i32
    %dma_wait3A_1504 = tpu.memref_slice %arg6[%dma_wait3A_1501, %dma_wait3A_1502, %dma_wait3A_1503] : memref<19x96x128xf32, #tpu.memory_space<vmem_shared>> -> memref<1x96x128xf32, #tpu.memory_space<vmem_shared>>
    %dma_wait3A_1505 = tpu.memref_squeeze %dma_wait3A_1504 : memref<1x96x128xf32, #tpu.memory_space<vmem_shared>> -> memref<96x128xf32, #tpu.memory_space<vmem_shared>>
    %dma_wait3A_1506 = arith.constant 0 : i32
    %dma_wait3A_1507 = arith.constant 0 : i32
    %dma_wait3A_1508 = tpu.memref_slice %dma_wait3A_1505[%dma_wait3A_1506, %dma_wait3A_1507] : memref<96x128xf32, #tpu.memory_space<vmem_shared>> -> memref<96x128xf32, #tpu.memory_space<vmem_shared>>
    tpu.wait_indirect_dma semaphore(%arg22 : memref<!tpu.dma_semaphore, #tpu.memory_space<semaphore_mem>>) src(%dma_wait3A_1508 : memref<96x128xf32, #tpu.memory_space<vmem_shared>>) dst(%arg14 : memref<104x128xf32, #tpu.memory_space<vmem>>)
    %add3A_1509 = arith.constant 208 : i32
    %add3A_1510 = arith.addi %mul3A_27, %add3A_1509 : i32
    %dma_start3A_1511 = arith.constant 5 : i32
    %dma_start3A_1512 = arith.constant 0 : i32
    %dma_start3A_1513 = tpu.memref_slice %arg5[%dma_start3A_1511, %add3A_1510, %dma_start3A_1512] : memref<19x10000x128xf32, #tpu.memory_space<hbm>> -> memref<1x104x128xf32, #tpu.memory_space<hbm>>
    %dma_start3A_1514 = tpu.memref_squeeze %dma_start3A_1513 : memref<1x104x128xf32, #tpu.memory_space<hbm>> -> memref<104x128xf32, #tpu.memory_space<hbm>>
    %dma_start3A_1515 = arith.constant 0 : i32
    %dma_start3A_1516 = tpu.memref_slice %arg5[%dma_start3A_1511, %add3A_1510, %dma_start3A_1515] : memref<19x10000x128xf32, #tpu.memory_space<hbm>> -> memref<1x104x128xf32, #tpu.memory_space<hbm>>
    %dma_start3A_1517 = tpu.memref_squeeze %dma_start3A_1516 : memref<1x104x128xf32, #tpu.memory_space<hbm>> -> memref<104x128xf32, #tpu.memory_space<hbm>>
    tpu.enqueue_dma source(%arg14 : memref<104x128xf32, #tpu.memory_space<vmem>>) target(%dma_start3A_1517 : memref<104x128xf32, #tpu.memory_space<hbm>>) target_semaphore(%arg25 : memref<!tpu.dma_semaphore, #tpu.memory_space<semaphore_mem>>)
    %add3A_1518 = arith.constant 208 : i32
    %add3A_1519 = arith.addi %mul3A_27, %add3A_1518 : i32
    %dma_wait3A_1520 = arith.constant 4 : i32
    %dma_wait3A_1521 = arith.constant 0 : i32
    %dma_wait3A_1522 = tpu.memref_slice %arg5[%dma_wait3A_1520, %add3A_1519, %dma_wait3A_1521] : memref<19x10000x128xf32, #tpu.memory_space<hbm>> -> memref<1x104x128xf32, #tpu.memory_space<hbm>>
    %dma_wait3A_1523 = tpu.memref_squeeze %dma_wait3A_1522 : memref<1x104x128xf32, #tpu.memory_space<hbm>> -> memref<104x128xf32, #tpu.memory_space<hbm>>
    %dma_wait3A_1524 = arith.constant 0 : i32
    %dma_wait3A_1525 = tpu.memref_slice %arg5[%dma_wait3A_1520, %add3A_1519, %dma_wait3A_1524] : memref<19x10000x128xf32, #tpu.memory_space<hbm>> -> memref<1x104x128xf32, #tpu.memory_space<hbm>>
    %dma_wait3A_1526 = tpu.memref_squeeze %dma_wait3A_1525 : memref<1x104x128xf32, #tpu.memory_space<hbm>> -> memref<104x128xf32, #tpu.memory_space<hbm>>
    tpu.wait_dma2 semaphore(%arg24 : memref<!tpu.dma_semaphore, #tpu.memory_space<semaphore_mem>>) src(%arg13 : memref<104x128xf32, #tpu.memory_space<vmem>>) dst(%dma_wait3A_1526 : memref<104x128xf32, #tpu.memory_space<hbm>>)
    %dma_start3A_1527 = arith.constant 7 : i32
    %dma_start3A_1528 = arith.constant 0 : i32
    %dma_start3A_1529 = arith.constant 0 : i32
    %dma_start3A_1530 = tpu.memref_slice %arg6[%dma_start3A_1527, %dma_start3A_1528, %dma_start3A_1529] : memref<19x96x128xf32, #tpu.memory_space<vmem_shared>> -> memref<1x96x128xf32, #tpu.memory_space<vmem_shared>>
    %dma_start3A_1531 = tpu.memref_squeeze %dma_start3A_1530 : memref<1x96x128xf32, #tpu.memory_space<vmem_shared>> -> memref<96x128xf32, #tpu.memory_space<vmem_shared>>
    %dma_start3A_1532 = arith.constant 0 : i32
    %dma_start3A_1533 = arith.constant 0 : i32
    %dma_start3A_1534 = tpu.memref_slice %dma_start3A_1531[%dma_start3A_1532, %dma_start3A_1533] : memref<96x128xf32, #tpu.memory_space<vmem_shared>> -> memref<96x128xf32, #tpu.memory_space<vmem_shared>>
    tpu.enqueue_indirect_dma source(%dma_start3A_1534 : memref<96x128xf32, #tpu.memory_space<vmem_shared>>) target(%arg13 : memref<104x128xf32, #tpu.memory_space<vmem>>) offsets(%arg11 : memref<104xi32, #tpu.memory_space<vmem>>) semaphore(%arg21 : memref<!tpu.dma_semaphore, #tpu.memory_space<semaphore_mem>>)
    %dma_wait3A_1535 = arith.constant 6 : i32
    %dma_wait3A_1536 = arith.constant 0 : i32
    %dma_wait3A_1537 = arith.constant 0 : i32
    %dma_wait3A_1538 = tpu.memref_slice %arg6[%dma_wait3A_1535, %dma_wait3A_1536, %dma_wait3A_1537] : memref<19x96x128xf32, #tpu.memory_space<vmem_shared>> -> memref<1x96x128xf32, #tpu.memory_space<vmem_shared>>
    %dma_wait3A_1539 = tpu.memref_squeeze %dma_wait3A_1538 : memref<1x96x128xf32, #tpu.memory_space<vmem_shared>> -> memref<96x128xf32, #tpu.memory_space<vmem_shared>>
    %dma_wait3A_1540 = arith.constant 0 : i32
    %dma_wait3A_1541 = arith.constant 0 : i32
    %dma_wait3A_1542 = tpu.memref_slice %dma_wait3A_1539[%dma_wait3A_1540, %dma_wait3A_1541] : memref<96x128xf32, #tpu.memory_space<vmem_shared>> -> memref<96x128xf32, #tpu.memory_space<vmem_shared>>
    tpu.wait_indirect_dma semaphore(%arg23 : memref<!tpu.dma_semaphore, #tpu.memory_space<semaphore_mem>>) src(%dma_wait3A_1542 : memref<96x128xf32, #tpu.memory_space<vmem_shared>>) dst(%arg15 : memref<104x128xf32, #tpu.memory_space<vmem>>)
    %add3A_1543 = arith.constant 208 : i32
    %add3A_1544 = arith.addi %mul3A_27, %add3A_1543 : i32
    %dma_start3A_1545 = arith.constant 6 : i32
    %dma_start3A_1546 = arith.constant 0 : i32
    %dma_start3A_1547 = tpu.memref_slice %arg5[%dma_start3A_1545, %add3A_1544, %dma_start3A_1546] : memref<19x10000x128xf32, #tpu.memory_space<hbm>> -> memref<1x104x128xf32, #tpu.memory_space<hbm>>
    %dma_start3A_1548 = tpu.memref_squeeze %dma_start3A_1547 : memref<1x104x128xf32, #tpu.memory_space<hbm>> -> memref<104x128xf32, #tpu.memory_space<hbm>>
    %dma_start3A_1549 = arith.constant 0 : i32
    %dma_start3A_1550 = tpu.memref_slice %arg5[%dma_start3A_1545, %add3A_1544, %dma_start3A_1549] : memref<19x10000x128xf32, #tpu.memory_space<hbm>> -> memref<1x104x128xf32, #tpu.memory_space<hbm>>
    %dma_start3A_1551 = tpu.memref_squeeze %dma_start3A_1550 : memref<1x104x128xf32, #tpu.memory_space<hbm>> -> memref<104x128xf32, #tpu.memory_space<hbm>>
    tpu.enqueue_dma source(%arg15 : memref<104x128xf32, #tpu.memory_space<vmem>>) target(%dma_start3A_1551 : memref<104x128xf32, #tpu.memory_space<hbm>>) target_semaphore(%arg26 : memref<!tpu.dma_semaphore, #tpu.memory_space<semaphore_mem>>)
    %add3A_1552 = arith.constant 208 : i32
    %add3A_1553 = arith.addi %mul3A_27, %add3A_1552 : i32
    %dma_wait3A_1554 = arith.constant 5 : i32
    %dma_wait3A_1555 = arith.constant 0 : i32
    %dma_wait3A_1556 = tpu.memref_slice %arg5[%dma_wait3A_1554, %add3A_1553, %dma_wait3A_1555] : memref<19x10000x128xf32, #tpu.memory_space<hbm>> -> memref<1x104x128xf32, #tpu.memory_space<hbm>>
    %dma_wait3A_1557 = tpu.memref_squeeze %dma_wait3A_1556 : memref<1x104x128xf32, #tpu.memory_space<hbm>> -> memref<104x128xf32, #tpu.memory_space<hbm>>
    %dma_wait3A_1558 = arith.constant 0 : i32
    %dma_wait3A_1559 = tpu.memref_slice %arg5[%dma_wait3A_1554, %add3A_1553, %dma_wait3A_1558] : memref<19x10000x128xf32, #tpu.memory_space<hbm>> -> memref<1x104x128xf32, #tpu.memory_space<hbm>>
    %dma_wait3A_1560 = tpu.memref_squeeze %dma_wait3A_1559 : memref<1x104x128xf32, #tpu.memory_space<hbm>> -> memref<104x128xf32, #tpu.memory_space<hbm>>
    tpu.wait_dma2 semaphore(%arg25 : memref<!tpu.dma_semaphore, #tpu.memory_space<semaphore_mem>>) src(%arg14 : memref<104x128xf32, #tpu.memory_space<vmem>>) dst(%dma_wait3A_1560 : memref<104x128xf32, #tpu.memory_space<hbm>>)
    %dma_start3A_1561 = arith.constant 8 : i32
    %dma_start3A_1562 = arith.constant 0 : i32
    %dma_start3A_1563 = arith.constant 0 : i32
    %dma_start3A_1564 = tpu.memref_slice %arg6[%dma_start3A_1561, %dma_start3A_1562, %dma_start3A_1563] : memref<19x96x128xf32, #tpu.memory_space<vmem_shared>> -> memref<1x96x128xf32, #tpu.memory_space<vmem_shared>>
    %dma_start3A_1565 = tpu.memref_squeeze %dma_start3A_1564 : memref<1x96x128xf32, #tpu.memory_space<vmem_shared>> -> memref<96x128xf32, #tpu.memory_space<vmem_shared>>
    %dma_start3A_1566 = arith.constant 0 : i32
    %dma_start3A_1567 = arith.constant 0 : i32
    %dma_start3A_1568 = tpu.memref_slice %dma_start3A_1565[%dma_start3A_1566, %dma_start3A_1567] : memref<96x128xf32, #tpu.memory_space<vmem_shared>> -> memref<96x128xf32, #tpu.memory_space<vmem_shared>>
    tpu.enqueue_indirect_dma source(%dma_start3A_1568 : memref<96x128xf32, #tpu.memory_space<vmem_shared>>) target(%arg14 : memref<104x128xf32, #tpu.memory_space<vmem>>) offsets(%arg11 : memref<104xi32, #tpu.memory_space<vmem>>) semaphore(%arg22 : memref<!tpu.dma_semaphore, #tpu.memory_space<semaphore_mem>>)
    %dma_wait3A_1569 = arith.constant 7 : i32
    %dma_wait3A_1570 = arith.constant 0 : i32
    %dma_wait3A_1571 = arith.constant 0 : i32
    %dma_wait3A_1572 = tpu.memref_slice %arg6[%dma_wait3A_1569, %dma_wait3A_1570, %dma_wait3A_1571] : memref<19x96x128xf32, #tpu.memory_space<vmem_shared>> -> memref<1x96x128xf32, #tpu.memory_space<vmem_shared>>
    %dma_wait3A_1573 = tpu.memref_squeeze %dma_wait3A_1572 : memref<1x96x128xf32, #tpu.memory_space<vmem_shared>> -> memref<96x128xf32, #tpu.memory_space<vmem_shared>>
    %dma_wait3A_1574 = arith.constant 0 : i32
    %dma_wait3A_1575 = arith.constant 0 : i32
    %dma_wait3A_1576 = tpu.memref_slice %dma_wait3A_1573[%dma_wait3A_1574, %dma_wait3A_1575] : memref<96x128xf32, #tpu.memory_space<vmem_shared>> -> memref<96x128xf32, #tpu.memory_space<vmem_shared>>
    tpu.wait_indirect_dma semaphore(%arg21 : memref<!tpu.dma_semaphore, #tpu.memory_space<semaphore_mem>>) src(%dma_wait3A_1576 : memref<96x128xf32, #tpu.memory_space<vmem_shared>>) dst(%arg13 : memref<104x128xf32, #tpu.memory_space<vmem>>)
    %add3A_1577 = arith.constant 208 : i32
    %add3A_1578 = arith.addi %mul3A_27, %add3A_1577 : i32
    %dma_start3A_1579 = arith.constant 7 : i32
    %dma_start3A_1580 = arith.constant 0 : i32
    %dma_start3A_1581 = tpu.memref_slice %arg5[%dma_start3A_1579, %add3A_1578, %dma_start3A_1580] : memref<19x10000x128xf32, #tpu.memory_space<hbm>> -> memref<1x104x128xf32, #tpu.memory_space<hbm>>
    %dma_start3A_1582 = tpu.memref_squeeze %dma_start3A_1581 : memref<1x104x128xf32, #tpu.memory_space<hbm>> -> memref<104x128xf32, #tpu.memory_space<hbm>>
    %dma_start3A_1583 = arith.constant 0 : i32
    %dma_start3A_1584 = tpu.memref_slice %arg5[%dma_start3A_1579, %add3A_1578, %dma_start3A_1583] : memref<19x10000x128xf32, #tpu.memory_space<hbm>> -> memref<1x104x128xf32, #tpu.memory_space<hbm>>
    %dma_start3A_1585 = tpu.memref_squeeze %dma_start3A_1584 : memref<1x104x128xf32, #tpu.memory_space<hbm>> -> memref<104x128xf32, #tpu.memory_space<hbm>>
    tpu.enqueue_dma source(%arg13 : memref<104x128xf32, #tpu.memory_space<vmem>>) target(%dma_start3A_1585 : memref<104x128xf32, #tpu.memory_space<hbm>>) target_semaphore(%arg24 : memref<!tpu.dma_semaphore, #tpu.memory_space<semaphore_mem>>)
    %add3A_1586 = arith.constant 208 : i32
    %add3A_1587 = arith.addi %mul3A_27, %add3A_1586 : i32
    %dma_wait3A_1588 = arith.constant 6 : i32
    %dma_wait3A_1589 = arith.constant 0 : i32
    %dma_wait3A_1590 = tpu.memref_slice %arg5[%dma_wait3A_1588, %add3A_1587, %dma_wait3A_1589] : memref<19x10000x128xf32, #tpu.memory_space<hbm>> -> memref<1x104x128xf32, #tpu.memory_space<hbm>>
    %dma_wait3A_1591 = tpu.memref_squeeze %dma_wait3A_1590 : memref<1x104x128xf32, #tpu.memory_space<hbm>> -> memref<104x128xf32, #tpu.memory_space<hbm>>
    %dma_wait3A_1592 = arith.constant 0 : i32
    %dma_wait3A_1593 = tpu.memref_slice %arg5[%dma_wait3A_1588, %add3A_1587, %dma_wait3A_1592] : memref<19x10000x128xf32, #tpu.memory_space<hbm>> -> memref<1x104x128xf32, #tpu.memory_space<hbm>>
    %dma_wait3A_1594 = tpu.memref_squeeze %dma_wait3A_1593 : memref<1x104x128xf32, #tpu.memory_space<hbm>> -> memref<104x128xf32, #tpu.memory_space<hbm>>
    tpu.wait_dma2 semaphore(%arg26 : memref<!tpu.dma_semaphore, #tpu.memory_space<semaphore_mem>>) src(%arg15 : memref<104x128xf32, #tpu.memory_space<vmem>>) dst(%dma_wait3A_1594 : memref<104x128xf32, #tpu.memory_space<hbm>>)
    %dma_start3A_1595 = arith.constant 9 : i32
    %dma_start3A_1596 = arith.constant 0 : i32
    %dma_start3A_1597 = arith.constant 0 : i32
    %dma_start3A_1598 = tpu.memref_slice %arg6[%dma_start3A_1595, %dma_start3A_1596, %dma_start3A_1597] : memref<19x96x128xf32, #tpu.memory_space<vmem_shared>> -> memref<1x96x128xf32, #tpu.memory_space<vmem_shared>>
    %dma_start3A_1599 = tpu.memref_squeeze %dma_start3A_1598 : memref<1x96x128xf32, #tpu.memory_space<vmem_shared>> -> memref<96x128xf32, #tpu.memory_space<vmem_shared>>
    %dma_start3A_1600 = arith.constant 0 : i32
    %dma_start3A_1601 = arith.constant 0 : i32
    %dma_start3A_1602 = tpu.memref_slice %dma_start3A_1599[%dma_start3A_1600, %dma_start3A_1601] : memref<96x128xf32, #tpu.memory_space<vmem_shared>> -> memref<96x128xf32, #tpu.memory_space<vmem_shared>>
    tpu.enqueue_indirect_dma source(%dma_start3A_1602 : memref<96x128xf32, #tpu.memory_space<vmem_shared>>) target(%arg15 : memref<104x128xf32, #tpu.memory_space<vmem>>) offsets(%arg11 : memref<104xi32, #tpu.memory_space<vmem>>) semaphore(%arg23 : memref<!tpu.dma_semaphore, #tpu.memory_space<semaphore_mem>>)
    %dma_wait3A_1603 = arith.constant 8 : i32
    %dma_wait3A_1604 = arith.constant 0 : i32
    %dma_wait3A_1605 = arith.constant 0 : i32
    %dma_wait3A_1606 = tpu.memref_slice %arg6[%dma_wait3A_1603, %dma_wait3A_1604, %dma_wait3A_1605] : memref<19x96x128xf32, #tpu.memory_space<vmem_shared>> -> memref<1x96x128xf32, #tpu.memory_space<vmem_shared>>
    %dma_wait3A_1607 = tpu.memref_squeeze %dma_wait3A_1606 : memref<1x96x128xf32, #tpu.memory_space<vmem_shared>> -> memref<96x128xf32, #tpu.memory_space<vmem_shared>>
    %dma_wait3A_1608 = arith.constant 0 : i32
    %dma_wait3A_1609 = arith.constant 0 : i32
    %dma_wait3A_1610 = tpu.memref_slice %dma_wait3A_1607[%dma_wait3A_1608, %dma_wait3A_1609] : memref<96x128xf32, #tpu.memory_space<vmem_shared>> -> memref<96x128xf32, #tpu.memory_space<vmem_shared>>
    tpu.wait_indirect_dma semaphore(%arg22 : memref<!tpu.dma_semaphore, #tpu.memory_space<semaphore_mem>>) src(%dma_wait3A_1610 : memref<96x128xf32, #tpu.memory_space<vmem_shared>>) dst(%arg14 : memref<104x128xf32, #tpu.memory_space<vmem>>)
    %add3A_1611 = arith.constant 208 : i32
    %add3A_1612 = arith.addi %mul3A_27, %add3A_1611 : i32
    %dma_start3A_1613 = arith.constant 8 : i32
    %dma_start3A_1614 = arith.constant 0 : i32
    %dma_start3A_1615 = tpu.memref_slice %arg5[%dma_start3A_1613, %add3A_1612, %dma_start3A_1614] : memref<19x10000x128xf32, #tpu.memory_space<hbm>> -> memref<1x104x128xf32, #tpu.memory_space<hbm>>
    %dma_start3A_1616 = tpu.memref_squeeze %dma_start3A_1615 : memref<1x104x128xf32, #tpu.memory_space<hbm>> -> memref<104x128xf32, #tpu.memory_space<hbm>>
    %dma_start3A_1617 = arith.constant 0 : i32
    %dma_start3A_1618 = tpu.memref_slice %arg5[%dma_start3A_1613, %add3A_1612, %dma_start3A_1617] : memref<19x10000x128xf32, #tpu.memory_space<hbm>> -> memref<1x104x128xf32, #tpu.memory_space<hbm>>
    %dma_start3A_1619 = tpu.memref_squeeze %dma_start3A_1618 : memref<1x104x128xf32, #tpu.memory_space<hbm>> -> memref<104x128xf32, #tpu.memory_space<hbm>>
    tpu.enqueue_dma source(%arg14 : memref<104x128xf32, #tpu.memory_space<vmem>>) target(%dma_start3A_1619 : memref<104x128xf32, #tpu.memory_space<hbm>>) target_semaphore(%arg25 : memref<!tpu.dma_semaphore, #tpu.memory_space<semaphore_mem>>)
    %add3A_1620 = arith.constant 208 : i32
    %add3A_1621 = arith.addi %mul3A_27, %add3A_1620 : i32
    %dma_wait3A_1622 = arith.constant 7 : i32
    %dma_wait3A_1623 = arith.constant 0 : i32
    %dma_wait3A_1624 = tpu.memref_slice %arg5[%dma_wait3A_1622, %add3A_1621, %dma_wait3A_1623] : memref<19x10000x128xf32, #tpu.memory_space<hbm>> -> memref<1x104x128xf32, #tpu.memory_space<hbm>>
    %dma_wait3A_1625 = tpu.memref_squeeze %dma_wait3A_1624 : memref<1x104x128xf32, #tpu.memory_space<hbm>> -> memref<104x128xf32, #tpu.memory_space<hbm>>
    %dma_wait3A_1626 = arith.constant 0 : i32
    %dma_wait3A_1627 = tpu.memref_slice %arg5[%dma_wait3A_1622, %add3A_1621, %dma_wait3A_1626] : memref<19x10000x128xf32, #tpu.memory_space<hbm>> -> memref<1x104x128xf32, #tpu.memory_space<hbm>>
    %dma_wait3A_1628 = tpu.memref_squeeze %dma_wait3A_1627 : memref<1x104x128xf32, #tpu.memory_space<hbm>> -> memref<104x128xf32, #tpu.memory_space<hbm>>
    tpu.wait_dma2 semaphore(%arg24 : memref<!tpu.dma_semaphore, #tpu.memory_space<semaphore_mem>>) src(%arg13 : memref<104x128xf32, #tpu.memory_space<vmem>>) dst(%dma_wait3A_1628 : memref<104x128xf32, #tpu.memory_space<hbm>>)
    %dma_start3A_1629 = arith.constant 10 : i32
    %dma_start3A_1630 = arith.constant 0 : i32
    %dma_start3A_1631 = arith.constant 0 : i32
    %dma_start3A_1632 = tpu.memref_slice %arg6[%dma_start3A_1629, %dma_start3A_1630, %dma_start3A_1631] : memref<19x96x128xf32, #tpu.memory_space<vmem_shared>> -> memref<1x96x128xf32, #tpu.memory_space<vmem_shared>>
    %dma_start3A_1633 = tpu.memref_squeeze %dma_start3A_1632 : memref<1x96x128xf32, #tpu.memory_space<vmem_shared>> -> memref<96x128xf32, #tpu.memory_space<vmem_shared>>
    %dma_start3A_1634 = arith.constant 0 : i32
    %dma_start3A_1635 = arith.constant 0 : i32
    %dma_start3A_1636 = tpu.memref_slice %dma_start3A_1633[%dma_start3A_1634, %dma_start3A_1635] : memref<96x128xf32, #tpu.memory_space<vmem_shared>> -> memref<96x128xf32, #tpu.memory_space<vmem_shared>>
    tpu.enqueue_indirect_dma source(%dma_start3A_1636 : memref<96x128xf32, #tpu.memory_space<vmem_shared>>) target(%arg13 : memref<104x128xf32, #tpu.memory_space<vmem>>) offsets(%arg11 : memref<104xi32, #tpu.memory_space<vmem>>) semaphore(%arg21 : memref<!tpu.dma_semaphore, #tpu.memory_space<semaphore_mem>>)
    %dma_wait3A_1637 = arith.constant 9 : i32
    %dma_wait3A_1638 = arith.constant 0 : i32
    %dma_wait3A_1639 = arith.constant 0 : i32
    %dma_wait3A_1640 = tpu.memref_slice %arg6[%dma_wait3A_1637, %dma_wait3A_1638, %dma_wait3A_1639] : memref<19x96x128xf32, #tpu.memory_space<vmem_shared>> -> memref<1x96x128xf32, #tpu.memory_space<vmem_shared>>
    %dma_wait3A_1641 = tpu.memref_squeeze %dma_wait3A_1640 : memref<1x96x128xf32, #tpu.memory_space<vmem_shared>> -> memref<96x128xf32, #tpu.memory_space<vmem_shared>>
    %dma_wait3A_1642 = arith.constant 0 : i32
    %dma_wait3A_1643 = arith.constant 0 : i32
    %dma_wait3A_1644 = tpu.memref_slice %dma_wait3A_1641[%dma_wait3A_1642, %dma_wait3A_1643] : memref<96x128xf32, #tpu.memory_space<vmem_shared>> -> memref<96x128xf32, #tpu.memory_space<vmem_shared>>
    tpu.wait_indirect_dma semaphore(%arg23 : memref<!tpu.dma_semaphore, #tpu.memory_space<semaphore_mem>>) src(%dma_wait3A_1644 : memref<96x128xf32, #tpu.memory_space<vmem_shared>>) dst(%arg15 : memref<104x128xf32, #tpu.memory_space<vmem>>)
    %add3A_1645 = arith.constant 208 : i32
    %add3A_1646 = arith.addi %mul3A_27, %add3A_1645 : i32
    %dma_start3A_1647 = arith.constant 9 : i32
    %dma_start3A_1648 = arith.constant 0 : i32
    %dma_start3A_1649 = tpu.memref_slice %arg5[%dma_start3A_1647, %add3A_1646, %dma_start3A_1648] : memref<19x10000x128xf32, #tpu.memory_space<hbm>> -> memref<1x104x128xf32, #tpu.memory_space<hbm>>
    %dma_start3A_1650 = tpu.memref_squeeze %dma_start3A_1649 : memref<1x104x128xf32, #tpu.memory_space<hbm>> -> memref<104x128xf32, #tpu.memory_space<hbm>>
    %dma_start3A_1651 = arith.constant 0 : i32
    %dma_start3A_1652 = tpu.memref_slice %arg5[%dma_start3A_1647, %add3A_1646, %dma_start3A_1651] : memref<19x10000x128xf32, #tpu.memory_space<hbm>> -> memref<1x104x128xf32, #tpu.memory_space<hbm>>
    %dma_start3A_1653 = tpu.memref_squeeze %dma_start3A_1652 : memref<1x104x128xf32, #tpu.memory_space<hbm>> -> memref<104x128xf32, #tpu.memory_space<hbm>>
    tpu.enqueue_dma source(%arg15 : memref<104x128xf32, #tpu.memory_space<vmem>>) target(%dma_start3A_1653 : memref<104x128xf32, #tpu.memory_space<hbm>>) target_semaphore(%arg26 : memref<!tpu.dma_semaphore, #tpu.memory_space<semaphore_mem>>)
    %add3A_1654 = arith.constant 208 : i32
    %add3A_1655 = arith.addi %mul3A_27, %add3A_1654 : i32
    %dma_wait3A_1656 = arith.constant 8 : i32
    %dma_wait3A_1657 = arith.constant 0 : i32
    %dma_wait3A_1658 = tpu.memref_slice %arg5[%dma_wait3A_1656, %add3A_1655, %dma_wait3A_1657] : memref<19x10000x128xf32, #tpu.memory_space<hbm>> -> memref<1x104x128xf32, #tpu.memory_space<hbm>>
    %dma_wait3A_1659 = tpu.memref_squeeze %dma_wait3A_1658 : memref<1x104x128xf32, #tpu.memory_space<hbm>> -> memref<104x128xf32, #tpu.memory_space<hbm>>
    %dma_wait3A_1660 = arith.constant 0 : i32
    %dma_wait3A_1661 = tpu.memref_slice %arg5[%dma_wait3A_1656, %add3A_1655, %dma_wait3A_1660] : memref<19x10000x128xf32, #tpu.memory_space<hbm>> -> memref<1x104x128xf32, #tpu.memory_space<hbm>>
    %dma_wait3A_1662 = tpu.memref_squeeze %dma_wait3A_1661 : memref<1x104x128xf32, #tpu.memory_space<hbm>> -> memref<104x128xf32, #tpu.memory_space<hbm>>
    tpu.wait_dma2 semaphore(%arg25 : memref<!tpu.dma_semaphore, #tpu.memory_space<semaphore_mem>>) src(%arg14 : memref<104x128xf32, #tpu.memory_space<vmem>>) dst(%dma_wait3A_1662 : memref<104x128xf32, #tpu.memory_space<hbm>>)
    %dma_start3A_1663 = arith.constant 11 : i32
    %dma_start3A_1664 = arith.constant 0 : i32
    %dma_start3A_1665 = arith.constant 0 : i32
    %dma_start3A_1666 = tpu.memref_slice %arg6[%dma_start3A_1663, %dma_start3A_1664, %dma_start3A_1665] : memref<19x96x128xf32, #tpu.memory_space<vmem_shared>> -> memref<1x96x128xf32, #tpu.memory_space<vmem_shared>>
    %dma_start3A_1667 = tpu.memref_squeeze %dma_start3A_1666 : memref<1x96x128xf32, #tpu.memory_space<vmem_shared>> -> memref<96x128xf32, #tpu.memory_space<vmem_shared>>
    %dma_start3A_1668 = arith.constant 0 : i32
    %dma_start3A_1669 = arith.constant 0 : i32
    %dma_start3A_1670 = tpu.memref_slice %dma_start3A_1667[%dma_start3A_1668, %dma_start3A_1669] : memref<96x128xf32, #tpu.memory_space<vmem_shared>> -> memref<96x128xf32, #tpu.memory_space<vmem_shared>>
    tpu.enqueue_indirect_dma source(%dma_start3A_1670 : memref<96x128xf32, #tpu.memory_space<vmem_shared>>) target(%arg14 : memref<104x128xf32, #tpu.memory_space<vmem>>) offsets(%arg11 : memref<104xi32, #tpu.memory_space<vmem>>) semaphore(%arg22 : memref<!tpu.dma_semaphore, #tpu.memory_space<semaphore_mem>>)
    %dma_wait3A_1671 = arith.constant 10 : i32
    %dma_wait3A_1672 = arith.constant 0 : i32
    %dma_wait3A_1673 = arith.constant 0 : i32
    %dma_wait3A_1674 = tpu.memref_slice %arg6[%dma_wait3A_1671, %dma_wait3A_1672, %dma_wait3A_1673] : memref<19x96x128xf32, #tpu.memory_space<vmem_shared>> -> memref<1x96x128xf32, #tpu.memory_space<vmem_shared>>
    %dma_wait3A_1675 = tpu.memref_squeeze %dma_wait3A_1674 : memref<1x96x128xf32, #tpu.memory_space<vmem_shared>> -> memref<96x128xf32, #tpu.memory_space<vmem_shared>>
    %dma_wait3A_1676 = arith.constant 0 : i32
    %dma_wait3A_1677 = arith.constant 0 : i32
    %dma_wait3A_1678 = tpu.memref_slice %dma_wait3A_1675[%dma_wait3A_1676, %dma_wait3A_1677] : memref<96x128xf32, #tpu.memory_space<vmem_shared>> -> memref<96x128xf32, #tpu.memory_space<vmem_shared>>
    tpu.wait_indirect_dma semaphore(%arg21 : memref<!tpu.dma_semaphore, #tpu.memory_space<semaphore_mem>>) src(%dma_wait3A_1678 : memref<96x128xf32, #tpu.memory_space<vmem_shared>>) dst(%arg13 : memref<104x128xf32, #tpu.memory_space<vmem>>)
    %add3A_1679 = arith.constant 208 : i32
    %add3A_1680 = arith.addi %mul3A_27, %add3A_1679 : i32
    %dma_start3A_1681 = arith.constant 10 : i32
    %dma_start3A_1682 = arith.constant 0 : i32
    %dma_start3A_1683 = tpu.memref_slice %arg5[%dma_start3A_1681, %add3A_1680, %dma_start3A_1682] : memref<19x10000x128xf32, #tpu.memory_space<hbm>> -> memref<1x104x128xf32, #tpu.memory_space<hbm>>
    %dma_start3A_1684 = tpu.memref_squeeze %dma_start3A_1683 : memref<1x104x128xf32, #tpu.memory_space<hbm>> -> memref<104x128xf32, #tpu.memory_space<hbm>>
    %dma_start3A_1685 = arith.constant 0 : i32
    %dma_start3A_1686 = tpu.memref_slice %arg5[%dma_start3A_1681, %add3A_1680, %dma_start3A_1685] : memref<19x10000x128xf32, #tpu.memory_space<hbm>> -> memref<1x104x128xf32, #tpu.memory_space<hbm>>
    %dma_start3A_1687 = tpu.memref_squeeze %dma_start3A_1686 : memref<1x104x128xf32, #tpu.memory_space<hbm>> -> memref<104x128xf32, #tpu.memory_space<hbm>>
    tpu.enqueue_dma source(%arg13 : memref<104x128xf32, #tpu.memory_space<vmem>>) target(%dma_start3A_1687 : memref<104x128xf32, #tpu.memory_space<hbm>>) target_semaphore(%arg24 : memref<!tpu.dma_semaphore, #tpu.memory_space<semaphore_mem>>)
    %add3A_1688 = arith.constant 208 : i32
    %add3A_1689 = arith.addi %mul3A_27, %add3A_1688 : i32
    %dma_wait3A_1690 = arith.constant 9 : i32
    %dma_wait3A_1691 = arith.constant 0 : i32
    %dma_wait3A_1692 = tpu.memref_slice %arg5[%dma_wait3A_1690, %add3A_1689, %dma_wait3A_1691] : memref<19x10000x128xf32, #tpu.memory_space<hbm>> -> memref<1x104x128xf32, #tpu.memory_space<hbm>>
    %dma_wait3A_1693 = tpu.memref_squeeze %dma_wait3A_1692 : memref<1x104x128xf32, #tpu.memory_space<hbm>> -> memref<104x128xf32, #tpu.memory_space<hbm>>
    %dma_wait3A_1694 = arith.constant 0 : i32
    %dma_wait3A_1695 = tpu.memref_slice %arg5[%dma_wait3A_1690, %add3A_1689, %dma_wait3A_1694] : memref<19x10000x128xf32, #tpu.memory_space<hbm>> -> memref<1x104x128xf32, #tpu.memory_space<hbm>>
    %dma_wait3A_1696 = tpu.memref_squeeze %dma_wait3A_1695 : memref<1x104x128xf32, #tpu.memory_space<hbm>> -> memref<104x128xf32, #tpu.memory_space<hbm>>
    tpu.wait_dma2 semaphore(%arg26 : memref<!tpu.dma_semaphore, #tpu.memory_space<semaphore_mem>>) src(%arg15 : memref<104x128xf32, #tpu.memory_space<vmem>>) dst(%dma_wait3A_1696 : memref<104x128xf32, #tpu.memory_space<hbm>>)
    %dma_start3A_1697 = arith.constant 12 : i32
    %dma_start3A_1698 = arith.constant 0 : i32
    %dma_start3A_1699 = arith.constant 0 : i32
    %dma_start3A_1700 = tpu.memref_slice %arg6[%dma_start3A_1697, %dma_start3A_1698, %dma_start3A_1699] : memref<19x96x128xf32, #tpu.memory_space<vmem_shared>> -> memref<1x96x128xf32, #tpu.memory_space<vmem_shared>>
    %dma_start3A_1701 = tpu.memref_squeeze %dma_start3A_1700 : memref<1x96x128xf32, #tpu.memory_space<vmem_shared>> -> memref<96x128xf32, #tpu.memory_space<vmem_shared>>
    %dma_start3A_1702 = arith.constant 0 : i32
    %dma_start3A_1703 = arith.constant 0 : i32
    %dma_start3A_1704 = tpu.memref_slice %dma_start3A_1701[%dma_start3A_1702, %dma_start3A_1703] : memref<96x128xf32, #tpu.memory_space<vmem_shared>> -> memref<96x128xf32, #tpu.memory_space<vmem_shared>>
    tpu.enqueue_indirect_dma source(%dma_start3A_1704 : memref<96x128xf32, #tpu.memory_space<vmem_shared>>) target(%arg15 : memref<104x128xf32, #tpu.memory_space<vmem>>) offsets(%arg11 : memref<104xi32, #tpu.memory_space<vmem>>) semaphore(%arg23 : memref<!tpu.dma_semaphore, #tpu.memory_space<semaphore_mem>>)
    %dma_wait3A_1705 = arith.constant 11 : i32
    %dma_wait3A_1706 = arith.constant 0 : i32
    %dma_wait3A_1707 = arith.constant 0 : i32
    %dma_wait3A_1708 = tpu.memref_slice %arg6[%dma_wait3A_1705, %dma_wait3A_1706, %dma_wait3A_1707] : memref<19x96x128xf32, #tpu.memory_space<vmem_shared>> -> memref<1x96x128xf32, #tpu.memory_space<vmem_shared>>
    %dma_wait3A_1709 = tpu.memref_squeeze %dma_wait3A_1708 : memref<1x96x128xf32, #tpu.memory_space<vmem_shared>> -> memref<96x128xf32, #tpu.memory_space<vmem_shared>>
    %dma_wait3A_1710 = arith.constant 0 : i32
    %dma_wait3A_1711 = arith.constant 0 : i32
    %dma_wait3A_1712 = tpu.memref_slice %dma_wait3A_1709[%dma_wait3A_1710, %dma_wait3A_1711] : memref<96x128xf32, #tpu.memory_space<vmem_shared>> -> memref<96x128xf32, #tpu.memory_space<vmem_shared>>
    tpu.wait_indirect_dma semaphore(%arg22 : memref<!tpu.dma_semaphore, #tpu.memory_space<semaphore_mem>>) src(%dma_wait3A_1712 : memref<96x128xf32, #tpu.memory_space<vmem_shared>>) dst(%arg14 : memref<104x128xf32, #tpu.memory_space<vmem>>)
    %add3A_1713 = arith.constant 208 : i32
    %add3A_1714 = arith.addi %mul3A_27, %add3A_1713 : i32
    %dma_start3A_1715 = arith.constant 11 : i32
    %dma_start3A_1716 = arith.constant 0 : i32
    %dma_start3A_1717 = tpu.memref_slice %arg5[%dma_start3A_1715, %add3A_1714, %dma_start3A_1716] : memref<19x10000x128xf32, #tpu.memory_space<hbm>> -> memref<1x104x128xf32, #tpu.memory_space<hbm>>
    %dma_start3A_1718 = tpu.memref_squeeze %dma_start3A_1717 : memref<1x104x128xf32, #tpu.memory_space<hbm>> -> memref<104x128xf32, #tpu.memory_space<hbm>>
    %dma_start3A_1719 = arith.constant 0 : i32
    %dma_start3A_1720 = tpu.memref_slice %arg5[%dma_start3A_1715, %add3A_1714, %dma_start3A_1719] : memref<19x10000x128xf32, #tpu.memory_space<hbm>> -> memref<1x104x128xf32, #tpu.memory_space<hbm>>
    %dma_start3A_1721 = tpu.memref_squeeze %dma_start3A_1720 : memref<1x104x128xf32, #tpu.memory_space<hbm>> -> memref<104x128xf32, #tpu.memory_space<hbm>>
    tpu.enqueue_dma source(%arg14 : memref<104x128xf32, #tpu.memory_space<vmem>>) target(%dma_start3A_1721 : memref<104x128xf32, #tpu.memory_space<hbm>>) target_semaphore(%arg25 : memref<!tpu.dma_semaphore, #tpu.memory_space<semaphore_mem>>)
    %add3A_1722 = arith.constant 208 : i32
    %add3A_1723 = arith.addi %mul3A_27, %add3A_1722 : i32
    %dma_wait3A_1724 = arith.constant 10 : i32
    %dma_wait3A_1725 = arith.constant 0 : i32
    %dma_wait3A_1726 = tpu.memref_slice %arg5[%dma_wait3A_1724, %add3A_1723, %dma_wait3A_1725] : memref<19x10000x128xf32, #tpu.memory_space<hbm>> -> memref<1x104x128xf32, #tpu.memory_space<hbm>>
    %dma_wait3A_1727 = tpu.memref_squeeze %dma_wait3A_1726 : memref<1x104x128xf32, #tpu.memory_space<hbm>> -> memref<104x128xf32, #tpu.memory_space<hbm>>
    %dma_wait3A_1728 = arith.constant 0 : i32
    %dma_wait3A_1729 = tpu.memref_slice %arg5[%dma_wait3A_1724, %add3A_1723, %dma_wait3A_1728] : memref<19x10000x128xf32, #tpu.memory_space<hbm>> -> memref<1x104x128xf32, #tpu.memory_space<hbm>>
    %dma_wait3A_1730 = tpu.memref_squeeze %dma_wait3A_1729 : memref<1x104x128xf32, #tpu.memory_space<hbm>> -> memref<104x128xf32, #tpu.memory_space<hbm>>
    tpu.wait_dma2 semaphore(%arg24 : memref<!tpu.dma_semaphore, #tpu.memory_space<semaphore_mem>>) src(%arg13 : memref<104x128xf32, #tpu.memory_space<vmem>>) dst(%dma_wait3A_1730 : memref<104x128xf32, #tpu.memory_space<hbm>>)
    %dma_start3A_1731 = arith.constant 13 : i32
    %dma_start3A_1732 = arith.constant 0 : i32
    %dma_start3A_1733 = arith.constant 0 : i32
    %dma_start3A_1734 = tpu.memref_slice %arg6[%dma_start3A_1731, %dma_start3A_1732, %dma_start3A_1733] : memref<19x96x128xf32, #tpu.memory_space<vmem_shared>> -> memref<1x96x128xf32, #tpu.memory_space<vmem_shared>>
    %dma_start3A_1735 = tpu.memref_squeeze %dma_start3A_1734 : memref<1x96x128xf32, #tpu.memory_space<vmem_shared>> -> memref<96x128xf32, #tpu.memory_space<vmem_shared>>
    %dma_start3A_1736 = arith.constant 0 : i32
    %dma_start3A_1737 = arith.constant 0 : i32
    %dma_start3A_1738 = tpu.memref_slice %dma_start3A_1735[%dma_start3A_1736, %dma_start3A_1737] : memref<96x128xf32, #tpu.memory_space<vmem_shared>> -> memref<96x128xf32, #tpu.memory_space<vmem_shared>>
    tpu.enqueue_indirect_dma source(%dma_start3A_1738 : memref<96x128xf32, #tpu.memory_space<vmem_shared>>) target(%arg13 : memref<104x128xf32, #tpu.memory_space<vmem>>) offsets(%arg11 : memref<104xi32, #tpu.memory_space<vmem>>) semaphore(%arg21 : memref<!tpu.dma_semaphore, #tpu.memory_space<semaphore_mem>>)
    %dma_wait3A_1739 = arith.constant 12 : i32
    %dma_wait3A_1740 = arith.constant 0 : i32
    %dma_wait3A_1741 = arith.constant 0 : i32
    %dma_wait3A_1742 = tpu.memref_slice %arg6[%dma_wait3A_1739, %dma_wait3A_1740, %dma_wait3A_1741] : memref<19x96x128xf32, #tpu.memory_space<vmem_shared>> -> memref<1x96x128xf32, #tpu.memory_space<vmem_shared>>
    %dma_wait3A_1743 = tpu.memref_squeeze %dma_wait3A_1742 : memref<1x96x128xf32, #tpu.memory_space<vmem_shared>> -> memref<96x128xf32, #tpu.memory_space<vmem_shared>>
    %dma_wait3A_1744 = arith.constant 0 : i32
    %dma_wait3A_1745 = arith.constant 0 : i32
    %dma_wait3A_1746 = tpu.memref_slice %dma_wait3A_1743[%dma_wait3A_1744, %dma_wait3A_1745] : memref<96x128xf32, #tpu.memory_space<vmem_shared>> -> memref<96x128xf32, #tpu.memory_space<vmem_shared>>
    tpu.wait_indirect_dma semaphore(%arg23 : memref<!tpu.dma_semaphore, #tpu.memory_space<semaphore_mem>>) src(%dma_wait3A_1746 : memref<96x128xf32, #tpu.memory_space<vmem_shared>>) dst(%arg15 : memref<104x128xf32, #tpu.memory_space<vmem>>)
    %add3A_1747 = arith.constant 208 : i32
    %add3A_1748 = arith.addi %mul3A_27, %add3A_1747 : i32
    %dma_start3A_1749 = arith.constant 12 : i32
    %dma_start3A_1750 = arith.constant 0 : i32
    %dma_start3A_1751 = tpu.memref_slice %arg5[%dma_start3A_1749, %add3A_1748, %dma_start3A_1750] : memref<19x10000x128xf32, #tpu.memory_space<hbm>> -> memref<1x104x128xf32, #tpu.memory_space<hbm>>
    %dma_start3A_1752 = tpu.memref_squeeze %dma_start3A_1751 : memref<1x104x128xf32, #tpu.memory_space<hbm>> -> memref<104x128xf32, #tpu.memory_space<hbm>>
    %dma_start3A_1753 = arith.constant 0 : i32
    %dma_start3A_1754 = tpu.memref_slice %arg5[%dma_start3A_1749, %add3A_1748, %dma_start3A_1753] : memref<19x10000x128xf32, #tpu.memory_space<hbm>> -> memref<1x104x128xf32, #tpu.memory_space<hbm>>
    %dma_start3A_1755 = tpu.memref_squeeze %dma_start3A_1754 : memref<1x104x128xf32, #tpu.memory_space<hbm>> -> memref<104x128xf32, #tpu.memory_space<hbm>>
    tpu.enqueue_dma source(%arg15 : memref<104x128xf32, #tpu.memory_space<vmem>>) target(%dma_start3A_1755 : memref<104x128xf32, #tpu.memory_space<hbm>>) target_semaphore(%arg26 : memref<!tpu.dma_semaphore, #tpu.memory_space<semaphore_mem>>)
    %add3A_1756 = arith.constant 208 : i32
    %add3A_1757 = arith.addi %mul3A_27, %add3A_1756 : i32
    %dma_wait3A_1758 = arith.constant 11 : i32
    %dma_wait3A_1759 = arith.constant 0 : i32
    %dma_wait3A_1760 = tpu.memref_slice %arg5[%dma_wait3A_1758, %add3A_1757, %dma_wait3A_1759] : memref<19x10000x128xf32, #tpu.memory_space<hbm>> -> memref<1x104x128xf32, #tpu.memory_space<hbm>>
    %dma_wait3A_1761 = tpu.memref_squeeze %dma_wait3A_1760 : memref<1x104x128xf32, #tpu.memory_space<hbm>> -> memref<104x128xf32, #tpu.memory_space<hbm>>
    %dma_wait3A_1762 = arith.constant 0 : i32
    %dma_wait3A_1763 = tpu.memref_slice %arg5[%dma_wait3A_1758, %add3A_1757, %dma_wait3A_1762] : memref<19x10000x128xf32, #tpu.memory_space<hbm>> -> memref<1x104x128xf32, #tpu.memory_space<hbm>>
    %dma_wait3A_1764 = tpu.memref_squeeze %dma_wait3A_1763 : memref<1x104x128xf32, #tpu.memory_space<hbm>> -> memref<104x128xf32, #tpu.memory_space<hbm>>
    tpu.wait_dma2 semaphore(%arg25 : memref<!tpu.dma_semaphore, #tpu.memory_space<semaphore_mem>>) src(%arg14 : memref<104x128xf32, #tpu.memory_space<vmem>>) dst(%dma_wait3A_1764 : memref<104x128xf32, #tpu.memory_space<hbm>>)
    %dma_start3A_1765 = arith.constant 14 : i32
    %dma_start3A_1766 = arith.constant 0 : i32
    %dma_start3A_1767 = arith.constant 0 : i32
    %dma_start3A_1768 = tpu.memref_slice %arg6[%dma_start3A_1765, %dma_start3A_1766, %dma_start3A_1767] : memref<19x96x128xf32, #tpu.memory_space<vmem_shared>> -> memref<1x96x128xf32, #tpu.memory_space<vmem_shared>>
    %dma_start3A_1769 = tpu.memref_squeeze %dma_start3A_1768 : memref<1x96x128xf32, #tpu.memory_space<vmem_shared>> -> memref<96x128xf32, #tpu.memory_space<vmem_shared>>
    %dma_start3A_1770 = arith.constant 0 : i32
    %dma_start3A_1771 = arith.constant 0 : i32
    %dma_start3A_1772 = tpu.memref_slice %dma_start3A_1769[%dma_start3A_1770, %dma_start3A_1771] : memref<96x128xf32, #tpu.memory_space<vmem_shared>> -> memref<96x128xf32, #tpu.memory_space<vmem_shared>>
    tpu.enqueue_indirect_dma source(%dma_start3A_1772 : memref<96x128xf32, #tpu.memory_space<vmem_shared>>) target(%arg14 : memref<104x128xf32, #tpu.memory_space<vmem>>) offsets(%arg11 : memref<104xi32, #tpu.memory_space<vmem>>) semaphore(%arg22 : memref<!tpu.dma_semaphore, #tpu.memory_space<semaphore_mem>>)
    %dma_wait3A_1773 = arith.constant 13 : i32
    %dma_wait3A_1774 = arith.constant 0 : i32
    %dma_wait3A_1775 = arith.constant 0 : i32
    %dma_wait3A_1776 = tpu.memref_slice %arg6[%dma_wait3A_1773, %dma_wait3A_1774, %dma_wait3A_1775] : memref<19x96x128xf32, #tpu.memory_space<vmem_shared>> -> memref<1x96x128xf32, #tpu.memory_space<vmem_shared>>
    %dma_wait3A_1777 = tpu.memref_squeeze %dma_wait3A_1776 : memref<1x96x128xf32, #tpu.memory_space<vmem_shared>> -> memref<96x128xf32, #tpu.memory_space<vmem_shared>>
    %dma_wait3A_1778 = arith.constant 0 : i32
    %dma_wait3A_1779 = arith.constant 0 : i32
    %dma_wait3A_1780 = tpu.memref_slice %dma_wait3A_1777[%dma_wait3A_1778, %dma_wait3A_1779] : memref<96x128xf32, #tpu.memory_space<vmem_shared>> -> memref<96x128xf32, #tpu.memory_space<vmem_shared>>
    tpu.wait_indirect_dma semaphore(%arg21 : memref<!tpu.dma_semaphore, #tpu.memory_space<semaphore_mem>>) src(%dma_wait3A_1780 : memref<96x128xf32, #tpu.memory_space<vmem_shared>>) dst(%arg13 : memref<104x128xf32, #tpu.memory_space<vmem>>)
    %add3A_1781 = arith.constant 208 : i32
    %add3A_1782 = arith.addi %mul3A_27, %add3A_1781 : i32
    %dma_start3A_1783 = arith.constant 13 : i32
    %dma_start3A_1784 = arith.constant 0 : i32
    %dma_start3A_1785 = tpu.memref_slice %arg5[%dma_start3A_1783, %add3A_1782, %dma_start3A_1784] : memref<19x10000x128xf32, #tpu.memory_space<hbm>> -> memref<1x104x128xf32, #tpu.memory_space<hbm>>
    %dma_start3A_1786 = tpu.memref_squeeze %dma_start3A_1785 : memref<1x104x128xf32, #tpu.memory_space<hbm>> -> memref<104x128xf32, #tpu.memory_space<hbm>>
    %dma_start3A_1787 = arith.constant 0 : i32
    %dma_start3A_1788 = tpu.memref_slice %arg5[%dma_start3A_1783, %add3A_1782, %dma_start3A_1787] : memref<19x10000x128xf32, #tpu.memory_space<hbm>> -> memref<1x104x128xf32, #tpu.memory_space<hbm>>
    %dma_start3A_1789 = tpu.memref_squeeze %dma_start3A_1788 : memref<1x104x128xf32, #tpu.memory_space<hbm>> -> memref<104x128xf32, #tpu.memory_space<hbm>>
    tpu.enqueue_dma source(%arg13 : memref<104x128xf32, #tpu.memory_space<vmem>>) target(%dma_start3A_1789 : memref<104x128xf32, #tpu.memory_space<hbm>>) target_semaphore(%arg24 : memref<!tpu.dma_semaphore, #tpu.memory_space<semaphore_mem>>)
    %add3A_1790 = arith.constant 208 : i32
    %add3A_1791 = arith.addi %mul3A_27, %add3A_1790 : i32
    %dma_wait3A_1792 = arith.constant 12 : i32
    %dma_wait3A_1793 = arith.constant 0 : i32
    %dma_wait3A_1794 = tpu.memref_slice %arg5[%dma_wait3A_1792, %add3A_1791, %dma_wait3A_1793] : memref<19x10000x128xf32, #tpu.memory_space<hbm>> -> memref<1x104x128xf32, #tpu.memory_space<hbm>>
    %dma_wait3A_1795 = tpu.memref_squeeze %dma_wait3A_1794 : memref<1x104x128xf32, #tpu.memory_space<hbm>> -> memref<104x128xf32, #tpu.memory_space<hbm>>
    %dma_wait3A_1796 = arith.constant 0 : i32
    %dma_wait3A_1797 = tpu.memref_slice %arg5[%dma_wait3A_1792, %add3A_1791, %dma_wait3A_1796] : memref<19x10000x128xf32, #tpu.memory_space<hbm>> -> memref<1x104x128xf32, #tpu.memory_space<hbm>>
    %dma_wait3A_1798 = tpu.memref_squeeze %dma_wait3A_1797 : memref<1x104x128xf32, #tpu.memory_space<hbm>> -> memref<104x128xf32, #tpu.memory_space<hbm>>
    tpu.wait_dma2 semaphore(%arg26 : memref<!tpu.dma_semaphore, #tpu.memory_space<semaphore_mem>>) src(%arg15 : memref<104x128xf32, #tpu.memory_space<vmem>>) dst(%dma_wait3A_1798 : memref<104x128xf32, #tpu.memory_space<hbm>>)
    %dma_start3A_1799 = arith.constant 15 : i32
    %dma_start3A_1800 = arith.constant 0 : i32
    %dma_start3A_1801 = arith.constant 0 : i32
    %dma_start3A_1802 = tpu.memref_slice %arg6[%dma_start3A_1799, %dma_start3A_1800, %dma_start3A_1801] : memref<19x96x128xf32, #tpu.memory_space<vmem_shared>> -> memref<1x96x128xf32, #tpu.memory_space<vmem_shared>>
    %dma_start3A_1803 = tpu.memref_squeeze %dma_start3A_1802 : memref<1x96x128xf32, #tpu.memory_space<vmem_shared>> -> memref<96x128xf32, #tpu.memory_space<vmem_shared>>
    %dma_start3A_1804 = arith.constant 0 : i32
    %dma_start3A_1805 = arith.constant 0 : i32
    %dma_start3A_1806 = tpu.memref_slice %dma_start3A_1803[%dma_start3A_1804, %dma_start3A_1805] : memref<96x128xf32, #tpu.memory_space<vmem_shared>> -> memref<96x128xf32, #tpu.memory_space<vmem_shared>>
    tpu.enqueue_indirect_dma source(%dma_start3A_1806 : memref<96x128xf32, #tpu.memory_space<vmem_shared>>) target(%arg15 : memref<104x128xf32, #tpu.memory_space<vmem>>) offsets(%arg11 : memref<104xi32, #tpu.memory_space<vmem>>) semaphore(%arg23 : memref<!tpu.dma_semaphore, #tpu.memory_space<semaphore_mem>>)
    %dma_wait3A_1807 = arith.constant 14 : i32
    %dma_wait3A_1808 = arith.constant 0 : i32
    %dma_wait3A_1809 = arith.constant 0 : i32
    %dma_wait3A_1810 = tpu.memref_slice %arg6[%dma_wait3A_1807, %dma_wait3A_1808, %dma_wait3A_1809] : memref<19x96x128xf32, #tpu.memory_space<vmem_shared>> -> memref<1x96x128xf32, #tpu.memory_space<vmem_shared>>
    %dma_wait3A_1811 = tpu.memref_squeeze %dma_wait3A_1810 : memref<1x96x128xf32, #tpu.memory_space<vmem_shared>> -> memref<96x128xf32, #tpu.memory_space<vmem_shared>>
    %dma_wait3A_1812 = arith.constant 0 : i32
    %dma_wait3A_1813 = arith.constant 0 : i32
    %dma_wait3A_1814 = tpu.memref_slice %dma_wait3A_1811[%dma_wait3A_1812, %dma_wait3A_1813] : memref<96x128xf32, #tpu.memory_space<vmem_shared>> -> memref<96x128xf32, #tpu.memory_space<vmem_shared>>
    tpu.wait_indirect_dma semaphore(%arg22 : memref<!tpu.dma_semaphore, #tpu.memory_space<semaphore_mem>>) src(%dma_wait3A_1814 : memref<96x128xf32, #tpu.memory_space<vmem_shared>>) dst(%arg14 : memref<104x128xf32, #tpu.memory_space<vmem>>)
    %add3A_1815 = arith.constant 208 : i32
    %add3A_1816 = arith.addi %mul3A_27, %add3A_1815 : i32
    %dma_start3A_1817 = arith.constant 14 : i32
    %dma_start3A_1818 = arith.constant 0 : i32
    %dma_start3A_1819 = tpu.memref_slice %arg5[%dma_start3A_1817, %add3A_1816, %dma_start3A_1818] : memref<19x10000x128xf32, #tpu.memory_space<hbm>> -> memref<1x104x128xf32, #tpu.memory_space<hbm>>
    %dma_start3A_1820 = tpu.memref_squeeze %dma_start3A_1819 : memref<1x104x128xf32, #tpu.memory_space<hbm>> -> memref<104x128xf32, #tpu.memory_space<hbm>>
    %dma_start3A_1821 = arith.constant 0 : i32
    %dma_start3A_1822 = tpu.memref_slice %arg5[%dma_start3A_1817, %add3A_1816, %dma_start3A_1821] : memref<19x10000x128xf32, #tpu.memory_space<hbm>> -> memref<1x104x128xf32, #tpu.memory_space<hbm>>
    %dma_start3A_1823 = tpu.memref_squeeze %dma_start3A_1822 : memref<1x104x128xf32, #tpu.memory_space<hbm>> -> memref<104x128xf32, #tpu.memory_space<hbm>>
    tpu.enqueue_dma source(%arg14 : memref<104x128xf32, #tpu.memory_space<vmem>>) target(%dma_start3A_1823 : memref<104x128xf32, #tpu.memory_space<hbm>>) target_semaphore(%arg25 : memref<!tpu.dma_semaphore, #tpu.memory_space<semaphore_mem>>)
    %add3A_1824 = arith.constant 208 : i32
    %add3A_1825 = arith.addi %mul3A_27, %add3A_1824 : i32
    %dma_wait3A_1826 = arith.constant 13 : i32
    %dma_wait3A_1827 = arith.constant 0 : i32
    %dma_wait3A_1828 = tpu.memref_slice %arg5[%dma_wait3A_1826, %add3A_1825, %dma_wait3A_1827] : memref<19x10000x128xf32, #tpu.memory_space<hbm>> -> memref<1x104x128xf32, #tpu.memory_space<hbm>>
    %dma_wait3A_1829 = tpu.memref_squeeze %dma_wait3A_1828 : memref<1x104x128xf32, #tpu.memory_space<hbm>> -> memref<104x128xf32, #tpu.memory_space<hbm>>
    %dma_wait3A_1830 = arith.constant 0 : i32
    %dma_wait3A_1831 = tpu.memref_slice %arg5[%dma_wait3A_1826, %add3A_1825, %dma_wait3A_1830] : memref<19x10000x128xf32, #tpu.memory_space<hbm>> -> memref<1x104x128xf32, #tpu.memory_space<hbm>>
    %dma_wait3A_1832 = tpu.memref_squeeze %dma_wait3A_1831 : memref<1x104x128xf32, #tpu.memory_space<hbm>> -> memref<104x128xf32, #tpu.memory_space<hbm>>
    tpu.wait_dma2 semaphore(%arg24 : memref<!tpu.dma_semaphore, #tpu.memory_space<semaphore_mem>>) src(%arg13 : memref<104x128xf32, #tpu.memory_space<vmem>>) dst(%dma_wait3A_1832 : memref<104x128xf32, #tpu.memory_space<hbm>>)
    %dma_start3A_1833 = arith.constant 16 : i32
    %dma_start3A_1834 = arith.constant 0 : i32
    %dma_start3A_1835 = arith.constant 0 : i32
    %dma_start3A_1836 = tpu.memref_slice %arg6[%dma_start3A_1833, %dma_start3A_1834, %dma_start3A_1835] : memref<19x96x128xf32, #tpu.memory_space<vmem_shared>> -> memref<1x96x128xf32, #tpu.memory_space<vmem_shared>>
    %dma_start3A_1837 = tpu.memref_squeeze %dma_start3A_1836 : memref<1x96x128xf32, #tpu.memory_space<vmem_shared>> -> memref<96x128xf32, #tpu.memory_space<vmem_shared>>
    %dma_start3A_1838 = arith.constant 0 : i32
    %dma_start3A_1839 = arith.constant 0 : i32
    %dma_start3A_1840 = tpu.memref_slice %dma_start3A_1837[%dma_start3A_1838, %dma_start3A_1839] : memref<96x128xf32, #tpu.memory_space<vmem_shared>> -> memref<96x128xf32, #tpu.memory_space<vmem_shared>>
    tpu.enqueue_indirect_dma source(%dma_start3A_1840 : memref<96x128xf32, #tpu.memory_space<vmem_shared>>) target(%arg13 : memref<104x128xf32, #tpu.memory_space<vmem>>) offsets(%arg11 : memref<104xi32, #tpu.memory_space<vmem>>) semaphore(%arg21 : memref<!tpu.dma_semaphore, #tpu.memory_space<semaphore_mem>>)
    %dma_wait3A_1841 = arith.constant 15 : i32
    %dma_wait3A_1842 = arith.constant 0 : i32
    %dma_wait3A_1843 = arith.constant 0 : i32
    %dma_wait3A_1844 = tpu.memref_slice %arg6[%dma_wait3A_1841, %dma_wait3A_1842, %dma_wait3A_1843] : memref<19x96x128xf32, #tpu.memory_space<vmem_shared>> -> memref<1x96x128xf32, #tpu.memory_space<vmem_shared>>
    %dma_wait3A_1845 = tpu.memref_squeeze %dma_wait3A_1844 : memref<1x96x128xf32, #tpu.memory_space<vmem_shared>> -> memref<96x128xf32, #tpu.memory_space<vmem_shared>>
    %dma_wait3A_1846 = arith.constant 0 : i32
    %dma_wait3A_1847 = arith.constant 0 : i32
    %dma_wait3A_1848 = tpu.memref_slice %dma_wait3A_1845[%dma_wait3A_1846, %dma_wait3A_1847] : memref<96x128xf32, #tpu.memory_space<vmem_shared>> -> memref<96x128xf32, #tpu.memory_space<vmem_shared>>
    tpu.wait_indirect_dma semaphore(%arg23 : memref<!tpu.dma_semaphore, #tpu.memory_space<semaphore_mem>>) src(%dma_wait3A_1848 : memref<96x128xf32, #tpu.memory_space<vmem_shared>>) dst(%arg15 : memref<104x128xf32, #tpu.memory_space<vmem>>)
    %add3A_1849 = arith.constant 208 : i32
    %add3A_1850 = arith.addi %mul3A_27, %add3A_1849 : i32
    %dma_start3A_1851 = arith.constant 15 : i32
    %dma_start3A_1852 = arith.constant 0 : i32
    %dma_start3A_1853 = tpu.memref_slice %arg5[%dma_start3A_1851, %add3A_1850, %dma_start3A_1852] : memref<19x10000x128xf32, #tpu.memory_space<hbm>> -> memref<1x104x128xf32, #tpu.memory_space<hbm>>
    %dma_start3A_1854 = tpu.memref_squeeze %dma_start3A_1853 : memref<1x104x128xf32, #tpu.memory_space<hbm>> -> memref<104x128xf32, #tpu.memory_space<hbm>>
    %dma_start3A_1855 = arith.constant 0 : i32
    %dma_start3A_1856 = tpu.memref_slice %arg5[%dma_start3A_1851, %add3A_1850, %dma_start3A_1855] : memref<19x10000x128xf32, #tpu.memory_space<hbm>> -> memref<1x104x128xf32, #tpu.memory_space<hbm>>
    %dma_start3A_1857 = tpu.memref_squeeze %dma_start3A_1856 : memref<1x104x128xf32, #tpu.memory_space<hbm>> -> memref<104x128xf32, #tpu.memory_space<hbm>>
    tpu.enqueue_dma source(%arg15 : memref<104x128xf32, #tpu.memory_space<vmem>>) target(%dma_start3A_1857 : memref<104x128xf32, #tpu.memory_space<hbm>>) target_semaphore(%arg26 : memref<!tpu.dma_semaphore, #tpu.memory_space<semaphore_mem>>)
    %add3A_1858 = arith.constant 208 : i32
    %add3A_1859 = arith.addi %mul3A_27, %add3A_1858 : i32
    %dma_wait3A_1860 = arith.constant 14 : i32
    %dma_wait3A_1861 = arith.constant 0 : i32
    %dma_wait3A_1862 = tpu.memref_slice %arg5[%dma_wait3A_1860, %add3A_1859, %dma_wait3A_1861] : memref<19x10000x128xf32, #tpu.memory_space<hbm>> -> memref<1x104x128xf32, #tpu.memory_space<hbm>>
    %dma_wait3A_1863 = tpu.memref_squeeze %dma_wait3A_1862 : memref<1x104x128xf32, #tpu.memory_space<hbm>> -> memref<104x128xf32, #tpu.memory_space<hbm>>
    %dma_wait3A_1864 = arith.constant 0 : i32
    %dma_wait3A_1865 = tpu.memref_slice %arg5[%dma_wait3A_1860, %add3A_1859, %dma_wait3A_1864] : memref<19x10000x128xf32, #tpu.memory_space<hbm>> -> memref<1x104x128xf32, #tpu.memory_space<hbm>>
    %dma_wait3A_1866 = tpu.memref_squeeze %dma_wait3A_1865 : memref<1x104x128xf32, #tpu.memory_space<hbm>> -> memref<104x128xf32, #tpu.memory_space<hbm>>
    tpu.wait_dma2 semaphore(%arg25 : memref<!tpu.dma_semaphore, #tpu.memory_space<semaphore_mem>>) src(%arg14 : memref<104x128xf32, #tpu.memory_space<vmem>>) dst(%dma_wait3A_1866 : memref<104x128xf32, #tpu.memory_space<hbm>>)
    %dma_start3A_1867 = arith.constant 17 : i32
    %dma_start3A_1868 = arith.constant 0 : i32
    %dma_start3A_1869 = arith.constant 0 : i32
    %dma_start3A_1870 = tpu.memref_slice %arg6[%dma_start3A_1867, %dma_start3A_1868, %dma_start3A_1869] : memref<19x96x128xf32, #tpu.memory_space<vmem_shared>> -> memref<1x96x128xf32, #tpu.memory_space<vmem_shared>>
    %dma_start3A_1871 = tpu.memref_squeeze %dma_start3A_1870 : memref<1x96x128xf32, #tpu.memory_space<vmem_shared>> -> memref<96x128xf32, #tpu.memory_space<vmem_shared>>
    %dma_start3A_1872 = arith.constant 0 : i32
    %dma_start3A_1873 = arith.constant 0 : i32
    %dma_start3A_1874 = tpu.memref_slice %dma_start3A_1871[%dma_start3A_1872, %dma_start3A_1873] : memref<96x128xf32, #tpu.memory_space<vmem_shared>> -> memref<96x128xf32, #tpu.memory_space<vmem_shared>>
    tpu.enqueue_indirect_dma source(%dma_start3A_1874 : memref<96x128xf32, #tpu.memory_space<vmem_shared>>) target(%arg14 : memref<104x128xf32, #tpu.memory_space<vmem>>) offsets(%arg11 : memref<104xi32, #tpu.memory_space<vmem>>) semaphore(%arg22 : memref<!tpu.dma_semaphore, #tpu.memory_space<semaphore_mem>>)
    %dma_wait3A_1875 = arith.constant 16 : i32
    %dma_wait3A_1876 = arith.constant 0 : i32
    %dma_wait3A_1877 = arith.constant 0 : i32
    %dma_wait3A_1878 = tpu.memref_slice %arg6[%dma_wait3A_1875, %dma_wait3A_1876, %dma_wait3A_1877] : memref<19x96x128xf32, #tpu.memory_space<vmem_shared>> -> memref<1x96x128xf32, #tpu.memory_space<vmem_shared>>
    %dma_wait3A_1879 = tpu.memref_squeeze %dma_wait3A_1878 : memref<1x96x128xf32, #tpu.memory_space<vmem_shared>> -> memref<96x128xf32, #tpu.memory_space<vmem_shared>>
    %dma_wait3A_1880 = arith.constant 0 : i32
    %dma_wait3A_1881 = arith.constant 0 : i32
    %dma_wait3A_1882 = tpu.memref_slice %dma_wait3A_1879[%dma_wait3A_1880, %dma_wait3A_1881] : memref<96x128xf32, #tpu.memory_space<vmem_shared>> -> memref<96x128xf32, #tpu.memory_space<vmem_shared>>
    tpu.wait_indirect_dma semaphore(%arg21 : memref<!tpu.dma_semaphore, #tpu.memory_space<semaphore_mem>>) src(%dma_wait3A_1882 : memref<96x128xf32, #tpu.memory_space<vmem_shared>>) dst(%arg13 : memref<104x128xf32, #tpu.memory_space<vmem>>)
    %add3A_1883 = arith.constant 208 : i32
    %add3A_1884 = arith.addi %mul3A_27, %add3A_1883 : i32
    %dma_start3A_1885 = arith.constant 16 : i32
    %dma_start3A_1886 = arith.constant 0 : i32
    %dma_start3A_1887 = tpu.memref_slice %arg5[%dma_start3A_1885, %add3A_1884, %dma_start3A_1886] : memref<19x10000x128xf32, #tpu.memory_space<hbm>> -> memref<1x104x128xf32, #tpu.memory_space<hbm>>
    %dma_start3A_1888 = tpu.memref_squeeze %dma_start3A_1887 : memref<1x104x128xf32, #tpu.memory_space<hbm>> -> memref<104x128xf32, #tpu.memory_space<hbm>>
    %dma_start3A_1889 = arith.constant 0 : i32
    %dma_start3A_1890 = tpu.memref_slice %arg5[%dma_start3A_1885, %add3A_1884, %dma_start3A_1889] : memref<19x10000x128xf32, #tpu.memory_space<hbm>> -> memref<1x104x128xf32, #tpu.memory_space<hbm>>
    %dma_start3A_1891 = tpu.memref_squeeze %dma_start3A_1890 : memref<1x104x128xf32, #tpu.memory_space<hbm>> -> memref<104x128xf32, #tpu.memory_space<hbm>>
    tpu.enqueue_dma source(%arg13 : memref<104x128xf32, #tpu.memory_space<vmem>>) target(%dma_start3A_1891 : memref<104x128xf32, #tpu.memory_space<hbm>>) target_semaphore(%arg24 : memref<!tpu.dma_semaphore, #tpu.memory_space<semaphore_mem>>)
    %add3A_1892 = arith.constant 208 : i32
    %add3A_1893 = arith.addi %mul3A_27, %add3A_1892 : i32
    %dma_wait3A_1894 = arith.constant 15 : i32
    %dma_wait3A_1895 = arith.constant 0 : i32
    %dma_wait3A_1896 = tpu.memref_slice %arg5[%dma_wait3A_1894, %add3A_1893, %dma_wait3A_1895] : memref<19x10000x128xf32, #tpu.memory_space<hbm>> -> memref<1x104x128xf32, #tpu.memory_space<hbm>>
    %dma_wait3A_1897 = tpu.memref_squeeze %dma_wait3A_1896 : memref<1x104x128xf32, #tpu.memory_space<hbm>> -> memref<104x128xf32, #tpu.memory_space<hbm>>
    %dma_wait3A_1898 = arith.constant 0 : i32
    %dma_wait3A_1899 = tpu.memref_slice %arg5[%dma_wait3A_1894, %add3A_1893, %dma_wait3A_1898] : memref<19x10000x128xf32, #tpu.memory_space<hbm>> -> memref<1x104x128xf32, #tpu.memory_space<hbm>>
    %dma_wait3A_1900 = tpu.memref_squeeze %dma_wait3A_1899 : memref<1x104x128xf32, #tpu.memory_space<hbm>> -> memref<104x128xf32, #tpu.memory_space<hbm>>
    tpu.wait_dma2 semaphore(%arg26 : memref<!tpu.dma_semaphore, #tpu.memory_space<semaphore_mem>>) src(%arg15 : memref<104x128xf32, #tpu.memory_space<vmem>>) dst(%dma_wait3A_1900 : memref<104x128xf32, #tpu.memory_space<hbm>>)
    %dma_start3A_1901 = arith.constant 18 : i32
    %dma_start3A_1902 = arith.constant 0 : i32
    %dma_start3A_1903 = arith.constant 0 : i32
    %dma_start3A_1904 = tpu.memref_slice %arg6[%dma_start3A_1901, %dma_start3A_1902, %dma_start3A_1903] : memref<19x96x128xf32, #tpu.memory_space<vmem_shared>> -> memref<1x96x128xf32, #tpu.memory_space<vmem_shared>>
    %dma_start3A_1905 = tpu.memref_squeeze %dma_start3A_1904 : memref<1x96x128xf32, #tpu.memory_space<vmem_shared>> -> memref<96x128xf32, #tpu.memory_space<vmem_shared>>
    %dma_start3A_1906 = arith.constant 0 : i32
    %dma_start3A_1907 = arith.constant 0 : i32
    %dma_start3A_1908 = tpu.memref_slice %dma_start3A_1905[%dma_start3A_1906, %dma_start3A_1907] : memref<96x128xf32, #tpu.memory_space<vmem_shared>> -> memref<96x128xf32, #tpu.memory_space<vmem_shared>>
    tpu.enqueue_indirect_dma source(%dma_start3A_1908 : memref<96x128xf32, #tpu.memory_space<vmem_shared>>) target(%arg15 : memref<104x128xf32, #tpu.memory_space<vmem>>) offsets(%arg11 : memref<104xi32, #tpu.memory_space<vmem>>) semaphore(%arg23 : memref<!tpu.dma_semaphore, #tpu.memory_space<semaphore_mem>>)
    %dma_wait3A_1909 = arith.constant 17 : i32
    %dma_wait3A_1910 = arith.constant 0 : i32
    %dma_wait3A_1911 = arith.constant 0 : i32
    %dma_wait3A_1912 = tpu.memref_slice %arg6[%dma_wait3A_1909, %dma_wait3A_1910, %dma_wait3A_1911] : memref<19x96x128xf32, #tpu.memory_space<vmem_shared>> -> memref<1x96x128xf32, #tpu.memory_space<vmem_shared>>
    %dma_wait3A_1913 = tpu.memref_squeeze %dma_wait3A_1912 : memref<1x96x128xf32, #tpu.memory_space<vmem_shared>> -> memref<96x128xf32, #tpu.memory_space<vmem_shared>>
    %dma_wait3A_1914 = arith.constant 0 : i32
    %dma_wait3A_1915 = arith.constant 0 : i32
    %dma_wait3A_1916 = tpu.memref_slice %dma_wait3A_1913[%dma_wait3A_1914, %dma_wait3A_1915] : memref<96x128xf32, #tpu.memory_space<vmem_shared>> -> memref<96x128xf32, #tpu.memory_space<vmem_shared>>
    tpu.wait_indirect_dma semaphore(%arg22 : memref<!tpu.dma_semaphore, #tpu.memory_space<semaphore_mem>>) src(%dma_wait3A_1916 : memref<96x128xf32, #tpu.memory_space<vmem_shared>>) dst(%arg14 : memref<104x128xf32, #tpu.memory_space<vmem>>)
    %add3A_1917 = arith.constant 208 : i32
    %add3A_1918 = arith.addi %mul3A_27, %add3A_1917 : i32
    %dma_start3A_1919 = arith.constant 17 : i32
    %dma_start3A_1920 = arith.constant 0 : i32
    %dma_start3A_1921 = tpu.memref_slice %arg5[%dma_start3A_1919, %add3A_1918, %dma_start3A_1920] : memref<19x10000x128xf32, #tpu.memory_space<hbm>> -> memref<1x104x128xf32, #tpu.memory_space<hbm>>
    %dma_start3A_1922 = tpu.memref_squeeze %dma_start3A_1921 : memref<1x104x128xf32, #tpu.memory_space<hbm>> -> memref<104x128xf32, #tpu.memory_space<hbm>>
    %dma_start3A_1923 = arith.constant 0 : i32
    %dma_start3A_1924 = tpu.memref_slice %arg5[%dma_start3A_1919, %add3A_1918, %dma_start3A_1923] : memref<19x10000x128xf32, #tpu.memory_space<hbm>> -> memref<1x104x128xf32, #tpu.memory_space<hbm>>
    %dma_start3A_1925 = tpu.memref_squeeze %dma_start3A_1924 : memref<1x104x128xf32, #tpu.memory_space<hbm>> -> memref<104x128xf32, #tpu.memory_space<hbm>>
    tpu.enqueue_dma source(%arg14 : memref<104x128xf32, #tpu.memory_space<vmem>>) target(%dma_start3A_1925 : memref<104x128xf32, #tpu.memory_space<hbm>>) target_semaphore(%arg25 : memref<!tpu.dma_semaphore, #tpu.memory_space<semaphore_mem>>)
    %dma_wait3A_1926 = arith.constant 18 : i32
    %dma_wait3A_1927 = arith.constant 0 : i32
    %dma_wait3A_1928 = arith.constant 0 : i32
    %dma_wait3A_1929 = tpu.memref_slice %arg6[%dma_wait3A_1926, %dma_wait3A_1927, %dma_wait3A_1928] : memref<19x96x128xf32, #tpu.memory_space<vmem_shared>> -> memref<1x96x128xf32, #tpu.memory_space<vmem_shared>>
    %dma_wait3A_1930 = tpu.memref_squeeze %dma_wait3A_1929 : memref<1x96x128xf32, #tpu.memory_space<vmem_shared>> -> memref<96x128xf32, #tpu.memory_space<vmem_shared>>
    %dma_wait3A_1931 = arith.constant 0 : i32
    %dma_wait3A_1932 = arith.constant 0 : i32
    %dma_wait3A_1933 = tpu.memref_slice %dma_wait3A_1930[%dma_wait3A_1931, %dma_wait3A_1932] : memref<96x128xf32, #tpu.memory_space<vmem_shared>> -> memref<96x128xf32, #tpu.memory_space<vmem_shared>>
    tpu.wait_indirect_dma semaphore(%arg23 : memref<!tpu.dma_semaphore, #tpu.memory_space<semaphore_mem>>) src(%dma_wait3A_1933 : memref<96x128xf32, #tpu.memory_space<vmem_shared>>) dst(%arg15 : memref<104x128xf32, #tpu.memory_space<vmem>>)
    %add3A_1934 = arith.constant 208 : i32
    %add3A_1935 = arith.addi %mul3A_27, %add3A_1934 : i32
    %dma_start3A_1936 = arith.constant 18 : i32
    %dma_start3A_1937 = arith.constant 0 : i32
    %dma_start3A_1938 = tpu.memref_slice %arg5[%dma_start3A_1936, %add3A_1935, %dma_start3A_1937] : memref<19x10000x128xf32, #tpu.memory_space<hbm>> -> memref<1x104x128xf32, #tpu.memory_space<hbm>>
    %dma_start3A_1939 = tpu.memref_squeeze %dma_start3A_1938 : memref<1x104x128xf32, #tpu.memory_space<hbm>> -> memref<104x128xf32, #tpu.memory_space<hbm>>
    %dma_start3A_1940 = arith.constant 0 : i32
    %dma_start3A_1941 = tpu.memref_slice %arg5[%dma_start3A_1936, %add3A_1935, %dma_start3A_1940] : memref<19x10000x128xf32, #tpu.memory_space<hbm>> -> memref<1x104x128xf32, #tpu.memory_space<hbm>>
    %dma_start3A_1942 = tpu.memref_squeeze %dma_start3A_1941 : memref<1x104x128xf32, #tpu.memory_space<hbm>> -> memref<104x128xf32, #tpu.memory_space<hbm>>
    tpu.enqueue_dma source(%arg15 : memref<104x128xf32, #tpu.memory_space<vmem>>) target(%dma_start3A_1942 : memref<104x128xf32, #tpu.memory_space<hbm>>) target_semaphore(%arg26 : memref<!tpu.dma_semaphore, #tpu.memory_space<semaphore_mem>>)
    %dma_wait3A_1943 = arith.constant 0 : i32
    %dma_wait3A_1944 = arith.constant 0 : i32
    %dma_wait3A_1945 = tpu.memref_slice %arg5[%dma_wait3A_1943, %mul3A_27, %dma_wait3A_1944] : memref<19x10000x128xf32, #tpu.memory_space<hbm>> -> memref<1x104x128xf32, #tpu.memory_space<hbm>>
    %dma_wait3A_1946 = tpu.memref_squeeze %dma_wait3A_1945 : memref<1x104x128xf32, #tpu.memory_space<hbm>> -> memref<104x128xf32, #tpu.memory_space<hbm>>
    %dma_wait3A_1947 = arith.constant 0 : i32
    %dma_wait3A_1948 = tpu.memref_slice %arg5[%dma_wait3A_1943, %mul3A_27, %dma_wait3A_1947] : memref<19x10000x128xf32, #tpu.memory_space<hbm>> -> memref<1x104x128xf32, #tpu.memory_space<hbm>>
    %dma_wait3A_1949 = tpu.memref_squeeze %dma_wait3A_1948 : memref<1x104x128xf32, #tpu.memory_space<hbm>> -> memref<104x128xf32, #tpu.memory_space<hbm>>
    tpu.wait_dma2 semaphore(%arg24 : memref<!tpu.dma_semaphore, #tpu.memory_space<semaphore_mem>>) src(%arg13 : memref<104x128xf32, #tpu.memory_space<vmem>>) dst(%dma_wait3A_1949 : memref<104x128xf32, #tpu.memory_space<hbm>>)
    %dma_wait3A_1950 = arith.constant 0 : i32
    %dma_wait3A_1951 = arith.constant 0 : i32
    %dma_wait3A_1952 = tpu.memref_slice %arg5[%dma_wait3A_1950, %mul3A_27, %dma_wait3A_1951] : memref<19x10000x128xf32, #tpu.memory_space<hbm>> -> memref<1x104x128xf32, #tpu.memory_space<hbm>>
    %dma_wait3A_1953 = tpu.memref_squeeze %dma_wait3A_1952 : memref<1x104x128xf32, #tpu.memory_space<hbm>> -> memref<104x128xf32, #tpu.memory_space<hbm>>
    %dma_wait3A_1954 = arith.constant 0 : i32
    %dma_wait3A_1955 = tpu.memref_slice %arg5[%dma_wait3A_1950, %mul3A_27, %dma_wait3A_1954] : memref<19x10000x128xf32, #tpu.memory_space<hbm>> -> memref<1x104x128xf32, #tpu.memory_space<hbm>>
    %dma_wait3A_1956 = tpu.memref_squeeze %dma_wait3A_1955 : memref<1x104x128xf32, #tpu.memory_space<hbm>> -> memref<104x128xf32, #tpu.memory_space<hbm>>
    tpu.wait_dma2 semaphore(%arg25 : memref<!tpu.dma_semaphore, #tpu.memory_space<semaphore_mem>>) src(%arg14 : memref<104x128xf32, #tpu.memory_space<vmem>>) dst(%dma_wait3A_1956 : memref<104x128xf32, #tpu.memory_space<hbm>>)
    %dma_wait3A_1957 = arith.constant 0 : i32
    %dma_wait3A_1958 = arith.constant 0 : i32
    %dma_wait3A_1959 = tpu.memref_slice %arg5[%dma_wait3A_1957, %mul3A_27, %dma_wait3A_1958] : memref<19x10000x128xf32, #tpu.memory_space<hbm>> -> memref<1x104x128xf32, #tpu.memory_space<hbm>>
    %dma_wait3A_1960 = tpu.memref_squeeze %dma_wait3A_1959 : memref<1x104x128xf32, #tpu.memory_space<hbm>> -> memref<104x128xf32, #tpu.memory_space<hbm>>
    %dma_wait3A_1961 = arith.constant 0 : i32
    %dma_wait3A_1962 = tpu.memref_slice %arg5[%dma_wait3A_1957, %mul3A_27, %dma_wait3A_1961] : memref<19x10000x128xf32, #tpu.memory_space<hbm>> -> memref<1x104x128xf32, #tpu.memory_space<hbm>>
    %dma_wait3A_1963 = tpu.memref_squeeze %dma_wait3A_1962 : memref<1x104x128xf32, #tpu.memory_space<hbm>> -> memref<104x128xf32, #tpu.memory_space<hbm>>
    tpu.wait_dma2 semaphore(%arg26 : memref<!tpu.dma_semaphore, #tpu.memory_space<semaphore_mem>>) src(%arg15 : memref<104x128xf32, #tpu.memory_space<vmem>>) dst(%dma_wait3A_1963 : memref<104x128xf32, #tpu.memory_space<hbm>>)
    %ge3A = arith.constant 30 : i32
    %ge3A_1964 = arith.cmpi sge, %add3A, %ge3A : i32
    %convert_element_type3A_1965 = arith.extui %ge3A_1964 : i1 to i32
    %cond3A_1966 = arith.constant 0 : i32
    %cond3A_1967 = arith.cmpi ne, %convert_element_type3A_1965, %cond3A_1966 : i32
    scf.if %cond3A_1967 {
      %sub3A = arith.constant 30 : i32
      %sub3A_1968 = arith.subi %add3A, %sub3A : i32
      %mul3A_1969 = arith.constant 8 : i32
      %mul3A_1970 = arith.muli %mul3A_1969, %sub3A_1968 : i32
      %add3A_1971 = arith.constant 9984 : i32
      %add3A_1972 = arith.addi %add3A_1971, %mul3A_1970 : i32
      "tpu.region"() ({
        %run_scoped3A = tpu.sem_alloc : memref<!tpu.dma_semaphore, #tpu.memory_space<semaphore_mem>>
        %dma_start3A_2543 = tpu.memref_slice %arg2[%add3A_1972] : memref<10000xi32, #tpu.memory_space<hbm>> -> memref<8xi32, #tpu.memory_space<hbm>>
        %dma_start3A_2544 = tpu.memref_slice %arg2[%add3A_1972] : memref<10000xi32, #tpu.memory_space<hbm>> -> memref<8xi32, #tpu.memory_space<hbm>>
        tpu.enqueue_dma source(%dma_start3A_2544 : memref<8xi32, #tpu.memory_space<hbm>>) target(%arg16 : memref<8xi32, #tpu.memory_space<vmem>>) target_semaphore(%run_scoped3A : memref<!tpu.dma_semaphore, #tpu.memory_space<semaphore_mem>>)
        %dma_wait3A_2545 = tpu.memref_slice %arg2[%add3A_1972] : memref<10000xi32, #tpu.memory_space<hbm>> -> memref<8xi32, #tpu.memory_space<hbm>>
        %dma_wait3A_2546 = tpu.memref_slice %arg2[%add3A_1972] : memref<10000xi32, #tpu.memory_space<hbm>> -> memref<8xi32, #tpu.memory_space<hbm>>
        tpu.wait_dma2 semaphore(%run_scoped3A : memref<!tpu.dma_semaphore, #tpu.memory_space<semaphore_mem>>) src(%dma_wait3A_2546 : memref<8xi32, #tpu.memory_space<hbm>>) dst(%arg16 : memref<8xi32, #tpu.memory_space<vmem>>)
        tpu.yield
      }) : () -> ()
      %dma_start3A_1973 = arith.constant 0 : i32
      %dma_start3A_1974 = arith.constant 0 : i32
      %dma_start3A_1975 = arith.constant 0 : i32
      %dma_start3A_1976 = tpu.memref_slice %arg6[%dma_start3A_1973, %dma_start3A_1974, %dma_start3A_1975] : memref<19x96x128xf32, #tpu.memory_space<vmem_shared>> -> memref<1x96x128xf32, #tpu.memory_space<vmem_shared>>
      %dma_start3A_1977 = tpu.memref_squeeze %dma_start3A_1976 : memref<1x96x128xf32, #tpu.memory_space<vmem_shared>> -> memref<96x128xf32, #tpu.memory_space<vmem_shared>>
      %dma_start3A_1978 = arith.constant 0 : i32
      %dma_start3A_1979 = arith.constant 0 : i32
      %dma_start3A_1980 = tpu.memref_slice %dma_start3A_1977[%dma_start3A_1978, %dma_start3A_1979] : memref<96x128xf32, #tpu.memory_space<vmem_shared>> -> memref<96x128xf32, #tpu.memory_space<vmem_shared>>
      tpu.enqueue_indirect_dma source(%dma_start3A_1980 : memref<96x128xf32, #tpu.memory_space<vmem_shared>>) target(%arg17 : memref<8x128xf32, #tpu.memory_space<vmem>>) offsets(%arg16 : memref<8xi32, #tpu.memory_space<vmem>>) semaphore(%arg21 : memref<!tpu.dma_semaphore, #tpu.memory_space<semaphore_mem>>)
      %dma_start3A_1981 = arith.constant 1 : i32
      %dma_start3A_1982 = arith.constant 0 : i32
      %dma_start3A_1983 = arith.constant 0 : i32
      %dma_start3A_1984 = tpu.memref_slice %arg6[%dma_start3A_1981, %dma_start3A_1982, %dma_start3A_1983] : memref<19x96x128xf32, #tpu.memory_space<vmem_shared>> -> memref<1x96x128xf32, #tpu.memory_space<vmem_shared>>
      %dma_start3A_1985 = tpu.memref_squeeze %dma_start3A_1984 : memref<1x96x128xf32, #tpu.memory_space<vmem_shared>> -> memref<96x128xf32, #tpu.memory_space<vmem_shared>>
      %dma_start3A_1986 = arith.constant 0 : i32
      %dma_start3A_1987 = arith.constant 0 : i32
      %dma_start3A_1988 = tpu.memref_slice %dma_start3A_1985[%dma_start3A_1986, %dma_start3A_1987] : memref<96x128xf32, #tpu.memory_space<vmem_shared>> -> memref<96x128xf32, #tpu.memory_space<vmem_shared>>
      tpu.enqueue_indirect_dma source(%dma_start3A_1988 : memref<96x128xf32, #tpu.memory_space<vmem_shared>>) target(%arg18 : memref<8x128xf32, #tpu.memory_space<vmem>>) offsets(%arg16 : memref<8xi32, #tpu.memory_space<vmem>>) semaphore(%arg22 : memref<!tpu.dma_semaphore, #tpu.memory_space<semaphore_mem>>)
      %dma_wait3A_1989 = arith.constant 0 : i32
      %dma_wait3A_1990 = arith.constant 0 : i32
      %dma_wait3A_1991 = arith.constant 0 : i32
      %dma_wait3A_1992 = tpu.memref_slice %arg6[%dma_wait3A_1989, %dma_wait3A_1990, %dma_wait3A_1991] : memref<19x96x128xf32, #tpu.memory_space<vmem_shared>> -> memref<1x96x128xf32, #tpu.memory_space<vmem_shared>>
      %dma_wait3A_1993 = tpu.memref_squeeze %dma_wait3A_1992 : memref<1x96x128xf32, #tpu.memory_space<vmem_shared>> -> memref<96x128xf32, #tpu.memory_space<vmem_shared>>
      %dma_wait3A_1994 = arith.constant 0 : i32
      %dma_wait3A_1995 = arith.constant 0 : i32
      %dma_wait3A_1996 = tpu.memref_slice %dma_wait3A_1993[%dma_wait3A_1994, %dma_wait3A_1995] : memref<96x128xf32, #tpu.memory_space<vmem_shared>> -> memref<96x128xf32, #tpu.memory_space<vmem_shared>>
      tpu.wait_indirect_dma semaphore(%arg21 : memref<!tpu.dma_semaphore, #tpu.memory_space<semaphore_mem>>) src(%dma_wait3A_1996 : memref<96x128xf32, #tpu.memory_space<vmem_shared>>) dst(%arg17 : memref<8x128xf32, #tpu.memory_space<vmem>>)
      %dma_start3A_1997 = arith.constant 0 : i32
      %dma_start3A_1998 = arith.constant 0 : i32
      %dma_start3A_1999 = tpu.memref_slice %arg5[%dma_start3A_1997, %add3A_1972, %dma_start3A_1998] : memref<19x10000x128xf32, #tpu.memory_space<hbm>> -> memref<1x8x128xf32, #tpu.memory_space<hbm>>
      %dma_start3A_2000 = tpu.memref_squeeze %dma_start3A_1999 : memref<1x8x128xf32, #tpu.memory_space<hbm>> -> memref<8x128xf32, #tpu.memory_space<hbm>>
      %dma_start3A_2001 = arith.constant 0 : i32
      %dma_start3A_2002 = tpu.memref_slice %arg5[%dma_start3A_1997, %add3A_1972, %dma_start3A_2001] : memref<19x10000x128xf32, #tpu.memory_space<hbm>> -> memref<1x8x128xf32, #tpu.memory_space<hbm>>
      %dma_start3A_2003 = tpu.memref_squeeze %dma_start3A_2002 : memref<1x8x128xf32, #tpu.memory_space<hbm>> -> memref<8x128xf32, #tpu.memory_space<hbm>>
      tpu.enqueue_dma source(%arg17 : memref<8x128xf32, #tpu.memory_space<vmem>>) target(%dma_start3A_2003 : memref<8x128xf32, #tpu.memory_space<hbm>>) target_semaphore(%arg24 : memref<!tpu.dma_semaphore, #tpu.memory_space<semaphore_mem>>)
      %dma_wait3A_2004 = arith.constant 0 : i32
      %dma_wait3A_2005 = arith.constant 0 : i32
      %dma_wait3A_2006 = tpu.memref_slice %arg5[%dma_wait3A_2004, %add3A_1972, %dma_wait3A_2005] : memref<19x10000x128xf32, #tpu.memory_space<hbm>> -> memref<1x8x128xf32, #tpu.memory_space<hbm>>
      %dma_wait3A_2007 = tpu.memref_squeeze %dma_wait3A_2006 : memref<1x8x128xf32, #tpu.memory_space<hbm>> -> memref<8x128xf32, #tpu.memory_space<hbm>>
      %dma_wait3A_2008 = arith.constant 0 : i32
      %dma_wait3A_2009 = tpu.memref_slice %arg5[%dma_wait3A_2004, %add3A_1972, %dma_wait3A_2008] : memref<19x10000x128xf32, #tpu.memory_space<hbm>> -> memref<1x8x128xf32, #tpu.memory_space<hbm>>
      %dma_wait3A_2010 = tpu.memref_squeeze %dma_wait3A_2009 : memref<1x8x128xf32, #tpu.memory_space<hbm>> -> memref<8x128xf32, #tpu.memory_space<hbm>>
      tpu.wait_dma2 semaphore(%arg24 : memref<!tpu.dma_semaphore, #tpu.memory_space<semaphore_mem>>) src(%arg17 : memref<8x128xf32, #tpu.memory_space<vmem>>) dst(%dma_wait3A_2010 : memref<8x128xf32, #tpu.memory_space<hbm>>)
      %dma_start3A_2011 = arith.constant 2 : i32
      %dma_start3A_2012 = arith.constant 0 : i32
      %dma_start3A_2013 = arith.constant 0 : i32
      %dma_start3A_2014 = tpu.memref_slice %arg6[%dma_start3A_2011, %dma_start3A_2012, %dma_start3A_2013] : memref<19x96x128xf32, #tpu.memory_space<vmem_shared>> -> memref<1x96x128xf32, #tpu.memory_space<vmem_shared>>
      %dma_start3A_2015 = tpu.memref_squeeze %dma_start3A_2014 : memref<1x96x128xf32, #tpu.memory_space<vmem_shared>> -> memref<96x128xf32, #tpu.memory_space<vmem_shared>>
      %dma_start3A_2016 = arith.constant 0 : i32
      %dma_start3A_2017 = arith.constant 0 : i32
      %dma_start3A_2018 = tpu.memref_slice %dma_start3A_2015[%dma_start3A_2016, %dma_start3A_2017] : memref<96x128xf32, #tpu.memory_space<vmem_shared>> -> memref<96x128xf32, #tpu.memory_space<vmem_shared>>
      tpu.enqueue_indirect_dma source(%dma_start3A_2018 : memref<96x128xf32, #tpu.memory_space<vmem_shared>>) target(%arg17 : memref<8x128xf32, #tpu.memory_space<vmem>>) offsets(%arg16 : memref<8xi32, #tpu.memory_space<vmem>>) semaphore(%arg21 : memref<!tpu.dma_semaphore, #tpu.memory_space<semaphore_mem>>)
      %dma_wait3A_2019 = arith.constant 1 : i32
      %dma_wait3A_2020 = arith.constant 0 : i32
      %dma_wait3A_2021 = arith.constant 0 : i32
      %dma_wait3A_2022 = tpu.memref_slice %arg6[%dma_wait3A_2019, %dma_wait3A_2020, %dma_wait3A_2021] : memref<19x96x128xf32, #tpu.memory_space<vmem_shared>> -> memref<1x96x128xf32, #tpu.memory_space<vmem_shared>>
      %dma_wait3A_2023 = tpu.memref_squeeze %dma_wait3A_2022 : memref<1x96x128xf32, #tpu.memory_space<vmem_shared>> -> memref<96x128xf32, #tpu.memory_space<vmem_shared>>
      %dma_wait3A_2024 = arith.constant 0 : i32
      %dma_wait3A_2025 = arith.constant 0 : i32
      %dma_wait3A_2026 = tpu.memref_slice %dma_wait3A_2023[%dma_wait3A_2024, %dma_wait3A_2025] : memref<96x128xf32, #tpu.memory_space<vmem_shared>> -> memref<96x128xf32, #tpu.memory_space<vmem_shared>>
      tpu.wait_indirect_dma semaphore(%arg22 : memref<!tpu.dma_semaphore, #tpu.memory_space<semaphore_mem>>) src(%dma_wait3A_2026 : memref<96x128xf32, #tpu.memory_space<vmem_shared>>) dst(%arg18 : memref<8x128xf32, #tpu.memory_space<vmem>>)
      %dma_start3A_2027 = arith.constant 1 : i32
      %dma_start3A_2028 = arith.constant 0 : i32
      %dma_start3A_2029 = tpu.memref_slice %arg5[%dma_start3A_2027, %add3A_1972, %dma_start3A_2028] : memref<19x10000x128xf32, #tpu.memory_space<hbm>> -> memref<1x8x128xf32, #tpu.memory_space<hbm>>
      %dma_start3A_2030 = tpu.memref_squeeze %dma_start3A_2029 : memref<1x8x128xf32, #tpu.memory_space<hbm>> -> memref<8x128xf32, #tpu.memory_space<hbm>>
      %dma_start3A_2031 = arith.constant 0 : i32
      %dma_start3A_2032 = tpu.memref_slice %arg5[%dma_start3A_2027, %add3A_1972, %dma_start3A_2031] : memref<19x10000x128xf32, #tpu.memory_space<hbm>> -> memref<1x8x128xf32, #tpu.memory_space<hbm>>
      %dma_start3A_2033 = tpu.memref_squeeze %dma_start3A_2032 : memref<1x8x128xf32, #tpu.memory_space<hbm>> -> memref<8x128xf32, #tpu.memory_space<hbm>>
      tpu.enqueue_dma source(%arg18 : memref<8x128xf32, #tpu.memory_space<vmem>>) target(%dma_start3A_2033 : memref<8x128xf32, #tpu.memory_space<hbm>>) target_semaphore(%arg25 : memref<!tpu.dma_semaphore, #tpu.memory_space<semaphore_mem>>)
      %dma_wait3A_2034 = arith.constant 1 : i32
      %dma_wait3A_2035 = arith.constant 0 : i32
      %dma_wait3A_2036 = tpu.memref_slice %arg5[%dma_wait3A_2034, %add3A_1972, %dma_wait3A_2035] : memref<19x10000x128xf32, #tpu.memory_space<hbm>> -> memref<1x8x128xf32, #tpu.memory_space<hbm>>
      %dma_wait3A_2037 = tpu.memref_squeeze %dma_wait3A_2036 : memref<1x8x128xf32, #tpu.memory_space<hbm>> -> memref<8x128xf32, #tpu.memory_space<hbm>>
      %dma_wait3A_2038 = arith.constant 0 : i32
      %dma_wait3A_2039 = tpu.memref_slice %arg5[%dma_wait3A_2034, %add3A_1972, %dma_wait3A_2038] : memref<19x10000x128xf32, #tpu.memory_space<hbm>> -> memref<1x8x128xf32, #tpu.memory_space<hbm>>
      %dma_wait3A_2040 = tpu.memref_squeeze %dma_wait3A_2039 : memref<1x8x128xf32, #tpu.memory_space<hbm>> -> memref<8x128xf32, #tpu.memory_space<hbm>>
      tpu.wait_dma2 semaphore(%arg25 : memref<!tpu.dma_semaphore, #tpu.memory_space<semaphore_mem>>) src(%arg18 : memref<8x128xf32, #tpu.memory_space<vmem>>) dst(%dma_wait3A_2040 : memref<8x128xf32, #tpu.memory_space<hbm>>)
      %dma_start3A_2041 = arith.constant 3 : i32
      %dma_start3A_2042 = arith.constant 0 : i32
      %dma_start3A_2043 = arith.constant 0 : i32
      %dma_start3A_2044 = tpu.memref_slice %arg6[%dma_start3A_2041, %dma_start3A_2042, %dma_start3A_2043] : memref<19x96x128xf32, #tpu.memory_space<vmem_shared>> -> memref<1x96x128xf32, #tpu.memory_space<vmem_shared>>
      %dma_start3A_2045 = tpu.memref_squeeze %dma_start3A_2044 : memref<1x96x128xf32, #tpu.memory_space<vmem_shared>> -> memref<96x128xf32, #tpu.memory_space<vmem_shared>>
      %dma_start3A_2046 = arith.constant 0 : i32
      %dma_start3A_2047 = arith.constant 0 : i32
      %dma_start3A_2048 = tpu.memref_slice %dma_start3A_2045[%dma_start3A_2046, %dma_start3A_2047] : memref<96x128xf32, #tpu.memory_space<vmem_shared>> -> memref<96x128xf32, #tpu.memory_space<vmem_shared>>
      tpu.enqueue_indirect_dma source(%dma_start3A_2048 : memref<96x128xf32, #tpu.memory_space<vmem_shared>>) target(%arg18 : memref<8x128xf32, #tpu.memory_space<vmem>>) offsets(%arg16 : memref<8xi32, #tpu.memory_space<vmem>>) semaphore(%arg22 : memref<!tpu.dma_semaphore, #tpu.memory_space<semaphore_mem>>)
      %dma_wait3A_2049 = arith.constant 2 : i32
      %dma_wait3A_2050 = arith.constant 0 : i32
      %dma_wait3A_2051 = arith.constant 0 : i32
      %dma_wait3A_2052 = tpu.memref_slice %arg6[%dma_wait3A_2049, %dma_wait3A_2050, %dma_wait3A_2051] : memref<19x96x128xf32, #tpu.memory_space<vmem_shared>> -> memref<1x96x128xf32, #tpu.memory_space<vmem_shared>>
      %dma_wait3A_2053 = tpu.memref_squeeze %dma_wait3A_2052 : memref<1x96x128xf32, #tpu.memory_space<vmem_shared>> -> memref<96x128xf32, #tpu.memory_space<vmem_shared>>
      %dma_wait3A_2054 = arith.constant 0 : i32
      %dma_wait3A_2055 = arith.constant 0 : i32
      %dma_wait3A_2056 = tpu.memref_slice %dma_wait3A_2053[%dma_wait3A_2054, %dma_wait3A_2055] : memref<96x128xf32, #tpu.memory_space<vmem_shared>> -> memref<96x128xf32, #tpu.memory_space<vmem_shared>>
      tpu.wait_indirect_dma semaphore(%arg21 : memref<!tpu.dma_semaphore, #tpu.memory_space<semaphore_mem>>) src(%dma_wait3A_2056 : memref<96x128xf32, #tpu.memory_space<vmem_shared>>) dst(%arg17 : memref<8x128xf32, #tpu.memory_space<vmem>>)
      %dma_start3A_2057 = arith.constant 2 : i32
      %dma_start3A_2058 = arith.constant 0 : i32
      %dma_start3A_2059 = tpu.memref_slice %arg5[%dma_start3A_2057, %add3A_1972, %dma_start3A_2058] : memref<19x10000x128xf32, #tpu.memory_space<hbm>> -> memref<1x8x128xf32, #tpu.memory_space<hbm>>
      %dma_start3A_2060 = tpu.memref_squeeze %dma_start3A_2059 : memref<1x8x128xf32, #tpu.memory_space<hbm>> -> memref<8x128xf32, #tpu.memory_space<hbm>>
      %dma_start3A_2061 = arith.constant 0 : i32
      %dma_start3A_2062 = tpu.memref_slice %arg5[%dma_start3A_2057, %add3A_1972, %dma_start3A_2061] : memref<19x10000x128xf32, #tpu.memory_space<hbm>> -> memref<1x8x128xf32, #tpu.memory_space<hbm>>
      %dma_start3A_2063 = tpu.memref_squeeze %dma_start3A_2062 : memref<1x8x128xf32, #tpu.memory_space<hbm>> -> memref<8x128xf32, #tpu.memory_space<hbm>>
      tpu.enqueue_dma source(%arg17 : memref<8x128xf32, #tpu.memory_space<vmem>>) target(%dma_start3A_2063 : memref<8x128xf32, #tpu.memory_space<hbm>>) target_semaphore(%arg24 : memref<!tpu.dma_semaphore, #tpu.memory_space<semaphore_mem>>)
      %dma_wait3A_2064 = arith.constant 2 : i32
      %dma_wait3A_2065 = arith.constant 0 : i32
      %dma_wait3A_2066 = tpu.memref_slice %arg5[%dma_wait3A_2064, %add3A_1972, %dma_wait3A_2065] : memref<19x10000x128xf32, #tpu.memory_space<hbm>> -> memref<1x8x128xf32, #tpu.memory_space<hbm>>
      %dma_wait3A_2067 = tpu.memref_squeeze %dma_wait3A_2066 : memref<1x8x128xf32, #tpu.memory_space<hbm>> -> memref<8x128xf32, #tpu.memory_space<hbm>>
      %dma_wait3A_2068 = arith.constant 0 : i32
      %dma_wait3A_2069 = tpu.memref_slice %arg5[%dma_wait3A_2064, %add3A_1972, %dma_wait3A_2068] : memref<19x10000x128xf32, #tpu.memory_space<hbm>> -> memref<1x8x128xf32, #tpu.memory_space<hbm>>
      %dma_wait3A_2070 = tpu.memref_squeeze %dma_wait3A_2069 : memref<1x8x128xf32, #tpu.memory_space<hbm>> -> memref<8x128xf32, #tpu.memory_space<hbm>>
      tpu.wait_dma2 semaphore(%arg24 : memref<!tpu.dma_semaphore, #tpu.memory_space<semaphore_mem>>) src(%arg17 : memref<8x128xf32, #tpu.memory_space<vmem>>) dst(%dma_wait3A_2070 : memref<8x128xf32, #tpu.memory_space<hbm>>)
      %dma_start3A_2071 = arith.constant 4 : i32
      %dma_start3A_2072 = arith.constant 0 : i32
      %dma_start3A_2073 = arith.constant 0 : i32
      %dma_start3A_2074 = tpu.memref_slice %arg6[%dma_start3A_2071, %dma_start3A_2072, %dma_start3A_2073] : memref<19x96x128xf32, #tpu.memory_space<vmem_shared>> -> memref<1x96x128xf32, #tpu.memory_space<vmem_shared>>
      %dma_start3A_2075 = tpu.memref_squeeze %dma_start3A_2074 : memref<1x96x128xf32, #tpu.memory_space<vmem_shared>> -> memref<96x128xf32, #tpu.memory_space<vmem_shared>>
      %dma_start3A_2076 = arith.constant 0 : i32
      %dma_start3A_2077 = arith.constant 0 : i32
      %dma_start3A_2078 = tpu.memref_slice %dma_start3A_2075[%dma_start3A_2076, %dma_start3A_2077] : memref<96x128xf32, #tpu.memory_space<vmem_shared>> -> memref<96x128xf32, #tpu.memory_space<vmem_shared>>
      tpu.enqueue_indirect_dma source(%dma_start3A_2078 : memref<96x128xf32, #tpu.memory_space<vmem_shared>>) target(%arg17 : memref<8x128xf32, #tpu.memory_space<vmem>>) offsets(%arg16 : memref<8xi32, #tpu.memory_space<vmem>>) semaphore(%arg21 : memref<!tpu.dma_semaphore, #tpu.memory_space<semaphore_mem>>)
      %dma_wait3A_2079 = arith.constant 3 : i32
      %dma_wait3A_2080 = arith.constant 0 : i32
      %dma_wait3A_2081 = arith.constant 0 : i32
      %dma_wait3A_2082 = tpu.memref_slice %arg6[%dma_wait3A_2079, %dma_wait3A_2080, %dma_wait3A_2081] : memref<19x96x128xf32, #tpu.memory_space<vmem_shared>> -> memref<1x96x128xf32, #tpu.memory_space<vmem_shared>>
      %dma_wait3A_2083 = tpu.memref_squeeze %dma_wait3A_2082 : memref<1x96x128xf32, #tpu.memory_space<vmem_shared>> -> memref<96x128xf32, #tpu.memory_space<vmem_shared>>
      %dma_wait3A_2084 = arith.constant 0 : i32
      %dma_wait3A_2085 = arith.constant 0 : i32
      %dma_wait3A_2086 = tpu.memref_slice %dma_wait3A_2083[%dma_wait3A_2084, %dma_wait3A_2085] : memref<96x128xf32, #tpu.memory_space<vmem_shared>> -> memref<96x128xf32, #tpu.memory_space<vmem_shared>>
      tpu.wait_indirect_dma semaphore(%arg22 : memref<!tpu.dma_semaphore, #tpu.memory_space<semaphore_mem>>) src(%dma_wait3A_2086 : memref<96x128xf32, #tpu.memory_space<vmem_shared>>) dst(%arg18 : memref<8x128xf32, #tpu.memory_space<vmem>>)
      %dma_start3A_2087 = arith.constant 3 : i32
      %dma_start3A_2088 = arith.constant 0 : i32
      %dma_start3A_2089 = tpu.memref_slice %arg5[%dma_start3A_2087, %add3A_1972, %dma_start3A_2088] : memref<19x10000x128xf32, #tpu.memory_space<hbm>> -> memref<1x8x128xf32, #tpu.memory_space<hbm>>
      %dma_start3A_2090 = tpu.memref_squeeze %dma_start3A_2089 : memref<1x8x128xf32, #tpu.memory_space<hbm>> -> memref<8x128xf32, #tpu.memory_space<hbm>>
      %dma_start3A_2091 = arith.constant 0 : i32
      %dma_start3A_2092 = tpu.memref_slice %arg5[%dma_start3A_2087, %add3A_1972, %dma_start3A_2091] : memref<19x10000x128xf32, #tpu.memory_space<hbm>> -> memref<1x8x128xf32, #tpu.memory_space<hbm>>
      %dma_start3A_2093 = tpu.memref_squeeze %dma_start3A_2092 : memref<1x8x128xf32, #tpu.memory_space<hbm>> -> memref<8x128xf32, #tpu.memory_space<hbm>>
      tpu.enqueue_dma source(%arg18 : memref<8x128xf32, #tpu.memory_space<vmem>>) target(%dma_start3A_2093 : memref<8x128xf32, #tpu.memory_space<hbm>>) target_semaphore(%arg25 : memref<!tpu.dma_semaphore, #tpu.memory_space<semaphore_mem>>)
      %dma_wait3A_2094 = arith.constant 3 : i32
      %dma_wait3A_2095 = arith.constant 0 : i32
      %dma_wait3A_2096 = tpu.memref_slice %arg5[%dma_wait3A_2094, %add3A_1972, %dma_wait3A_2095] : memref<19x10000x128xf32, #tpu.memory_space<hbm>> -> memref<1x8x128xf32, #tpu.memory_space<hbm>>
      %dma_wait3A_2097 = tpu.memref_squeeze %dma_wait3A_2096 : memref<1x8x128xf32, #tpu.memory_space<hbm>> -> memref<8x128xf32, #tpu.memory_space<hbm>>
      %dma_wait3A_2098 = arith.constant 0 : i32
      %dma_wait3A_2099 = tpu.memref_slice %arg5[%dma_wait3A_2094, %add3A_1972, %dma_wait3A_2098] : memref<19x10000x128xf32, #tpu.memory_space<hbm>> -> memref<1x8x128xf32, #tpu.memory_space<hbm>>
      %dma_wait3A_2100 = tpu.memref_squeeze %dma_wait3A_2099 : memref<1x8x128xf32, #tpu.memory_space<hbm>> -> memref<8x128xf32, #tpu.memory_space<hbm>>
      tpu.wait_dma2 semaphore(%arg25 : memref<!tpu.dma_semaphore, #tpu.memory_space<semaphore_mem>>) src(%arg18 : memref<8x128xf32, #tpu.memory_space<vmem>>) dst(%dma_wait3A_2100 : memref<8x128xf32, #tpu.memory_space<hbm>>)
      %dma_start3A_2101 = arith.constant 5 : i32
      %dma_start3A_2102 = arith.constant 0 : i32
      %dma_start3A_2103 = arith.constant 0 : i32
      %dma_start3A_2104 = tpu.memref_slice %arg6[%dma_start3A_2101, %dma_start3A_2102, %dma_start3A_2103] : memref<19x96x128xf32, #tpu.memory_space<vmem_shared>> -> memref<1x96x128xf32, #tpu.memory_space<vmem_shared>>
      %dma_start3A_2105 = tpu.memref_squeeze %dma_start3A_2104 : memref<1x96x128xf32, #tpu.memory_space<vmem_shared>> -> memref<96x128xf32, #tpu.memory_space<vmem_shared>>
      %dma_start3A_2106 = arith.constant 0 : i32
      %dma_start3A_2107 = arith.constant 0 : i32
      %dma_start3A_2108 = tpu.memref_slice %dma_start3A_2105[%dma_start3A_2106, %dma_start3A_2107] : memref<96x128xf32, #tpu.memory_space<vmem_shared>> -> memref<96x128xf32, #tpu.memory_space<vmem_shared>>
      tpu.enqueue_indirect_dma source(%dma_start3A_2108 : memref<96x128xf32, #tpu.memory_space<vmem_shared>>) target(%arg18 : memref<8x128xf32, #tpu.memory_space<vmem>>) offsets(%arg16 : memref<8xi32, #tpu.memory_space<vmem>>) semaphore(%arg22 : memref<!tpu.dma_semaphore, #tpu.memory_space<semaphore_mem>>)
      %dma_wait3A_2109 = arith.constant 4 : i32
      %dma_wait3A_2110 = arith.constant 0 : i32
      %dma_wait3A_2111 = arith.constant 0 : i32
      %dma_wait3A_2112 = tpu.memref_slice %arg6[%dma_wait3A_2109, %dma_wait3A_2110, %dma_wait3A_2111] : memref<19x96x128xf32, #tpu.memory_space<vmem_shared>> -> memref<1x96x128xf32, #tpu.memory_space<vmem_shared>>
      %dma_wait3A_2113 = tpu.memref_squeeze %dma_wait3A_2112 : memref<1x96x128xf32, #tpu.memory_space<vmem_shared>> -> memref<96x128xf32, #tpu.memory_space<vmem_shared>>
      %dma_wait3A_2114 = arith.constant 0 : i32
      %dma_wait3A_2115 = arith.constant 0 : i32
      %dma_wait3A_2116 = tpu.memref_slice %dma_wait3A_2113[%dma_wait3A_2114, %dma_wait3A_2115] : memref<96x128xf32, #tpu.memory_space<vmem_shared>> -> memref<96x128xf32, #tpu.memory_space<vmem_shared>>
      tpu.wait_indirect_dma semaphore(%arg21 : memref<!tpu.dma_semaphore, #tpu.memory_space<semaphore_mem>>) src(%dma_wait3A_2116 : memref<96x128xf32, #tpu.memory_space<vmem_shared>>) dst(%arg17 : memref<8x128xf32, #tpu.memory_space<vmem>>)
      %dma_start3A_2117 = arith.constant 4 : i32
      %dma_start3A_2118 = arith.constant 0 : i32
      %dma_start3A_2119 = tpu.memref_slice %arg5[%dma_start3A_2117, %add3A_1972, %dma_start3A_2118] : memref<19x10000x128xf32, #tpu.memory_space<hbm>> -> memref<1x8x128xf32, #tpu.memory_space<hbm>>
      %dma_start3A_2120 = tpu.memref_squeeze %dma_start3A_2119 : memref<1x8x128xf32, #tpu.memory_space<hbm>> -> memref<8x128xf32, #tpu.memory_space<hbm>>
      %dma_start3A_2121 = arith.constant 0 : i32
      %dma_start3A_2122 = tpu.memref_slice %arg5[%dma_start3A_2117, %add3A_1972, %dma_start3A_2121] : memref<19x10000x128xf32, #tpu.memory_space<hbm>> -> memref<1x8x128xf32, #tpu.memory_space<hbm>>
      %dma_start3A_2123 = tpu.memref_squeeze %dma_start3A_2122 : memref<1x8x128xf32, #tpu.memory_space<hbm>> -> memref<8x128xf32, #tpu.memory_space<hbm>>
      tpu.enqueue_dma source(%arg17 : memref<8x128xf32, #tpu.memory_space<vmem>>) target(%dma_start3A_2123 : memref<8x128xf32, #tpu.memory_space<hbm>>) target_semaphore(%arg24 : memref<!tpu.dma_semaphore, #tpu.memory_space<semaphore_mem>>)
      %dma_wait3A_2124 = arith.constant 4 : i32
      %dma_wait3A_2125 = arith.constant 0 : i32
      %dma_wait3A_2126 = tpu.memref_slice %arg5[%dma_wait3A_2124, %add3A_1972, %dma_wait3A_2125] : memref<19x10000x128xf32, #tpu.memory_space<hbm>> -> memref<1x8x128xf32, #tpu.memory_space<hbm>>
      %dma_wait3A_2127 = tpu.memref_squeeze %dma_wait3A_2126 : memref<1x8x128xf32, #tpu.memory_space<hbm>> -> memref<8x128xf32, #tpu.memory_space<hbm>>
      %dma_wait3A_2128 = arith.constant 0 : i32
      %dma_wait3A_2129 = tpu.memref_slice %arg5[%dma_wait3A_2124, %add3A_1972, %dma_wait3A_2128] : memref<19x10000x128xf32, #tpu.memory_space<hbm>> -> memref<1x8x128xf32, #tpu.memory_space<hbm>>
      %dma_wait3A_2130 = tpu.memref_squeeze %dma_wait3A_2129 : memref<1x8x128xf32, #tpu.memory_space<hbm>> -> memref<8x128xf32, #tpu.memory_space<hbm>>
      tpu.wait_dma2 semaphore(%arg24 : memref<!tpu.dma_semaphore, #tpu.memory_space<semaphore_mem>>) src(%arg17 : memref<8x128xf32, #tpu.memory_space<vmem>>) dst(%dma_wait3A_2130 : memref<8x128xf32, #tpu.memory_space<hbm>>)
      %dma_start3A_2131 = arith.constant 6 : i32
      %dma_start3A_2132 = arith.constant 0 : i32
      %dma_start3A_2133 = arith.constant 0 : i32
      %dma_start3A_2134 = tpu.memref_slice %arg6[%dma_start3A_2131, %dma_start3A_2132, %dma_start3A_2133] : memref<19x96x128xf32, #tpu.memory_space<vmem_shared>> -> memref<1x96x128xf32, #tpu.memory_space<vmem_shared>>
      %dma_start3A_2135 = tpu.memref_squeeze %dma_start3A_2134 : memref<1x96x128xf32, #tpu.memory_space<vmem_shared>> -> memref<96x128xf32, #tpu.memory_space<vmem_shared>>
      %dma_start3A_2136 = arith.constant 0 : i32
      %dma_start3A_2137 = arith.constant 0 : i32
      %dma_start3A_2138 = tpu.memref_slice %dma_start3A_2135[%dma_start3A_2136, %dma_start3A_2137] : memref<96x128xf32, #tpu.memory_space<vmem_shared>> -> memref<96x128xf32, #tpu.memory_space<vmem_shared>>
      tpu.enqueue_indirect_dma source(%dma_start3A_2138 : memref<96x128xf32, #tpu.memory_space<vmem_shared>>) target(%arg17 : memref<8x128xf32, #tpu.memory_space<vmem>>) offsets(%arg16 : memref<8xi32, #tpu.memory_space<vmem>>) semaphore(%arg21 : memref<!tpu.dma_semaphore, #tpu.memory_space<semaphore_mem>>)
      %dma_wait3A_2139 = arith.constant 5 : i32
      %dma_wait3A_2140 = arith.constant 0 : i32
      %dma_wait3A_2141 = arith.constant 0 : i32
      %dma_wait3A_2142 = tpu.memref_slice %arg6[%dma_wait3A_2139, %dma_wait3A_2140, %dma_wait3A_2141] : memref<19x96x128xf32, #tpu.memory_space<vmem_shared>> -> memref<1x96x128xf32, #tpu.memory_space<vmem_shared>>
      %dma_wait3A_2143 = tpu.memref_squeeze %dma_wait3A_2142 : memref<1x96x128xf32, #tpu.memory_space<vmem_shared>> -> memref<96x128xf32, #tpu.memory_space<vmem_shared>>
      %dma_wait3A_2144 = arith.constant 0 : i32
      %dma_wait3A_2145 = arith.constant 0 : i32
      %dma_wait3A_2146 = tpu.memref_slice %dma_wait3A_2143[%dma_wait3A_2144, %dma_wait3A_2145] : memref<96x128xf32, #tpu.memory_space<vmem_shared>> -> memref<96x128xf32, #tpu.memory_space<vmem_shared>>
      tpu.wait_indirect_dma semaphore(%arg22 : memref<!tpu.dma_semaphore, #tpu.memory_space<semaphore_mem>>) src(%dma_wait3A_2146 : memref<96x128xf32, #tpu.memory_space<vmem_shared>>) dst(%arg18 : memref<8x128xf32, #tpu.memory_space<vmem>>)
      %dma_start3A_2147 = arith.constant 5 : i32
      %dma_start3A_2148 = arith.constant 0 : i32
      %dma_start3A_2149 = tpu.memref_slice %arg5[%dma_start3A_2147, %add3A_1972, %dma_start3A_2148] : memref<19x10000x128xf32, #tpu.memory_space<hbm>> -> memref<1x8x128xf32, #tpu.memory_space<hbm>>
      %dma_start3A_2150 = tpu.memref_squeeze %dma_start3A_2149 : memref<1x8x128xf32, #tpu.memory_space<hbm>> -> memref<8x128xf32, #tpu.memory_space<hbm>>
      %dma_start3A_2151 = arith.constant 0 : i32
      %dma_start3A_2152 = tpu.memref_slice %arg5[%dma_start3A_2147, %add3A_1972, %dma_start3A_2151] : memref<19x10000x128xf32, #tpu.memory_space<hbm>> -> memref<1x8x128xf32, #tpu.memory_space<hbm>>
      %dma_start3A_2153 = tpu.memref_squeeze %dma_start3A_2152 : memref<1x8x128xf32, #tpu.memory_space<hbm>> -> memref<8x128xf32, #tpu.memory_space<hbm>>
      tpu.enqueue_dma source(%arg18 : memref<8x128xf32, #tpu.memory_space<vmem>>) target(%dma_start3A_2153 : memref<8x128xf32, #tpu.memory_space<hbm>>) target_semaphore(%arg25 : memref<!tpu.dma_semaphore, #tpu.memory_space<semaphore_mem>>)
      %dma_wait3A_2154 = arith.constant 5 : i32
      %dma_wait3A_2155 = arith.constant 0 : i32
      %dma_wait3A_2156 = tpu.memref_slice %arg5[%dma_wait3A_2154, %add3A_1972, %dma_wait3A_2155] : memref<19x10000x128xf32, #tpu.memory_space<hbm>> -> memref<1x8x128xf32, #tpu.memory_space<hbm>>
      %dma_wait3A_2157 = tpu.memref_squeeze %dma_wait3A_2156 : memref<1x8x128xf32, #tpu.memory_space<hbm>> -> memref<8x128xf32, #tpu.memory_space<hbm>>
      %dma_wait3A_2158 = arith.constant 0 : i32
      %dma_wait3A_2159 = tpu.memref_slice %arg5[%dma_wait3A_2154, %add3A_1972, %dma_wait3A_2158] : memref<19x10000x128xf32, #tpu.memory_space<hbm>> -> memref<1x8x128xf32, #tpu.memory_space<hbm>>
      %dma_wait3A_2160 = tpu.memref_squeeze %dma_wait3A_2159 : memref<1x8x128xf32, #tpu.memory_space<hbm>> -> memref<8x128xf32, #tpu.memory_space<hbm>>
      tpu.wait_dma2 semaphore(%arg25 : memref<!tpu.dma_semaphore, #tpu.memory_space<semaphore_mem>>) src(%arg18 : memref<8x128xf32, #tpu.memory_space<vmem>>) dst(%dma_wait3A_2160 : memref<8x128xf32, #tpu.memory_space<hbm>>)
      %dma_start3A_2161 = arith.constant 7 : i32
      %dma_start3A_2162 = arith.constant 0 : i32
      %dma_start3A_2163 = arith.constant 0 : i32
      %dma_start3A_2164 = tpu.memref_slice %arg6[%dma_start3A_2161, %dma_start3A_2162, %dma_start3A_2163] : memref<19x96x128xf32, #tpu.memory_space<vmem_shared>> -> memref<1x96x128xf32, #tpu.memory_space<vmem_shared>>
      %dma_start3A_2165 = tpu.memref_squeeze %dma_start3A_2164 : memref<1x96x128xf32, #tpu.memory_space<vmem_shared>> -> memref<96x128xf32, #tpu.memory_space<vmem_shared>>
      %dma_start3A_2166 = arith.constant 0 : i32
      %dma_start3A_2167 = arith.constant 0 : i32
      %dma_start3A_2168 = tpu.memref_slice %dma_start3A_2165[%dma_start3A_2166, %dma_start3A_2167] : memref<96x128xf32, #tpu.memory_space<vmem_shared>> -> memref<96x128xf32, #tpu.memory_space<vmem_shared>>
      tpu.enqueue_indirect_dma source(%dma_start3A_2168 : memref<96x128xf32, #tpu.memory_space<vmem_shared>>) target(%arg18 : memref<8x128xf32, #tpu.memory_space<vmem>>) offsets(%arg16 : memref<8xi32, #tpu.memory_space<vmem>>) semaphore(%arg22 : memref<!tpu.dma_semaphore, #tpu.memory_space<semaphore_mem>>)
      %dma_wait3A_2169 = arith.constant 6 : i32
      %dma_wait3A_2170 = arith.constant 0 : i32
      %dma_wait3A_2171 = arith.constant 0 : i32
      %dma_wait3A_2172 = tpu.memref_slice %arg6[%dma_wait3A_2169, %dma_wait3A_2170, %dma_wait3A_2171] : memref<19x96x128xf32, #tpu.memory_space<vmem_shared>> -> memref<1x96x128xf32, #tpu.memory_space<vmem_shared>>
      %dma_wait3A_2173 = tpu.memref_squeeze %dma_wait3A_2172 : memref<1x96x128xf32, #tpu.memory_space<vmem_shared>> -> memref<96x128xf32, #tpu.memory_space<vmem_shared>>
      %dma_wait3A_2174 = arith.constant 0 : i32
      %dma_wait3A_2175 = arith.constant 0 : i32
      %dma_wait3A_2176 = tpu.memref_slice %dma_wait3A_2173[%dma_wait3A_2174, %dma_wait3A_2175] : memref<96x128xf32, #tpu.memory_space<vmem_shared>> -> memref<96x128xf32, #tpu.memory_space<vmem_shared>>
      tpu.wait_indirect_dma semaphore(%arg21 : memref<!tpu.dma_semaphore, #tpu.memory_space<semaphore_mem>>) src(%dma_wait3A_2176 : memref<96x128xf32, #tpu.memory_space<vmem_shared>>) dst(%arg17 : memref<8x128xf32, #tpu.memory_space<vmem>>)
      %dma_start3A_2177 = arith.constant 6 : i32
      %dma_start3A_2178 = arith.constant 0 : i32
      %dma_start3A_2179 = tpu.memref_slice %arg5[%dma_start3A_2177, %add3A_1972, %dma_start3A_2178] : memref<19x10000x128xf32, #tpu.memory_space<hbm>> -> memref<1x8x128xf32, #tpu.memory_space<hbm>>
      %dma_start3A_2180 = tpu.memref_squeeze %dma_start3A_2179 : memref<1x8x128xf32, #tpu.memory_space<hbm>> -> memref<8x128xf32, #tpu.memory_space<hbm>>
      %dma_start3A_2181 = arith.constant 0 : i32
      %dma_start3A_2182 = tpu.memref_slice %arg5[%dma_start3A_2177, %add3A_1972, %dma_start3A_2181] : memref<19x10000x128xf32, #tpu.memory_space<hbm>> -> memref<1x8x128xf32, #tpu.memory_space<hbm>>
      %dma_start3A_2183 = tpu.memref_squeeze %dma_start3A_2182 : memref<1x8x128xf32, #tpu.memory_space<hbm>> -> memref<8x128xf32, #tpu.memory_space<hbm>>
      tpu.enqueue_dma source(%arg17 : memref<8x128xf32, #tpu.memory_space<vmem>>) target(%dma_start3A_2183 : memref<8x128xf32, #tpu.memory_space<hbm>>) target_semaphore(%arg24 : memref<!tpu.dma_semaphore, #tpu.memory_space<semaphore_mem>>)
      %dma_wait3A_2184 = arith.constant 6 : i32
      %dma_wait3A_2185 = arith.constant 0 : i32
      %dma_wait3A_2186 = tpu.memref_slice %arg5[%dma_wait3A_2184, %add3A_1972, %dma_wait3A_2185] : memref<19x10000x128xf32, #tpu.memory_space<hbm>> -> memref<1x8x128xf32, #tpu.memory_space<hbm>>
      %dma_wait3A_2187 = tpu.memref_squeeze %dma_wait3A_2186 : memref<1x8x128xf32, #tpu.memory_space<hbm>> -> memref<8x128xf32, #tpu.memory_space<hbm>>
      %dma_wait3A_2188 = arith.constant 0 : i32
      %dma_wait3A_2189 = tpu.memref_slice %arg5[%dma_wait3A_2184, %add3A_1972, %dma_wait3A_2188] : memref<19x10000x128xf32, #tpu.memory_space<hbm>> -> memref<1x8x128xf32, #tpu.memory_space<hbm>>
      %dma_wait3A_2190 = tpu.memref_squeeze %dma_wait3A_2189 : memref<1x8x128xf32, #tpu.memory_space<hbm>> -> memref<8x128xf32, #tpu.memory_space<hbm>>
      tpu.wait_dma2 semaphore(%arg24 : memref<!tpu.dma_semaphore, #tpu.memory_space<semaphore_mem>>) src(%arg17 : memref<8x128xf32, #tpu.memory_space<vmem>>) dst(%dma_wait3A_2190 : memref<8x128xf32, #tpu.memory_space<hbm>>)
      %dma_start3A_2191 = arith.constant 8 : i32
      %dma_start3A_2192 = arith.constant 0 : i32
      %dma_start3A_2193 = arith.constant 0 : i32
      %dma_start3A_2194 = tpu.memref_slice %arg6[%dma_start3A_2191, %dma_start3A_2192, %dma_start3A_2193] : memref<19x96x128xf32, #tpu.memory_space<vmem_shared>> -> memref<1x96x128xf32, #tpu.memory_space<vmem_shared>>
      %dma_start3A_2195 = tpu.memref_squeeze %dma_start3A_2194 : memref<1x96x128xf32, #tpu.memory_space<vmem_shared>> -> memref<96x128xf32, #tpu.memory_space<vmem_shared>>
      %dma_start3A_2196 = arith.constant 0 : i32
      %dma_start3A_2197 = arith.constant 0 : i32
      %dma_start3A_2198 = tpu.memref_slice %dma_start3A_2195[%dma_start3A_2196, %dma_start3A_2197] : memref<96x128xf32, #tpu.memory_space<vmem_shared>> -> memref<96x128xf32, #tpu.memory_space<vmem_shared>>
      tpu.enqueue_indirect_dma source(%dma_start3A_2198 : memref<96x128xf32, #tpu.memory_space<vmem_shared>>) target(%arg17 : memref<8x128xf32, #tpu.memory_space<vmem>>) offsets(%arg16 : memref<8xi32, #tpu.memory_space<vmem>>) semaphore(%arg21 : memref<!tpu.dma_semaphore, #tpu.memory_space<semaphore_mem>>)
      %dma_wait3A_2199 = arith.constant 7 : i32
      %dma_wait3A_2200 = arith.constant 0 : i32
      %dma_wait3A_2201 = arith.constant 0 : i32
      %dma_wait3A_2202 = tpu.memref_slice %arg6[%dma_wait3A_2199, %dma_wait3A_2200, %dma_wait3A_2201] : memref<19x96x128xf32, #tpu.memory_space<vmem_shared>> -> memref<1x96x128xf32, #tpu.memory_space<vmem_shared>>
      %dma_wait3A_2203 = tpu.memref_squeeze %dma_wait3A_2202 : memref<1x96x128xf32, #tpu.memory_space<vmem_shared>> -> memref<96x128xf32, #tpu.memory_space<vmem_shared>>
      %dma_wait3A_2204 = arith.constant 0 : i32
      %dma_wait3A_2205 = arith.constant 0 : i32
      %dma_wait3A_2206 = tpu.memref_slice %dma_wait3A_2203[%dma_wait3A_2204, %dma_wait3A_2205] : memref<96x128xf32, #tpu.memory_space<vmem_shared>> -> memref<96x128xf32, #tpu.memory_space<vmem_shared>>
      tpu.wait_indirect_dma semaphore(%arg22 : memref<!tpu.dma_semaphore, #tpu.memory_space<semaphore_mem>>) src(%dma_wait3A_2206 : memref<96x128xf32, #tpu.memory_space<vmem_shared>>) dst(%arg18 : memref<8x128xf32, #tpu.memory_space<vmem>>)
      %dma_start3A_2207 = arith.constant 7 : i32
      %dma_start3A_2208 = arith.constant 0 : i32
      %dma_start3A_2209 = tpu.memref_slice %arg5[%dma_start3A_2207, %add3A_1972, %dma_start3A_2208] : memref<19x10000x128xf32, #tpu.memory_space<hbm>> -> memref<1x8x128xf32, #tpu.memory_space<hbm>>
      %dma_start3A_2210 = tpu.memref_squeeze %dma_start3A_2209 : memref<1x8x128xf32, #tpu.memory_space<hbm>> -> memref<8x128xf32, #tpu.memory_space<hbm>>
      %dma_start3A_2211 = arith.constant 0 : i32
      %dma_start3A_2212 = tpu.memref_slice %arg5[%dma_start3A_2207, %add3A_1972, %dma_start3A_2211] : memref<19x10000x128xf32, #tpu.memory_space<hbm>> -> memref<1x8x128xf32, #tpu.memory_space<hbm>>
      %dma_start3A_2213 = tpu.memref_squeeze %dma_start3A_2212 : memref<1x8x128xf32, #tpu.memory_space<hbm>> -> memref<8x128xf32, #tpu.memory_space<hbm>>
      tpu.enqueue_dma source(%arg18 : memref<8x128xf32, #tpu.memory_space<vmem>>) target(%dma_start3A_2213 : memref<8x128xf32, #tpu.memory_space<hbm>>) target_semaphore(%arg25 : memref<!tpu.dma_semaphore, #tpu.memory_space<semaphore_mem>>)
      %dma_wait3A_2214 = arith.constant 7 : i32
      %dma_wait3A_2215 = arith.constant 0 : i32
      %dma_wait3A_2216 = tpu.memref_slice %arg5[%dma_wait3A_2214, %add3A_1972, %dma_wait3A_2215] : memref<19x10000x128xf32, #tpu.memory_space<hbm>> -> memref<1x8x128xf32, #tpu.memory_space<hbm>>
      %dma_wait3A_2217 = tpu.memref_squeeze %dma_wait3A_2216 : memref<1x8x128xf32, #tpu.memory_space<hbm>> -> memref<8x128xf32, #tpu.memory_space<hbm>>
      %dma_wait3A_2218 = arith.constant 0 : i32
      %dma_wait3A_2219 = tpu.memref_slice %arg5[%dma_wait3A_2214, %add3A_1972, %dma_wait3A_2218] : memref<19x10000x128xf32, #tpu.memory_space<hbm>> -> memref<1x8x128xf32, #tpu.memory_space<hbm>>
      %dma_wait3A_2220 = tpu.memref_squeeze %dma_wait3A_2219 : memref<1x8x128xf32, #tpu.memory_space<hbm>> -> memref<8x128xf32, #tpu.memory_space<hbm>>
      tpu.wait_dma2 semaphore(%arg25 : memref<!tpu.dma_semaphore, #tpu.memory_space<semaphore_mem>>) src(%arg18 : memref<8x128xf32, #tpu.memory_space<vmem>>) dst(%dma_wait3A_2220 : memref<8x128xf32, #tpu.memory_space<hbm>>)
      %dma_start3A_2221 = arith.constant 9 : i32
      %dma_start3A_2222 = arith.constant 0 : i32
      %dma_start3A_2223 = arith.constant 0 : i32
      %dma_start3A_2224 = tpu.memref_slice %arg6[%dma_start3A_2221, %dma_start3A_2222, %dma_start3A_2223] : memref<19x96x128xf32, #tpu.memory_space<vmem_shared>> -> memref<1x96x128xf32, #tpu.memory_space<vmem_shared>>
      %dma_start3A_2225 = tpu.memref_squeeze %dma_start3A_2224 : memref<1x96x128xf32, #tpu.memory_space<vmem_shared>> -> memref<96x128xf32, #tpu.memory_space<vmem_shared>>
      %dma_start3A_2226 = arith.constant 0 : i32
      %dma_start3A_2227 = arith.constant 0 : i32
      %dma_start3A_2228 = tpu.memref_slice %dma_start3A_2225[%dma_start3A_2226, %dma_start3A_2227] : memref<96x128xf32, #tpu.memory_space<vmem_shared>> -> memref<96x128xf32, #tpu.memory_space<vmem_shared>>
      tpu.enqueue_indirect_dma source(%dma_start3A_2228 : memref<96x128xf32, #tpu.memory_space<vmem_shared>>) target(%arg18 : memref<8x128xf32, #tpu.memory_space<vmem>>) offsets(%arg16 : memref<8xi32, #tpu.memory_space<vmem>>) semaphore(%arg22 : memref<!tpu.dma_semaphore, #tpu.memory_space<semaphore_mem>>)
      %dma_wait3A_2229 = arith.constant 8 : i32
      %dma_wait3A_2230 = arith.constant 0 : i32
      %dma_wait3A_2231 = arith.constant 0 : i32
      %dma_wait3A_2232 = tpu.memref_slice %arg6[%dma_wait3A_2229, %dma_wait3A_2230, %dma_wait3A_2231] : memref<19x96x128xf32, #tpu.memory_space<vmem_shared>> -> memref<1x96x128xf32, #tpu.memory_space<vmem_shared>>
      %dma_wait3A_2233 = tpu.memref_squeeze %dma_wait3A_2232 : memref<1x96x128xf32, #tpu.memory_space<vmem_shared>> -> memref<96x128xf32, #tpu.memory_space<vmem_shared>>
      %dma_wait3A_2234 = arith.constant 0 : i32
      %dma_wait3A_2235 = arith.constant 0 : i32
      %dma_wait3A_2236 = tpu.memref_slice %dma_wait3A_2233[%dma_wait3A_2234, %dma_wait3A_2235] : memref<96x128xf32, #tpu.memory_space<vmem_shared>> -> memref<96x128xf32, #tpu.memory_space<vmem_shared>>
      tpu.wait_indirect_dma semaphore(%arg21 : memref<!tpu.dma_semaphore, #tpu.memory_space<semaphore_mem>>) src(%dma_wait3A_2236 : memref<96x128xf32, #tpu.memory_space<vmem_shared>>) dst(%arg17 : memref<8x128xf32, #tpu.memory_space<vmem>>)
      %dma_start3A_2237 = arith.constant 8 : i32
      %dma_start3A_2238 = arith.constant 0 : i32
      %dma_start3A_2239 = tpu.memref_slice %arg5[%dma_start3A_2237, %add3A_1972, %dma_start3A_2238] : memref<19x10000x128xf32, #tpu.memory_space<hbm>> -> memref<1x8x128xf32, #tpu.memory_space<hbm>>
      %dma_start3A_2240 = tpu.memref_squeeze %dma_start3A_2239 : memref<1x8x128xf32, #tpu.memory_space<hbm>> -> memref<8x128xf32, #tpu.memory_space<hbm>>
      %dma_start3A_2241 = arith.constant 0 : i32
      %dma_start3A_2242 = tpu.memref_slice %arg5[%dma_start3A_2237, %add3A_1972, %dma_start3A_2241] : memref<19x10000x128xf32, #tpu.memory_space<hbm>> -> memref<1x8x128xf32, #tpu.memory_space<hbm>>
      %dma_start3A_2243 = tpu.memref_squeeze %dma_start3A_2242 : memref<1x8x128xf32, #tpu.memory_space<hbm>> -> memref<8x128xf32, #tpu.memory_space<hbm>>
      tpu.enqueue_dma source(%arg17 : memref<8x128xf32, #tpu.memory_space<vmem>>) target(%dma_start3A_2243 : memref<8x128xf32, #tpu.memory_space<hbm>>) target_semaphore(%arg24 : memref<!tpu.dma_semaphore, #tpu.memory_space<semaphore_mem>>)
      %dma_wait3A_2244 = arith.constant 8 : i32
      %dma_wait3A_2245 = arith.constant 0 : i32
      %dma_wait3A_2246 = tpu.memref_slice %arg5[%dma_wait3A_2244, %add3A_1972, %dma_wait3A_2245] : memref<19x10000x128xf32, #tpu.memory_space<hbm>> -> memref<1x8x128xf32, #tpu.memory_space<hbm>>
      %dma_wait3A_2247 = tpu.memref_squeeze %dma_wait3A_2246 : memref<1x8x128xf32, #tpu.memory_space<hbm>> -> memref<8x128xf32, #tpu.memory_space<hbm>>
      %dma_wait3A_2248 = arith.constant 0 : i32
      %dma_wait3A_2249 = tpu.memref_slice %arg5[%dma_wait3A_2244, %add3A_1972, %dma_wait3A_2248] : memref<19x10000x128xf32, #tpu.memory_space<hbm>> -> memref<1x8x128xf32, #tpu.memory_space<hbm>>
      %dma_wait3A_2250 = tpu.memref_squeeze %dma_wait3A_2249 : memref<1x8x128xf32, #tpu.memory_space<hbm>> -> memref<8x128xf32, #tpu.memory_space<hbm>>
      tpu.wait_dma2 semaphore(%arg24 : memref<!tpu.dma_semaphore, #tpu.memory_space<semaphore_mem>>) src(%arg17 : memref<8x128xf32, #tpu.memory_space<vmem>>) dst(%dma_wait3A_2250 : memref<8x128xf32, #tpu.memory_space<hbm>>)
      %dma_start3A_2251 = arith.constant 10 : i32
      %dma_start3A_2252 = arith.constant 0 : i32
      %dma_start3A_2253 = arith.constant 0 : i32
      %dma_start3A_2254 = tpu.memref_slice %arg6[%dma_start3A_2251, %dma_start3A_2252, %dma_start3A_2253] : memref<19x96x128xf32, #tpu.memory_space<vmem_shared>> -> memref<1x96x128xf32, #tpu.memory_space<vmem_shared>>
      %dma_start3A_2255 = tpu.memref_squeeze %dma_start3A_2254 : memref<1x96x128xf32, #tpu.memory_space<vmem_shared>> -> memref<96x128xf32, #tpu.memory_space<vmem_shared>>
      %dma_start3A_2256 = arith.constant 0 : i32
      %dma_start3A_2257 = arith.constant 0 : i32
      %dma_start3A_2258 = tpu.memref_slice %dma_start3A_2255[%dma_start3A_2256, %dma_start3A_2257] : memref<96x128xf32, #tpu.memory_space<vmem_shared>> -> memref<96x128xf32, #tpu.memory_space<vmem_shared>>
      tpu.enqueue_indirect_dma source(%dma_start3A_2258 : memref<96x128xf32, #tpu.memory_space<vmem_shared>>) target(%arg17 : memref<8x128xf32, #tpu.memory_space<vmem>>) offsets(%arg16 : memref<8xi32, #tpu.memory_space<vmem>>) semaphore(%arg21 : memref<!tpu.dma_semaphore, #tpu.memory_space<semaphore_mem>>)
      %dma_wait3A_2259 = arith.constant 9 : i32
      %dma_wait3A_2260 = arith.constant 0 : i32
      %dma_wait3A_2261 = arith.constant 0 : i32
      %dma_wait3A_2262 = tpu.memref_slice %arg6[%dma_wait3A_2259, %dma_wait3A_2260, %dma_wait3A_2261] : memref<19x96x128xf32, #tpu.memory_space<vmem_shared>> -> memref<1x96x128xf32, #tpu.memory_space<vmem_shared>>
      %dma_wait3A_2263 = tpu.memref_squeeze %dma_wait3A_2262 : memref<1x96x128xf32, #tpu.memory_space<vmem_shared>> -> memref<96x128xf32, #tpu.memory_space<vmem_shared>>
      %dma_wait3A_2264 = arith.constant 0 : i32
      %dma_wait3A_2265 = arith.constant 0 : i32
      %dma_wait3A_2266 = tpu.memref_slice %dma_wait3A_2263[%dma_wait3A_2264, %dma_wait3A_2265] : memref<96x128xf32, #tpu.memory_space<vmem_shared>> -> memref<96x128xf32, #tpu.memory_space<vmem_shared>>
      tpu.wait_indirect_dma semaphore(%arg22 : memref<!tpu.dma_semaphore, #tpu.memory_space<semaphore_mem>>) src(%dma_wait3A_2266 : memref<96x128xf32, #tpu.memory_space<vmem_shared>>) dst(%arg18 : memref<8x128xf32, #tpu.memory_space<vmem>>)
      %dma_start3A_2267 = arith.constant 9 : i32
      %dma_start3A_2268 = arith.constant 0 : i32
      %dma_start3A_2269 = tpu.memref_slice %arg5[%dma_start3A_2267, %add3A_1972, %dma_start3A_2268] : memref<19x10000x128xf32, #tpu.memory_space<hbm>> -> memref<1x8x128xf32, #tpu.memory_space<hbm>>
      %dma_start3A_2270 = tpu.memref_squeeze %dma_start3A_2269 : memref<1x8x128xf32, #tpu.memory_space<hbm>> -> memref<8x128xf32, #tpu.memory_space<hbm>>
      %dma_start3A_2271 = arith.constant 0 : i32
      %dma_start3A_2272 = tpu.memref_slice %arg5[%dma_start3A_2267, %add3A_1972, %dma_start3A_2271] : memref<19x10000x128xf32, #tpu.memory_space<hbm>> -> memref<1x8x128xf32, #tpu.memory_space<hbm>>
      %dma_start3A_2273 = tpu.memref_squeeze %dma_start3A_2272 : memref<1x8x128xf32, #tpu.memory_space<hbm>> -> memref<8x128xf32, #tpu.memory_space<hbm>>
      tpu.enqueue_dma source(%arg18 : memref<8x128xf32, #tpu.memory_space<vmem>>) target(%dma_start3A_2273 : memref<8x128xf32, #tpu.memory_space<hbm>>) target_semaphore(%arg25 : memref<!tpu.dma_semaphore, #tpu.memory_space<semaphore_mem>>)
      %dma_wait3A_2274 = arith.constant 9 : i32
      %dma_wait3A_2275 = arith.constant 0 : i32
      %dma_wait3A_2276 = tpu.memref_slice %arg5[%dma_wait3A_2274, %add3A_1972, %dma_wait3A_2275] : memref<19x10000x128xf32, #tpu.memory_space<hbm>> -> memref<1x8x128xf32, #tpu.memory_space<hbm>>
      %dma_wait3A_2277 = tpu.memref_squeeze %dma_wait3A_2276 : memref<1x8x128xf32, #tpu.memory_space<hbm>> -> memref<8x128xf32, #tpu.memory_space<hbm>>
      %dma_wait3A_2278 = arith.constant 0 : i32
      %dma_wait3A_2279 = tpu.memref_slice %arg5[%dma_wait3A_2274, %add3A_1972, %dma_wait3A_2278] : memref<19x10000x128xf32, #tpu.memory_space<hbm>> -> memref<1x8x128xf32, #tpu.memory_space<hbm>>
      %dma_wait3A_2280 = tpu.memref_squeeze %dma_wait3A_2279 : memref<1x8x128xf32, #tpu.memory_space<hbm>> -> memref<8x128xf32, #tpu.memory_space<hbm>>
      tpu.wait_dma2 semaphore(%arg25 : memref<!tpu.dma_semaphore, #tpu.memory_space<semaphore_mem>>) src(%arg18 : memref<8x128xf32, #tpu.memory_space<vmem>>) dst(%dma_wait3A_2280 : memref<8x128xf32, #tpu.memory_space<hbm>>)
      %dma_start3A_2281 = arith.constant 11 : i32
      %dma_start3A_2282 = arith.constant 0 : i32
      %dma_start3A_2283 = arith.constant 0 : i32
      %dma_start3A_2284 = tpu.memref_slice %arg6[%dma_start3A_2281, %dma_start3A_2282, %dma_start3A_2283] : memref<19x96x128xf32, #tpu.memory_space<vmem_shared>> -> memref<1x96x128xf32, #tpu.memory_space<vmem_shared>>
      %dma_start3A_2285 = tpu.memref_squeeze %dma_start3A_2284 : memref<1x96x128xf32, #tpu.memory_space<vmem_shared>> -> memref<96x128xf32, #tpu.memory_space<vmem_shared>>
      %dma_start3A_2286 = arith.constant 0 : i32
      %dma_start3A_2287 = arith.constant 0 : i32
      %dma_start3A_2288 = tpu.memref_slice %dma_start3A_2285[%dma_start3A_2286, %dma_start3A_2287] : memref<96x128xf32, #tpu.memory_space<vmem_shared>> -> memref<96x128xf32, #tpu.memory_space<vmem_shared>>
      tpu.enqueue_indirect_dma source(%dma_start3A_2288 : memref<96x128xf32, #tpu.memory_space<vmem_shared>>) target(%arg18 : memref<8x128xf32, #tpu.memory_space<vmem>>) offsets(%arg16 : memref<8xi32, #tpu.memory_space<vmem>>) semaphore(%arg22 : memref<!tpu.dma_semaphore, #tpu.memory_space<semaphore_mem>>)
      %dma_wait3A_2289 = arith.constant 10 : i32
      %dma_wait3A_2290 = arith.constant 0 : i32
      %dma_wait3A_2291 = arith.constant 0 : i32
      %dma_wait3A_2292 = tpu.memref_slice %arg6[%dma_wait3A_2289, %dma_wait3A_2290, %dma_wait3A_2291] : memref<19x96x128xf32, #tpu.memory_space<vmem_shared>> -> memref<1x96x128xf32, #tpu.memory_space<vmem_shared>>
      %dma_wait3A_2293 = tpu.memref_squeeze %dma_wait3A_2292 : memref<1x96x128xf32, #tpu.memory_space<vmem_shared>> -> memref<96x128xf32, #tpu.memory_space<vmem_shared>>
      %dma_wait3A_2294 = arith.constant 0 : i32
      %dma_wait3A_2295 = arith.constant 0 : i32
      %dma_wait3A_2296 = tpu.memref_slice %dma_wait3A_2293[%dma_wait3A_2294, %dma_wait3A_2295] : memref<96x128xf32, #tpu.memory_space<vmem_shared>> -> memref<96x128xf32, #tpu.memory_space<vmem_shared>>
      tpu.wait_indirect_dma semaphore(%arg21 : memref<!tpu.dma_semaphore, #tpu.memory_space<semaphore_mem>>) src(%dma_wait3A_2296 : memref<96x128xf32, #tpu.memory_space<vmem_shared>>) dst(%arg17 : memref<8x128xf32, #tpu.memory_space<vmem>>)
      %dma_start3A_2297 = arith.constant 10 : i32
      %dma_start3A_2298 = arith.constant 0 : i32
      %dma_start3A_2299 = tpu.memref_slice %arg5[%dma_start3A_2297, %add3A_1972, %dma_start3A_2298] : memref<19x10000x128xf32, #tpu.memory_space<hbm>> -> memref<1x8x128xf32, #tpu.memory_space<hbm>>
      %dma_start3A_2300 = tpu.memref_squeeze %dma_start3A_2299 : memref<1x8x128xf32, #tpu.memory_space<hbm>> -> memref<8x128xf32, #tpu.memory_space<hbm>>
      %dma_start3A_2301 = arith.constant 0 : i32
      %dma_start3A_2302 = tpu.memref_slice %arg5[%dma_start3A_2297, %add3A_1972, %dma_start3A_2301] : memref<19x10000x128xf32, #tpu.memory_space<hbm>> -> memref<1x8x128xf32, #tpu.memory_space<hbm>>
      %dma_start3A_2303 = tpu.memref_squeeze %dma_start3A_2302 : memref<1x8x128xf32, #tpu.memory_space<hbm>> -> memref<8x128xf32, #tpu.memory_space<hbm>>
      tpu.enqueue_dma source(%arg17 : memref<8x128xf32, #tpu.memory_space<vmem>>) target(%dma_start3A_2303 : memref<8x128xf32, #tpu.memory_space<hbm>>) target_semaphore(%arg24 : memref<!tpu.dma_semaphore, #tpu.memory_space<semaphore_mem>>)
      %dma_wait3A_2304 = arith.constant 10 : i32
      %dma_wait3A_2305 = arith.constant 0 : i32
      %dma_wait3A_2306 = tpu.memref_slice %arg5[%dma_wait3A_2304, %add3A_1972, %dma_wait3A_2305] : memref<19x10000x128xf32, #tpu.memory_space<hbm>> -> memref<1x8x128xf32, #tpu.memory_space<hbm>>
      %dma_wait3A_2307 = tpu.memref_squeeze %dma_wait3A_2306 : memref<1x8x128xf32, #tpu.memory_space<hbm>> -> memref<8x128xf32, #tpu.memory_space<hbm>>
      %dma_wait3A_2308 = arith.constant 0 : i32
      %dma_wait3A_2309 = tpu.memref_slice %arg5[%dma_wait3A_2304, %add3A_1972, %dma_wait3A_2308] : memref<19x10000x128xf32, #tpu.memory_space<hbm>> -> memref<1x8x128xf32, #tpu.memory_space<hbm>>
      %dma_wait3A_2310 = tpu.memref_squeeze %dma_wait3A_2309 : memref<1x8x128xf32, #tpu.memory_space<hbm>> -> memref<8x128xf32, #tpu.memory_space<hbm>>
      tpu.wait_dma2 semaphore(%arg24 : memref<!tpu.dma_semaphore, #tpu.memory_space<semaphore_mem>>) src(%arg17 : memref<8x128xf32, #tpu.memory_space<vmem>>) dst(%dma_wait3A_2310 : memref<8x128xf32, #tpu.memory_space<hbm>>)
      %dma_start3A_2311 = arith.constant 12 : i32
      %dma_start3A_2312 = arith.constant 0 : i32
      %dma_start3A_2313 = arith.constant 0 : i32
      %dma_start3A_2314 = tpu.memref_slice %arg6[%dma_start3A_2311, %dma_start3A_2312, %dma_start3A_2313] : memref<19x96x128xf32, #tpu.memory_space<vmem_shared>> -> memref<1x96x128xf32, #tpu.memory_space<vmem_shared>>
      %dma_start3A_2315 = tpu.memref_squeeze %dma_start3A_2314 : memref<1x96x128xf32, #tpu.memory_space<vmem_shared>> -> memref<96x128xf32, #tpu.memory_space<vmem_shared>>
      %dma_start3A_2316 = arith.constant 0 : i32
      %dma_start3A_2317 = arith.constant 0 : i32
      %dma_start3A_2318 = tpu.memref_slice %dma_start3A_2315[%dma_start3A_2316, %dma_start3A_2317] : memref<96x128xf32, #tpu.memory_space<vmem_shared>> -> memref<96x128xf32, #tpu.memory_space<vmem_shared>>
      tpu.enqueue_indirect_dma source(%dma_start3A_2318 : memref<96x128xf32, #tpu.memory_space<vmem_shared>>) target(%arg17 : memref<8x128xf32, #tpu.memory_space<vmem>>) offsets(%arg16 : memref<8xi32, #tpu.memory_space<vmem>>) semaphore(%arg21 : memref<!tpu.dma_semaphore, #tpu.memory_space<semaphore_mem>>)
      %dma_wait3A_2319 = arith.constant 11 : i32
      %dma_wait3A_2320 = arith.constant 0 : i32
      %dma_wait3A_2321 = arith.constant 0 : i32
      %dma_wait3A_2322 = tpu.memref_slice %arg6[%dma_wait3A_2319, %dma_wait3A_2320, %dma_wait3A_2321] : memref<19x96x128xf32, #tpu.memory_space<vmem_shared>> -> memref<1x96x128xf32, #tpu.memory_space<vmem_shared>>
      %dma_wait3A_2323 = tpu.memref_squeeze %dma_wait3A_2322 : memref<1x96x128xf32, #tpu.memory_space<vmem_shared>> -> memref<96x128xf32, #tpu.memory_space<vmem_shared>>
      %dma_wait3A_2324 = arith.constant 0 : i32
      %dma_wait3A_2325 = arith.constant 0 : i32
      %dma_wait3A_2326 = tpu.memref_slice %dma_wait3A_2323[%dma_wait3A_2324, %dma_wait3A_2325] : memref<96x128xf32, #tpu.memory_space<vmem_shared>> -> memref<96x128xf32, #tpu.memory_space<vmem_shared>>
      tpu.wait_indirect_dma semaphore(%arg22 : memref<!tpu.dma_semaphore, #tpu.memory_space<semaphore_mem>>) src(%dma_wait3A_2326 : memref<96x128xf32, #tpu.memory_space<vmem_shared>>) dst(%arg18 : memref<8x128xf32, #tpu.memory_space<vmem>>)
      %dma_start3A_2327 = arith.constant 11 : i32
      %dma_start3A_2328 = arith.constant 0 : i32
      %dma_start3A_2329 = tpu.memref_slice %arg5[%dma_start3A_2327, %add3A_1972, %dma_start3A_2328] : memref<19x10000x128xf32, #tpu.memory_space<hbm>> -> memref<1x8x128xf32, #tpu.memory_space<hbm>>
      %dma_start3A_2330 = tpu.memref_squeeze %dma_start3A_2329 : memref<1x8x128xf32, #tpu.memory_space<hbm>> -> memref<8x128xf32, #tpu.memory_space<hbm>>
      %dma_start3A_2331 = arith.constant 0 : i32
      %dma_start3A_2332 = tpu.memref_slice %arg5[%dma_start3A_2327, %add3A_1972, %dma_start3A_2331] : memref<19x10000x128xf32, #tpu.memory_space<hbm>> -> memref<1x8x128xf32, #tpu.memory_space<hbm>>
      %dma_start3A_2333 = tpu.memref_squeeze %dma_start3A_2332 : memref<1x8x128xf32, #tpu.memory_space<hbm>> -> memref<8x128xf32, #tpu.memory_space<hbm>>
      tpu.enqueue_dma source(%arg18 : memref<8x128xf32, #tpu.memory_space<vmem>>) target(%dma_start3A_2333 : memref<8x128xf32, #tpu.memory_space<hbm>>) target_semaphore(%arg25 : memref<!tpu.dma_semaphore, #tpu.memory_space<semaphore_mem>>)
      %dma_wait3A_2334 = arith.constant 11 : i32
      %dma_wait3A_2335 = arith.constant 0 : i32
      %dma_wait3A_2336 = tpu.memref_slice %arg5[%dma_wait3A_2334, %add3A_1972, %dma_wait3A_2335] : memref<19x10000x128xf32, #tpu.memory_space<hbm>> -> memref<1x8x128xf32, #tpu.memory_space<hbm>>
      %dma_wait3A_2337 = tpu.memref_squeeze %dma_wait3A_2336 : memref<1x8x128xf32, #tpu.memory_space<hbm>> -> memref<8x128xf32, #tpu.memory_space<hbm>>
      %dma_wait3A_2338 = arith.constant 0 : i32
      %dma_wait3A_2339 = tpu.memref_slice %arg5[%dma_wait3A_2334, %add3A_1972, %dma_wait3A_2338] : memref<19x10000x128xf32, #tpu.memory_space<hbm>> -> memref<1x8x128xf32, #tpu.memory_space<hbm>>
      %dma_wait3A_2340 = tpu.memref_squeeze %dma_wait3A_2339 : memref<1x8x128xf32, #tpu.memory_space<hbm>> -> memref<8x128xf32, #tpu.memory_space<hbm>>
      tpu.wait_dma2 semaphore(%arg25 : memref<!tpu.dma_semaphore, #tpu.memory_space<semaphore_mem>>) src(%arg18 : memref<8x128xf32, #tpu.memory_space<vmem>>) dst(%dma_wait3A_2340 : memref<8x128xf32, #tpu.memory_space<hbm>>)
      %dma_start3A_2341 = arith.constant 13 : i32
      %dma_start3A_2342 = arith.constant 0 : i32
      %dma_start3A_2343 = arith.constant 0 : i32
      %dma_start3A_2344 = tpu.memref_slice %arg6[%dma_start3A_2341, %dma_start3A_2342, %dma_start3A_2343] : memref<19x96x128xf32, #tpu.memory_space<vmem_shared>> -> memref<1x96x128xf32, #tpu.memory_space<vmem_shared>>
      %dma_start3A_2345 = tpu.memref_squeeze %dma_start3A_2344 : memref<1x96x128xf32, #tpu.memory_space<vmem_shared>> -> memref<96x128xf32, #tpu.memory_space<vmem_shared>>
      %dma_start3A_2346 = arith.constant 0 : i32
      %dma_start3A_2347 = arith.constant 0 : i32
      %dma_start3A_2348 = tpu.memref_slice %dma_start3A_2345[%dma_start3A_2346, %dma_start3A_2347] : memref<96x128xf32, #tpu.memory_space<vmem_shared>> -> memref<96x128xf32, #tpu.memory_space<vmem_shared>>
      tpu.enqueue_indirect_dma source(%dma_start3A_2348 : memref<96x128xf32, #tpu.memory_space<vmem_shared>>) target(%arg18 : memref<8x128xf32, #tpu.memory_space<vmem>>) offsets(%arg16 : memref<8xi32, #tpu.memory_space<vmem>>) semaphore(%arg22 : memref<!tpu.dma_semaphore, #tpu.memory_space<semaphore_mem>>)
      %dma_wait3A_2349 = arith.constant 12 : i32
      %dma_wait3A_2350 = arith.constant 0 : i32
      %dma_wait3A_2351 = arith.constant 0 : i32
      %dma_wait3A_2352 = tpu.memref_slice %arg6[%dma_wait3A_2349, %dma_wait3A_2350, %dma_wait3A_2351] : memref<19x96x128xf32, #tpu.memory_space<vmem_shared>> -> memref<1x96x128xf32, #tpu.memory_space<vmem_shared>>
      %dma_wait3A_2353 = tpu.memref_squeeze %dma_wait3A_2352 : memref<1x96x128xf32, #tpu.memory_space<vmem_shared>> -> memref<96x128xf32, #tpu.memory_space<vmem_shared>>
      %dma_wait3A_2354 = arith.constant 0 : i32
      %dma_wait3A_2355 = arith.constant 0 : i32
      %dma_wait3A_2356 = tpu.memref_slice %dma_wait3A_2353[%dma_wait3A_2354, %dma_wait3A_2355] : memref<96x128xf32, #tpu.memory_space<vmem_shared>> -> memref<96x128xf32, #tpu.memory_space<vmem_shared>>
      tpu.wait_indirect_dma semaphore(%arg21 : memref<!tpu.dma_semaphore, #tpu.memory_space<semaphore_mem>>) src(%dma_wait3A_2356 : memref<96x128xf32, #tpu.memory_space<vmem_shared>>) dst(%arg17 : memref<8x128xf32, #tpu.memory_space<vmem>>)
      %dma_start3A_2357 = arith.constant 12 : i32
      %dma_start3A_2358 = arith.constant 0 : i32
      %dma_start3A_2359 = tpu.memref_slice %arg5[%dma_start3A_2357, %add3A_1972, %dma_start3A_2358] : memref<19x10000x128xf32, #tpu.memory_space<hbm>> -> memref<1x8x128xf32, #tpu.memory_space<hbm>>
      %dma_start3A_2360 = tpu.memref_squeeze %dma_start3A_2359 : memref<1x8x128xf32, #tpu.memory_space<hbm>> -> memref<8x128xf32, #tpu.memory_space<hbm>>
      %dma_start3A_2361 = arith.constant 0 : i32
      %dma_start3A_2362 = tpu.memref_slice %arg5[%dma_start3A_2357, %add3A_1972, %dma_start3A_2361] : memref<19x10000x128xf32, #tpu.memory_space<hbm>> -> memref<1x8x128xf32, #tpu.memory_space<hbm>>
      %dma_start3A_2363 = tpu.memref_squeeze %dma_start3A_2362 : memref<1x8x128xf32, #tpu.memory_space<hbm>> -> memref<8x128xf32, #tpu.memory_space<hbm>>
      tpu.enqueue_dma source(%arg17 : memref<8x128xf32, #tpu.memory_space<vmem>>) target(%dma_start3A_2363 : memref<8x128xf32, #tpu.memory_space<hbm>>) target_semaphore(%arg24 : memref<!tpu.dma_semaphore, #tpu.memory_space<semaphore_mem>>)
      %dma_wait3A_2364 = arith.constant 12 : i32
      %dma_wait3A_2365 = arith.constant 0 : i32
      %dma_wait3A_2366 = tpu.memref_slice %arg5[%dma_wait3A_2364, %add3A_1972, %dma_wait3A_2365] : memref<19x10000x128xf32, #tpu.memory_space<hbm>> -> memref<1x8x128xf32, #tpu.memory_space<hbm>>
      %dma_wait3A_2367 = tpu.memref_squeeze %dma_wait3A_2366 : memref<1x8x128xf32, #tpu.memory_space<hbm>> -> memref<8x128xf32, #tpu.memory_space<hbm>>
      %dma_wait3A_2368 = arith.constant 0 : i32
      %dma_wait3A_2369 = tpu.memref_slice %arg5[%dma_wait3A_2364, %add3A_1972, %dma_wait3A_2368] : memref<19x10000x128xf32, #tpu.memory_space<hbm>> -> memref<1x8x128xf32, #tpu.memory_space<hbm>>
      %dma_wait3A_2370 = tpu.memref_squeeze %dma_wait3A_2369 : memref<1x8x128xf32, #tpu.memory_space<hbm>> -> memref<8x128xf32, #tpu.memory_space<hbm>>
      tpu.wait_dma2 semaphore(%arg24 : memref<!tpu.dma_semaphore, #tpu.memory_space<semaphore_mem>>) src(%arg17 : memref<8x128xf32, #tpu.memory_space<vmem>>) dst(%dma_wait3A_2370 : memref<8x128xf32, #tpu.memory_space<hbm>>)
      %dma_start3A_2371 = arith.constant 14 : i32
      %dma_start3A_2372 = arith.constant 0 : i32
      %dma_start3A_2373 = arith.constant 0 : i32
      %dma_start3A_2374 = tpu.memref_slice %arg6[%dma_start3A_2371, %dma_start3A_2372, %dma_start3A_2373] : memref<19x96x128xf32, #tpu.memory_space<vmem_shared>> -> memref<1x96x128xf32, #tpu.memory_space<vmem_shared>>
      %dma_start3A_2375 = tpu.memref_squeeze %dma_start3A_2374 : memref<1x96x128xf32, #tpu.memory_space<vmem_shared>> -> memref<96x128xf32, #tpu.memory_space<vmem_shared>>
      %dma_start3A_2376 = arith.constant 0 : i32
      %dma_start3A_2377 = arith.constant 0 : i32
      %dma_start3A_2378 = tpu.memref_slice %dma_start3A_2375[%dma_start3A_2376, %dma_start3A_2377] : memref<96x128xf32, #tpu.memory_space<vmem_shared>> -> memref<96x128xf32, #tpu.memory_space<vmem_shared>>
      tpu.enqueue_indirect_dma source(%dma_start3A_2378 : memref<96x128xf32, #tpu.memory_space<vmem_shared>>) target(%arg17 : memref<8x128xf32, #tpu.memory_space<vmem>>) offsets(%arg16 : memref<8xi32, #tpu.memory_space<vmem>>) semaphore(%arg21 : memref<!tpu.dma_semaphore, #tpu.memory_space<semaphore_mem>>)
      %dma_wait3A_2379 = arith.constant 13 : i32
      %dma_wait3A_2380 = arith.constant 0 : i32
      %dma_wait3A_2381 = arith.constant 0 : i32
      %dma_wait3A_2382 = tpu.memref_slice %arg6[%dma_wait3A_2379, %dma_wait3A_2380, %dma_wait3A_2381] : memref<19x96x128xf32, #tpu.memory_space<vmem_shared>> -> memref<1x96x128xf32, #tpu.memory_space<vmem_shared>>
      %dma_wait3A_2383 = tpu.memref_squeeze %dma_wait3A_2382 : memref<1x96x128xf32, #tpu.memory_space<vmem_shared>> -> memref<96x128xf32, #tpu.memory_space<vmem_shared>>
      %dma_wait3A_2384 = arith.constant 0 : i32
      %dma_wait3A_2385 = arith.constant 0 : i32
      %dma_wait3A_2386 = tpu.memref_slice %dma_wait3A_2383[%dma_wait3A_2384, %dma_wait3A_2385] : memref<96x128xf32, #tpu.memory_space<vmem_shared>> -> memref<96x128xf32, #tpu.memory_space<vmem_shared>>
      tpu.wait_indirect_dma semaphore(%arg22 : memref<!tpu.dma_semaphore, #tpu.memory_space<semaphore_mem>>) src(%dma_wait3A_2386 : memref<96x128xf32, #tpu.memory_space<vmem_shared>>) dst(%arg18 : memref<8x128xf32, #tpu.memory_space<vmem>>)
      %dma_start3A_2387 = arith.constant 13 : i32
      %dma_start3A_2388 = arith.constant 0 : i32
      %dma_start3A_2389 = tpu.memref_slice %arg5[%dma_start3A_2387, %add3A_1972, %dma_start3A_2388] : memref<19x10000x128xf32, #tpu.memory_space<hbm>> -> memref<1x8x128xf32, #tpu.memory_space<hbm>>
      %dma_start3A_2390 = tpu.memref_squeeze %dma_start3A_2389 : memref<1x8x128xf32, #tpu.memory_space<hbm>> -> memref<8x128xf32, #tpu.memory_space<hbm>>
      %dma_start3A_2391 = arith.constant 0 : i32
      %dma_start3A_2392 = tpu.memref_slice %arg5[%dma_start3A_2387, %add3A_1972, %dma_start3A_2391] : memref<19x10000x128xf32, #tpu.memory_space<hbm>> -> memref<1x8x128xf32, #tpu.memory_space<hbm>>
      %dma_start3A_2393 = tpu.memref_squeeze %dma_start3A_2392 : memref<1x8x128xf32, #tpu.memory_space<hbm>> -> memref<8x128xf32, #tpu.memory_space<hbm>>
      tpu.enqueue_dma source(%arg18 : memref<8x128xf32, #tpu.memory_space<vmem>>) target(%dma_start3A_2393 : memref<8x128xf32, #tpu.memory_space<hbm>>) target_semaphore(%arg25 : memref<!tpu.dma_semaphore, #tpu.memory_space<semaphore_mem>>)
      %dma_wait3A_2394 = arith.constant 13 : i32
      %dma_wait3A_2395 = arith.constant 0 : i32
      %dma_wait3A_2396 = tpu.memref_slice %arg5[%dma_wait3A_2394, %add3A_1972, %dma_wait3A_2395] : memref<19x10000x128xf32, #tpu.memory_space<hbm>> -> memref<1x8x128xf32, #tpu.memory_space<hbm>>
      %dma_wait3A_2397 = tpu.memref_squeeze %dma_wait3A_2396 : memref<1x8x128xf32, #tpu.memory_space<hbm>> -> memref<8x128xf32, #tpu.memory_space<hbm>>
      %dma_wait3A_2398 = arith.constant 0 : i32
      %dma_wait3A_2399 = tpu.memref_slice %arg5[%dma_wait3A_2394, %add3A_1972, %dma_wait3A_2398] : memref<19x10000x128xf32, #tpu.memory_space<hbm>> -> memref<1x8x128xf32, #tpu.memory_space<hbm>>
      %dma_wait3A_2400 = tpu.memref_squeeze %dma_wait3A_2399 : memref<1x8x128xf32, #tpu.memory_space<hbm>> -> memref<8x128xf32, #tpu.memory_space<hbm>>
      tpu.wait_dma2 semaphore(%arg25 : memref<!tpu.dma_semaphore, #tpu.memory_space<semaphore_mem>>) src(%arg18 : memref<8x128xf32, #tpu.memory_space<vmem>>) dst(%dma_wait3A_2400 : memref<8x128xf32, #tpu.memory_space<hbm>>)
      %dma_start3A_2401 = arith.constant 15 : i32
      %dma_start3A_2402 = arith.constant 0 : i32
      %dma_start3A_2403 = arith.constant 0 : i32
      %dma_start3A_2404 = tpu.memref_slice %arg6[%dma_start3A_2401, %dma_start3A_2402, %dma_start3A_2403] : memref<19x96x128xf32, #tpu.memory_space<vmem_shared>> -> memref<1x96x128xf32, #tpu.memory_space<vmem_shared>>
      %dma_start3A_2405 = tpu.memref_squeeze %dma_start3A_2404 : memref<1x96x128xf32, #tpu.memory_space<vmem_shared>> -> memref<96x128xf32, #tpu.memory_space<vmem_shared>>
      %dma_start3A_2406 = arith.constant 0 : i32
      %dma_start3A_2407 = arith.constant 0 : i32
      %dma_start3A_2408 = tpu.memref_slice %dma_start3A_2405[%dma_start3A_2406, %dma_start3A_2407] : memref<96x128xf32, #tpu.memory_space<vmem_shared>> -> memref<96x128xf32, #tpu.memory_space<vmem_shared>>
      tpu.enqueue_indirect_dma source(%dma_start3A_2408 : memref<96x128xf32, #tpu.memory_space<vmem_shared>>) target(%arg18 : memref<8x128xf32, #tpu.memory_space<vmem>>) offsets(%arg16 : memref<8xi32, #tpu.memory_space<vmem>>) semaphore(%arg22 : memref<!tpu.dma_semaphore, #tpu.memory_space<semaphore_mem>>)
      %dma_wait3A_2409 = arith.constant 14 : i32
      %dma_wait3A_2410 = arith.constant 0 : i32
      %dma_wait3A_2411 = arith.constant 0 : i32
      %dma_wait3A_2412 = tpu.memref_slice %arg6[%dma_wait3A_2409, %dma_wait3A_2410, %dma_wait3A_2411] : memref<19x96x128xf32, #tpu.memory_space<vmem_shared>> -> memref<1x96x128xf32, #tpu.memory_space<vmem_shared>>
      %dma_wait3A_2413 = tpu.memref_squeeze %dma_wait3A_2412 : memref<1x96x128xf32, #tpu.memory_space<vmem_shared>> -> memref<96x128xf32, #tpu.memory_space<vmem_shared>>
      %dma_wait3A_2414 = arith.constant 0 : i32
      %dma_wait3A_2415 = arith.constant 0 : i32
      %dma_wait3A_2416 = tpu.memref_slice %dma_wait3A_2413[%dma_wait3A_2414, %dma_wait3A_2415] : memref<96x128xf32, #tpu.memory_space<vmem_shared>> -> memref<96x128xf32, #tpu.memory_space<vmem_shared>>
      tpu.wait_indirect_dma semaphore(%arg21 : memref<!tpu.dma_semaphore, #tpu.memory_space<semaphore_mem>>) src(%dma_wait3A_2416 : memref<96x128xf32, #tpu.memory_space<vmem_shared>>) dst(%arg17 : memref<8x128xf32, #tpu.memory_space<vmem>>)
      %dma_start3A_2417 = arith.constant 14 : i32
      %dma_start3A_2418 = arith.constant 0 : i32
      %dma_start3A_2419 = tpu.memref_slice %arg5[%dma_start3A_2417, %add3A_1972, %dma_start3A_2418] : memref<19x10000x128xf32, #tpu.memory_space<hbm>> -> memref<1x8x128xf32, #tpu.memory_space<hbm>>
      %dma_start3A_2420 = tpu.memref_squeeze %dma_start3A_2419 : memref<1x8x128xf32, #tpu.memory_space<hbm>> -> memref<8x128xf32, #tpu.memory_space<hbm>>
      %dma_start3A_2421 = arith.constant 0 : i32
      %dma_start3A_2422 = tpu.memref_slice %arg5[%dma_start3A_2417, %add3A_1972, %dma_start3A_2421] : memref<19x10000x128xf32, #tpu.memory_space<hbm>> -> memref<1x8x128xf32, #tpu.memory_space<hbm>>
      %dma_start3A_2423 = tpu.memref_squeeze %dma_start3A_2422 : memref<1x8x128xf32, #tpu.memory_space<hbm>> -> memref<8x128xf32, #tpu.memory_space<hbm>>
      tpu.enqueue_dma source(%arg17 : memref<8x128xf32, #tpu.memory_space<vmem>>) target(%dma_start3A_2423 : memref<8x128xf32, #tpu.memory_space<hbm>>) target_semaphore(%arg24 : memref<!tpu.dma_semaphore, #tpu.memory_space<semaphore_mem>>)
      %dma_wait3A_2424 = arith.constant 14 : i32
      %dma_wait3A_2425 = arith.constant 0 : i32
      %dma_wait3A_2426 = tpu.memref_slice %arg5[%dma_wait3A_2424, %add3A_1972, %dma_wait3A_2425] : memref<19x10000x128xf32, #tpu.memory_space<hbm>> -> memref<1x8x128xf32, #tpu.memory_space<hbm>>
      %dma_wait3A_2427 = tpu.memref_squeeze %dma_wait3A_2426 : memref<1x8x128xf32, #tpu.memory_space<hbm>> -> memref<8x128xf32, #tpu.memory_space<hbm>>
      %dma_wait3A_2428 = arith.constant 0 : i32
      %dma_wait3A_2429 = tpu.memref_slice %arg5[%dma_wait3A_2424, %add3A_1972, %dma_wait3A_2428] : memref<19x10000x128xf32, #tpu.memory_space<hbm>> -> memref<1x8x128xf32, #tpu.memory_space<hbm>>
      %dma_wait3A_2430 = tpu.memref_squeeze %dma_wait3A_2429 : memref<1x8x128xf32, #tpu.memory_space<hbm>> -> memref<8x128xf32, #tpu.memory_space<hbm>>
      tpu.wait_dma2 semaphore(%arg24 : memref<!tpu.dma_semaphore, #tpu.memory_space<semaphore_mem>>) src(%arg17 : memref<8x128xf32, #tpu.memory_space<vmem>>) dst(%dma_wait3A_2430 : memref<8x128xf32, #tpu.memory_space<hbm>>)
      %dma_start3A_2431 = arith.constant 16 : i32
      %dma_start3A_2432 = arith.constant 0 : i32
      %dma_start3A_2433 = arith.constant 0 : i32
      %dma_start3A_2434 = tpu.memref_slice %arg6[%dma_start3A_2431, %dma_start3A_2432, %dma_start3A_2433] : memref<19x96x128xf32, #tpu.memory_space<vmem_shared>> -> memref<1x96x128xf32, #tpu.memory_space<vmem_shared>>
      %dma_start3A_2435 = tpu.memref_squeeze %dma_start3A_2434 : memref<1x96x128xf32, #tpu.memory_space<vmem_shared>> -> memref<96x128xf32, #tpu.memory_space<vmem_shared>>
      %dma_start3A_2436 = arith.constant 0 : i32
      %dma_start3A_2437 = arith.constant 0 : i32
      %dma_start3A_2438 = tpu.memref_slice %dma_start3A_2435[%dma_start3A_2436, %dma_start3A_2437] : memref<96x128xf32, #tpu.memory_space<vmem_shared>> -> memref<96x128xf32, #tpu.memory_space<vmem_shared>>
      tpu.enqueue_indirect_dma source(%dma_start3A_2438 : memref<96x128xf32, #tpu.memory_space<vmem_shared>>) target(%arg17 : memref<8x128xf32, #tpu.memory_space<vmem>>) offsets(%arg16 : memref<8xi32, #tpu.memory_space<vmem>>) semaphore(%arg21 : memref<!tpu.dma_semaphore, #tpu.memory_space<semaphore_mem>>)
      %dma_wait3A_2439 = arith.constant 15 : i32
      %dma_wait3A_2440 = arith.constant 0 : i32
      %dma_wait3A_2441 = arith.constant 0 : i32
      %dma_wait3A_2442 = tpu.memref_slice %arg6[%dma_wait3A_2439, %dma_wait3A_2440, %dma_wait3A_2441] : memref<19x96x128xf32, #tpu.memory_space<vmem_shared>> -> memref<1x96x128xf32, #tpu.memory_space<vmem_shared>>
      %dma_wait3A_2443 = tpu.memref_squeeze %dma_wait3A_2442 : memref<1x96x128xf32, #tpu.memory_space<vmem_shared>> -> memref<96x128xf32, #tpu.memory_space<vmem_shared>>
      %dma_wait3A_2444 = arith.constant 0 : i32
      %dma_wait3A_2445 = arith.constant 0 : i32
      %dma_wait3A_2446 = tpu.memref_slice %dma_wait3A_2443[%dma_wait3A_2444, %dma_wait3A_2445] : memref<96x128xf32, #tpu.memory_space<vmem_shared>> -> memref<96x128xf32, #tpu.memory_space<vmem_shared>>
      tpu.wait_indirect_dma semaphore(%arg22 : memref<!tpu.dma_semaphore, #tpu.memory_space<semaphore_mem>>) src(%dma_wait3A_2446 : memref<96x128xf32, #tpu.memory_space<vmem_shared>>) dst(%arg18 : memref<8x128xf32, #tpu.memory_space<vmem>>)
      %dma_start3A_2447 = arith.constant 15 : i32
      %dma_start3A_2448 = arith.constant 0 : i32
      %dma_start3A_2449 = tpu.memref_slice %arg5[%dma_start3A_2447, %add3A_1972, %dma_start3A_2448] : memref<19x10000x128xf32, #tpu.memory_space<hbm>> -> memref<1x8x128xf32, #tpu.memory_space<hbm>>
      %dma_start3A_2450 = tpu.memref_squeeze %dma_start3A_2449 : memref<1x8x128xf32, #tpu.memory_space<hbm>> -> memref<8x128xf32, #tpu.memory_space<hbm>>
      %dma_start3A_2451 = arith.constant 0 : i32
      %dma_start3A_2452 = tpu.memref_slice %arg5[%dma_start3A_2447, %add3A_1972, %dma_start3A_2451] : memref<19x10000x128xf32, #tpu.memory_space<hbm>> -> memref<1x8x128xf32, #tpu.memory_space<hbm>>
      %dma_start3A_2453 = tpu.memref_squeeze %dma_start3A_2452 : memref<1x8x128xf32, #tpu.memory_space<hbm>> -> memref<8x128xf32, #tpu.memory_space<hbm>>
      tpu.enqueue_dma source(%arg18 : memref<8x128xf32, #tpu.memory_space<vmem>>) target(%dma_start3A_2453 : memref<8x128xf32, #tpu.memory_space<hbm>>) target_semaphore(%arg25 : memref<!tpu.dma_semaphore, #tpu.memory_space<semaphore_mem>>)
      %dma_wait3A_2454 = arith.constant 15 : i32
      %dma_wait3A_2455 = arith.constant 0 : i32
      %dma_wait3A_2456 = tpu.memref_slice %arg5[%dma_wait3A_2454, %add3A_1972, %dma_wait3A_2455] : memref<19x10000x128xf32, #tpu.memory_space<hbm>> -> memref<1x8x128xf32, #tpu.memory_space<hbm>>
      %dma_wait3A_2457 = tpu.memref_squeeze %dma_wait3A_2456 : memref<1x8x128xf32, #tpu.memory_space<hbm>> -> memref<8x128xf32, #tpu.memory_space<hbm>>
      %dma_wait3A_2458 = arith.constant 0 : i32
      %dma_wait3A_2459 = tpu.memref_slice %arg5[%dma_wait3A_2454, %add3A_1972, %dma_wait3A_2458] : memref<19x10000x128xf32, #tpu.memory_space<hbm>> -> memref<1x8x128xf32, #tpu.memory_space<hbm>>
      %dma_wait3A_2460 = tpu.memref_squeeze %dma_wait3A_2459 : memref<1x8x128xf32, #tpu.memory_space<hbm>> -> memref<8x128xf32, #tpu.memory_space<hbm>>
      tpu.wait_dma2 semaphore(%arg25 : memref<!tpu.dma_semaphore, #tpu.memory_space<semaphore_mem>>) src(%arg18 : memref<8x128xf32, #tpu.memory_space<vmem>>) dst(%dma_wait3A_2460 : memref<8x128xf32, #tpu.memory_space<hbm>>)
      %dma_start3A_2461 = arith.constant 17 : i32
      %dma_start3A_2462 = arith.constant 0 : i32
      %dma_start3A_2463 = arith.constant 0 : i32
      %dma_start3A_2464 = tpu.memref_slice %arg6[%dma_start3A_2461, %dma_start3A_2462, %dma_start3A_2463] : memref<19x96x128xf32, #tpu.memory_space<vmem_shared>> -> memref<1x96x128xf32, #tpu.memory_space<vmem_shared>>
      %dma_start3A_2465 = tpu.memref_squeeze %dma_start3A_2464 : memref<1x96x128xf32, #tpu.memory_space<vmem_shared>> -> memref<96x128xf32, #tpu.memory_space<vmem_shared>>
      %dma_start3A_2466 = arith.constant 0 : i32
      %dma_start3A_2467 = arith.constant 0 : i32
      %dma_start3A_2468 = tpu.memref_slice %dma_start3A_2465[%dma_start3A_2466, %dma_start3A_2467] : memref<96x128xf32, #tpu.memory_space<vmem_shared>> -> memref<96x128xf32, #tpu.memory_space<vmem_shared>>
      tpu.enqueue_indirect_dma source(%dma_start3A_2468 : memref<96x128xf32, #tpu.memory_space<vmem_shared>>) target(%arg18 : memref<8x128xf32, #tpu.memory_space<vmem>>) offsets(%arg16 : memref<8xi32, #tpu.memory_space<vmem>>) semaphore(%arg22 : memref<!tpu.dma_semaphore, #tpu.memory_space<semaphore_mem>>)
      %dma_wait3A_2469 = arith.constant 16 : i32
      %dma_wait3A_2470 = arith.constant 0 : i32
      %dma_wait3A_2471 = arith.constant 0 : i32
      %dma_wait3A_2472 = tpu.memref_slice %arg6[%dma_wait3A_2469, %dma_wait3A_2470, %dma_wait3A_2471] : memref<19x96x128xf32, #tpu.memory_space<vmem_shared>> -> memref<1x96x128xf32, #tpu.memory_space<vmem_shared>>
      %dma_wait3A_2473 = tpu.memref_squeeze %dma_wait3A_2472 : memref<1x96x128xf32, #tpu.memory_space<vmem_shared>> -> memref<96x128xf32, #tpu.memory_space<vmem_shared>>
      %dma_wait3A_2474 = arith.constant 0 : i32
      %dma_wait3A_2475 = arith.constant 0 : i32
      %dma_wait3A_2476 = tpu.memref_slice %dma_wait3A_2473[%dma_wait3A_2474, %dma_wait3A_2475] : memref<96x128xf32, #tpu.memory_space<vmem_shared>> -> memref<96x128xf32, #tpu.memory_space<vmem_shared>>
      tpu.wait_indirect_dma semaphore(%arg21 : memref<!tpu.dma_semaphore, #tpu.memory_space<semaphore_mem>>) src(%dma_wait3A_2476 : memref<96x128xf32, #tpu.memory_space<vmem_shared>>) dst(%arg17 : memref<8x128xf32, #tpu.memory_space<vmem>>)
      %dma_start3A_2477 = arith.constant 16 : i32
      %dma_start3A_2478 = arith.constant 0 : i32
      %dma_start3A_2479 = tpu.memref_slice %arg5[%dma_start3A_2477, %add3A_1972, %dma_start3A_2478] : memref<19x10000x128xf32, #tpu.memory_space<hbm>> -> memref<1x8x128xf32, #tpu.memory_space<hbm>>
      %dma_start3A_2480 = tpu.memref_squeeze %dma_start3A_2479 : memref<1x8x128xf32, #tpu.memory_space<hbm>> -> memref<8x128xf32, #tpu.memory_space<hbm>>
      %dma_start3A_2481 = arith.constant 0 : i32
      %dma_start3A_2482 = tpu.memref_slice %arg5[%dma_start3A_2477, %add3A_1972, %dma_start3A_2481] : memref<19x10000x128xf32, #tpu.memory_space<hbm>> -> memref<1x8x128xf32, #tpu.memory_space<hbm>>
      %dma_start3A_2483 = tpu.memref_squeeze %dma_start3A_2482 : memref<1x8x128xf32, #tpu.memory_space<hbm>> -> memref<8x128xf32, #tpu.memory_space<hbm>>
      tpu.enqueue_dma source(%arg17 : memref<8x128xf32, #tpu.memory_space<vmem>>) target(%dma_start3A_2483 : memref<8x128xf32, #tpu.memory_space<hbm>>) target_semaphore(%arg24 : memref<!tpu.dma_semaphore, #tpu.memory_space<semaphore_mem>>)
      %dma_wait3A_2484 = arith.constant 16 : i32
      %dma_wait3A_2485 = arith.constant 0 : i32
      %dma_wait3A_2486 = tpu.memref_slice %arg5[%dma_wait3A_2484, %add3A_1972, %dma_wait3A_2485] : memref<19x10000x128xf32, #tpu.memory_space<hbm>> -> memref<1x8x128xf32, #tpu.memory_space<hbm>>
      %dma_wait3A_2487 = tpu.memref_squeeze %dma_wait3A_2486 : memref<1x8x128xf32, #tpu.memory_space<hbm>> -> memref<8x128xf32, #tpu.memory_space<hbm>>
      %dma_wait3A_2488 = arith.constant 0 : i32
      %dma_wait3A_2489 = tpu.memref_slice %arg5[%dma_wait3A_2484, %add3A_1972, %dma_wait3A_2488] : memref<19x10000x128xf32, #tpu.memory_space<hbm>> -> memref<1x8x128xf32, #tpu.memory_space<hbm>>
      %dma_wait3A_2490 = tpu.memref_squeeze %dma_wait3A_2489 : memref<1x8x128xf32, #tpu.memory_space<hbm>> -> memref<8x128xf32, #tpu.memory_space<hbm>>
      tpu.wait_dma2 semaphore(%arg24 : memref<!tpu.dma_semaphore, #tpu.memory_space<semaphore_mem>>) src(%arg17 : memref<8x128xf32, #tpu.memory_space<vmem>>) dst(%dma_wait3A_2490 : memref<8x128xf32, #tpu.memory_space<hbm>>)
      %dma_start3A_2491 = arith.constant 18 : i32
      %dma_start3A_2492 = arith.constant 0 : i32
      %dma_start3A_2493 = arith.constant 0 : i32
      %dma_start3A_2494 = tpu.memref_slice %arg6[%dma_start3A_2491, %dma_start3A_2492, %dma_start3A_2493] : memref<19x96x128xf32, #tpu.memory_space<vmem_shared>> -> memref<1x96x128xf32, #tpu.memory_space<vmem_shared>>
      %dma_start3A_2495 = tpu.memref_squeeze %dma_start3A_2494 : memref<1x96x128xf32, #tpu.memory_space<vmem_shared>> -> memref<96x128xf32, #tpu.memory_space<vmem_shared>>
      %dma_start3A_2496 = arith.constant 0 : i32
      %dma_start3A_2497 = arith.constant 0 : i32
      %dma_start3A_2498 = tpu.memref_slice %dma_start3A_2495[%dma_start3A_2496, %dma_start3A_2497] : memref<96x128xf32, #tpu.memory_space<vmem_shared>> -> memref<96x128xf32, #tpu.memory_space<vmem_shared>>
      tpu.enqueue_indirect_dma source(%dma_start3A_2498 : memref<96x128xf32, #tpu.memory_space<vmem_shared>>) target(%arg17 : memref<8x128xf32, #tpu.memory_space<vmem>>) offsets(%arg16 : memref<8xi32, #tpu.memory_space<vmem>>) semaphore(%arg21 : memref<!tpu.dma_semaphore, #tpu.memory_space<semaphore_mem>>)
      %dma_wait3A_2499 = arith.constant 17 : i32
      %dma_wait3A_2500 = arith.constant 0 : i32
      %dma_wait3A_2501 = arith.constant 0 : i32
      %dma_wait3A_2502 = tpu.memref_slice %arg6[%dma_wait3A_2499, %dma_wait3A_2500, %dma_wait3A_2501] : memref<19x96x128xf32, #tpu.memory_space<vmem_shared>> -> memref<1x96x128xf32, #tpu.memory_space<vmem_shared>>
      %dma_wait3A_2503 = tpu.memref_squeeze %dma_wait3A_2502 : memref<1x96x128xf32, #tpu.memory_space<vmem_shared>> -> memref<96x128xf32, #tpu.memory_space<vmem_shared>>
      %dma_wait3A_2504 = arith.constant 0 : i32
      %dma_wait3A_2505 = arith.constant 0 : i32
      %dma_wait3A_2506 = tpu.memref_slice %dma_wait3A_2503[%dma_wait3A_2504, %dma_wait3A_2505] : memref<96x128xf32, #tpu.memory_space<vmem_shared>> -> memref<96x128xf32, #tpu.memory_space<vmem_shared>>
      tpu.wait_indirect_dma semaphore(%arg22 : memref<!tpu.dma_semaphore, #tpu.memory_space<semaphore_mem>>) src(%dma_wait3A_2506 : memref<96x128xf32, #tpu.memory_space<vmem_shared>>) dst(%arg18 : memref<8x128xf32, #tpu.memory_space<vmem>>)
      %dma_start3A_2507 = arith.constant 17 : i32
      %dma_start3A_2508 = arith.constant 0 : i32
      %dma_start3A_2509 = tpu.memref_slice %arg5[%dma_start3A_2507, %add3A_1972, %dma_start3A_2508] : memref<19x10000x128xf32, #tpu.memory_space<hbm>> -> memref<1x8x128xf32, #tpu.memory_space<hbm>>
      %dma_start3A_2510 = tpu.memref_squeeze %dma_start3A_2509 : memref<1x8x128xf32, #tpu.memory_space<hbm>> -> memref<8x128xf32, #tpu.memory_space<hbm>>
      %dma_start3A_2511 = arith.constant 0 : i32
      %dma_start3A_2512 = tpu.memref_slice %arg5[%dma_start3A_2507, %add3A_1972, %dma_start3A_2511] : memref<19x10000x128xf32, #tpu.memory_space<hbm>> -> memref<1x8x128xf32, #tpu.memory_space<hbm>>
      %dma_start3A_2513 = tpu.memref_squeeze %dma_start3A_2512 : memref<1x8x128xf32, #tpu.memory_space<hbm>> -> memref<8x128xf32, #tpu.memory_space<hbm>>
      tpu.enqueue_dma source(%arg18 : memref<8x128xf32, #tpu.memory_space<vmem>>) target(%dma_start3A_2513 : memref<8x128xf32, #tpu.memory_space<hbm>>) target_semaphore(%arg25 : memref<!tpu.dma_semaphore, #tpu.memory_space<semaphore_mem>>)
      %dma_wait3A_2514 = arith.constant 18 : i32
      %dma_wait3A_2515 = arith.constant 0 : i32
      %dma_wait3A_2516 = arith.constant 0 : i32
      %dma_wait3A_2517 = tpu.memref_slice %arg6[%dma_wait3A_2514, %dma_wait3A_2515, %dma_wait3A_2516] : memref<19x96x128xf32, #tpu.memory_space<vmem_shared>> -> memref<1x96x128xf32, #tpu.memory_space<vmem_shared>>
      %dma_wait3A_2518 = tpu.memref_squeeze %dma_wait3A_2517 : memref<1x96x128xf32, #tpu.memory_space<vmem_shared>> -> memref<96x128xf32, #tpu.memory_space<vmem_shared>>
      %dma_wait3A_2519 = arith.constant 0 : i32
      %dma_wait3A_2520 = arith.constant 0 : i32
      %dma_wait3A_2521 = tpu.memref_slice %dma_wait3A_2518[%dma_wait3A_2519, %dma_wait3A_2520] : memref<96x128xf32, #tpu.memory_space<vmem_shared>> -> memref<96x128xf32, #tpu.memory_space<vmem_shared>>
      tpu.wait_indirect_dma semaphore(%arg21 : memref<!tpu.dma_semaphore, #tpu.memory_space<semaphore_mem>>) src(%dma_wait3A_2521 : memref<96x128xf32, #tpu.memory_space<vmem_shared>>) dst(%arg17 : memref<8x128xf32, #tpu.memory_space<vmem>>)
      %dma_start3A_2522 = arith.constant 18 : i32
      %dma_start3A_2523 = arith.constant 0 : i32
      %dma_start3A_2524 = tpu.memref_slice %arg5[%dma_start3A_2522, %add3A_1972, %dma_start3A_2523] : memref<19x10000x128xf32, #tpu.memory_space<hbm>> -> memref<1x8x128xf32, #tpu.memory_space<hbm>>
      %dma_start3A_2525 = tpu.memref_squeeze %dma_start3A_2524 : memref<1x8x128xf32, #tpu.memory_space<hbm>> -> memref<8x128xf32, #tpu.memory_space<hbm>>
      %dma_start3A_2526 = arith.constant 0 : i32
      %dma_start3A_2527 = tpu.memref_slice %arg5[%dma_start3A_2522, %add3A_1972, %dma_start3A_2526] : memref<19x10000x128xf32, #tpu.memory_space<hbm>> -> memref<1x8x128xf32, #tpu.memory_space<hbm>>
      %dma_start3A_2528 = tpu.memref_squeeze %dma_start3A_2527 : memref<1x8x128xf32, #tpu.memory_space<hbm>> -> memref<8x128xf32, #tpu.memory_space<hbm>>
      tpu.enqueue_dma source(%arg17 : memref<8x128xf32, #tpu.memory_space<vmem>>) target(%dma_start3A_2528 : memref<8x128xf32, #tpu.memory_space<hbm>>) target_semaphore(%arg24 : memref<!tpu.dma_semaphore, #tpu.memory_space<semaphore_mem>>)
      %dma_wait3A_2529 = arith.constant 17 : i32
      %dma_wait3A_2530 = arith.constant 0 : i32
      %dma_wait3A_2531 = tpu.memref_slice %arg5[%dma_wait3A_2529, %add3A_1972, %dma_wait3A_2530] : memref<19x10000x128xf32, #tpu.memory_space<hbm>> -> memref<1x8x128xf32, #tpu.memory_space<hbm>>
      %dma_wait3A_2532 = tpu.memref_squeeze %dma_wait3A_2531 : memref<1x8x128xf32, #tpu.memory_space<hbm>> -> memref<8x128xf32, #tpu.memory_space<hbm>>
      %dma_wait3A_2533 = arith.constant 0 : i32
      %dma_wait3A_2534 = tpu.memref_slice %arg5[%dma_wait3A_2529, %add3A_1972, %dma_wait3A_2533] : memref<19x10000x128xf32, #tpu.memory_space<hbm>> -> memref<1x8x128xf32, #tpu.memory_space<hbm>>
      %dma_wait3A_2535 = tpu.memref_squeeze %dma_wait3A_2534 : memref<1x8x128xf32, #tpu.memory_space<hbm>> -> memref<8x128xf32, #tpu.memory_space<hbm>>
      tpu.wait_dma2 semaphore(%arg25 : memref<!tpu.dma_semaphore, #tpu.memory_space<semaphore_mem>>) src(%arg18 : memref<8x128xf32, #tpu.memory_space<vmem>>) dst(%dma_wait3A_2535 : memref<8x128xf32, #tpu.memory_space<hbm>>)
      %dma_wait3A_2536 = arith.constant 18 : i32
      %dma_wait3A_2537 = arith.constant 0 : i32
      %dma_wait3A_2538 = tpu.memref_slice %arg5[%dma_wait3A_2536, %add3A_1972, %dma_wait3A_2537] : memref<19x10000x128xf32, #tpu.memory_space<hbm>> -> memref<1x8x128xf32, #tpu.memory_space<hbm>>
      %dma_wait3A_2539 = tpu.memref_squeeze %dma_wait3A_2538 : memref<1x8x128xf32, #tpu.memory_space<hbm>> -> memref<8x128xf32, #tpu.memory_space<hbm>>
      %dma_wait3A_2540 = arith.constant 0 : i32
      %dma_wait3A_2541 = tpu.memref_slice %arg5[%dma_wait3A_2536, %add3A_1972, %dma_wait3A_2540] : memref<19x10000x128xf32, #tpu.memory_space<hbm>> -> memref<1x8x128xf32, #tpu.memory_space<hbm>>
      %dma_wait3A_2542 = tpu.memref_squeeze %dma_wait3A_2541 : memref<1x8x128xf32, #tpu.memory_space<hbm>> -> memref<8x128xf32, #tpu.memory_space<hbm>>
      tpu.wait_dma2 semaphore(%arg24 : memref<!tpu.dma_semaphore, #tpu.memory_space<semaphore_mem>>) src(%arg17 : memref<8x128xf32, #tpu.memory_space<vmem>>) dst(%dma_wait3A_2542 : memref<8x128xf32, #tpu.memory_space<hbm>>)
    } else {
    }
    return
  }
}

</mosaic_0001>

<sc_bundles>
// kernel: kernel.3.cloned.1.call-start
scs
__scs_entry_jumppad:
0x0: {  	(pc) =	sbr.rel $0x88, $3  }
0x1: {  	(tag) =	ssettag $0x0;
	lr =	simm.s32 $0x1  }
0x2: {  	[smem:$0x3F9E] =	sst lr;
	_ =	strace $0xD0000000  }
0x3: {  	_ = 	snop  }
0x4: {  	_ = 	snop  }
0x5: {  	_ = 	snop  }
0x6: {  	_ = 	snop  }
0x7: {  	_ = 	snop  }
__scs_overlays_trampoline_lowered:
0x8: {  	[smem:$0x3FAD] =	sst s0  }
0x9: {  	[smem:$0x3FAE] =	sst s1  }
0xa: {  	[smem:$0x3FAF] =	sst s2  }
0xb: {  	[smem:$0x3FB0] =	sst s3  }
0xc: {  	[smem:$0x3FB1] =	sst s4  }
0xd: {  	[smem:$0x3FB2] =	sst s5  }
0xe: {  	[smem:$0x3FB3] =	sst s6  }
0xf: {  	[smem:$0x3FB4] =	sst s7  }
0x10: {  	[smem:$0x3FB5] =	sst s8  }
0x11: {  	[smem:$0x3FB6] =	sst s9;
	s0 =	simm.s32 @!p0 $0x0  }
0x12: {  	s1 =	sld [smem:$0x3F9C];
	s0 =	simm.s32 @p0 $0x1  }
0x13: {  	[smem:$0x3FB7] =	sst s0;
	s0 =	simm.s32 @!p1 $0x0  }
0x14: {  	s2 =	sld [smem:$0x3F9B];
	s0 =	simm.s32 @p1 $0x1  }
0x15: {  	[smem:$0x3FB8] =	sst s0;
	s0 =	simm.s32 @!p2 $0x0  }
0x16: {  	s3 =	sld [smem:$0x3FDB];
	s0 =	simm.s32 @p2 $0x1  }
0x17: {  	s4 =	simm.s32 $0x1BF5;
	[smem:$0x3FBA] =	sst s0  }
0x18: {  	s0 =	sld [smem:$0x3F9D];
	_ =	swait.ge [sflag:s4], $0x0  }
0x19: {  	s7 =	sld [smem:$0x3F9E]  }
0x1a: {  	s8 =	sadd.s32 $0xFFFFE003, lr  }
0x1b: {  	s9 =	sadd.s32 $0xFFFFFEF7, lr;
	s5 =	simm.s32 $0xFFFFFFFF;
	p2 =	slt.u32 s8, $0xFFFFF086  }
0x1c: {  	p1 =	slt.u32 s9, $0xF7A;
	s5 =	simm.s32 @!p2 $0x0  }
0x1d: {  	s5 =	simm.s32 @p1 $0x1;
	p0 =	seq.s32 s7, s2  }
0x1e: {  	s7 =	smul.u32 @!p0 $0xF7A, s2;
	p2 =	seq.s32 @!p0 s5, $0x0  }
0x1f: {  	s9 =	smul.u32 $0xF7A, s1;
	s8 =	simm.s32 @!p0 $0x1BF5;
	p2 =	por !p2, p0  }
0x20: {  	[sflag:s8] =	ssyncset.s32 @!p0 $0xFFFFF086;
	s6 =	sadd.s32 @!p0 s3, s7;
	s7 =	simm.s32 @!p0 $0x108  }
0x21: {  	s3 =	sadd.s32 s3, s9;
	s6 =	sadd.s32 @!p0 $0x88, s6;
	s7 =	simm.s32 @p2 $0x1082  }
0x22: {  	[simem:s7], [sflag:s8] =	dma.local @!p0 [hbm:s6], $0xF7A  }
0x23: {  	s9 =	sor.u32 $0xD0000000, s2;
	s6 =	simm.s32 $0x108;
	_ =	swait.ge @!p0 [sflag:s8], $0x0  }
0x24: {  	s3 =	sadd.s32 $0x88, s3;
	s6 =	simm.s32 @!p1 $0x1082;
	[sflag:s4] =	ssyncset.s32 $0xFFFFF086  }
0x25: {  	[simem:s6], [sflag:s4] =	dma.local [hbm:s3], $0xF7A  }
0x26: {  	[smem:$0x3F9E] =	sst s1;
	(tag) =	ssettag s2;
	_ =	strace s9  }
0x27: {  	s1 =	sld [smem:$0x3FAE]  }
0x28: {  	s2 =	sld [smem:$0x3FAF]  }
0x29: {  	s4 =	sld [smem:$0x3FB1]  }
0x2a: {  	p0 =	seq.s32 s5, $0x0;
	s5 =	sld [smem:$0x3FB2]  }
0x2b: {  	s6 =	sld [smem:$0x3FB3]  }
0x2c: {  	s7 =	sld [smem:$0x3FB4]  }
0x2d: {  	s3 =	simm.s32 $0x108;
	s8 =	sld [smem:$0x3FB5]  }
0x2e: {  	s3 =	simm.s32 @!p0 $0x1082;
	s9 =	sld [smem:$0x3FB6]  }
0x2f: {  	lr =	sadd.s32 s0, s3;
	s0 =	sld [smem:$0x3FAD]  }
0x30: {  	s3 =	sld [smem:$0x3FB0]  }
0x31: {  	[smem:$0x3FB9] =	sst s10  }
0x32: {  	s10 =	sld [smem:$0x3FB7];
	_ =	sdelay $0x3  }
0x33: {  	p0 =	seq.s32 s10, $0x1;
	s10 =	sld [smem:$0x3FB9];
	_ =	sdelay $0x3  }
0x34: {  	[smem:$0x3FB9] =	sst s10  }
0x35: {  	s10 =	sld [smem:$0x3FB8];
	_ =	sdelay $0x3  }
0x36: {  	p1 =	seq.s32 s10, $0x1;
	s10 =	sld [smem:$0x3FB9];
	_ =	sdelay $0x3  }
0x37: {  	[smem:$0x3FB9] =	sst s10  }
0x38: {  	s10 =	sld [smem:$0x3FBA]  }
0x39: {  	_ = 	snop;
	(pc) =	sbr.ind lr, $3  }
0x3a: {  	_ = 	snop  }
0x3b: {  	_ = 	snop  }
0x3c: {  	p2 =	seq.s32 s10, $0x1;
	s10 =	sld [smem:$0x3FB9]  }
0x3d: {  	_ =	shalt  }
0x3e: {  	_ =	shalt  }
0x3f: {  	_ =	shalt  }
0x40: {  	_ =	shalt  }
0x41: {  	_ =	shalt  }
0x42: {  	_ =	shalt  }
0x43: {  	_ =	shalt  }
0x44: {  	_ =	shalt  }
0x45: {  	_ =	shalt  }
0x46: {  	_ =	shalt  }
0x47: {  	_ =	shalt  }
0x48: {  	_ =	shalt  }
0x49: {  	_ =	shalt  }
0x4a: {  	_ =	shalt  }
0x4b: {  	_ =	shalt  }
0x4c: {  	_ =	shalt  }
0x4d: {  	_ =	shalt  }
0x4e: {  	_ =	shalt  }
0x4f: {  	_ =	shalt  }
0x50: {  	_ =	shalt  }
0x51: {  	_ =	shalt  }
0x52: {  	_ =	shalt  }
0x53: {  	_ =	shalt  }
0x54: {  	_ =	shalt  }
0x55: {  	_ =	shalt  }
0x56: {  	_ =	shalt  }
0x57: {  	_ =	shalt  }
0x58: {  	_ =	shalt  }
0x59: {  	_ =	shalt  }
0x5a: {  	_ =	shalt  }
0x5b: {  	_ =	shalt  }
0x5c: {  	_ =	shalt  }
0x5d: {  	_ =	shalt  }
0x5e: {  	_ =	shalt  }
0x5f: {  	_ =	shalt  }
0x60: {  	_ =	shalt  }
0x61: {  	_ =	shalt  }
0x62: {  	_ =	shalt  }
0x63: {  	_ =	shalt  }
0x64: {  	_ =	shalt  }
0x65: {  	_ =	shalt  }
0x66: {  	_ =	shalt  }
0x67: {  	_ =	shalt  }
0x68: {  	_ =	shalt  }
0x69: {  	_ =	shalt  }
0x6a: {  	_ =	shalt  }
0x6b: {  	_ =	shalt  }
0x6c: {  	_ =	shalt  }
0x6d: {  	_ =	shalt  }
0x6e: {  	_ =	shalt  }
0x6f: {  	_ =	shalt  }
0x70: {  	_ =	shalt  }
0x71: {  	_ =	shalt  }
0x72: {  	_ =	shalt  }
0x73: {  	_ =	shalt  }
0x74: {  	_ =	shalt  }
0x75: {  	_ =	shalt  }
0x76: {  	_ =	shalt  }
0x77: {  	_ =	shalt  }
0x78: {  	_ =	shalt  }
0x79: {  	_ =	shalt  }
0x7a: {  	_ =	shalt  }
0x7b: {  	_ =	shalt  }
0x7c: {  	_ =	shalt  }
0x7d: {  	_ =	shalt  }
0x7e: {  	_ =	shalt  }
0x7f: {  	_ =	shalt  }
0x80: {  	_ =	shalt  }
0x81: {  	_ =	shalt  }
0x82: {  	_ =	shalt  }
0x83: {  	_ =	shalt  }
0x84: {  	_ =	shalt  }
0x85: {  	_ =	shalt  }
0x86: {  	_ =	shalt  }
0x87: {  	_ =	shalt  }
.Lfunc_end0:
.L_simem_size_0:
called_computation_lowered:
.L_overlay_start_0:
0x88: {  	s2 =	sld [smem:$0x3FD9]  }
0x89: {  	s3 =	sld [smem:$0x3FFE];
	_ =	sdelay $0x1  }
0x8a: {  	s1 =	srdreg.scid  }
0x8b: {  	s0 =	sand.u32 $0x1, s1  }
0x8c: {  	s17 =	sshll.u32 s0, $0xA;
	s2 =	sadd.s32 s3, s2  }
0x8d: {  	s2 =	sadd.s32 s2, s17  }
0x8e: {  	[smem:$0x3FC5] =	sst s2  }
0x8f: {  	_ = 	snop  }
0x90: {  	s2 =	sld [smem:$0x3FC9]  }
0x91: {  	s18 =	sld [smem:$0x3FD0];
	(tm) =	ssettm $0x1  }
0x92: {  	s4 =	sld [smem:$0x3FFB];
	_ =	sdelay $0x3  }
0x93: {  	_ =	strace s4  }
0x94: {  	s4 =	sld [smem:$0x3FFC];
	_ =	sdelay $0x3  }
0x95: {  	_ =	strace s4  }
0x96: {  	s4 =	sld [smem:$0x3FFD];
	_ =	sdelay $0x3  }
0x97: {  	_ =	strace s4  }
0x98: {  	_ =	strace $0x8FFFFFFF  }
0x99: {  	s19 =	sld [smem:$0x3FDB];
	_ =	sdelay $0x1  }
0x9a: {  	s5 =	simm.s32 $_scs_section_size  }
0x9b: {  	s6 =	simm.s32 $_size__tile_overlayer_lowered;
	s7 =	simm.s32 $_tile_overlayer_lowered  }
0x9c: {  	s22 =	simm.s32 $0x1BFF;
	s21 =	sshll.u32 s7, $0x1;
	s4 =	sadd.s32 s5, s19  }
0x9d: {  	s8 =	simm.s32 $0x0;
	s20 =	sshll.u32 s6, $0x1;
	s6 =	sadd.s32 s21, s4  }
0x9e: {  	[timem:s8], [sflag:s22] =	dma.local [hbm:s6], s20  }
0x9f: {  	_ =	swait.ge [sflag:s22], s20  }
0xa0: {  	s5 =	ssub.s32 $0x0, s20;
	[sflag:s22] =	ssyncset.done $0x0  }
0xa1: {  	[sflag:s22] =	ssyncadd.s32 s5;
	_ =	sdelay $0x1  }
0xa2: {  	s23 =	simm.s32 $0x1B8B  }
0xa3: {  	_ =	swait.ge [sflag:s23], $0x1  }
0xa4: {  	[sflag:s23] =	ssyncset.done $0x0  }
0xa5: {  	s25 =	simm.s32 $0x1B8E;
	s24 =	sld [smem:$0x3FFE];
	[sflag:s23] =	ssyncadd.s32 $0xFFFFFFFF  }
0xa6: {  	s26 =	simm.s32 $execute0_lowered;
	[smem:$0x3FD2] =	sst s25  }
0xa7: {  	s6 =	sshll.u32 s26, $0x1;
	_ =	strace $0x80000046;
	[dreg:$0x1] =	wrdreg $0xFFFFFFFF  }
0xa8: {  	s28 =	simm.s32 $_size_execute0_lowered;
	s4 =	sadd.s32 s4, s6;
	[dreg:$0x0] =	wrdreg $0x0  }
0xa9: {  	s6 =	sshll.u32 s28, $0x1;
	[dreg:$0x2] =	wrdreg s4  }
0xaa: {  	[dreg:$0x3] =	wrdreg s6  }
0xab: {  	[dreg:$0x4] =	wrdreg $0xC0  }
0xac: {  	_ =	task [dreg:s8], $0x5FFFF  }
0xad: {  	[dreg:$0x1] =	wrdreg $0xFFFFFFFF  }
0xae: {  	[dreg:$0x0] =	wrdreg $0x60  }
0xaf: {  	[dreg:$0x2] =	wrdreg s2  }
0xb0: {  	[dreg:$0x3] =	wrdreg s24  }
0xb1: {  	[dreg:$0x4] =	wrdreg s18  }
0xb2: {  	[dreg:$0x5] =	wrdreg $0x0  }
0xb3: {  	[dreg:$0x6] =	wrdreg $0x9  }
0xb4: {  	_ =	task.clear_ibuf [dreg:s8], $0x7FFFF;
	_ =	strace $0x90000046  }
0xb5: {  	s29 =	simm.s32 $0x9;
	_ =	strace $0x80000048  }
0xb6: {  	_ =	swait.ge [sflag:s29], $0x1  }
0xb7: {  	[sflag:s29] =	ssyncadd.s32 $0xFFFFFFFF  }
0xb8: {  	_ =	strace $0x90000048  }
0xb9: {  	_ =	sfence  }
0xba: {  	s30 =	sld [smem:$0x0];
	_ =	sdelay $0x2  }
0xbb: {  	s31 =	sshll.u32 s1, $0xD;
	s1 =	sshrl.u32 s1, $0x2  }
0xbc: {  	s3 =	sand.u32 $0x4000, s31;
	s1 =	sadd.s32 s1, s30  }
0xbd: {  	s0 =	sor.u32 s3, s0;
	s1 =	sshll.u32 s1, $0x11  }
0xbe: {  	s0 =	sor.u32 s1, s0  }
0xbf: {  	s0 =	sadd.s32 $0x8F2B, s0  }
0xc0: {  	[sflag:s0] =	ssyncadd.remote.s32 $0x1  }
0xc1: {  	_ =	sfence.sel $0xFFFF  }
0xc2: {  	[dreg:$0x0] =	wrdreg $0xFFFFFFFF;
	(pc) =	sbr.abs _section_cstart, $3  }
0xc3: {  	[dreg:$0x1] =	wrdreg $0xFFFFFFFF  }
0xc4: {  	_ =	task.clear_ibuf [dreg:s8], $0x2FFFF;
	_ =	strace $0x9FFFFFFF  }
0xc5: {  	(tm) =	ssettm $0x7FFFFFFF  }
tec
execute0_lowered:
.L_overlay_start_1:
0x0: {  	(tag) =	ssettag $0x1  }
0x1: {  	s0 =	rddreg [dreg:$0x0]  }
0x2: {  	s1 =	rddreg [dreg:$0x1]  }
0x3: {  	s2 =	rddreg [dreg:$0x2]  }
0x4: {  	s11 =	rddreg [dreg:$0x3]  }
0x5: {  	s3 =	simm.s32 $0x0;
	s10 =	stileid.u32;
	s5 =	srdreg.scid  }
0x6: {  	[smem:$0x7FF] =	sst s3;
	s4 =	sshll.u32 s10, $0x4;
	s21 =	sadd.s32 $0x3000, s11  }
0x7: {  	s23 =	sadd.s32 $0x6000, s11;
	_ =	strace $0x80000047;
	[dreg:$0xb] =	wrdreg s21  }
0x8: {  	s5 =	sand.u32 $0x1, s5;
	s26 =	sadd.s32 $0x9000, s11;
	[dreg:$0xd] =	wrdreg s23  }
0x9: {  	s7 =	sshll.u32 s10, $0x1;
	s31 =	sadd.s32 $0xC000, s11;
	[dreg:$0xf] =	wrdreg s26  }
0xa: {  	s4 =	sadd.s32 s4, s1;
	s1 =	sadd.s32 $0x400, s1;
	[dreg:$0x11] =	wrdreg s31  }
0xb: {  	s8 =	smul.u32 $0xC000, s10;
	s21 =	sadd.s32 $0x15000, s11;
	[dreg:$0x5] =	wrdreg s1  }
0xc: {  	s6 =	ssub.s32 $0x2, s5;
	s23 =	sadd.s32 $0x18000, s11;
	[dreg:$0x1e] =	wrdreg s21  }
0xd: {  	s5 =	sor.u32 s5, s7;
	s26 =	sadd.s32 $0x1B000, s11;
	[smem:$0x7B2] =	sst s23  }
0xe: {  	s31 =	sadd.s32 $0x21000, s11;
	s14 =	sshrl.u32 s6, $0x1;
	[smem:$0x7B5] =	sst s26  }
0xf: {  	s15 =	sshrl.u32 s8, $0x2;
	s16 =	sadd.s32 $0x1600, s4;
	[smem:$0x7B8] =	sst s31  }
0x10: {  	s7 =	smul.u32 $0x138, s5;
	s4 =	sadd.s32 $0x1700, s4;
	[dreg:$0x6] =	wrdreg s16  }
0x11: {  	s18 =	smul.u32 $0x9C00, s5;
	s8 =	sadd.s32 $0x27000, s11;
	[dreg:$0x8] =	wrdreg s4  }
0x12: {  	s5 =	sshll.u32 s5, $0x3;
	s17 =	sadd.s32 s15, s11;
	[smem:$0x7BB] =	sst s8  }
0x13: {  	s1 =	ssub.s32 s6, s14;
	[dreg:$0x7] =	wrdreg s17;
	s19 =	sadd.s32 $0x30000, s17  }
0x14: {  	s20 =	sshrl.u32 s7, $0x3;
	s17 =	sadd.s32 $0xF000, s11;
	[dreg:$0x9] =	wrdreg s19  }
0x15: {  	s5 =	sadd.s32 $0x2610, s5;
	s4 =	sadd.s32 s0, s20;
	[dreg:$0x1a] =	wrdreg s17  }
0x16: {  	s22 =	sshrl.u32 s18, $0x3;
	s19 =	sadd.s32 $0x12000, s11;
	[dreg:$0xa] =	wrdreg s4  }
0x17: {  	s14 =	sshrl.u32 s5, $0x3;
	s17 =	sadd.s32 $0x33000, s11;
	[dreg:$0x1c] =	wrdreg s19  }
0x18: {  	s5 =	sshll.u32 s5, $0x4;
	s9 =	sadd.s32 s2, s22;
	[smem:$0x7C1] =	sst s17  }
0x19: {  	s15 =	sor.u32 $0x298100, s5;
	s5 =	sadd.s32 s2, s5;
	[dreg:$0xc] =	wrdreg s9  }
0x1a: {  	s24 =	sadd.s32 $0x68, s7;
	s25 =	sadd.s32 $0x27100, s9;
	[dreg:$0x17] =	wrdreg s5  }
0x1b: {  	s28 =	sshrl.u32 s24, $0x3;
	s30 =	sadd.s32 $0x4E200, s9;
	[dreg:$0xe] =	wrdreg s25  }
0x1c: {  	s6 =	sadd.s32 s0, s28;
	[dreg:$0x10] =	wrdreg s30  }
0x1d: {  	s16 =	sadd.s32 $0x75300, s9;
	[dreg:$0x12] =	wrdreg s6  }
0x1e: {  	s18 =	sadd.s32 $0x9C400, s9;
	[dreg:$0x19] =	wrdreg s16  }
0x1f: {  	s20 =	sadd.s32 $0xC3500, s9;
	[dreg:$0x1b] =	wrdreg s18  }
0x20: {  	s22 =	sadd.s32 $0xEA600, s9;
	[dreg:$0x1d] =	wrdreg s20  }
0x21: {  	s4 =	sshll.u32 s24, $0x4;
	s24 =	sadd.s32 $0x111700, s9;
	[dreg:$0x1f] =	wrdreg s22  }
0x22: {  	s28 =	sadd.s32 $0x1E000, s11;
	[smem:$0x7B3] =	sst s24  }
0x23: {  	s12 =	sadd.s32 $0xD0, s7;
	s19 =	sadd.s32 $0x36000, s11;
	[smem:$0x7B6] =	sst s28  }
0x24: {  	s13 =	sshrl.u32 s12, $0x3;
	s21 =	sadd.s32 $0x2BF200, s9;
	[smem:$0x7C3] =	sst s19  }
0x25: {  	s7 =	sadd.s32 s2, s4;
	s4 =	sadd.s32 s0, s13;
	[smem:$0x7C5] =	sst s21  }
0x26: {  	s0 =	sadd.s32 s0, s14;
	[dreg:$0x14] =	wrdreg s4  }
0x27: {  	s25 =	sadd.s32 $0x138800, s9;
	[dreg:$0x15] =	wrdreg s0  }
0x28: {  	s30 =	sadd.s32 $0x15F900, s9;
	[smem:$0x7B4] =	sst s25  }
0x29: {  	s6 =	sshll.u32 s12, $0x4;
	s12 =	sadd.s32 $0x1D4C00, s9;
	[smem:$0x7B7] =	sst s30  }
0x2a: {  	s13 =	sadd.s32 $0x2A000, s11;
	[smem:$0x7BC] =	sst s12  }
0x2b: {  	s14 =	sadd.s32 $0x2D000, s11;
	[smem:$0x7BD] =	sst s13  }
0x2c: {  	s16 =	sadd.s32 $0x30000, s11;
	[smem:$0x7BE] =	sst s14  }
0x2d: {  	s18 =	sadd.s32 $0x271000, s9;
	[smem:$0x7C0] =	sst s16  }
0x2e: {  	s20 =	sadd.s32 $0x298100, s9;
	[smem:$0x7C2] =	sst s18  }
0x2f: {  	[smem:$0x7C4] =	sst s20  }
0x30: {  	s0 =	sadd.s32 s2, s15;
	[dreg:$0x13] =	wrdreg s7  }
0x31: {  	s4 =	sadd.s32 s2, s6;
	s2 =	sadd.s32 $0x24000, s11;
	[dreg:$0x18] =	wrdreg s0  }
0x32: {  	s6 =	sadd.s32 $0x1ADB00, s9;
	[smem:$0x7B9] =	sst s2  }
0x33: {  	s15 =	sadd.s32 $0x222E00, s9;
	[smem:$0x7BA] =	sst s6  }
0x34: {  	s22 =	sadd.s32 $0x27100, s7;
	[smem:$0x7BF] =	sst s15  }
0x35: {  	s23 =	sadd.s32 $0x4E200, s7;
	[smem:$0x7C6] =	sst s22  }
0x36: {  	s24 =	sadd.s32 $0x75300, s7;
	[smem:$0x7C7] =	sst s23  }
0x37: {  	s25 =	sadd.s32 $0x9C400, s7;
	[smem:$0x7C8] =	sst s24  }
0x38: {  	s26 =	sadd.s32 $0xC3500, s7;
	[smem:$0x7C9] =	sst s25  }
0x39: {  	s28 =	sadd.s32 $0x111700, s7;
	[smem:$0x7CA] =	sst s26  }
0x3a: {  	s30 =	sadd.s32 $0x186A00, s9;
	[smem:$0x7CB] =	sst s28  }
0x3b: {  	s31 =	sadd.s32 $0x15F900, s7;
	[smem:$0x7CC] =	sst s30  }
0x3c: {  	p0 =	sne.s32 s10, $0xF;
	s8 =	sadd.s32 $0x1ADB00, s7;
	[smem:$0x7CD] =	sst s31  }
0x3d: {  	p1 =	sgt.u32 s10, $0x2;
	s10 =	sadd.s32 $0x1FBD00, s7;
	[smem:$0x7D0] =	sst s8  }
0x3e: {  	s11 =	sadd.s32 $0x249F00, s9;
	[smem:$0x7D1] =	sst s10  }
0x3f: {  	s12 =	sadd.s32 $0x222E00, s7;
	[smem:$0x7D2] =	sst s11  }
0x40: {  	s13 =	sadd.s32 $0x249F00, s7;
	[smem:$0x7D3] =	sst s12  }
0x41: {  	s14 =	sadd.s32 $0xEA600, s7;
	[smem:$0x7D4] =	sst s13  }
0x42: {  	s16 =	sadd.s32 $0x2BF200, s7;
	[smem:$0x7D5] =	sst s14  }
0x43: {  	[smem:$0x7D7] =	sst s16  }
0x44: {  	s2 =	sadd.s32 $0x186A00, s7;
	[dreg:$0x16] =	wrdreg s4  }
0x45: {  	s6 =	sadd.s32 $0x1FBD00, s9;
	[smem:$0x7CE] =	sst s2  }
0x46: {  	s15 =	sadd.s32 $0x271000, s7;
	[smem:$0x7CF] =	sst s6  }
0x47: {  	s17 =	sadd.s32 $0x27100, s4;
	[smem:$0x7D6] =	sst s15  }
0x48: {  	s18 =	sadd.s32 $0x4E200, s4;
	[smem:$0x7D8] =	sst s17  }
0x49: {  	s19 =	sadd.s32 $0x75300, s4;
	[smem:$0x7D9] =	sst s18  }
0x4a: {  	s20 =	sadd.s32 $0x9C400, s4;
	[smem:$0x7DA] =	sst s19  }
0x4b: {  	s21 =	sadd.s32 $0xC3500, s4;
	[smem:$0x7DB] =	sst s20  }
0x4c: {  	s22 =	sadd.s32 $0xEA600, s4;
	[smem:$0x7DC] =	sst s21  }
0x4d: {  	s23 =	sadd.s32 $0x138800, s7;
	[smem:$0x7DD] =	sst s22  }
0x4e: {  	s24 =	sadd.s32 $0x111700, s4;
	[smem:$0x7DE] =	sst s23  }
0x4f: {  	s25 =	sadd.s32 $0x138800, s4;
	[smem:$0x7DF] =	sst s24  }
0x50: {  	s26 =	sadd.s32 $0x1D4C00, s7;
	[smem:$0x7E0] =	sst s25  }
0x51: {  	s28 =	sadd.s32 $0x186A00, s4;
	[smem:$0x7E1] =	sst s26  }
0x52: {  	s30 =	sadd.s32 $0x1D4C00, s4;
	[smem:$0x7E2] =	sst s28  }
0x53: {  	s31 =	sadd.s32 $0x298100, s7;
	[smem:$0x7E3] =	sst s30  }
0x54: {  	s7 =	sadd.s32 $0x271000, s4;
	[smem:$0x7E4] =	sst s31  }
0x55: {  	s8 =	sadd.s32 $0x2BF200, s4;
	[smem:$0x7E7] =	sst s7  }
0x56: {  	s9 =	sadd.s32 $0x27100, s5;
	[smem:$0x7E8] =	sst s8  }
0x57: {  	s10 =	sadd.s32 $0x4E200, s5;
	[smem:$0x7E9] =	sst s9  }
0x58: {  	s11 =	sadd.s32 $0x75300, s5;
	[smem:$0x7EA] =	sst s10  }
0x59: {  	s12 =	sadd.s32 $0x9C400, s5;
	[smem:$0x7EB] =	sst s11  }
0x5a: {  	s13 =	sadd.s32 $0xC3500, s5;
	[smem:$0x7EC] =	sst s12  }
0x5b: {  	s14 =	sadd.s32 $0xEA600, s5;
	s16 =	sadd.s32 $0x15F900, s4;
	[smem:$0x7ED] =	sst s13  }
0x5c: {  	s2 =	sadd.s32 $0x222E00, s4;
	[smem:$0x7EE] =	sst s14  }
0x5d: {  	s6 =	sadd.s32 $0x298100, s4;
	[smem:$0x7F0] =	sst s16  }
0x5e: {  	s15 =	sadd.s32 $0x111700, s5;
	[smem:$0x7E5] =	sst s2  }
0x5f: {  	s17 =	sadd.s32 $0x138800, s5;
	[smem:$0x7E6] =	sst s6  }
0x60: {  	s18 =	sadd.s32 $0x15F900, s5;
	[smem:$0x7EF] =	sst s15  }
0x61: {  	s19 =	sadd.s32 $0x1ADB00, s4;
	[smem:$0x7F1] =	sst s17  }
0x62: {  	s20 =	sadd.s32 $0x186A00, s5;
	[smem:$0x7F2] =	sst s18  }
0x63: {  	s21 =	sadd.s32 $0x1ADB00, s5;
	[smem:$0x7F3] =	sst s19  }
0x64: {  	s22 =	sadd.s32 $0x1FBD00, s4;
	[smem:$0x7F4] =	sst s20  }
0x65: {  	s23 =	sadd.s32 $0x1D4C00, s5;
	[smem:$0x7F5] =	sst s21  }
0x66: {  	s24 =	sadd.s32 $0x1FBD00, s5;
	[smem:$0x7F6] =	sst s22  }
0x67: {  	s29 =	simm.s32 $0x68;
	s25 =	sadd.s32 $0x249F00, s4;
	[smem:$0x7F7] =	sst s23  }
0x68: {  	s1 =	smax.u32 s1, $0x1;
	s26 =	sadd.s32 $0x222E00, s5;
	[smem:$0x7F8] =	sst s24  }
0x69: {  	s28 =	sadd.s32 $0x249F00, s5;
	s30 =	sadd.s32 $0x271000, s5;
	[smem:$0x7F9] =	sst s25  }
0x6a: {  	s31 =	sadd.s32 $0x2BF200, s5;
	s11 =	simm.s32 $0x3;
	[smem:$0x7FA] =	sst s26  }
.Ltmp0:
0x6b: {  	s4 =	simm.s32 $0x5;
	[smem:$0x7FB] =	sst s28;
	(pc) =	sbr.rel .LBB2_1-.Ltmp0, $4  }
0x6c: {  	s10 =	simm.s32 $0x8;
	s12 =	simm.s32 $0x9;
	[smem:$0x7FC] =	sst s30  }
0x6d: {  	[smem:$0x7FD] =	sst s31;
	s19 =	simm.s32 $0x9A00;
	s23 =	simm.s32 $0x9B00  }
0x6e: {  	s15 =	simm.s32 $0xCF00;
	s18 =	simm.s32 $0x10300;
	s21 =	simm.s32 $0x4  }
0x6f: {  	s2 =	simm.s32 $0x6;
	s6 =	simm.s32 $0x7;
	s17 =	simm.s32 $0x9A80  }
.LBB2_3:
0x70: {  	s0 =	sld [smem:$0x7B1];
	_ =	sdelay $0x2  }
0x71: {  	s1 =	sadd.s32 $0xFFFFFFFF, s0  }
0x72: {  	p2 =	sne.s32 s1, $0x0  }
.Ltmp1:
0x73: {  	_ = 	snop;
	(pc) =	sbr.rel @!p2 .LBB2_4-.Ltmp1, $1  }
0x74: {  	_ =	sdelay $0x3  }
.LBB2_1:
0x75: {  	[smem:$0x7B1] =	sst s1  }
0x76: {  	s0 =	rddreg [dreg:$0x6];
	s5 =	simm.s32 $0x3900  }
0x77: {  	[tilespmem:s5], [sflag:$0x9] =	stream.linear.gather [hbm4b:s0+s3], $0x80, $0x38;
	[tilespmem:$0x13F80] =	vst v63  }
0x78: {  	_ =	swait.ge [sflag:s12], $0x80  }
0x79: {  	s13 =	simm.s32 $0x60;
	s9 =	simm.s32 $0x3A00;
	[sflag:s12] =	ssyncset.done $0x0  }
0x7a: {  	s28 =	simm.s32 @p1 $0x1;
	s7 =	rddreg [dreg:$0x5];
	[sflag:s12] =	ssyncadd.s32 $0xFFFFFF80  }
0x7b: {  	[tilespmem:s9], [sflag:$0x1] =	stream.indirect.gather [hbm4b:s7+s13], $0x80, s5, s13, $0xb8;
	[tilespmem:$0x13F80] =	vst v63  }
0x7c: {  	_ =	swait.ge @p1 [sflag:s28], $0x3000  }
0x7d: {  	[sflag:s28] =	ssyncset.done @p1 $0x0  }
0x7e: {  	s9 =	rddreg [dreg:$0x7];
	[sflag:s28] =	ssyncadd.s32 @p1 $0xFFFFD000;
	s28 =	simm.s32 @p1 $0x3A00  }
0x7f: {  	[spmem:s9] =	stream.linear.scatter @p1 [tilespmem:s28], [sflag:$0x9], $0x3000, $0x38;
	[tilespmem:$0x13F80] =	vst v63  }
0x80: {  	s30 =	simm.s32 @!p1 $0x3980;
	s0 =	rddreg [dreg:$0x8];
	s28 =	simm.s32 @!p1 $0x0  }
0x81: {  	[tilespmem:s30], [sflag:$0x9] =	stream.linear.gather @!p1 [hbm4b:s0+s28], $0x80, $0x38;
	[tilespmem:$0x13F80] =	vst v63  }
0x82: {  	s28 =	simm.s32 @!p1 $0x9  }
0x83: {  	_ =	swait.ge @!p1 [sflag:s28], $0x80  }
0x84: {  	[sflag:s28] =	ssyncset.done @!p1 $0x0  }
0x85: {  	s5 =	simm.s32 @!p1 $0x6A00;
	s0 =	simm.s32 @!p1 $0x60;
	[sflag:s28] =	ssyncadd.s32 @!p1 $0xFFFFFF80  }
0x86: {  	[tilespmem:s5], [sflag:$0x2] =	stream.indirect.gather @!p1 [hbm4b:s7+s0], $0x80, s30, s0, $0xb8;
	[tilespmem:$0x13F80] =	vst v63  }
0x87: {  	s0 =	simm.s32 @!p1 $0x1  }
0x88: {  	_ =	swait.ge @!p1 [sflag:s0], $0x3000  }
0x89: {  	[sflag:s0] =	ssyncset.done @!p1 $0x0  }
0x8a: {  	[sflag:s0] =	ssyncadd.s32 @!p1 $0xFFFFD000;
	s0 =	simm.s32 @!p1 $0x3A00  }
0x8b: {  	[spmem:s9] =	stream.linear.scatter @!p1 [tilespmem:s0], [sflag:$0x9], $0x3000, $0x38;
	[tilespmem:$0x13F80] =	vst v63  }
0x8c: {  	_ =	swait.ge @!p1 [sflag:s28], $0x3000  }
0x8d: {  	[sflag:s28] =	ssyncset.done @!p1 $0x0  }
0x8e: {  	s0 =	simm.s32 @!p1 $0x2;
	[sflag:s28] =	ssyncadd.s32 @!p1 $0xFFFFD000  }
0x8f: {  	_ =	swait.ge @!p1 [sflag:s0], $0x3000  }
0x90: {  	[sflag:s0] =	ssyncset.done @!p1 $0x0  }
0x91: {  	[sflag:s0] =	ssyncadd.s32 @!p1 $0xFFFFD000;
	s0 =	rddreg [dreg:$0x9]  }
0x92: {  	[spmem:s0] =	stream.linear.scatter @!p1 [tilespmem:s5], [sflag:$0x9], $0x3000, $0x38;
	[tilespmem:$0x13F80] =	vst v63  }
0x93: {  	_ =	swait.ge [sflag:s12], $0x3000  }
0x94: {  	[sflag:s12] =	ssyncset.done $0x0  }
0x95: {  	[sflag:s12] =	ssyncadd.s32 $0xFFFFD000  }
0x96: {  	[bflag:$0x0] =	sbarrier.arrive $0xFFFF  }
0x97: {  	s14 =	rddreg [dreg:$0xa]  }
0x98: {  	[tilespmem:s19], [sflag:$0x9] =	stream.linear.gather [hbm4b:s14+s3], $0x68, $0x38;
	[tilespmem:$0x13F80] =	vst v63  }
0x99: {  	_ =	swait.ge [sflag:s12], $0x68  }
0x9a: {  	[sflag:s12] =	ssyncset.done $0x0  }
0x9b: {  	[sflag:s12] =	ssyncadd.s32 $0xFFFFFF98  }
0x9c: {  	s16 =	rddreg [dreg:$0x3]  }
0x9d: {  	[tilespmem:s23], [sflag:$0x3] =	stream.indirect.gather [spmem:s16], $0x80, s19, s29, $0xb8;
	[tilespmem:$0x13F80] =	vst v63  }
0x9e: {  	s16 =	rddreg [dreg:$0xb]  }
0x9f: {  	[tilespmem:s15], [sflag:$0x4] =	stream.indirect.gather [spmem:s16], $0x80, s19, s29, $0xb8;
	[tilespmem:$0x13F80] =	vst v63  }
0xa0: {  	_ =	swait.ge [sflag:s11], $0x3400  }
0xa1: {  	[sflag:s11] =	ssyncset.done $0x0  }
0xa2: {  	s20 =	rddreg [dreg:$0xc];
	[sflag:s11] =	ssyncadd.s32 $0xFFFFCC00  }
0xa3: {  	[hbm4b:s20+s3] =	stream.linear.scatter [tilespmem:s23], [sflag:$0x6], $0x3400, $0x38;
	[tilespmem:$0x13F80] =	vst v63  }
0xa4: {  	s7 =	rddreg [dreg:$0xd]  }
0xa5: {  	[tilespmem:s18], [sflag:$0x5] =	stream.indirect.gather [spmem:s7], $0x80, s19, s29, $0xb8;
	[tilespmem:$0x13F80] =	vst v63  }
0xa6: {  	_ =	swait.ge [sflag:s21], $0x3400  }
0xa7: {  	[sflag:s21] =	ssyncset.done $0x0  }
0xa8: {  	s22 =	rddreg [dreg:$0xe];
	[sflag:s21] =	ssyncadd.s32 $0xFFFFCC00  }
0xa9: {  	[hbm4b:s22+s3] =	stream.linear.scatter [tilespmem:s15], [sflag:$0x7], $0x3400, $0x38;
	[tilespmem:$0x13F80] =	vst v63  }
0xaa: {  	_ =	swait.ge [sflag:s2], $0x3400  }
0xab: {  	[sflag:s2] =	ssyncset.done $0x0  }
0xac: {  	s9 =	rddreg [dreg:$0xf];
	[sflag:s2] =	ssyncadd.s32 $0xFFFFCC00  }
0xad: {  	[tilespmem:s23], [sflag:$0x3] =	stream.indirect.gather [spmem:s9], $0x80, s19, s29, $0xb8;
	[tilespmem:$0x13F80] =	vst v63  }
0xae: {  	_ =	swait.ge [sflag:s4], $0x3400  }
0xaf: {  	[sflag:s4] =	ssyncset.done $0x0  }
0xb0: {  	s24 =	rddreg [dreg:$0x10];
	[sflag:s4] =	ssyncadd.s32 $0xFFFFCC00  }
0xb1: {  	[hbm4b:s24+s3] =	stream.linear.scatter [tilespmem:s18], [sflag:$0x8], $0x3400, $0x38;
	[tilespmem:$0x13F80] =	vst v63  }
0xb2: {  	_ =	swait.ge [sflag:s6], $0x3400  }
0xb3: {  	[sflag:s6] =	ssyncset.done $0x0  }
0xb4: {  	s28 =	rddreg [dreg:$0x11];
	[sflag:s6] =	ssyncadd.s32 $0xFFFFCC00  }
0xb5: {  	[tilespmem:s15], [sflag:$0x4] =	stream.indirect.gather [spmem:s28], $0x80, s19, s29, $0xb8;
	[tilespmem:$0x13F80] =	vst v63  }
0xb6: {  	_ =	swait.ge [sflag:s11], $0x3400  }
0xb7: {  	[sflag:s11] =	ssyncset.done $0x0  }
0xb8: {  	s25 =	rddreg [dreg:$0x19];
	[sflag:s11] =	ssyncadd.s32 $0xFFFFCC00  }
0xb9: {  	[hbm4b:s25+s3] =	stream.linear.scatter [tilespmem:s23], [sflag:$0x6], $0x3400, $0x38;
	[tilespmem:$0x13F80] =	vst v63  }
0xba: {  	_ =	swait.ge [sflag:s10], $0x3400  }
0xbb: {  	[sflag:s10] =	ssyncset.done $0x0  }
0xbc: {  	s5 =	rddreg [dreg:$0x1a];
	[sflag:s10] =	ssyncadd.s32 $0xFFFFCC00  }
0xbd: {  	[tilespmem:s18], [sflag:$0x5] =	stream.indirect.gather [spmem:s5], $0x80, s19, s29, $0xb8;
	[tilespmem:$0x13F80] =	vst v63  }
0xbe: {  	_ =	swait.ge [sflag:s21], $0x3400  }
0xbf: {  	[sflag:s21] =	ssyncset.done $0x0  }
0xc0: {  	s26 =	rddreg [dreg:$0x1b];
	[sflag:s21] =	ssyncadd.s32 $0xFFFFCC00  }
0xc1: {  	[hbm4b:s26+s3] =	stream.linear.scatter [tilespmem:s15], [sflag:$0x7], $0x3400, $0x38;
	[tilespmem:$0x13F80] =	vst v63  }
0xc2: {  	_ =	swait.ge [sflag:s2], $0x3400  }
0xc3: {  	[sflag:s2] =	ssyncset.done $0x0  }
0xc4: {  	s30 =	rddreg [dreg:$0x1c];
	[sflag:s2] =	ssyncadd.s32 $0xFFFFCC00  }
0xc5: {  	[tilespmem:s23], [sflag:$0x3] =	stream.indirect.gather [spmem:s30], $0x80, s19, s29, $0xb8;
	[tilespmem:$0x13F80] =	vst v63  }
0xc6: {  	_ =	swait.ge [sflag:s4], $0x3400  }
0xc7: {  	[sflag:s4] =	ssyncset.done $0x0  }
0xc8: {  	s31 =	rddreg [dreg:$0x1d];
	[sflag:s4] =	ssyncadd.s32 $0xFFFFCC00  }
0xc9: {  	[hbm4b:s31+s3] =	stream.linear.scatter [tilespmem:s18], [sflag:$0x8], $0x3400, $0x38;
	[tilespmem:$0x13F80] =	vst v63  }
0xca: {  	_ =	swait.ge [sflag:s6], $0x3400  }
0xcb: {  	[sflag:s6] =	ssyncset.done $0x0  }
0xcc: {  	s24 =	rddreg [dreg:$0x1e];
	[sflag:s6] =	ssyncadd.s32 $0xFFFFCC00  }
0xcd: {  	[tilespmem:s15], [sflag:$0x4] =	stream.indirect.gather [spmem:s24], $0x80, s19, s29, $0xb8;
	[tilespmem:$0x13F80] =	vst v63  }
0xce: {  	_ =	swait.ge [sflag:s11], $0x3400  }
0xcf: {  	[sflag:s11] =	ssyncset.done $0x0  }
0xd0: {  	s0 =	rddreg [dreg:$0x1f];
	[sflag:s11] =	ssyncadd.s32 $0xFFFFCC00  }
0xd1: {  	[hbm4b:s0+s3] =	stream.linear.scatter [tilespmem:s23], [sflag:$0x6], $0x3400, $0x38;
	[tilespmem:$0x13F80] =	vst v63  }
0xd2: {  	_ =	swait.ge [sflag:s10], $0x3400  }
0xd3: {  	s26 =	sld [smem:$0x7B2]  }
0xd4: {  	[sflag:s10] =	ssyncset.done $0x0  }
0xd5: {  	[sflag:s10] =	ssyncadd.s32 $0xFFFFCC00  }
0xd6: {  	[tilespmem:s18], [sflag:$0x5] =	stream.indirect.gather [spmem:s26], $0x80, s19, s29, $0xb8;
	[tilespmem:$0x13F80] =	vst v63  }
0xd7: {  	_ =	swait.ge [sflag:s21], $0x3400  }
0xd8: {  	s1 =	sld [smem:$0x7B3]  }
0xd9: {  	[sflag:s21] =	ssyncset.done $0x0  }
0xda: {  	[sflag:s21] =	ssyncadd.s32 $0xFFFFCC00  }
0xdb: {  	[hbm4b:s1+s3] =	stream.linear.scatter [tilespmem:s15], [sflag:$0x7], $0x3400, $0x38;
	[tilespmem:$0x13F80] =	vst v63  }
0xdc: {  	_ =	swait.ge [sflag:s2], $0x3400  }
0xdd: {  	s31 =	sld [smem:$0x7B5]  }
0xde: {  	[sflag:s2] =	ssyncset.done $0x0  }
0xdf: {  	[sflag:s2] =	ssyncadd.s32 $0xFFFFCC00  }
0xe0: {  	[tilespmem:s23], [sflag:$0x3] =	stream.indirect.gather [spmem:s31], $0x80, s19, s29, $0xb8;
	[tilespmem:$0x13F80] =	vst v63  }
0xe1: {  	_ =	swait.ge [sflag:s4], $0x3400  }
0xe2: {  	s8 =	sld [smem:$0x7B4]  }
0xe3: {  	[sflag:s4] =	ssyncset.done $0x0  }
0xe4: {  	[sflag:s4] =	ssyncadd.s32 $0xFFFFCC00  }
0xe5: {  	[hbm4b:s8+s3] =	stream.linear.scatter [tilespmem:s18], [sflag:$0x8], $0x3400, $0x38;
	[tilespmem:$0x13F80] =	vst v63  }
0xe6: {  	_ =	swait.ge [sflag:s6], $0x3400  }
0xe7: {  	s20 =	sld [smem:$0x7B6]  }
0xe8: {  	[sflag:s6] =	ssyncset.done $0x0  }
0xe9: {  	[sflag:s6] =	ssyncadd.s32 $0xFFFFCC00  }
0xea: {  	[tilespmem:s15], [sflag:$0x4] =	stream.indirect.gather [spmem:s20], $0x80, s19, s29, $0xb8;
	[tilespmem:$0x13F80] =	vst v63  }
0xeb: {  	_ =	swait.ge [sflag:s11], $0x3400  }
0xec: {  	s14 =	sld [smem:$0x7B7]  }
0xed: {  	[sflag:s11] =	ssyncset.done $0x0  }
0xee: {  	[sflag:s11] =	ssyncadd.s32 $0xFFFFCC00  }
0xef: {  	[hbm4b:s14+s3] =	stream.linear.scatter [tilespmem:s23], [sflag:$0x6], $0x3400, $0x38;
	[tilespmem:$0x13F80] =	vst v63  }
0xf0: {  	_ =	swait.ge [sflag:s10], $0x3400  }
0xf1: {  	s1 =	sld [smem:$0x7B8]  }
0xf2: {  	[sflag:s10] =	ssyncset.done $0x0  }
0xf3: {  	[sflag:s10] =	ssyncadd.s32 $0xFFFFCC00  }
0xf4: {  	[tilespmem:s18], [sflag:$0x5] =	stream.indirect.gather [spmem:s1], $0x80, s19, s29, $0xb8;
	[tilespmem:$0x13F80] =	vst v63  }
0xf5: {  	_ =	swait.ge [sflag:s21], $0x3400  }
0xf6: {  	s14 =	sld [smem:$0x7CC]  }
0xf7: {  	[sflag:s21] =	ssyncset.done $0x0  }
0xf8: {  	[sflag:s21] =	ssyncadd.s32 $0xFFFFCC00  }
0xf9: {  	[hbm4b:s14+s3] =	stream.linear.scatter [tilespmem:s15], [sflag:$0x7], $0x3400, $0x38;
	[tilespmem:$0x13F80] =	vst v63  }
0xfa: {  	_ =	swait.ge [sflag:s2], $0x3400  }
0xfb: {  	s25 =	sld [smem:$0x7B9]  }
0xfc: {  	[sflag:s2] =	ssyncset.done $0x0  }
0xfd: {  	[sflag:s2] =	ssyncadd.s32 $0xFFFFCC00  }
0xfe: {  	[tilespmem:s23], [sflag:$0x3] =	stream.indirect.gather [spmem:s25], $0x80, s19, s29, $0xb8;
	[tilespmem:$0x13F80] =	vst v63  }
0xff: {  	_ =	swait.ge [sflag:s4], $0x3400  }
0x100: {  	s22 =	sld [smem:$0x7BA]  }
0x101: {  	[sflag:s4] =	ssyncset.done $0x0  }
0x102: {  	[sflag:s4] =	ssyncadd.s32 $0xFFFFCC00  }
0x103: {  	[hbm4b:s22+s3] =	stream.linear.scatter [tilespmem:s18], [sflag:$0x8], $0x3400, $0x38;
	[tilespmem:$0x13F80] =	vst v63  }
0x104: {  	_ =	swait.ge [sflag:s6], $0x3400  }
0x105: {  	s14 =	sld [smem:$0x7BB]  }
0x106: {  	[sflag:s6] =	ssyncset.done $0x0  }
0x107: {  	[sflag:s6] =	ssyncadd.s32 $0xFFFFCC00  }
0x108: {  	[tilespmem:s15], [sflag:$0x4] =	stream.indirect.gather [spmem:s14], $0x80, s19, s29, $0xb8;
	[tilespmem:$0x13F80] =	vst v63  }
0x109: {  	_ =	swait.ge [sflag:s11], $0x3400  }
0x10a: {  	s0 =	sld [smem:$0x7BC]  }
0x10b: {  	[sflag:s11] =	ssyncset.done $0x0  }
0x10c: {  	[sflag:s11] =	ssyncadd.s32 $0xFFFFCC00  }
0x10d: {  	[hbm4b:s0+s3] =	stream.linear.scatter [tilespmem:s23], [sflag:$0x6], $0x3400, $0x38;
	[tilespmem:$0x13F80] =	vst v63  }
0x10e: {  	_ =	swait.ge [sflag:s10], $0x3400  }
0x10f: {  	s8 =	sld [smem:$0x7BD]  }
0x110: {  	[sflag:s10] =	ssyncset.done $0x0  }
0x111: {  	[sflag:s10] =	ssyncadd.s32 $0xFFFFCC00  }
0x112: {  	[tilespmem:s18], [sflag:$0x5] =	stream.indirect.gather [spmem:s8], $0x80, s19, s29, $0xb8;
	[tilespmem:$0x13F80] =	vst v63  }
0x113: {  	_ =	swait.ge [sflag:s21], $0x3400  }
0x114: {  	s22 =	sld [smem:$0x7CF]  }
0x115: {  	[sflag:s21] =	ssyncset.done $0x0  }
0x116: {  	[sflag:s21] =	ssyncadd.s32 $0xFFFFCC00  }
0x117: {  	[hbm4b:s22+s3] =	stream.linear.scatter [tilespmem:s15], [sflag:$0x7], $0x3400, $0x38;
	[tilespmem:$0x13F80] =	vst v63  }
0x118: {  	_ =	swait.ge [sflag:s2], $0x3400  }
0x119: {  	s8 =	sld [smem:$0x7BE]  }
0x11a: {  	[sflag:s2] =	ssyncset.done $0x0  }
0x11b: {  	[sflag:s2] =	ssyncadd.s32 $0xFFFFCC00  }
0x11c: {  	[tilespmem:s23], [sflag:$0x3] =	stream.indirect.gather [spmem:s8], $0x80, s19, s29, $0xb8;
	[tilespmem:$0x13F80] =	vst v63  }
0x11d: {  	_ =	swait.ge [sflag:s4], $0x3400  }
0x11e: {  	s22 =	sld [smem:$0x7BF]  }
0x11f: {  	[sflag:s4] =	ssyncset.done $0x0  }
0x120: {  	[sflag:s4] =	ssyncadd.s32 $0xFFFFCC00  }
0x121: {  	[hbm4b:s22+s3] =	stream.linear.scatter [tilespmem:s18], [sflag:$0x8], $0x3400, $0x38;
	[tilespmem:$0x13F80] =	vst v63  }
0x122: {  	_ =	swait.ge [sflag:s6], $0x3400  }
0x123: {  	s22 =	sld [smem:$0x7C0]  }
0x124: {  	[sflag:s6] =	ssyncset.done $0x0  }
0x125: {  	[sflag:s6] =	ssyncadd.s32 $0xFFFFCC00  }
0x126: {  	[tilespmem:s15], [sflag:$0x4] =	stream.indirect.gather [spmem:s22], $0x80, s19, s29, $0xb8;
	[tilespmem:$0x13F80] =	vst v63  }
0x127: {  	_ =	swait.ge [sflag:s11], $0x3400  }
0x128: {  	s0 =	sld [smem:$0x7D2]  }
0x129: {  	[sflag:s11] =	ssyncset.done $0x0  }
0x12a: {  	[sflag:s11] =	ssyncadd.s32 $0xFFFFCC00  }
0x12b: {  	[hbm4b:s0+s3] =	stream.linear.scatter [tilespmem:s23], [sflag:$0x6], $0x3400, $0x38;
	[tilespmem:$0x13F80] =	vst v63  }
0x12c: {  	_ =	swait.ge [sflag:s10], $0x3400  }
0x12d: {  	s0 =	sld [smem:$0x7C1]  }
0x12e: {  	[sflag:s10] =	ssyncset.done $0x0  }
0x12f: {  	[sflag:s10] =	ssyncadd.s32 $0xFFFFCC00  }
0x130: {  	[tilespmem:s18], [sflag:$0x5] =	stream.indirect.gather [spmem:s0], $0x80, s19, s29, $0xb8;
	[tilespmem:$0x13F80] =	vst v63  }
0x131: {  	_ =	swait.ge [sflag:s21], $0x3400  }
0x132: {  	s13 =	smov.u32 s30;
	s30 =	sld [smem:$0x7C2]  }
0x133: {  	[sflag:s21] =	ssyncset.done $0x0  }
0x134: {  	[sflag:s21] =	ssyncadd.s32 $0xFFFFCC00  }
0x135: {  	[hbm4b:s30+s3] =	stream.linear.scatter [tilespmem:s15], [sflag:$0x7], $0x3400, $0x38;
	[tilespmem:$0x13F80] =	vst v63  }
0x136: {  	_ =	swait.ge [sflag:s2], $0x3400  }
0x137: {  	s30 =	sld [smem:$0x7C3]  }
0x138: {  	[sflag:s2] =	ssyncset.done $0x0  }
0x139: {  	[sflag:s2] =	ssyncadd.s32 $0xFFFFCC00  }
0x13a: {  	[tilespmem:s23], [sflag:$0x3] =	stream.indirect.gather [spmem:s30], $0x80, s19, s29, $0xb8;
	[tilespmem:$0x13F80] =	vst v63  }
0x13b: {  	_ =	swait.ge [sflag:s4], $0x3400  }
0x13c: {  	s30 =	sld [smem:$0x7C4]  }
0x13d: {  	[sflag:s4] =	ssyncset.done $0x0  }
0x13e: {  	[sflag:s4] =	ssyncadd.s32 $0xFFFFCC00  }
0x13f: {  	[hbm4b:s30+s3] =	stream.linear.scatter [tilespmem:s18], [sflag:$0x8], $0x3400, $0x38;
	[tilespmem:$0x13F80] =	vst v63  }
0x140: {  	s30 =	rddreg [dreg:$0x12]  }
0x141: {  	[tilespmem:s17], [sflag:$0x9] =	stream.linear.gather [hbm4b:s30+s3], $0x68, $0x38;
	[tilespmem:$0x13F80] =	vst v63  }
0x142: {  	_ =	swait.ge [sflag:s12], $0x68  }
0x143: {  	[sflag:s12] =	ssyncset.done $0x0  }
0x144: {  	[sflag:s12] =	ssyncadd.s32 $0xFFFFFF98  }
0x145: {  	_ =	swait.ge [sflag:s6], $0x3400  }
0x146: {  	[sflag:s6] =	ssyncset.done $0x0  }
0x147: {  	[sflag:s6] =	ssyncadd.s32 $0xFFFFCC00  }
0x148: {  	s30 =	rddreg [dreg:$0x3]  }
0x149: {  	[tilespmem:s15], [sflag:$0x4] =	stream.indirect.gather [spmem:s30], $0x80, s17, s29, $0xb8;
	[tilespmem:$0x13F80] =	vst v63  }
0x14a: {  	_ =	swait.ge [sflag:s11], $0x3400  }
0x14b: {  	s30 =	sld [smem:$0x7C5]  }
0x14c: {  	[sflag:s11] =	ssyncset.done $0x0  }
0x14d: {  	[sflag:s11] =	ssyncadd.s32 $0xFFFFCC00  }
0x14e: {  	[hbm4b:s30+s3] =	stream.linear.scatter [tilespmem:s23], [sflag:$0x6], $0x3400, $0x38;
	[tilespmem:$0x13F80] =	vst v63  }
0x14f: {  	_ =	swait.ge [sflag:s10], $0x3400  }
0x150: {  	[sflag:s10] =	ssyncset.done $0x0  }
0x151: {  	[sflag:s10] =	ssyncadd.s32 $0xFFFFCC00  }
0x152: {  	[tilespmem:s18], [sflag:$0x5] =	stream.indirect.gather [spmem:s16], $0x80, s17, s29, $0xb8;
	[tilespmem:$0x13F80] =	vst v63  }
0x153: {  	_ =	swait.ge [sflag:s21], $0x3400  }
0x154: {  	[sflag:s21] =	ssyncset.done $0x0  }
0x155: {  	s30 =	rddreg [dreg:$0x13];
	[sflag:s21] =	ssyncadd.s32 $0xFFFFCC00  }
0x156: {  	[hbm4b:s30+s3] =	stream.linear.scatter [tilespmem:s15], [sflag:$0x7], $0x3400, $0x38;
	[tilespmem:$0x13F80] =	vst v63  }
0x157: {  	_ =	swait.ge [sflag:s2], $0x3400  }
0x158: {  	[sflag:s2] =	ssyncset.done $0x0  }
0x159: {  	[sflag:s2] =	ssyncadd.s32 $0xFFFFCC00  }
0x15a: {  	[tilespmem:s23], [sflag:$0x3] =	stream.indirect.gather [spmem:s7], $0x80, s17, s29, $0xb8;
	[tilespmem:$0x13F80] =	vst v63  }
0x15b: {  	_ =	swait.ge [sflag:s4], $0x3400  }
0x15c: {  	s30 =	sld [smem:$0x7C6]  }
0x15d: {  	[sflag:s4] =	ssyncset.done $0x0  }
0x15e: {  	[sflag:s4] =	ssyncadd.s32 $0xFFFFCC00  }
0x15f: {  	[hbm4b:s30+s3] =	stream.linear.scatter [tilespmem:s18], [sflag:$0x8], $0x3400, $0x38;
	[tilespmem:$0x13F80] =	vst v63  }
0x160: {  	_ =	swait.ge [sflag:s6], $0x3400  }
0x161: {  	[sflag:s6] =	ssyncset.done $0x0  }
0x162: {  	[sflag:s6] =	ssyncadd.s32 $0xFFFFCC00  }
0x163: {  	[tilespmem:s15], [sflag:$0x4] =	stream.indirect.gather [spmem:s9], $0x80, s17, s29, $0xb8;
	[tilespmem:$0x13F80] =	vst v63  }
0x164: {  	_ =	swait.ge [sflag:s11], $0x3400  }
0x165: {  	s30 =	sld [smem:$0x7C7]  }
0x166: {  	[sflag:s11] =	ssyncset.done $0x0  }
0x167: {  	[sflag:s11] =	ssyncadd.s32 $0xFFFFCC00  }
0x168: {  	[hbm4b:s30+s3] =	stream.linear.scatter [tilespmem:s23], [sflag:$0x6], $0x3400, $0x38;
	[tilespmem:$0x13F80] =	vst v63  }
0x169: {  	_ =	swait.ge [sflag:s10], $0x3400  }
0x16a: {  	[sflag:s10] =	ssyncset.done $0x0  }
0x16b: {  	[sflag:s10] =	ssyncadd.s32 $0xFFFFCC00  }
0x16c: {  	[tilespmem:s18], [sflag:$0x5] =	stream.indirect.gather [spmem:s28], $0x80, s17, s29, $0xb8;
	[tilespmem:$0x13F80] =	vst v63  }
0x16d: {  	_ =	swait.ge [sflag:s21], $0x3400  }
0x16e: {  	s30 =	sld [smem:$0x7C8]  }
0x16f: {  	[sflag:s21] =	ssyncset.done $0x0  }
0x170: {  	[sflag:s21] =	ssyncadd.s32 $0xFFFFCC00  }
0x171: {  	[hbm4b:s30+s3] =	stream.linear.scatter [tilespmem:s15], [sflag:$0x7], $0x3400, $0x38;
	[tilespmem:$0x13F80] =	vst v63  }
0x172: {  	_ =	swait.ge [sflag:s2], $0x3400  }
0x173: {  	[sflag:s2] =	ssyncset.done $0x0  }
0x174: {  	[sflag:s2] =	ssyncadd.s32 $0xFFFFCC00  }
0x175: {  	[tilespmem:s23], [sflag:$0x3] =	stream.indirect.gather [spmem:s5], $0x80, s17, s29, $0xb8;
	[tilespmem:$0x13F80] =	vst v63  }
0x176: {  	_ =	swait.ge [sflag:s4], $0x3400  }
0x177: {  	s30 =	sld [smem:$0x7C9]  }
0x178: {  	[sflag:s4] =	ssyncset.done $0x0  }
0x179: {  	[sflag:s4] =	ssyncadd.s32 $0xFFFFCC00  }
0x17a: {  	[hbm4b:s30+s3] =	stream.linear.scatter [tilespmem:s18], [sflag:$0x8], $0x3400, $0x38;
	[tilespmem:$0x13F80] =	vst v63  }
0x17b: {  	_ =	swait.ge [sflag:s6], $0x3400  }
0x17c: {  	[sflag:s6] =	ssyncset.done $0x0  }
0x17d: {  	[sflag:s6] =	ssyncadd.s32 $0xFFFFCC00  }
0x17e: {  	[tilespmem:s15], [sflag:$0x4] =	stream.indirect.gather [spmem:s13], $0x80, s17, s29, $0xb8;
	[tilespmem:$0x13F80] =	vst v63  }
0x17f: {  	_ =	swait.ge [sflag:s11], $0x3400  }
0x180: {  	s13 =	sld [smem:$0x7CA]  }
0x181: {  	[sflag:s11] =	ssyncset.done $0x0  }
0x182: {  	[sflag:s11] =	ssyncadd.s32 $0xFFFFCC00  }
0x183: {  	[hbm4b:s13+s3] =	stream.linear.scatter [tilespmem:s23], [sflag:$0x6], $0x3400, $0x38;
	[tilespmem:$0x13F80] =	vst v63  }
0x184: {  	_ =	swait.ge [sflag:s10], $0x3400  }
0x185: {  	[sflag:s10] =	ssyncset.done $0x0  }
0x186: {  	[sflag:s10] =	ssyncadd.s32 $0xFFFFCC00  }
0x187: {  	[tilespmem:s18], [sflag:$0x5] =	stream.indirect.gather [spmem:s24], $0x80, s17, s29, $0xb8;
	[tilespmem:$0x13F80] =	vst v63  }
0x188: {  	_ =	swait.ge [sflag:s21], $0x3400  }
0x189: {  	s13 =	sld [smem:$0x7D5]  }
0x18a: {  	[sflag:s21] =	ssyncset.done $0x0  }
0x18b: {  	[sflag:s21] =	ssyncadd.s32 $0xFFFFCC00  }
0x18c: {  	[hbm4b:s13+s3] =	stream.linear.scatter [tilespmem:s15], [sflag:$0x7], $0x3400, $0x38;
	[tilespmem:$0x13F80] =	vst v63  }
0x18d: {  	_ =	swait.ge [sflag:s2], $0x3400  }
0x18e: {  	[sflag:s2] =	ssyncset.done $0x0  }
0x18f: {  	[sflag:s2] =	ssyncadd.s32 $0xFFFFCC00  }
0x190: {  	[tilespmem:s23], [sflag:$0x3] =	stream.indirect.gather [spmem:s26], $0x80, s17, s29, $0xb8;
	[tilespmem:$0x13F80] =	vst v63  }
0x191: {  	_ =	swait.ge [sflag:s4], $0x3400  }
0x192: {  	s13 =	sld [smem:$0x7CB]  }
0x193: {  	[sflag:s4] =	ssyncset.done $0x0  }
0x194: {  	[sflag:s4] =	ssyncadd.s32 $0xFFFFCC00  }
0x195: {  	[hbm4b:s13+s3] =	stream.linear.scatter [tilespmem:s18], [sflag:$0x8], $0x3400, $0x38;
	[tilespmem:$0x13F80] =	vst v63  }
0x196: {  	_ =	swait.ge [sflag:s6], $0x3400  }
0x197: {  	[sflag:s6] =	ssyncset.done $0x0  }
0x198: {  	[sflag:s6] =	ssyncadd.s32 $0xFFFFCC00  }
0x199: {  	[tilespmem:s15], [sflag:$0x4] =	stream.indirect.gather [spmem:s31], $0x80, s17, s29, $0xb8;
	[tilespmem:$0x13F80] =	vst v63  }
0x19a: {  	_ =	swait.ge [sflag:s11], $0x3400  }
0x19b: {  	s13 =	sld [smem:$0x7DE]  }
0x19c: {  	[sflag:s11] =	ssyncset.done $0x0  }
0x19d: {  	[sflag:s11] =	ssyncadd.s32 $0xFFFFCC00  }
0x19e: {  	[hbm4b:s13+s3] =	stream.linear.scatter [tilespmem:s23], [sflag:$0x6], $0x3400, $0x38;
	[tilespmem:$0x13F80] =	vst v63  }
0x19f: {  	_ =	swait.ge [sflag:s10], $0x3400  }
0x1a0: {  	[sflag:s10] =	ssyncset.done $0x0  }
0x1a1: {  	[sflag:s10] =	ssyncadd.s32 $0xFFFFCC00  }
0x1a2: {  	[tilespmem:s18], [sflag:$0x5] =	stream.indirect.gather [spmem:s20], $0x80, s17, s29, $0xb8;
	[tilespmem:$0x13F80] =	vst v63  }
0x1a3: {  	_ =	swait.ge [sflag:s21], $0x3400  }
0x1a4: {  	s13 =	sld [smem:$0x7CD]  }
0x1a5: {  	[sflag:s21] =	ssyncset.done $0x0  }
0x1a6: {  	[sflag:s21] =	ssyncadd.s32 $0xFFFFCC00  }
0x1a7: {  	[hbm4b:s13+s3] =	stream.linear.scatter [tilespmem:s15], [sflag:$0x7], $0x3400, $0x38;
	[tilespmem:$0x13F80] =	vst v63  }
0x1a8: {  	_ =	swait.ge [sflag:s2], $0x3400  }
0x1a9: {  	[sflag:s2] =	ssyncset.done $0x0  }
0x1aa: {  	[sflag:s2] =	ssyncadd.s32 $0xFFFFCC00  }
0x1ab: {  	[tilespmem:s23], [sflag:$0x3] =	stream.indirect.gather [spmem:s1], $0x80, s17, s29, $0xb8;
	[tilespmem:$0x13F80] =	vst v63  }
0x1ac: {  	_ =	swait.ge [sflag:s4], $0x3400  }
0x1ad: {  	s13 =	sld [smem:$0x7CE]  }
0x1ae: {  	[sflag:s4] =	ssyncset.done $0x0  }
0x1af: {  	[sflag:s4] =	ssyncadd.s32 $0xFFFFCC00  }
0x1b0: {  	[hbm4b:s13+s3] =	stream.linear.scatter [tilespmem:s18], [sflag:$0x8], $0x3400, $0x38;
	[tilespmem:$0x13F80] =	vst v63  }
0x1b1: {  	_ =	swait.ge [sflag:s6], $0x3400  }
0x1b2: {  	[sflag:s6] =	ssyncset.done $0x0  }
0x1b3: {  	[sflag:s6] =	ssyncadd.s32 $0xFFFFCC00  }
0x1b4: {  	[tilespmem:s15], [sflag:$0x4] =	stream.indirect.gather [spmem:s25], $0x80, s17, s29, $0xb8;
	[tilespmem:$0x13F80] =	vst v63  }
0x1b5: {  	_ =	swait.ge [sflag:s11], $0x3400  }
0x1b6: {  	s13 =	sld [smem:$0x7D0]  }
0x1b7: {  	[sflag:s11] =	ssyncset.done $0x0  }
0x1b8: {  	[sflag:s11] =	ssyncadd.s32 $0xFFFFCC00  }
0x1b9: {  	[hbm4b:s13+s3] =	stream.linear.scatter [tilespmem:s23], [sflag:$0x6], $0x3400, $0x38;
	[tilespmem:$0x13F80] =	vst v63  }
0x1ba: {  	_ =	swait.ge [sflag:s10], $0x3400  }
0x1bb: {  	[sflag:s10] =	ssyncset.done $0x0  }
0x1bc: {  	[sflag:s10] =	ssyncadd.s32 $0xFFFFCC00  }
0x1bd: {  	[tilespmem:s18], [sflag:$0x5] =	stream.indirect.gather [spmem:s14], $0x80, s17, s29, $0xb8;
	[tilespmem:$0x13F80] =	vst v63  }
0x1be: {  	_ =	swait.ge [sflag:s21], $0x3400  }
0x1bf: {  	s13 =	sld [smem:$0x7E1]  }
0x1c0: {  	[sflag:s21] =	ssyncset.done $0x0  }
0x1c1: {  	[sflag:s21] =	ssyncadd.s32 $0xFFFFCC00  }
0x1c2: {  	[hbm4b:s13+s3] =	stream.linear.scatter [tilespmem:s15], [sflag:$0x7], $0x3400, $0x38;
	[tilespmem:$0x13F80] =	vst v63  }
0x1c3: {  	_ =	swait.ge [sflag:s2], $0x3400  }
0x1c4: {  	s13 =	sld [smem:$0x7BD]  }
0x1c5: {  	[sflag:s2] =	ssyncset.done $0x0  }
0x1c6: {  	[sflag:s2] =	ssyncadd.s32 $0xFFFFCC00  }
0x1c7: {  	[tilespmem:s23], [sflag:$0x3] =	stream.indirect.gather [spmem:s13], $0x80, s17, s29, $0xb8;
	[tilespmem:$0x13F80] =	vst v63  }
0x1c8: {  	_ =	swait.ge [sflag:s4], $0x3400  }
0x1c9: {  	s30 =	sld [smem:$0x7D1]  }
0x1ca: {  	[sflag:s4] =	ssyncset.done $0x0  }
0x1cb: {  	[sflag:s4] =	ssyncadd.s32 $0xFFFFCC00  }
0x1cc: {  	[hbm4b:s30+s3] =	stream.linear.scatter [tilespmem:s18], [sflag:$0x8], $0x3400, $0x38;
	[tilespmem:$0x13F80] =	vst v63  }
0x1cd: {  	_ =	swait.ge [sflag:s6], $0x3400  }
0x1ce: {  	[sflag:s6] =	ssyncset.done $0x0  }
0x1cf: {  	[sflag:s6] =	ssyncadd.s32 $0xFFFFCC00  }
0x1d0: {  	[tilespmem:s15], [sflag:$0x4] =	stream.indirect.gather [spmem:s8], $0x80, s17, s29, $0xb8;
	[tilespmem:$0x13F80] =	vst v63  }
0x1d1: {  	_ =	swait.ge [sflag:s11], $0x3400  }
0x1d2: {  	s8 =	sld [smem:$0x7D3]  }
0x1d3: {  	[sflag:s11] =	ssyncset.done $0x0  }
0x1d4: {  	[sflag:s11] =	ssyncadd.s32 $0xFFFFCC00  }
0x1d5: {  	[hbm4b:s8+s3] =	stream.linear.scatter [tilespmem:s23], [sflag:$0x6], $0x3400, $0x38;
	[tilespmem:$0x13F80] =	vst v63  }
0x1d6: {  	_ =	swait.ge [sflag:s10], $0x3400  }
0x1d7: {  	[sflag:s10] =	ssyncset.done $0x0  }
0x1d8: {  	[sflag:s10] =	ssyncadd.s32 $0xFFFFCC00  }
0x1d9: {  	[tilespmem:s18], [sflag:$0x5] =	stream.indirect.gather [spmem:s22], $0x80, s17, s29, $0xb8;
	[tilespmem:$0x13F80] =	vst v63  }
0x1da: {  	_ =	swait.ge [sflag:s21], $0x3400  }
0x1db: {  	s8 =	sld [smem:$0x7D4]  }
0x1dc: {  	[sflag:s21] =	ssyncset.done $0x0  }
0x1dd: {  	[sflag:s21] =	ssyncadd.s32 $0xFFFFCC00  }
0x1de: {  	[hbm4b:s8+s3] =	stream.linear.scatter [tilespmem:s15], [sflag:$0x7], $0x3400, $0x38;
	[tilespmem:$0x13F80] =	vst v63  }
0x1df: {  	_ =	swait.ge [sflag:s2], $0x3400  }
0x1e0: {  	[sflag:s2] =	ssyncset.done $0x0  }
0x1e1: {  	[sflag:s2] =	ssyncadd.s32 $0xFFFFCC00  }
0x1e2: {  	[tilespmem:s23], [sflag:$0x3] =	stream.indirect.gather [spmem:s0], $0x80, s17, s29, $0xb8;
	[tilespmem:$0x13F80] =	vst v63  }
0x1e3: {  	_ =	swait.ge [sflag:s4], $0x3400  }
0x1e4: {  	s8 =	sld [smem:$0x7D6]  }
0x1e5: {  	[sflag:s4] =	ssyncset.done $0x0  }
0x1e6: {  	[sflag:s4] =	ssyncadd.s32 $0xFFFFCC00  }
0x1e7: {  	[hbm4b:s8+s3] =	stream.linear.scatter [tilespmem:s18], [sflag:$0x8], $0x3400, $0x38;
	[tilespmem:$0x13F80] =	vst v63  }
0x1e8: {  	_ =	swait.ge [sflag:s6], $0x3400  }
0x1e9: {  	s8 =	sld [smem:$0x7C3]  }
0x1ea: {  	[sflag:s6] =	ssyncset.done $0x0  }
0x1eb: {  	[sflag:s6] =	ssyncadd.s32 $0xFFFFCC00  }
0x1ec: {  	[tilespmem:s15], [sflag:$0x4] =	stream.indirect.gather [spmem:s8], $0x80, s17, s29, $0xb8;
	[tilespmem:$0x13F80] =	vst v63  }
0x1ed: {  	_ =	swait.ge [sflag:s11], $0x3400  }
0x1ee: {  	s0 =	sld [smem:$0x7E4]  }
0x1ef: {  	[sflag:s11] =	ssyncset.done $0x0  }
0x1f0: {  	[sflag:s11] =	ssyncadd.s32 $0xFFFFCC00  }
0x1f1: {  	[hbm4b:s0+s3] =	stream.linear.scatter [tilespmem:s23], [sflag:$0x6], $0x3400, $0x38;
	[tilespmem:$0x13F80] =	vst v63  }
0x1f2: {  	s0 =	rddreg [dreg:$0x14]  }
0x1f3: {  	[tilespmem:s19], [sflag:$0x9] =	stream.linear.gather [hbm4b:s0+s3], $0x68, $0x38;
	[tilespmem:$0x13F80] =	vst v63  }
0x1f4: {  	_ =	swait.ge [sflag:s12], $0x68  }
0x1f5: {  	[sflag:s12] =	ssyncset.done $0x0  }
0x1f6: {  	[sflag:s12] =	ssyncadd.s32 $0xFFFFFF98  }
0x1f7: {  	_ =	swait.ge [sflag:s10], $0x3400  }
0x1f8: {  	[sflag:s10] =	ssyncset.done $0x0  }
0x1f9: {  	[sflag:s10] =	ssyncadd.s32 $0xFFFFCC00  }
0x1fa: {  	s30 =	rddreg [dreg:$0x3]  }
0x1fb: {  	[tilespmem:s18], [sflag:$0x5] =	stream.indirect.gather [spmem:s30], $0x80, s19, s29, $0xb8;
	[tilespmem:$0x13F80] =	vst v63  }
0x1fc: {  	_ =	swait.ge [sflag:s21], $0x3400  }
0x1fd: {  	s30 =	sld [smem:$0x7D7]  }
0x1fe: {  	[sflag:s21] =	ssyncset.done $0x0  }
0x1ff: {  	[sflag:s21] =	ssyncadd.s32 $0xFFFFCC00  }
0x200: {  	[hbm4b:s30+s3] =	stream.linear.scatter [tilespmem:s15], [sflag:$0x7], $0x3400, $0x38;
	[tilespmem:$0x13F80] =	vst v63  }
0x201: {  	_ =	swait.ge [sflag:s2], $0x3400  }
0x202: {  	[sflag:s2] =	ssyncset.done $0x0  }
0x203: {  	[sflag:s2] =	ssyncadd.s32 $0xFFFFCC00  }
0x204: {  	[tilespmem:s23], [sflag:$0x3] =	stream.indirect.gather [spmem:s16], $0x80, s19, s29, $0xb8;
	[tilespmem:$0x13F80] =	vst v63  }
0x205: {  	_ =	swait.ge [sflag:s4], $0x3400  }
0x206: {  	[sflag:s4] =	ssyncset.done $0x0  }
0x207: {  	s30 =	rddreg [dreg:$0x16];
	[sflag:s4] =	ssyncadd.s32 $0xFFFFCC00  }
0x208: {  	[hbm4b:s30+s3] =	stream.linear.scatter [tilespmem:s18], [sflag:$0x8], $0x3400, $0x38;
	[tilespmem:$0x13F80] =	vst v63  }
0x209: {  	_ =	swait.ge [sflag:s6], $0x3400  }
0x20a: {  	[sflag:s6] =	ssyncset.done $0x0  }
0x20b: {  	[sflag:s6] =	ssyncadd.s32 $0xFFFFCC00  }
0x20c: {  	[tilespmem:s15], [sflag:$0x4] =	stream.indirect.gather [spmem:s7], $0x80, s19, s29, $0xb8;
	[tilespmem:$0x13F80] =	vst v63  }
0x20d: {  	_ =	swait.ge [sflag:s11], $0x3400  }
0x20e: {  	s7 =	sld [smem:$0x7D8]  }
0x20f: {  	[sflag:s11] =	ssyncset.done $0x0  }
0x210: {  	[sflag:s11] =	ssyncadd.s32 $0xFFFFCC00  }
0x211: {  	[hbm4b:s7+s3] =	stream.linear.scatter [tilespmem:s23], [sflag:$0x6], $0x3400, $0x38;
	[tilespmem:$0x13F80] =	vst v63  }
0x212: {  	_ =	swait.ge [sflag:s10], $0x3400  }
0x213: {  	[sflag:s10] =	ssyncset.done $0x0  }
0x214: {  	[sflag:s10] =	ssyncadd.s32 $0xFFFFCC00  }
0x215: {  	[tilespmem:s18], [sflag:$0x5] =	stream.indirect.gather [spmem:s9], $0x80, s19, s29, $0xb8;
	[tilespmem:$0x13F80] =	vst v63  }
0x216: {  	_ =	swait.ge [sflag:s21], $0x3400  }
0x217: {  	s16 =	sld [smem:$0x7D9]  }
0x218: {  	[sflag:s21] =	ssyncset.done $0x0  }
0x219: {  	[sflag:s21] =	ssyncadd.s32 $0xFFFFCC00  }
0x21a: {  	[hbm4b:s16+s3] =	stream.linear.scatter [tilespmem:s15], [sflag:$0x7], $0x3400, $0x38;
	[tilespmem:$0x13F80] =	vst v63  }
0x21b: {  	_ =	swait.ge [sflag:s2], $0x3400  }
0x21c: {  	[sflag:s2] =	ssyncset.done $0x0  }
0x21d: {  	[sflag:s2] =	ssyncadd.s32 $0xFFFFCC00  }
0x21e: {  	[tilespmem:s23], [sflag:$0x3] =	stream.indirect.gather [spmem:s28], $0x80, s19, s29, $0xb8;
	[tilespmem:$0x13F80] =	vst v63  }
0x21f: {  	_ =	swait.ge [sflag:s4], $0x3400  }
0x220: {  	s30 =	sld [smem:$0x7DA]  }
0x221: {  	[sflag:s4] =	ssyncset.done $0x0  }
0x222: {  	[sflag:s4] =	ssyncadd.s32 $0xFFFFCC00  }
0x223: {  	[hbm4b:s30+s3] =	stream.linear.scatter [tilespmem:s18], [sflag:$0x8], $0x3400, $0x38;
	[tilespmem:$0x13F80] =	vst v63  }
0x224: {  	_ =	swait.ge [sflag:s6], $0x3400  }
0x225: {  	[sflag:s6] =	ssyncset.done $0x0  }
0x226: {  	[sflag:s6] =	ssyncadd.s32 $0xFFFFCC00  }
0x227: {  	[tilespmem:s15], [sflag:$0x4] =	stream.indirect.gather [spmem:s5], $0x80, s19, s29, $0xb8;
	[tilespmem:$0x13F80] =	vst v63  }
0x228: {  	_ =	swait.ge [sflag:s11], $0x3400  }
0x229: {  	s7 =	sld [smem:$0x7DB]  }
0x22a: {  	[sflag:s11] =	ssyncset.done $0x0  }
0x22b: {  	[sflag:s11] =	ssyncadd.s32 $0xFFFFCC00  }
0x22c: {  	[hbm4b:s7+s3] =	stream.linear.scatter [tilespmem:s23], [sflag:$0x6], $0x3400, $0x38;
	[tilespmem:$0x13F80] =	vst v63  }
0x22d: {  	_ =	swait.ge [sflag:s10], $0x3400  }
0x22e: {  	[sflag:s10] =	ssyncset.done $0x0  }
0x22f: {  	s9 =	rddreg [dreg:$0x1c];
	[sflag:s10] =	ssyncadd.s32 $0xFFFFCC00  }
0x230: {  	[tilespmem:s18], [sflag:$0x5] =	stream.indirect.gather [spmem:s9], $0x80, s19, s29, $0xb8;
	[tilespmem:$0x13F80] =	vst v63  }
0x231: {  	_ =	swait.ge [sflag:s21], $0x3400  }
0x232: {  	s16 =	sld [smem:$0x7DC]  }
0x233: {  	[sflag:s21] =	ssyncset.done $0x0  }
0x234: {  	[sflag:s21] =	ssyncadd.s32 $0xFFFFCC00  }
0x235: {  	[hbm4b:s16+s3] =	stream.linear.scatter [tilespmem:s15], [sflag:$0x7], $0x3400, $0x38;
	[tilespmem:$0x13F80] =	vst v63  }
0x236: {  	_ =	swait.ge [sflag:s2], $0x3400  }
0x237: {  	[sflag:s2] =	ssyncset.done $0x0  }
0x238: {  	[sflag:s2] =	ssyncadd.s32 $0xFFFFCC00  }
0x239: {  	[tilespmem:s23], [sflag:$0x3] =	stream.indirect.gather [spmem:s24], $0x80, s19, s29, $0xb8;
	[tilespmem:$0x13F80] =	vst v63  }
0x23a: {  	_ =	swait.ge [sflag:s4], $0x3400  }
0x23b: {  	s28 =	sld [smem:$0x7DD]  }
0x23c: {  	[sflag:s4] =	ssyncset.done $0x0  }
0x23d: {  	[sflag:s4] =	ssyncadd.s32 $0xFFFFCC00  }
0x23e: {  	[hbm4b:s28+s3] =	stream.linear.scatter [tilespmem:s18], [sflag:$0x8], $0x3400, $0x38;
	[tilespmem:$0x13F80] =	vst v63  }
0x23f: {  	_ =	swait.ge [sflag:s6], $0x3400  }
0x240: {  	[sflag:s6] =	ssyncset.done $0x0  }
0x241: {  	[sflag:s6] =	ssyncadd.s32 $0xFFFFCC00  }
0x242: {  	[tilespmem:s15], [sflag:$0x4] =	stream.indirect.gather [spmem:s26], $0x80, s19, s29, $0xb8;
	[tilespmem:$0x13F80] =	vst v63  }
0x243: {  	_ =	swait.ge [sflag:s11], $0x3400  }
0x244: {  	s30 =	sld [smem:$0x7DF]  }
0x245: {  	[sflag:s11] =	ssyncset.done $0x0  }
0x246: {  	[sflag:s11] =	ssyncadd.s32 $0xFFFFCC00  }
0x247: {  	[hbm4b:s30+s3] =	stream.linear.scatter [tilespmem:s23], [sflag:$0x6], $0x3400, $0x38;
	[tilespmem:$0x13F80] =	vst v63  }
0x248: {  	_ =	swait.ge [sflag:s10], $0x3400  }
0x249: {  	[sflag:s10] =	ssyncset.done $0x0  }
0x24a: {  	[sflag:s10] =	ssyncadd.s32 $0xFFFFCC00  }
0x24b: {  	[tilespmem:s18], [sflag:$0x5] =	stream.indirect.gather [spmem:s31], $0x80, s19, s29, $0xb8;
	[tilespmem:$0x13F80] =	vst v63  }
0x24c: {  	_ =	swait.ge [sflag:s21], $0x3400  }
0x24d: {  	s31 =	sld [smem:$0x7E0]  }
0x24e: {  	[sflag:s21] =	ssyncset.done $0x0  }
0x24f: {  	[sflag:s21] =	ssyncadd.s32 $0xFFFFCC00  }
0x250: {  	[hbm4b:s31+s3] =	stream.linear.scatter [tilespmem:s15], [sflag:$0x7], $0x3400, $0x38;
	[tilespmem:$0x13F80] =	vst v63  }
0x251: {  	_ =	swait.ge [sflag:s2], $0x3400  }
0x252: {  	[sflag:s2] =	ssyncset.done $0x0  }
0x253: {  	[sflag:s2] =	ssyncadd.s32 $0xFFFFCC00  }
0x254: {  	[tilespmem:s23], [sflag:$0x3] =	stream.indirect.gather [spmem:s20], $0x80, s19, s29, $0xb8;
	[tilespmem:$0x13F80] =	vst v63  }
0x255: {  	_ =	swait.ge [sflag:s4], $0x3400  }
0x256: {  	s5 =	sld [smem:$0x7F0]  }
0x257: {  	[sflag:s4] =	ssyncset.done $0x0  }
0x258: {  	[sflag:s4] =	ssyncadd.s32 $0xFFFFCC00  }
0x259: {  	[hbm4b:s5+s3] =	stream.linear.scatter [tilespmem:s18], [sflag:$0x8], $0x3400, $0x38;
	[tilespmem:$0x13F80] =	vst v63  }
0x25a: {  	_ =	swait.ge [sflag:s6], $0x3400  }
0x25b: {  	[sflag:s6] =	ssyncset.done $0x0  }
0x25c: {  	[sflag:s6] =	ssyncadd.s32 $0xFFFFCC00  }
0x25d: {  	[tilespmem:s15], [sflag:$0x4] =	stream.indirect.gather [spmem:s1], $0x80, s19, s29, $0xb8;
	[tilespmem:$0x13F80] =	vst v63  }
0x25e: {  	_ =	swait.ge [sflag:s11], $0x3400  }
0x25f: {  	s7 =	sld [smem:$0x7E2]  }
0x260: {  	[sflag:s11] =	ssyncset.done $0x0  }
0x261: {  	[sflag:s11] =	ssyncadd.s32 $0xFFFFCC00  }
0x262: {  	[hbm4b:s7+s3] =	stream.linear.scatter [tilespmem:s23], [sflag:$0x6], $0x3400, $0x38;
	[tilespmem:$0x13F80] =	vst v63  }
0x263: {  	_ =	swait.ge [sflag:s10], $0x3400  }
0x264: {  	[sflag:s10] =	ssyncset.done $0x0  }
0x265: {  	[sflag:s10] =	ssyncadd.s32 $0xFFFFCC00  }
0x266: {  	[tilespmem:s18], [sflag:$0x5] =	stream.indirect.gather [spmem:s25], $0x80, s19, s29, $0xb8;
	[tilespmem:$0x13F80] =	vst v63  }
0x267: {  	_ =	swait.ge [sflag:s21], $0x3400  }
0x268: {  	s9 =	sld [smem:$0x7F3]  }
0x269: {  	[sflag:s21] =	ssyncset.done $0x0  }
0x26a: {  	[sflag:s21] =	ssyncadd.s32 $0xFFFFCC00  }
0x26b: {  	[hbm4b:s9+s3] =	stream.linear.scatter [tilespmem:s15], [sflag:$0x7], $0x3400, $0x38;
	[tilespmem:$0x13F80] =	vst v63  }
0x26c: {  	_ =	swait.ge [sflag:s2], $0x3400  }
0x26d: {  	[sflag:s2] =	ssyncset.done $0x0  }
0x26e: {  	[sflag:s2] =	ssyncadd.s32 $0xFFFFCC00  }
0x26f: {  	[tilespmem:s23], [sflag:$0x3] =	stream.indirect.gather [spmem:s14], $0x80, s19, s29, $0xb8;
	[tilespmem:$0x13F80] =	vst v63  }
0x270: {  	_ =	swait.ge [sflag:s4], $0x3400  }
0x271: {  	s14 =	sld [smem:$0x7E3]  }
0x272: {  	[sflag:s4] =	ssyncset.done $0x0  }
0x273: {  	[sflag:s4] =	ssyncadd.s32 $0xFFFFCC00  }
0x274: {  	[hbm4b:s14+s3] =	stream.linear.scatter [tilespmem:s18], [sflag:$0x8], $0x3400, $0x38;
	[tilespmem:$0x13F80] =	vst v63  }
0x275: {  	_ =	swait.ge [sflag:s6], $0x3400  }
0x276: {  	[sflag:s6] =	ssyncset.done $0x0  }
0x277: {  	[sflag:s6] =	ssyncadd.s32 $0xFFFFCC00  }
0x278: {  	[tilespmem:s15], [sflag:$0x4] =	stream.indirect.gather [spmem:s13], $0x80, s19, s29, $0xb8;
	[tilespmem:$0x13F80] =	vst v63  }
0x279: {  	_ =	swait.ge [sflag:s11], $0x3400  }
0x27a: {  	s16 =	sld [smem:$0x7F6]  }
0x27b: {  	[sflag:s11] =	ssyncset.done $0x0  }
0x27c: {  	[sflag:s11] =	ssyncadd.s32 $0xFFFFCC00  }
0x27d: {  	[hbm4b:s16+s3] =	stream.linear.scatter [tilespmem:s23], [sflag:$0x6], $0x3400, $0x38;
	[tilespmem:$0x13F80] =	vst v63  }
0x27e: {  	_ =	swait.ge [sflag:s10], $0x3400  }
0x27f: {  	s20 =	sld [smem:$0x7BE]  }
0x280: {  	[sflag:s10] =	ssyncset.done $0x0  }
0x281: {  	[sflag:s10] =	ssyncadd.s32 $0xFFFFCC00  }
0x282: {  	[tilespmem:s18], [sflag:$0x5] =	stream.indirect.gather [spmem:s20], $0x80, s19, s29, $0xb8;
	[tilespmem:$0x13F80] =	vst v63  }
0x283: {  	_ =	swait.ge [sflag:s21], $0x3400  }
0x284: {  	s24 =	sld [smem:$0x7E5]  }
0x285: {  	[sflag:s21] =	ssyncset.done $0x0  }
0x286: {  	[sflag:s21] =	ssyncadd.s32 $0xFFFFCC00  }
0x287: {  	[hbm4b:s24+s3] =	stream.linear.scatter [tilespmem:s15], [sflag:$0x7], $0x3400, $0x38;
	[tilespmem:$0x13F80] =	vst v63  }
0x288: {  	_ =	swait.ge [sflag:s2], $0x3400  }
0x289: {  	[sflag:s2] =	ssyncset.done $0x0  }
0x28a: {  	[sflag:s2] =	ssyncadd.s32 $0xFFFFCC00  }
0x28b: {  	[tilespmem:s23], [sflag:$0x3] =	stream.indirect.gather [spmem:s22], $0x80, s19, s29, $0xb8;
	[tilespmem:$0x13F80] =	vst v63  }
0x28c: {  	_ =	swait.ge [sflag:s4], $0x3400  }
0x28d: {  	s25 =	sld [smem:$0x7F9]  }
0x28e: {  	[sflag:s4] =	ssyncset.done $0x0  }
0x28f: {  	[sflag:s4] =	ssyncadd.s32 $0xFFFFCC00  }
0x290: {  	[hbm4b:s25+s3] =	stream.linear.scatter [tilespmem:s18], [sflag:$0x8], $0x3400, $0x38;
	[tilespmem:$0x13F80] =	vst v63  }
0x291: {  	_ =	swait.ge [sflag:s6], $0x3400  }
0x292: {  	s26 =	sld [smem:$0x7C1]  }
0x293: {  	[sflag:s6] =	ssyncset.done $0x0  }
0x294: {  	[sflag:s6] =	ssyncadd.s32 $0xFFFFCC00  }
0x295: {  	[tilespmem:s15], [sflag:$0x4] =	stream.indirect.gather [spmem:s26], $0x80, s19, s29, $0xb8;
	[tilespmem:$0x13F80] =	vst v63  }
0x296: {  	_ =	swait.ge [sflag:s11], $0x3400  }
0x297: {  	s28 =	sld [smem:$0x7E7]  }
0x298: {  	[sflag:s11] =	ssyncset.done $0x0  }
0x299: {  	[sflag:s11] =	ssyncadd.s32 $0xFFFFCC00  }
0x29a: {  	[hbm4b:s28+s3] =	stream.linear.scatter [tilespmem:s23], [sflag:$0x6], $0x3400, $0x38;
	[tilespmem:$0x13F80] =	vst v63  }
0x29b: {  	_ =	swait.ge [sflag:s10], $0x3400  }
0x29c: {  	[sflag:s10] =	ssyncset.done $0x0  }
0x29d: {  	[sflag:s10] =	ssyncadd.s32 $0xFFFFCC00  }
0x29e: {  	[tilespmem:s18], [sflag:$0x5] =	stream.indirect.gather [spmem:s8], $0x80, s19, s29, $0xb8;
	[tilespmem:$0x13F80] =	vst v63  }
0x29f: {  	_ =	swait.ge [sflag:s21], $0x3400  }
0x2a0: {  	s30 =	sld [smem:$0x7E6]  }
0x2a1: {  	[sflag:s21] =	ssyncset.done $0x0  }
0x2a2: {  	[sflag:s21] =	ssyncadd.s32 $0xFFFFCC00  }
0x2a3: {  	[hbm4b:s30+s3] =	stream.linear.scatter [tilespmem:s15], [sflag:$0x7], $0x3400, $0x38;
	[tilespmem:$0x13F80] =	vst v63  }
0x2a4: {  	_ =	swait.ge [sflag:s4], $0x3400  }
0x2a5: {  	s31 =	sld [smem:$0x7E8]  }
0x2a6: {  	[sflag:s4] =	ssyncset.done $0x0  }
0x2a7: {  	[sflag:s4] =	ssyncadd.s32 $0xFFFFCC00  }
0x2a8: {  	[hbm4b:s31+s3] =	stream.linear.scatter [tilespmem:s18], [sflag:$0x8], $0x3400, $0x38;
	[tilespmem:$0x13F80] =	vst v63  }
0x2a9: {  	_ =	swait.ge [sflag:s2], $0x3400  }
0x2aa: {  	[sflag:s2] =	ssyncset.done $0x0  }
0x2ab: {  	[sflag:s2] =	ssyncadd.s32 $0xFFFFCC00  }
0x2ac: {  	_ =	swait.ge [sflag:s6], $0x3400  }
.Ltmp2:
0x2ad: {  	[sflag:s6] =	ssyncset.done $0x0;
	(pc) =	sbr.rel @p0 .LBB2_3-.Ltmp2, $4  }
0x2ae: {  	[sflag:s6] =	ssyncadd.s32 $0xFFFFCC00  }
0x2af: {  	_ =	swait.ge [sflag:s10], $0x3400  }
0x2b0: {  	[sflag:s10] =	ssyncset.done $0x0  }
0x2b1: {  	[sflag:s10] =	ssyncadd.s32 $0xFFFFCC00  }
0x2b2: {  	s0 =	rddreg [dreg:$0x15];
	s1 =	simm.s32 $0x13700;
	s9 =	simm.s32 $0x9  }
0x2b3: {  	[tilespmem:s1], [sflag:$0x9] =	stream.linear.gather [hbm4b:s0+s3], $0x8, $0x38;
	[tilespmem:$0x13F80] =	vst v63  }
0x2b4: {  	_ =	swait.ge [sflag:s9], $0x8  }
0x2b5: {  	[sflag:s9] =	ssyncset.done $0x0  }
0x2b6: {  	[sflag:s9] =	ssyncadd.s32 $0xFFFFFFF8  }
0x2b7: {  	s5 =	simm.s32 $0x13780;
	s0 =	rddreg [dreg:$0x3]  }
0x2b8: {  	[tilespmem:s5], [sflag:$0x3] =	stream.indirect.gather [spmem:s0], $0x80, s1, s10, $0xb8;
	[tilespmem:$0x13F80] =	vst v63  }
0x2b9: {  	s7 =	simm.s32 $0x13B80;
	s13 =	rddreg [dreg:$0xb]  }
0x2ba: {  	[tilespmem:s7], [sflag:$0x4] =	stream.indirect.gather [spmem:s13], $0x80, s1, s10, $0xb8;
	[tilespmem:$0x13F80] =	vst v63  }
0x2bb: {  	_ =	swait.ge [sflag:s11], $0x400  }
0x2bc: {  	[sflag:s11] =	ssyncset.done $0x0  }
0x2bd: {  	s14 =	rddreg [dreg:$0x17];
	[sflag:s11] =	ssyncadd.s32 $0xFFFFFC00  }
0x2be: {  	[hbm4b:s14+s3] =	stream.linear.scatter [tilespmem:s5], [sflag:$0x6], $0x400, $0x38;
	[tilespmem:$0x13F80] =	vst v63  }
0x2bf: {  	_ =	swait.ge [sflag:s2], $0x400  }
0x2c0: {  	[sflag:s2] =	ssyncset.done $0x0  }
0x2c1: {  	s16 =	rddreg [dreg:$0xd];
	[sflag:s2] =	ssyncadd.s32 $0xFFFFFC00  }
0x2c2: {  	[tilespmem:s5], [sflag:$0x3] =	stream.indirect.gather [spmem:s16], $0x80, s1, s10, $0xb8;
	[tilespmem:$0x13F80] =	vst v63  }
0x2c3: {  	_ =	swait.ge [sflag:s21], $0x400  }
0x2c4: {  	s20 =	sld [smem:$0x7E9]  }
0x2c5: {  	[sflag:s21] =	ssyncset.done $0x0  }
0x2c6: {  	[sflag:s21] =	ssyncadd.s32 $0xFFFFFC00  }
0x2c7: {  	[hbm4b:s20+s3] =	stream.linear.scatter [tilespmem:s7], [sflag:$0x7], $0x400, $0x38;
	[tilespmem:$0x13F80] =	vst v63  }
0x2c8: {  	_ =	swait.ge [sflag:s6], $0x400  }
0x2c9: {  	[sflag:s6] =	ssyncset.done $0x0  }
0x2ca: {  	s22 =	rddreg [dreg:$0xf];
	[sflag:s6] =	ssyncadd.s32 $0xFFFFFC00  }
0x2cb: {  	[tilespmem:s7], [sflag:$0x4] =	stream.indirect.gather [spmem:s22], $0x80, s1, s10, $0xb8;
	[tilespmem:$0x13F80] =	vst v63  }
0x2cc: {  	_ =	swait.ge [sflag:s11], $0x400  }
0x2cd: {  	s24 =	sld [smem:$0x7EA]  }
0x2ce: {  	[sflag:s11] =	ssyncset.done $0x0  }
0x2cf: {  	[sflag:s11] =	ssyncadd.s32 $0xFFFFFC00  }
0x2d0: {  	[hbm4b:s24+s3] =	stream.linear.scatter [tilespmem:s5], [sflag:$0x6], $0x400, $0x38;
	[tilespmem:$0x13F80] =	vst v63  }
0x2d1: {  	_ =	swait.ge [sflag:s2], $0x400  }
0x2d2: {  	[sflag:s2] =	ssyncset.done $0x0  }
0x2d3: {  	s25 =	rddreg [dreg:$0x11];
	[sflag:s2] =	ssyncadd.s32 $0xFFFFFC00  }
0x2d4: {  	[tilespmem:s5], [sflag:$0x3] =	stream.indirect.gather [spmem:s25], $0x80, s1, s10, $0xb8;
	[tilespmem:$0x13F80] =	vst v63  }
0x2d5: {  	_ =	swait.ge [sflag:s21], $0x400  }
0x2d6: {  	s26 =	sld [smem:$0x7EB]  }
0x2d7: {  	[sflag:s21] =	ssyncset.done $0x0  }
0x2d8: {  	[sflag:s21] =	ssyncadd.s32 $0xFFFFFC00  }
0x2d9: {  	[hbm4b:s26+s3] =	stream.linear.scatter [tilespmem:s7], [sflag:$0x7], $0x400, $0x38;
	[tilespmem:$0x13F80] =	vst v63  }
0x2da: {  	_ =	swait.ge [sflag:s6], $0x400  }
0x2db: {  	[sflag:s6] =	ssyncset.done $0x0  }
0x2dc: {  	s28 =	rddreg [dreg:$0x1a];
	[sflag:s6] =	ssyncadd.s32 $0xFFFFFC00  }
0x2dd: {  	[tilespmem:s7], [sflag:$0x4] =	stream.indirect.gather [spmem:s28], $0x80, s1, s10, $0xb8;
	[tilespmem:$0x13F80] =	vst v63  }
0x2de: {  	_ =	swait.ge [sflag:s11], $0x400  }
0x2df: {  	s30 =	sld [smem:$0x7EC]  }
0x2e0: {  	[sflag:s11] =	ssyncset.done $0x0  }
0x2e1: {  	[sflag:s11] =	ssyncadd.s32 $0xFFFFFC00  }
0x2e2: {  	[hbm4b:s30+s3] =	stream.linear.scatter [tilespmem:s5], [sflag:$0x6], $0x400, $0x38;
	[tilespmem:$0x13F80] =	vst v63  }
0x2e3: {  	_ =	swait.ge [sflag:s2], $0x400  }
0x2e4: {  	[sflag:s2] =	ssyncset.done $0x0  }
0x2e5: {  	s31 =	rddreg [dreg:$0x1c];
	[sflag:s2] =	ssyncadd.s32 $0xFFFFFC00  }
0x2e6: {  	[tilespmem:s5], [sflag:$0x3] =	stream.indirect.gather [spmem:s31], $0x80, s1, s10, $0xb8;
	[tilespmem:$0x13F80] =	vst v63  }
0x2e7: {  	_ =	swait.ge [sflag:s21], $0x400  }
0x2e8: {  	s8 =	sld [smem:$0x7ED]  }
0x2e9: {  	[sflag:s21] =	ssyncset.done $0x0  }
0x2ea: {  	[sflag:s21] =	ssyncadd.s32 $0xFFFFFC00  }
0x2eb: {  	[hbm4b:s8+s3] =	stream.linear.scatter [tilespmem:s7], [sflag:$0x7], $0x400, $0x38;
	[tilespmem:$0x13F80] =	vst v63  }
0x2ec: {  	_ =	swait.ge [sflag:s6], $0x400  }
0x2ed: {  	[sflag:s6] =	ssyncset.done $0x0  }
0x2ee: {  	s9 =	rddreg [dreg:$0x1e];
	[sflag:s6] =	ssyncadd.s32 $0xFFFFFC00  }
0x2ef: {  	[tilespmem:s7], [sflag:$0x4] =	stream.indirect.gather [spmem:s9], $0x80, s1, s10, $0xb8;
	[tilespmem:$0x13F80] =	vst v63  }
0x2f0: {  	_ =	swait.ge [sflag:s11], $0x400  }
0x2f1: {  	s13 =	sld [smem:$0x7EE]  }
0x2f2: {  	[sflag:s11] =	ssyncset.done $0x0  }
0x2f3: {  	[sflag:s11] =	ssyncadd.s32 $0xFFFFFC00  }
0x2f4: {  	[hbm4b:s13+s3] =	stream.linear.scatter [tilespmem:s5], [sflag:$0x6], $0x400, $0x38;
	[tilespmem:$0x13F80] =	vst v63  }
0x2f5: {  	_ =	swait.ge [sflag:s2], $0x400  }
0x2f6: {  	s14 =	sld [smem:$0x7B2]  }
0x2f7: {  	[sflag:s2] =	ssyncset.done $0x0  }
0x2f8: {  	[sflag:s2] =	ssyncadd.s32 $0xFFFFFC00  }
0x2f9: {  	[tilespmem:s5], [sflag:$0x3] =	stream.indirect.gather [spmem:s14], $0x80, s1, s10, $0xb8;
	[tilespmem:$0x13F80] =	vst v63  }
0x2fa: {  	_ =	swait.ge [sflag:s21], $0x400  }
0x2fb: {  	s16 =	sld [smem:$0x7EF]  }
0x2fc: {  	[sflag:s21] =	ssyncset.done $0x0  }
0x2fd: {  	[sflag:s21] =	ssyncadd.s32 $0xFFFFFC00  }
0x2fe: {  	[hbm4b:s16+s3] =	stream.linear.scatter [tilespmem:s7], [sflag:$0x7], $0x400, $0x38;
	[tilespmem:$0x13F80] =	vst v63  }
0x2ff: {  	_ =	swait.ge [sflag:s6], $0x400  }
0x300: {  	s20 =	sld [smem:$0x7B5]  }
0x301: {  	[sflag:s6] =	ssyncset.done $0x0  }
0x302: {  	[sflag:s6] =	ssyncadd.s32 $0xFFFFFC00  }
0x303: {  	[tilespmem:s7], [sflag:$0x4] =	stream.indirect.gather [spmem:s20], $0x80, s1, s10, $0xb8;
	[tilespmem:$0x13F80] =	vst v63  }
0x304: {  	_ =	swait.ge [sflag:s11], $0x400  }
0x305: {  	s22 =	sld [smem:$0x7F1]  }
0x306: {  	[sflag:s11] =	ssyncset.done $0x0  }
0x307: {  	[sflag:s11] =	ssyncadd.s32 $0xFFFFFC00  }
0x308: {  	[hbm4b:s22+s3] =	stream.linear.scatter [tilespmem:s5], [sflag:$0x6], $0x400, $0x38;
	[tilespmem:$0x13F80] =	vst v63  }
0x309: {  	_ =	swait.ge [sflag:s2], $0x400  }
0x30a: {  	s24 =	sld [smem:$0x7B6]  }
0x30b: {  	[sflag:s2] =	ssyncset.done $0x0  }
0x30c: {  	[sflag:s2] =	ssyncadd.s32 $0xFFFFFC00  }
0x30d: {  	[tilespmem:s5], [sflag:$0x3] =	stream.indirect.gather [spmem:s24], $0x80, s1, s10, $0xb8;
	[tilespmem:$0x13F80] =	vst v63  }
0x30e: {  	_ =	swait.ge [sflag:s21], $0x400  }
0x30f: {  	s25 =	sld [smem:$0x7F2]  }
0x310: {  	[sflag:s21] =	ssyncset.done $0x0  }
0x311: {  	[sflag:s21] =	ssyncadd.s32 $0xFFFFFC00  }
0x312: {  	[hbm4b:s25+s3] =	stream.linear.scatter [tilespmem:s7], [sflag:$0x7], $0x400, $0x38;
	[tilespmem:$0x13F80] =	vst v63  }
0x313: {  	_ =	swait.ge [sflag:s6], $0x400  }
0x314: {  	s26 =	sld [smem:$0x7B8]  }
0x315: {  	[sflag:s6] =	ssyncset.done $0x0  }
0x316: {  	[sflag:s6] =	ssyncadd.s32 $0xFFFFFC00  }
0x317: {  	[tilespmem:s7], [sflag:$0x4] =	stream.indirect.gather [spmem:s26], $0x80, s1, s10, $0xb8;
	[tilespmem:$0x13F80] =	vst v63  }
0x318: {  	_ =	swait.ge [sflag:s11], $0x400  }
0x319: {  	s28 =	sld [smem:$0x7F4]  }
0x31a: {  	[sflag:s11] =	ssyncset.done $0x0  }
0x31b: {  	[sflag:s11] =	ssyncadd.s32 $0xFFFFFC00  }
0x31c: {  	[hbm4b:s28+s3] =	stream.linear.scatter [tilespmem:s5], [sflag:$0x6], $0x400, $0x38;
	[tilespmem:$0x13F80] =	vst v63  }
0x31d: {  	_ =	swait.ge [sflag:s2], $0x400  }
0x31e: {  	s30 =	sld [smem:$0x7B9]  }
0x31f: {  	[sflag:s2] =	ssyncset.done $0x0  }
0x320: {  	[sflag:s2] =	ssyncadd.s32 $0xFFFFFC00  }
0x321: {  	[tilespmem:s5], [sflag:$0x3] =	stream.indirect.gather [spmem:s30], $0x80, s1, s10, $0xb8;
	[tilespmem:$0x13F80] =	vst v63  }
0x322: {  	_ =	swait.ge [sflag:s21], $0x400  }
0x323: {  	s31 =	sld [smem:$0x7F5]  }
0x324: {  	[sflag:s21] =	ssyncset.done $0x0  }
0x325: {  	[sflag:s21] =	ssyncadd.s32 $0xFFFFFC00  }
0x326: {  	[hbm4b:s31+s3] =	stream.linear.scatter [tilespmem:s7], [sflag:$0x7], $0x400, $0x38;
	[tilespmem:$0x13F80] =	vst v63  }
0x327: {  	_ =	swait.ge [sflag:s6], $0x400  }
0x328: {  	s8 =	sld [smem:$0x7BB]  }
0x329: {  	[sflag:s6] =	ssyncset.done $0x0  }
0x32a: {  	[sflag:s6] =	ssyncadd.s32 $0xFFFFFC00  }
0x32b: {  	[tilespmem:s7], [sflag:$0x4] =	stream.indirect.gather [spmem:s8], $0x80, s1, s10, $0xb8;
	[tilespmem:$0x13F80] =	vst v63  }
0x32c: {  	_ =	swait.ge [sflag:s11], $0x400  }
0x32d: {  	s9 =	sld [smem:$0x7F7]  }
0x32e: {  	[sflag:s11] =	ssyncset.done $0x0  }
0x32f: {  	[sflag:s11] =	ssyncadd.s32 $0xFFFFFC00  }
0x330: {  	[hbm4b:s9+s3] =	stream.linear.scatter [tilespmem:s5], [sflag:$0x6], $0x400, $0x38;
	[tilespmem:$0x13F80] =	vst v63  }
0x331: {  	_ =	swait.ge [sflag:s2], $0x400  }
0x332: {  	s13 =	sld [smem:$0x7BD]  }
0x333: {  	[sflag:s2] =	ssyncset.done $0x0  }
0x334: {  	[sflag:s2] =	ssyncadd.s32 $0xFFFFFC00  }
0x335: {  	[tilespmem:s5], [sflag:$0x3] =	stream.indirect.gather [spmem:s13], $0x80, s1, s10, $0xb8;
	[tilespmem:$0x13F80] =	vst v63  }
0x336: {  	_ =	swait.ge [sflag:s21], $0x400  }
0x337: {  	s14 =	sld [smem:$0x7F8]  }
0x338: {  	[sflag:s21] =	ssyncset.done $0x0  }
0x339: {  	[sflag:s21] =	ssyncadd.s32 $0xFFFFFC00  }
0x33a: {  	[hbm4b:s14+s3] =	stream.linear.scatter [tilespmem:s7], [sflag:$0x7], $0x400, $0x38;
	[tilespmem:$0x13F80] =	vst v63  }
0x33b: {  	_ =	swait.ge [sflag:s6], $0x400  }
0x33c: {  	s16 =	sld [smem:$0x7BE]  }
0x33d: {  	[sflag:s6] =	ssyncset.done $0x0  }
0x33e: {  	[sflag:s6] =	ssyncadd.s32 $0xFFFFFC00  }
0x33f: {  	[tilespmem:s7], [sflag:$0x4] =	stream.indirect.gather [spmem:s16], $0x80, s1, s10, $0xb8;
	[tilespmem:$0x13F80] =	vst v63  }
0x340: {  	_ =	swait.ge [sflag:s11], $0x400  }
0x341: {  	s20 =	sld [smem:$0x7FA]  }
0x342: {  	[sflag:s11] =	ssyncset.done $0x0  }
0x343: {  	[sflag:s11] =	ssyncadd.s32 $0xFFFFFC00  }
0x344: {  	[hbm4b:s20+s3] =	stream.linear.scatter [tilespmem:s5], [sflag:$0x6], $0x400, $0x38;
	[tilespmem:$0x13F80] =	vst v63  }
0x345: {  	_ =	swait.ge [sflag:s2], $0x400  }
0x346: {  	s22 =	sld [smem:$0x7C0]  }
0x347: {  	[sflag:s2] =	ssyncset.done $0x0  }
0x348: {  	[sflag:s2] =	ssyncadd.s32 $0xFFFFFC00  }
0x349: {  	[tilespmem:s5], [sflag:$0x3] =	stream.indirect.gather [spmem:s22], $0x80, s1, s10, $0xb8;
	[tilespmem:$0x13F80] =	vst v63  }
0x34a: {  	_ =	swait.ge [sflag:s21], $0x400  }
0x34b: {  	s24 =	sld [smem:$0x7FB]  }
0x34c: {  	[sflag:s21] =	ssyncset.done $0x0  }
0x34d: {  	[sflag:s21] =	ssyncadd.s32 $0xFFFFFC00  }
0x34e: {  	[hbm4b:s24+s3] =	stream.linear.scatter [tilespmem:s7], [sflag:$0x7], $0x400, $0x38;
	[tilespmem:$0x13F80] =	vst v63  }
0x34f: {  	_ =	swait.ge [sflag:s6], $0x400  }
0x350: {  	s25 =	sld [smem:$0x7C1]  }
0x351: {  	[sflag:s6] =	ssyncset.done $0x0  }
0x352: {  	[sflag:s6] =	ssyncadd.s32 $0xFFFFFC00  }
0x353: {  	[tilespmem:s7], [sflag:$0x4] =	stream.indirect.gather [spmem:s25], $0x80, s1, s10, $0xb8;
	[tilespmem:$0x13F80] =	vst v63  }
0x354: {  	_ =	swait.ge [sflag:s11], $0x400  }
0x355: {  	s26 =	sld [smem:$0x7FC]  }
0x356: {  	[sflag:s11] =	ssyncset.done $0x0  }
0x357: {  	[sflag:s11] =	ssyncadd.s32 $0xFFFFFC00  }
0x358: {  	[hbm4b:s26+s3] =	stream.linear.scatter [tilespmem:s5], [sflag:$0x6], $0x400, $0x38;
	[tilespmem:$0x13F80] =	vst v63  }
0x359: {  	_ =	swait.ge [sflag:s2], $0x400  }
0x35a: {  	s28 =	sld [smem:$0x7C3]  }
0x35b: {  	[sflag:s2] =	ssyncset.done $0x0  }
0x35c: {  	[sflag:s2] =	ssyncadd.s32 $0xFFFFFC00  }
0x35d: {  	[tilespmem:s5], [sflag:$0x3] =	stream.indirect.gather [spmem:s28], $0x80, s1, s10, $0xb8;
	[tilespmem:$0x13F80] =	vst v63  }
0x35e: {  	_ =	swait.ge [sflag:s21], $0x400  }
0x35f: {  	[sflag:s21] =	ssyncset.done $0x0  }
0x360: {  	s30 =	rddreg [dreg:$0x18];
	[sflag:s21] =	ssyncadd.s32 $0xFFFFFC00  }
0x361: {  	[hbm4b:s30+s3] =	stream.linear.scatter [tilespmem:s7], [sflag:$0x7], $0x400, $0x38;
	[tilespmem:$0x13F80] =	vst v63  }
0x362: {  	_ =	swait.ge [sflag:s11], $0x400  }
0x363: {  	s31 =	sld [smem:$0x7FD]  }
0x364: {  	[sflag:s11] =	ssyncset.done $0x0  }
0x365: {  	[sflag:s11] =	ssyncadd.s32 $0xFFFFFC00  }
0x366: {  	[hbm4b:s31+s3] =	stream.linear.scatter [tilespmem:s5], [sflag:$0x6], $0x400, $0x38;
	[tilespmem:$0x13F80] =	vst v63  }
0x367: {  	_ =	swait.ge [sflag:s6], $0x400  }
.Ltmp3:
0x368: {  	[sflag:s6] =	ssyncset.done $0x0;
	(pc) =	sbr.rel .LBB2_3-.Ltmp3, $4  }
0x369: {  	[sflag:s6] =	ssyncadd.s32 $0xFFFFFC00  }
0x36a: {  	_ =	swait.ge [sflag:s2], $0x400  }
0x36b: {  	[sflag:s2] =	ssyncset.done $0x0  }
0x36c: {  	[sflag:s2] =	ssyncadd.s32 $0xFFFFFC00  }
.LBB2_4:
0x36d: {  	_ =	sfence.sel $0x180000  }
0x36e: {  	[bflag:$0x0] =	sbarrier.arrive $0xFFFF  }
0x36f: {  	_ =	strace $0x90000047  }
0x370: {  	s0 =	stileid.u32;
	[bflag:$0x2] =	sbarrier.arrive $0xFFFF  }
0x371: {  	p0 =	sne.s32 s0, $0x0;
	s0 =	rddreg [dreg:$0x4]  }
0x372: {  	s0 =	sadd.s32 @!p0 $0x100000, s0  }
0x373: {  	[sflag:s0] =	ssyncadd.tile.s32 @!p0 $0x1;
	_ =	shalt  }
.Lfunc_end2:
_tile_overlayer_lowered:
.L_overlay_start_2:
0x374: {  	(tag) =	ssettag $0x2  }
0x375: {  	s0 =	rddreg [dreg:$0x0];
	s2 =	stileid.u32  }
0x376: {  	s1 =	rddreg [dreg:$0x1];
	p0 =	sne.s32 s2, $0x0  }
0x377: {  	s3 =	rddreg [dreg:$0x2];
	[bflag:$0x3] =	sbarrier.arrive $0xFFFF;
	s2 =	simm.s32 @!p0 $0x1C09  }
0x378: {  	[timem:s3], [sflag:s2] =	dma.local @!p0 [hbm:s0], s1  }
0x379: {  	s0 =	simm.s32 @!p0 $0x9  }
0x37a: {  	_ =	swait.ge @!p0 [sflag:s0], s1  }
0x37b: {  	s1 =	ssub.s32 @!p0 $0x0, s1;
	[sflag:s0] =	ssyncset.done @!p0 $0x0  }
0x37c: {  	[sflag:s0] =	ssyncadd.s32 @!p0 s1  }
0x37d: {  	[bflag:$0x3] =	sbarrier.arrive $0xFFFF  }
0x37e: {  	_ =	shalt  }

</sc_bundles>
